<compile_context>
chip_gen: v7x
topology: tpu7x:2x2x1
jax: 0.10.2.dev20260603
libtpu: 0.0.44.dev20260713+nightly
codegen_flags: <defaults>
</compile_context>

<pallas_src>
import jax
import jax.numpy as jnp
from jax import lax
from jax.experimental import pallas as pl
from jax.experimental.pallas import tpu as pltpu
from jax.experimental.pallas import tpu_sc as plsc

N = 10000
E = 320000
D = 128
NT = 32
CHUNK = 128
NCHUNK = 80
GRP = 8
NGRP = NCHUNK // GRP
EPT = CHUNK * NCHUNK
EP = NT * EPT
RPT = 632
NP = 16 * RPT

MBLK = 1000



_SC_MESH = plsc.VectorSubcoreMesh(core_axis_name="c", subcore_axis_name="s")


def _fill_rows(ref, val):
  v = jnp.full((16,), val, jnp.float32)

  def fill(r, carry):
    for cc in range(D // 16):
      ref[r, pl.ds(cc * 16, 16)] = v
    return carry
  lax.fori_loop(0, CHUNK, fill, 0)


def _zero_slice(zsrc, acc_sh, r0):
  for k in range(RPT // CHUNK):
    pltpu.sync_copy(zsrc, acc_sh.at[pl.ds(r0 + CHUNK * k, CHUNK)])
  rem = RPT % CHUNK
  pltpu.sync_copy(zsrc.at[pl.ds(0, rem)], acc_sh.at[pl.ds(r0 + RPT - rem, rem)])


NB = 2
DG = 1


def _make_sc_agg():
  scratch = [
      pltpu.VMEM((GRP, CHUNK), jnp.int32),
      pltpu.VMEM((GRP, CHUNK), jnp.int32),
      pltpu.VMEM((GRP, CHUNK), jnp.int32),
      pltpu.VMEM((GRP, CHUNK), jnp.int32),
  ] + [pltpu.VMEM((CHUNK, D), jnp.float32) for _ in range(NB)] + [
      pltpu.SemaphoreType.DMA for _ in range(2 * NB)
  ] + [
      pltpu.SemaphoreType.DMA,
      pltpu.SemaphoreType.DMA,
      pltpu.VMEM_SHARED((NP, D), jnp.float32),
  ]

  def body(y_hbm, src_hbm, dst_hbm, acc_out, *rest):
    src_a, dst_a, src_b, dst_b = rest[:4]
    rows = rest[4:4 + NB]
    semg = rest[4 + NB:4 + 2 * NB]
    sems = rest[4 + 2 * NB:4 + 3 * NB]
    sem_a, sem_b, acc_sh = rest[4 + 3 * NB:]

    c = lax.axis_index("c")
    s = lax.axis_index("s")
    wid = c * 16 + s

    def idx_start(g, sbuf, dbuf, sem):
      pltpu.async_copy(src_hbm.at[wid, pl.ds(g * GRP, GRP)], sbuf, sem)
      pltpu.async_copy(dst_hbm.at[wid, pl.ds(g * GRP, GRP)], dbuf, sem)

    def idx_wait(sbuf, dbuf, sem):
      pltpu.make_async_copy(src_hbm.at[wid, pl.ds(0, GRP)], sbuf, sem).wait()
      pltpu.make_async_copy(dst_hbm.at[wid, pl.ds(0, GRP)], dbuf, sem).wait()

    idx_start(0, src_a, dst_a, sem_a)
    idx_start(1, src_b, dst_b, sem_b)

    _fill_rows(rows[0], 0.0)
    r0 = s * RPT
    _zero_slice(rows[0], acc_sh, r0)
    plsc.subcore_barrier()

    def outer(i, carry):
      idx_wait(src_a, dst_a, sem_a)
      g, sd = {}, {}

      def dref(j):
        return (dst_a if j < 8 else dst_b).at[j % 8]

      for j in range(16):
        if j == 0:
          @pl.when(i > 0)
          def _():
            idx_start(2 * i + 1, src_b, dst_b, sem_b)
        if j == 8:
          idx_wait(src_b, dst_b, sem_b)
        b = j % NB
        if j >= NB:
          sd[j - NB].wait()
        sbuf = src_a if j < 8 else src_b
        g[j] = pltpu.async_copy(y_hbm.at[sbuf.at[j % 8]], rows[b], semg[b])
        if j >= DG:
          g[j - DG].wait()
          sd[j - DG] = pltpu.async_copy(rows[(j - DG) % NB],
                                        acc_sh.at[dref(j - DG)],
                                        sems[(j - DG) % NB], add=True)
        if j == 10:
          @pl.when(i < NGRP // 2 - 1)
          def _():
            idx_start(2 * i + 2, src_a, dst_a, sem_a)
      g[15].wait()
      sd[15] = pltpu.async_copy(rows[15 % NB], acc_sh.at[dref(15)],
                                sems[15 % NB], add=True)
      sd[14].wait()
      sd[15].wait()
      return carry
    lax.fori_loop(0, NGRP // 2, outer, 0)

    plsc.subcore_barrier()
    pltpu.sync_copy(acc_sh.at[pl.ds(r0, RPT)], acc_out.at[c, pl.ds(r0, RPT)])

  return pl.kernel(
      body, out_type=[jax.ShapeDtypeStruct((2, NP, D), jnp.float32)],
      mesh=_SC_MESH, scratch_types=scratch)


def _make_sc_cnt():
  scratch = [
      pltpu.VMEM((GRP, CHUNK), jnp.int32),
      pltpu.VMEM((GRP, CHUNK), jnp.int32),
      pltpu.VMEM((CHUNK, D), jnp.float32),
      pltpu.SemaphoreType.DMA,
      pltpu.SemaphoreType.DMA,
      pltpu.VMEM_SHARED((NP, D), jnp.float32),
  ]

  def body(dst_hbm, cnt_out, dst_a, dst_b, ones_v, sem_a, sem_b, cnt_sh):
    c = lax.axis_index("c")
    s = lax.axis_index("s")
    wid = c * 16 + s

    def idx_start(g, dbuf, sem):
      pltpu.async_copy(dst_hbm.at[wid, pl.ds(g * GRP, GRP)], dbuf, sem)

    def idx_wait(dbuf, sem):
      pltpu.make_async_copy(dst_hbm.at[wid, pl.ds(0, GRP)], dbuf, sem).wait()

    idx_start(0, dst_a, sem_a)
    idx_start(1, dst_b, sem_b)

    _fill_rows(ones_v, 0.0)
    r0 = s * RPT
    _zero_slice(ones_v, cnt_sh, r0)
    _fill_rows(ones_v, 1.0)
    plsc.subcore_barrier()

    def process_group(dbuf):
      for j in range(GRP):
        pltpu.sync_copy(ones_v, cnt_sh.at[dbuf.at[j]], add=True)

    def outer(i, carry):
      idx_wait(dst_a, sem_a)
      process_group(dst_a)

      @pl.when(i < NGRP // 2 - 1)
      def _():
        idx_start(2 * i + 2, dst_a, sem_a)

      idx_wait(dst_b, sem_b)
      process_group(dst_b)

      @pl.when(i < NGRP // 2 - 1)
      def _():
        idx_start(2 * i + 3, dst_b, sem_b)
      return carry
    lax.fori_loop(0, NGRP // 2, outer, 0)

    plsc.subcore_barrier()
    pltpu.sync_copy(cnt_sh.at[pl.ds(r0, RPT)], cnt_out.at[c, pl.ds(r0, RPT)])

  return pl.kernel(
      body, out_type=[jax.ShapeDtypeStruct((2, NP, D), jnp.float32)],
      mesh=_SC_MESH, scratch_types=scratch)


_sc_agg = _make_sc_agg()
_sc_cnt = _make_sc_cnt()



def _row_spec(w):
  return pl.BlockSpec((MBLK, w), lambda i: (i, 0))


def _acc_spec(core):
  return pl.BlockSpec((1, MBLK, D), lambda i: (core, i, 0))


def _full_spec(h, w):
  return pl.BlockSpec((h, w), lambda i: (0, 0))


def _dense_in_body(x_ref, wl_ref, wr_ref, b_ref, y_ref, z_ref):
  x = x_ref[...]
  y_ref[...] = jnp.dot(x, wl_ref[...], preferred_element_type=jnp.float32)
  z_ref[...] = jnp.dot(x, wr_ref[...],
                       preferred_element_type=jnp.float32) + b_ref[...]


def _dense_mid_body(a0_ref, a1_ref, c0_ref, c1_ref, z1_ref,
                    wl_ref, wr_ref, b_ref, y_ref, z_ref):
  cnt = c0_ref[0, :, 0:1] + c1_ref[0, :, 0:1]
  inv = 1.0 / jnp.maximum(cnt, 1.0)
  h = jnp.maximum((a0_ref[0] + a1_ref[0]) * inv + z1_ref[...], 0.0)
  y_ref[...] = jnp.dot(h, wl_ref[...], preferred_element_type=jnp.float32)
  z_ref[...] = jnp.dot(h, wr_ref[...],
                       preferred_element_type=jnp.float32) + b_ref[...]


def _combine_body(a0_ref, a1_ref, c0_ref, c1_ref, z2_ref, o_ref):
  cnt = c0_ref[0, :, 0:1] + c1_ref[0, :, 0:1]
  inv = 1.0 / jnp.maximum(cnt, 1.0)
  o_ref[...] = (a0_ref[0] + a1_ref[0]) * inv + z2_ref[...]


def _dense_in(x, wl, wr, b):
  return pl.pallas_call(
      _dense_in_body,
      grid=(N // MBLK,),
      in_specs=[_row_spec(D), _full_spec(D, D), _full_spec(D, D),
                _full_spec(1, D)],
      out_specs=[_row_spec(D), _row_spec(D)],
      out_shape=[jax.ShapeDtypeStruct((N, D), jnp.float32)] * 2,
  )(x, wl, wr, b)


def _dense_mid(acc, cnt, z1, wl, wr, b):
  return pl.pallas_call(
      _dense_mid_body,
      grid=(N // MBLK,),
      in_specs=[_acc_spec(0), _acc_spec(1), _acc_spec(0), _acc_spec(1),
                _row_spec(D), _full_spec(D, D), _full_spec(D, D),
                _full_spec(1, D)],
      out_specs=[_row_spec(D), _row_spec(D)],
      out_shape=[jax.ShapeDtypeStruct((N, D), jnp.float32)] * 2,
  )(acc, acc, cnt, cnt, z1, wl, wr, b)


def _combine(acc, cnt, z2):
  return pl.pallas_call(
      _combine_body,
      grid=(N // MBLK,),
      in_specs=[_acc_spec(0), _acc_spec(1), _acc_spec(0), _acc_spec(1),
                _row_spec(D)],
      out_specs=_row_spec(D),
      out_shape=jax.ShapeDtypeStruct((N, D), jnp.float32),
  )(acc, acc, cnt, cnt, z2)



def kernel(x, edge_index, W_l1, W_r1, b1, W_l2, W_r2, b2):
  src = edge_index[0].astype(jnp.int32)
  dst = edge_index[1].astype(jnp.int32)

  tile_ids = (jnp.arange(EP, dtype=jnp.int32) // EPT) % 16
  src_p = jnp.zeros((EP,), jnp.int32).at[:E].set(src).reshape(NT, NCHUNK, CHUNK)
  dst_p = (N + tile_ids).at[:E].set(dst).reshape(NT, NCHUNK, CHUNK)

  b1r = b1.reshape(1, D)
  b2r = b2.reshape(1, D)

  y1, z1 = _dense_in(x, W_l1, W_r1, b1r)
  cnt = _sc_cnt(dst_p)[0]
  acc1 = _sc_agg(y1, src_p, dst_p)[0]
  y2, z2 = _dense_mid(acc1, cnt, z1, W_l2, W_r2, b2r)
  acc2 = _sc_agg(y2, src_p, dst_p)[0]
  return _combine(acc2, cnt, z2)

# --- scband reference (transcript-rebuilt; emitter-appended) ---
"""Pipeline reference for scband-graph-sage-46231027974474 (READ-ONLY COPY).

The authoritative reference and input builder live on the scoring server;
editing this copy changes nothing except your own understanding.
"""

import jax, jax.numpy as jnp
import numpy as np

N_NODES = 10000
N_EDGES = 320000
D_IN = 128
D_HID = 128
D_OUT = 128


def setup_inputs(seed: int = 0) -> dict:
    key = jax.random.key(seed)
    k_x, k_ei, k1, k2, k3, k4 = jax.random.split(key, 6)
    x = jax.random.normal(k_x, (N_NODES, D_IN), dtype=jnp.float32)
    edge_index = jax.random.randint(k_ei, (2, N_EDGES), 0, N_NODES, dtype=jnp.int64)
    s1 = 1.0 / np.sqrt(D_IN)
    s2 = 1.0 / np.sqrt(D_HID)
    W_l1 = jax.random.uniform(k1, (D_IN, D_HID), dtype=jnp.float32, minval=-s1, maxval=s1)
    W_r1 = jax.random.uniform(k2, (D_IN, D_HID), dtype=jnp.float32, minval=-s1, maxval=s1)
    b1 = jnp.zeros((D_HID,), dtype=jnp.float32)
    W_l2 = jax.random.uniform(k3, (D_HID, D_OUT), dtype=jnp.float32, minval=-s2, maxval=s2)
    W_r2 = jax.random.uniform(k4, (D_HID, D_OUT), dtype=jnp.float32, minval=-s2, maxval=s2)
    b2 = jnp.zeros((D_OUT,), dtype=jnp.float32)
    return {"x": x, "edge_index": edge_index, "W_l1": W_l1, "W_r1": W_r1, "b1": b1, "W_l2": W_l2, "W_r2": W_r2, "b2": b2}


def _sage_conv(x, src, dst, W_l, W_r, b):
    # SAGEConv with mean aggregation: out = mean_{j in N(i)} x_j @ W_l + x_i @ W_r + b
    msgs = jnp.take(x, src, axis=0)                                  # gather [E, d]
    summed = jax.ops.segment_sum(msgs, dst, num_segments=N_NODES)    # scatter-add
    cnt = jax.ops.segment_sum(jnp.ones((msgs.shape[0],), dtype=x.dtype), dst, num_segments=N_NODES)
    mean = summed / jnp.clip(cnt, 1.0)[:, None]
    return mean @ W_l + x @ W_r + b


def reference(x, edge_index, W_l1, W_r1, b1, W_l2, W_r2, b2):
    src = edge_index[0]
    dst = edge_index[1]
    h = _sage_conv(x, src, dst, W_l1, W_r1, b1)
    h = jax.nn.relu(h)
    # dropout(p=0.5) is identity in eval mode
    out = _sage_conv(h, src, dst, W_l2, W_r2, b2)
    return out

if __name__ == "__main__":
    import jax
    _d = setup_inputs()
    print(jax.jit(kernel)(*tuple(_d.values())))

</pallas_src>

<mosaic_0001>
#map = affine_map<(d0, d1) -> (0, 0)>
#map1 = affine_map<(d0, d1) -> (0, 0, 0)>
module attributes {stable_mosaic.version = 14 : i64} {
  func.func @body(%arg0: i32, %arg1: i32, %arg2: memref<10000x128xf32, #tpu.memory_space<hbm>>, %arg3: memref<32x80x128xi32, #tpu.memory_space<hbm>>, %arg4: memref<32x80x128xi32, #tpu.memory_space<hbm>>, %arg5: memref<2x10112x128xf32, #tpu.memory_space<hbm>>, %arg6: memref<8x128xi32, #tpu.memory_space<vmem>>, %arg7: memref<8x128xi32, #tpu.memory_space<vmem>>, %arg8: memref<8x128xi32, #tpu.memory_space<vmem>>, %arg9: memref<8x128xi32, #tpu.memory_space<vmem>>, %arg10: memref<128x128xf32, #tpu.memory_space<vmem>>, %arg11: memref<128x128xf32, #tpu.memory_space<vmem>>, %arg12: memref<!tpu.dma_semaphore, #tpu.memory_space<semaphore_mem>>, %arg13: memref<!tpu.dma_semaphore, #tpu.memory_space<semaphore_mem>>, %arg14: memref<!tpu.dma_semaphore, #tpu.memory_space<semaphore_mem>>, %arg15: memref<!tpu.dma_semaphore, #tpu.memory_space<semaphore_mem>>, %arg16: memref<!tpu.dma_semaphore, #tpu.memory_space<semaphore_mem>>, %arg17: memref<!tpu.dma_semaphore, #tpu.memory_space<semaphore_mem>>, %arg18: memref<10112x128xf32, #tpu.memory_space<vmem_shared>>) attributes {dimension_semantics = [#tpu.dimension_semantics<core_parallel>, #tpu.dimension_semantics<subcore_parallel>], iteration_bounds = array<i64: 2, 16>, scalar_prefetch = 0 : i64, scratch_operands = 13 : i64, tpu.core_type = #tpu.core_type<sc_vector_subcore>, window_params = [{transform_indices = #map}, {transform_indices = #map1}, {transform_indices = #map1}, {transform_indices = #map1}]} {
    %mul3A = arith.constant 16 : i32
    %mul3A_0 = arith.muli %arg0, %mul3A : i32
    %add3A = arith.addi %mul3A_0, %arg1 : i32
    %dma_start3A = arith.constant 0 : i32
    %dma_start3A_1 = arith.constant 0 : i32
    %dma_start3A_2 = tpu.memref_slice %arg3[%add3A, %dma_start3A, %dma_start3A_1] : memref<32x80x128xi32, #tpu.memory_space<hbm>> -> memref<1x8x128xi32, #tpu.memory_space<hbm>>
    %dma_start3A_3 = tpu.memref_squeeze %dma_start3A_2 : memref<1x8x128xi32, #tpu.memory_space<hbm>> -> memref<8x128xi32, #tpu.memory_space<hbm>>
    %dma_start3A_4 = arith.constant 0 : i32
    %dma_start3A_5 = arith.constant 0 : i32
    %dma_start3A_6 = tpu.memref_slice %arg3[%add3A, %dma_start3A_4, %dma_start3A_5] : memref<32x80x128xi32, #tpu.memory_space<hbm>> -> memref<1x8x128xi32, #tpu.memory_space<hbm>>
    %dma_start3A_7 = tpu.memref_squeeze %dma_start3A_6 : memref<1x8x128xi32, #tpu.memory_space<hbm>> -> memref<8x128xi32, #tpu.memory_space<hbm>>
    tpu.enqueue_dma source(%dma_start3A_7 : memref<8x128xi32, #tpu.memory_space<hbm>>) target(%arg6 : memref<8x128xi32, #tpu.memory_space<vmem>>) target_semaphore(%arg16 : memref<!tpu.dma_semaphore, #tpu.memory_space<semaphore_mem>>)
    %dma_start3A_8 = arith.constant 0 : i32
    %dma_start3A_9 = arith.constant 0 : i32
    %dma_start3A_10 = tpu.memref_slice %arg4[%add3A, %dma_start3A_8, %dma_start3A_9] : memref<32x80x128xi32, #tpu.memory_space<hbm>> -> memref<1x8x128xi32, #tpu.memory_space<hbm>>
    %dma_start3A_11 = tpu.memref_squeeze %dma_start3A_10 : memref<1x8x128xi32, #tpu.memory_space<hbm>> -> memref<8x128xi32, #tpu.memory_space<hbm>>
    %dma_start3A_12 = arith.constant 0 : i32
    %dma_start3A_13 = arith.constant 0 : i32
    %dma_start3A_14 = tpu.memref_slice %arg4[%add3A, %dma_start3A_12, %dma_start3A_13] : memref<32x80x128xi32, #tpu.memory_space<hbm>> -> memref<1x8x128xi32, #tpu.memory_space<hbm>>
    %dma_start3A_15 = tpu.memref_squeeze %dma_start3A_14 : memref<1x8x128xi32, #tpu.memory_space<hbm>> -> memref<8x128xi32, #tpu.memory_space<hbm>>
    tpu.enqueue_dma source(%dma_start3A_15 : memref<8x128xi32, #tpu.memory_space<hbm>>) target(%arg7 : memref<8x128xi32, #tpu.memory_space<vmem>>) target_semaphore(%arg16 : memref<!tpu.dma_semaphore, #tpu.memory_space<semaphore_mem>>)
    %dma_start3A_16 = arith.constant 8 : i32
    %dma_start3A_17 = arith.constant 0 : i32
    %dma_start3A_18 = tpu.memref_slice %arg3[%add3A, %dma_start3A_16, %dma_start3A_17] : memref<32x80x128xi32, #tpu.memory_space<hbm>> -> memref<1x8x128xi32, #tpu.memory_space<hbm>>
    %dma_start3A_19 = tpu.memref_squeeze %dma_start3A_18 : memref<1x8x128xi32, #tpu.memory_space<hbm>> -> memref<8x128xi32, #tpu.memory_space<hbm>>
    %dma_start3A_20 = arith.constant 8 : i32
    %dma_start3A_21 = arith.constant 0 : i32
    %dma_start3A_22 = tpu.memref_slice %arg3[%add3A, %dma_start3A_20, %dma_start3A_21] : memref<32x80x128xi32, #tpu.memory_space<hbm>> -> memref<1x8x128xi32, #tpu.memory_space<hbm>>
    %dma_start3A_23 = tpu.memref_squeeze %dma_start3A_22 : memref<1x8x128xi32, #tpu.memory_space<hbm>> -> memref<8x128xi32, #tpu.memory_space<hbm>>
    tpu.enqueue_dma source(%dma_start3A_23 : memref<8x128xi32, #tpu.memory_space<hbm>>) target(%arg8 : memref<8x128xi32, #tpu.memory_space<vmem>>) target_semaphore(%arg17 : memref<!tpu.dma_semaphore, #tpu.memory_space<semaphore_mem>>)
    %dma_start3A_24 = arith.constant 8 : i32
    %dma_start3A_25 = arith.constant 0 : i32
    %dma_start3A_26 = tpu.memref_slice %arg4[%add3A, %dma_start3A_24, %dma_start3A_25] : memref<32x80x128xi32, #tpu.memory_space<hbm>> -> memref<1x8x128xi32, #tpu.memory_space<hbm>>
    %dma_start3A_27 = tpu.memref_squeeze %dma_start3A_26 : memref<1x8x128xi32, #tpu.memory_space<hbm>> -> memref<8x128xi32, #tpu.memory_space<hbm>>
    %dma_start3A_28 = arith.constant 8 : i32
    %dma_start3A_29 = arith.constant 0 : i32
    %dma_start3A_30 = tpu.memref_slice %arg4[%add3A, %dma_start3A_28, %dma_start3A_29] : memref<32x80x128xi32, #tpu.memory_space<hbm>> -> memref<1x8x128xi32, #tpu.memory_space<hbm>>
    %dma_start3A_31 = tpu.memref_squeeze %dma_start3A_30 : memref<1x8x128xi32, #tpu.memory_space<hbm>> -> memref<8x128xi32, #tpu.memory_space<hbm>>
    tpu.enqueue_dma source(%dma_start3A_31 : memref<8x128xi32, #tpu.memory_space<hbm>>) target(%arg9 : memref<8x128xi32, #tpu.memory_space<vmem>>) target_semaphore(%arg17 : memref<!tpu.dma_semaphore, #tpu.memory_space<semaphore_mem>>)
    %broadcast_in_dim3A = arith.constant 0.000000e+00 : f32
    %broadcast_in_dim3A_32 = vector.broadcast %broadcast_in_dim3A : f32 to vector<16xf32>
    %scan3A = arith.constant 0 : i32
    %scan3A_33 = arith.constant 0 : i32
    %scan3A_34 = arith.constant 128 : i32
    %scan3A_35 = arith.addi %scan3A_33, %scan3A_34 : i32
    %scan3A_36 = arith.constant 1 : i32
    scf.for %scan3A_58 = %scan3A_33 to %scan3A_35 step %scan3A_36  : i32 {
      %swap3A = arith.index_cast %scan3A_58 : i32 to index
      %swap3A_59 = arith.constant 0 : index
      %swap3A_60 = tpu.vector_load %arg10[%swap3A, %swap3A_59] {strides = array<i32>} : memref<128x128xf32, #tpu.memory_space<vmem>>, vector<1x16xf32>,
      %swap3A_61 = vector.shape_cast %swap3A_60 : vector<1x16xf32> to vector<16xf32>
      %swap3A_62 = vector.shape_cast %broadcast_in_dim3A_32 : vector<16xf32> to vector<1x16xf32>
      tpu.vector_store %arg10[%swap3A, %swap3A_59], %swap3A_62 {strides = array<i32>} : memref<128x128xf32, #tpu.memory_space<vmem>>, vector<1x16xf32>,
      %swap3A_63 = arith.index_cast %scan3A_58 : i32 to index
      %swap3A_64 = arith.constant 16 : index
      %swap3A_65 = tpu.vector_load %arg10[%swap3A_63, %swap3A_64] {strides = array<i32>} : memref<128x128xf32, #tpu.memory_space<vmem>>, vector<1x16xf32>,
      %swap3A_66 = vector.shape_cast %swap3A_65 : vector<1x16xf32> to vector<16xf32>
      %swap3A_67 = vector.shape_cast %broadcast_in_dim3A_32 : vector<16xf32> to vector<1x16xf32>
      tpu.vector_store %arg10[%swap3A_63, %swap3A_64], %swap3A_67 {strides = array<i32>} : memref<128x128xf32, #tpu.memory_space<vmem>>, vector<1x16xf32>,
      %swap3A_68 = arith.index_cast %scan3A_58 : i32 to index
      %swap3A_69 = arith.constant 32 : index
      %swap3A_70 = tpu.vector_load %arg10[%swap3A_68, %swap3A_69] {strides = array<i32>} : memref<128x128xf32, #tpu.memory_space<vmem>>, vector<1x16xf32>,
      %swap3A_71 = vector.shape_cast %swap3A_70 : vector<1x16xf32> to vector<16xf32>
      %swap3A_72 = vector.shape_cast %broadcast_in_dim3A_32 : vector<16xf32> to vector<1x16xf32>
      tpu.vector_store %arg10[%swap3A_68, %swap3A_69], %swap3A_72 {strides = array<i32>} : memref<128x128xf32, #tpu.memory_space<vmem>>, vector<1x16xf32>,
      %swap3A_73 = arith.index_cast %scan3A_58 : i32 to index
      %swap3A_74 = arith.constant 48 : index
      %swap3A_75 = tpu.vector_load %arg10[%swap3A_73, %swap3A_74] {strides = array<i32>} : memref<128x128xf32, #tpu.memory_space<vmem>>, vector<1x16xf32>,
      %swap3A_76 = vector.shape_cast %swap3A_75 : vector<1x16xf32> to vector<16xf32>
      %swap3A_77 = vector.shape_cast %broadcast_in_dim3A_32 : vector<16xf32> to vector<1x16xf32>
      tpu.vector_store %arg10[%swap3A_73, %swap3A_74], %swap3A_77 {strides = array<i32>} : memref<128x128xf32, #tpu.memory_space<vmem>>, vector<1x16xf32>,
      %swap3A_78 = arith.index_cast %scan3A_58 : i32 to index
      %swap3A_79 = arith.constant 64 : index
      %swap3A_80 = tpu.vector_load %arg10[%swap3A_78, %swap3A_79] {strides = array<i32>} : memref<128x128xf32, #tpu.memory_space<vmem>>, vector<1x16xf32>,
      %swap3A_81 = vector.shape_cast %swap3A_80 : vector<1x16xf32> to vector<16xf32>
      %swap3A_82 = vector.shape_cast %broadcast_in_dim3A_32 : vector<16xf32> to vector<1x16xf32>
      tpu.vector_store %arg10[%swap3A_78, %swap3A_79], %swap3A_82 {strides = array<i32>} : memref<128x128xf32, #tpu.memory_space<vmem>>, vector<1x16xf32>,
      %swap3A_83 = arith.index_cast %scan3A_58 : i32 to index
      %swap3A_84 = arith.constant 80 : index
      %swap3A_85 = tpu.vector_load %arg10[%swap3A_83, %swap3A_84] {strides = array<i32>} : memref<128x128xf32, #tpu.memory_space<vmem>>, vector<1x16xf32>,
      %swap3A_86 = vector.shape_cast %swap3A_85 : vector<1x16xf32> to vector<16xf32>
      %swap3A_87 = vector.shape_cast %broadcast_in_dim3A_32 : vector<16xf32> to vector<1x16xf32>
      tpu.vector_store %arg10[%swap3A_83, %swap3A_84], %swap3A_87 {strides = array<i32>} : memref<128x128xf32, #tpu.memory_space<vmem>>, vector<1x16xf32>,
      %swap3A_88 = arith.index_cast %scan3A_58 : i32 to index
      %swap3A_89 = arith.constant 96 : index
      %swap3A_90 = tpu.vector_load %arg10[%swap3A_88, %swap3A_89] {strides = array<i32>} : memref<128x128xf32, #tpu.memory_space<vmem>>, vector<1x16xf32>,
      %swap3A_91 = vector.shape_cast %swap3A_90 : vector<1x16xf32> to vector<16xf32>
      %swap3A_92 = vector.shape_cast %broadcast_in_dim3A_32 : vector<16xf32> to vector<1x16xf32>
      tpu.vector_store %arg10[%swap3A_88, %swap3A_89], %swap3A_92 {strides = array<i32>} : memref<128x128xf32, #tpu.memory_space<vmem>>, vector<1x16xf32>,
      %swap3A_93 = arith.index_cast %scan3A_58 : i32 to index
      %swap3A_94 = arith.constant 112 : index
      %swap3A_95 = tpu.vector_load %arg10[%swap3A_93, %swap3A_94] {strides = array<i32>} : memref<128x128xf32, #tpu.memory_space<vmem>>, vector<1x16xf32>,
      %swap3A_96 = vector.shape_cast %swap3A_95 : vector<1x16xf32> to vector<16xf32>
      %swap3A_97 = vector.shape_cast %broadcast_in_dim3A_32 : vector<16xf32> to vector<1x16xf32>
      tpu.vector_store %arg10[%swap3A_93, %swap3A_94], %swap3A_97 {strides = array<i32>} : memref<128x128xf32, #tpu.memory_space<vmem>>, vector<1x16xf32>,
    }
    %scan3A_37 = arith.constant 128 : i32
    %mul3A_38 = arith.constant 632 : i32
    %mul3A_39 = arith.muli %arg1, %mul3A_38 : i32
    %add3A_40 = arith.constant 0 : i32
    %add3A_41 = arith.addi %mul3A_39, %add3A_40 : i32
    "tpu.region"() ({
      %run_scoped3A = tpu.sem_alloc : memref<!tpu.dma_semaphore, #tpu.memory_space<semaphore_mem>>
      %dma_start3A_58 = arith.constant 0 : i32
      %dma_start3A_59 = tpu.memref_slice %arg18[%add3A_41, %dma_start3A_58] : memref<10112x128xf32, #tpu.memory_space<vmem_shared>> -> memref<128x128xf32, #tpu.memory_space<vmem_shared>>
      %dma_start3A_60 = arith.constant 0 : i32
      %dma_start3A_61 = tpu.memref_slice %arg18[%add3A_41, %dma_start3A_60] : memref<10112x128xf32, #tpu.memory_space<vmem_shared>> -> memref<128x128xf32, #tpu.memory_space<vmem_shared>>
      tpu.enqueue_dma source(%arg10 : memref<128x128xf32, #tpu.memory_space<vmem>>) target(%dma_start3A_61 : memref<128x128xf32, #tpu.memory_space<vmem_shared>>) target_semaphore(%run_scoped3A : memref<!tpu.dma_semaphore, #tpu.memory_space<semaphore_mem>>)
      %dma_wait3A = arith.constant 0 : i32
      %dma_wait3A_62 = tpu.memref_slice %arg18[%add3A_41, %dma_wait3A] : memref<10112x128xf32, #tpu.memory_space<vmem_shared>> -> memref<128x128xf32, #tpu.memory_space<vmem_shared>>
      %dma_wait3A_63 = arith.constant 0 : i32
      %dma_wait3A_64 = tpu.memref_slice %arg18[%add3A_41, %dma_wait3A_63] : memref<10112x128xf32, #tpu.memory_space<vmem_shared>> -> memref<128x128xf32, #tpu.memory_space<vmem_shared>>
      tpu.wait_dma2 semaphore(%run_scoped3A : memref<!tpu.dma_semaphore, #tpu.memory_space<semaphore_mem>>) src(%arg10 : memref<128x128xf32, #tpu.memory_space<vmem>>) dst(%dma_wait3A_64 : memref<128x128xf32, #tpu.memory_space<vmem_shared>>)
      tpu.yield
    }) : () -> ()
    %add3A_42 = arith.constant 128 : i32
    %add3A_43 = arith.addi %mul3A_39, %add3A_42 : i32
    "tpu.region"() ({
      %run_scoped3A = tpu.sem_alloc : memref<!tpu.dma_semaphore, #tpu.memory_space<semaphore_mem>>
      %dma_start3A_58 = arith.constant 0 : i32
      %dma_start3A_59 = tpu.memref_slice %arg18[%add3A_43, %dma_start3A_58] : memref<10112x128xf32, #tpu.memory_space<vmem_shared>> -> memref<128x128xf32, #tpu.memory_space<vmem_shared>>
      %dma_start3A_60 = arith.constant 0 : i32
      %dma_start3A_61 = tpu.memref_slice %arg18[%add3A_43, %dma_start3A_60] : memref<10112x128xf32, #tpu.memory_space<vmem_shared>> -> memref<128x128xf32, #tpu.memory_space<vmem_shared>>
      tpu.enqueue_dma source(%arg10 : memref<128x128xf32, #tpu.memory_space<vmem>>) target(%dma_start3A_61 : memref<128x128xf32, #tpu.memory_space<vmem_shared>>) target_semaphore(%run_scoped3A : memref<!tpu.dma_semaphore, #tpu.memory_space<semaphore_mem>>)
      %dma_wait3A = arith.constant 0 : i32
      %dma_wait3A_62 = tpu.memref_slice %arg18[%add3A_43, %dma_wait3A] : memref<10112x128xf32, #tpu.memory_space<vmem_shared>> -> memref<128x128xf32, #tpu.memory_space<vmem_shared>>
      %dma_wait3A_63 = arith.constant 0 : i32
      %dma_wait3A_64 = tpu.memref_slice %arg18[%add3A_43, %dma_wait3A_63] : memref<10112x128xf32, #tpu.memory_space<vmem_shared>> -> memref<128x128xf32, #tpu.memory_space<vmem_shared>>
      tpu.wait_dma2 semaphore(%run_scoped3A : memref<!tpu.dma_semaphore, #tpu.memory_space<semaphore_mem>>) src(%arg10 : memref<128x128xf32, #tpu.memory_space<vmem>>) dst(%dma_wait3A_64 : memref<128x128xf32, #tpu.memory_space<vmem_shared>>)
      tpu.yield
    }) : () -> ()
    %add3A_44 = arith.constant 256 : i32
    %add3A_45 = arith.addi %mul3A_39, %add3A_44 : i32
    "tpu.region"() ({
      %run_scoped3A = tpu.sem_alloc : memref<!tpu.dma_semaphore, #tpu.memory_space<semaphore_mem>>
      %dma_start3A_58 = arith.constant 0 : i32
      %dma_start3A_59 = tpu.memref_slice %arg18[%add3A_45, %dma_start3A_58] : memref<10112x128xf32, #tpu.memory_space<vmem_shared>> -> memref<128x128xf32, #tpu.memory_space<vmem_shared>>
      %dma_start3A_60 = arith.constant 0 : i32
      %dma_start3A_61 = tpu.memref_slice %arg18[%add3A_45, %dma_start3A_60] : memref<10112x128xf32, #tpu.memory_space<vmem_shared>> -> memref<128x128xf32, #tpu.memory_space<vmem_shared>>
      tpu.enqueue_dma source(%arg10 : memref<128x128xf32, #tpu.memory_space<vmem>>) target(%dma_start3A_61 : memref<128x128xf32, #tpu.memory_space<vmem_shared>>) target_semaphore(%run_scoped3A : memref<!tpu.dma_semaphore, #tpu.memory_space<semaphore_mem>>)
      %dma_wait3A = arith.constant 0 : i32
      %dma_wait3A_62 = tpu.memref_slice %arg18[%add3A_45, %dma_wait3A] : memref<10112x128xf32, #tpu.memory_space<vmem_shared>> -> memref<128x128xf32, #tpu.memory_space<vmem_shared>>
      %dma_wait3A_63 = arith.constant 0 : i32
      %dma_wait3A_64 = tpu.memref_slice %arg18[%add3A_45, %dma_wait3A_63] : memref<10112x128xf32, #tpu.memory_space<vmem_shared>> -> memref<128x128xf32, #tpu.memory_space<vmem_shared>>
      tpu.wait_dma2 semaphore(%run_scoped3A : memref<!tpu.dma_semaphore, #tpu.memory_space<semaphore_mem>>) src(%arg10 : memref<128x128xf32, #tpu.memory_space<vmem>>) dst(%dma_wait3A_64 : memref<128x128xf32, #tpu.memory_space<vmem_shared>>)
      tpu.yield
    }) : () -> ()
    %add3A_46 = arith.constant 384 : i32
    %add3A_47 = arith.addi %mul3A_39, %add3A_46 : i32
    "tpu.region"() ({
      %run_scoped3A = tpu.sem_alloc : memref<!tpu.dma_semaphore, #tpu.memory_space<semaphore_mem>>
      %dma_start3A_58 = arith.constant 0 : i32
      %dma_start3A_59 = tpu.memref_slice %arg18[%add3A_47, %dma_start3A_58] : memref<10112x128xf32, #tpu.memory_space<vmem_shared>> -> memref<128x128xf32, #tpu.memory_space<vmem_shared>>
      %dma_start3A_60 = arith.constant 0 : i32
      %dma_start3A_61 = tpu.memref_slice %arg18[%add3A_47, %dma_start3A_60] : memref<10112x128xf32, #tpu.memory_space<vmem_shared>> -> memref<128x128xf32, #tpu.memory_space<vmem_shared>>
      tpu.enqueue_dma source(%arg10 : memref<128x128xf32, #tpu.memory_space<vmem>>) target(%dma_start3A_61 : memref<128x128xf32, #tpu.memory_space<vmem_shared>>) target_semaphore(%run_scoped3A : memref<!tpu.dma_semaphore, #tpu.memory_space<semaphore_mem>>)
      %dma_wait3A = arith.constant 0 : i32
      %dma_wait3A_62 = tpu.memref_slice %arg18[%add3A_47, %dma_wait3A] : memref<10112x128xf32, #tpu.memory_space<vmem_shared>> -> memref<128x128xf32, #tpu.memory_space<vmem_shared>>
      %dma_wait3A_63 = arith.constant 0 : i32
      %dma_wait3A_64 = tpu.memref_slice %arg18[%add3A_47, %dma_wait3A_63] : memref<10112x128xf32, #tpu.memory_space<vmem_shared>> -> memref<128x128xf32, #tpu.memory_space<vmem_shared>>
      tpu.wait_dma2 semaphore(%run_scoped3A : memref<!tpu.dma_semaphore, #tpu.memory_space<semaphore_mem>>) src(%arg10 : memref<128x128xf32, #tpu.memory_space<vmem>>) dst(%dma_wait3A_64 : memref<128x128xf32, #tpu.memory_space<vmem_shared>>)
      tpu.yield
    }) : () -> ()
    %add3A_48 = arith.constant 632 : i32
    %add3A_49 = arith.addi %mul3A_39, %add3A_48 : i32
    %sub3A = arith.constant 120 : i32
    %sub3A_50 = arith.subi %add3A_49, %sub3A : i32
    "tpu.region"() ({
      %run_scoped3A = tpu.sem_alloc : memref<!tpu.dma_semaphore, #tpu.memory_space<semaphore_mem>>
      %dma_start3A_58 = arith.constant 0 : i32
      %dma_start3A_59 = arith.constant 0 : i32
      %dma_start3A_60 = tpu.memref_slice %arg10[%dma_start3A_58, %dma_start3A_59] : memref<128x128xf32, #tpu.memory_space<vmem>> -> memref<120x128xf32, #tpu.memory_space<vmem>>
      %dma_start3A_61 = arith.constant 0 : i32
      %dma_start3A_62 = tpu.memref_slice %arg18[%sub3A_50, %dma_start3A_61] : memref<10112x128xf32, #tpu.memory_space<vmem_shared>> -> memref<120x128xf32, #tpu.memory_space<vmem_shared>>
      %dma_start3A_63 = arith.constant 0 : i32
      %dma_start3A_64 = tpu.memref_slice %arg18[%sub3A_50, %dma_start3A_63] : memref<10112x128xf32, #tpu.memory_space<vmem_shared>> -> memref<120x128xf32, #tpu.memory_space<vmem_shared>>
      %dma_start3A_65 = arith.constant 0 : i32
      %dma_start3A_66 = arith.constant 0 : i32
      %dma_start3A_67 = tpu.memref_slice %arg10[%dma_start3A_65, %dma_start3A_66] : memref<128x128xf32, #tpu.memory_space<vmem>> -> memref<120x128xf32, #tpu.memory_space<vmem>>
      tpu.enqueue_dma source(%dma_start3A_67 : memref<120x128xf32, #tpu.memory_space<vmem>>) target(%dma_start3A_64 : memref<120x128xf32, #tpu.memory_space<vmem_shared>>) target_semaphore(%run_scoped3A : memref<!tpu.dma_semaphore, #tpu.memory_space<semaphore_mem>>)
      %dma_wait3A = arith.constant 0 : i32
      %dma_wait3A_68 = arith.constant 0 : i32
      %dma_wait3A_69 = tpu.memref_slice %arg10[%dma_wait3A, %dma_wait3A_68] : memref<128x128xf32, #tpu.memory_space<vmem>> -> memref<120x128xf32, #tpu.memory_space<vmem>>
      %dma_wait3A_70 = arith.constant 0 : i32
      %dma_wait3A_71 = tpu.memref_slice %arg18[%sub3A_50, %dma_wait3A_70] : memref<10112x128xf32, #tpu.memory_space<vmem_shared>> -> memref<120x128xf32, #tpu.memory_space<vmem_shared>>
      %dma_wait3A_72 = arith.constant 0 : i32
      %dma_wait3A_73 = tpu.memref_slice %arg18[%sub3A_50, %dma_wait3A_72] : memref<10112x128xf32, #tpu.memory_space<vmem_shared>> -> memref<120x128xf32, #tpu.memory_space<vmem_shared>>
      %dma_wait3A_74 = arith.constant 0 : i32
      %dma_wait3A_75 = arith.constant 0 : i32
      %dma_wait3A_76 = tpu.memref_slice %arg10[%dma_wait3A_74, %dma_wait3A_75] : memref<128x128xf32, #tpu.memory_space<vmem>> -> memref<120x128xf32, #tpu.memory_space<vmem>>
      tpu.wait_dma2 semaphore(%run_scoped3A : memref<!tpu.dma_semaphore, #tpu.memory_space<semaphore_mem>>) src(%dma_wait3A_76 : memref<120x128xf32, #tpu.memory_space<vmem>>) dst(%dma_wait3A_73 : memref<120x128xf32, #tpu.memory_space<vmem_shared>>)
      tpu.yield
    }) : () -> ()
    %barrier3A = arith.constant 0 : index
    tpu.barrier barrier_id(%barrier3A)
    %scan3A_51 = arith.constant 0 : i32
    %scan3A_52 = arith.constant 0 : i32
    %scan3A_53 = arith.constant 5 : i32
    %scan3A_54 = arith.addi %scan3A_52, %scan3A_53 : i32
    %scan3A_55 = arith.constant 1 : i32
    scf.for %scan3A_58 = %scan3A_52 to %scan3A_54 step %scan3A_55  : i32 {
      %dma_wait3A = arith.constant 0 : i32
      %dma_wait3A_59 = arith.constant 0 : i32
      %dma_wait3A_60 = tpu.memref_slice %arg3[%add3A, %dma_wait3A, %dma_wait3A_59] : memref<32x80x128xi32, #tpu.memory_space<hbm>> -> memref<1x8x128xi32, #tpu.memory_space<hbm>>
      %dma_wait3A_61 = tpu.memref_squeeze %dma_wait3A_60 : memref<1x8x128xi32, #tpu.memory_space<hbm>> -> memref<8x128xi32, #tpu.memory_space<hbm>>
      %dma_wait3A_62 = arith.constant 0 : i32
      %dma_wait3A_63 = arith.constant 0 : i32
      %dma_wait3A_64 = tpu.memref_slice %arg3[%add3A, %dma_wait3A_62, %dma_wait3A_63] : memref<32x80x128xi32, #tpu.memory_space<hbm>> -> memref<1x8x128xi32, #tpu.memory_space<hbm>>
      %dma_wait3A_65 = tpu.memref_squeeze %dma_wait3A_64 : memref<1x8x128xi32, #tpu.memory_space<hbm>> -> memref<8x128xi32, #tpu.memory_space<hbm>>
      tpu.wait_dma2 semaphore(%arg16 : memref<!tpu.dma_semaphore, #tpu.memory_space<semaphore_mem>>) src(%dma_wait3A_65 : memref<8x128xi32, #tpu.memory_space<hbm>>) dst(%arg6 : memref<8x128xi32, #tpu.memory_space<vmem>>)
      %dma_wait3A_66 = arith.constant 0 : i32
      %dma_wait3A_67 = arith.constant 0 : i32
      %dma_wait3A_68 = tpu.memref_slice %arg4[%add3A, %dma_wait3A_66, %dma_wait3A_67] : memref<32x80x128xi32, #tpu.memory_space<hbm>> -> memref<1x8x128xi32, #tpu.memory_space<hbm>>
      %dma_wait3A_69 = tpu.memref_squeeze %dma_wait3A_68 : memref<1x8x128xi32, #tpu.memory_space<hbm>> -> memref<8x128xi32, #tpu.memory_space<hbm>>
      %dma_wait3A_70 = arith.constant 0 : i32
      %dma_wait3A_71 = arith.constant 0 : i32
      %dma_wait3A_72 = tpu.memref_slice %arg4[%add3A, %dma_wait3A_70, %dma_wait3A_71] : memref<32x80x128xi32, #tpu.memory_space<hbm>> -> memref<1x8x128xi32, #tpu.memory_space<hbm>>
      %dma_wait3A_73 = tpu.memref_squeeze %dma_wait3A_72 : memref<1x8x128xi32, #tpu.memory_space<hbm>> -> memref<8x128xi32, #tpu.memory_space<hbm>>
      tpu.wait_dma2 semaphore(%arg16 : memref<!tpu.dma_semaphore, #tpu.memory_space<semaphore_mem>>) src(%dma_wait3A_73 : memref<8x128xi32, #tpu.memory_space<hbm>>) dst(%arg7 : memref<8x128xi32, #tpu.memory_space<vmem>>)
      %gt3A = arith.constant 0 : i32
      %gt3A_74 = arith.cmpi sgt, %scan3A_58, %gt3A : i32
      %convert_element_type3A = arith.extui %gt3A_74 : i1 to i32
      %cond3A = arith.constant 0 : i32
      %cond3A_75 = arith.cmpi ne, %convert_element_type3A, %cond3A : i32
      scf.if %cond3A_75 {
        %mul3A_544 = arith.constant 2 : i32
        %mul3A_545 = arith.muli %mul3A_544, %scan3A_58 : i32
        %add3A_546 = arith.constant 1 : i32
        %add3A_547 = arith.addi %mul3A_545, %add3A_546 : i32
        %mul3A_548 = arith.constant 8 : i32
        %mul3A_549 = arith.muli %add3A_547, %mul3A_548 : i32
        %dma_start3A_550 = arith.constant 0 : i32
        %dma_start3A_551 = tpu.memref_slice %arg3[%add3A, %mul3A_549, %dma_start3A_550] : memref<32x80x128xi32, #tpu.memory_space<hbm>> -> memref<1x8x128xi32, #tpu.memory_space<hbm>>
        %dma_start3A_552 = tpu.memref_squeeze %dma_start3A_551 : memref<1x8x128xi32, #tpu.memory_space<hbm>> -> memref<8x128xi32, #tpu.memory_space<hbm>>
        %dma_start3A_553 = arith.constant 0 : i32
        %dma_start3A_554 = tpu.memref_slice %arg3[%add3A, %mul3A_549, %dma_start3A_553] : memref<32x80x128xi32, #tpu.memory_space<hbm>> -> memref<1x8x128xi32, #tpu.memory_space<hbm>>
        %dma_start3A_555 = tpu.memref_squeeze %dma_start3A_554 : memref<1x8x128xi32, #tpu.memory_space<hbm>> -> memref<8x128xi32, #tpu.memory_space<hbm>>
        tpu.enqueue_dma source(%dma_start3A_555 : memref<8x128xi32, #tpu.memory_space<hbm>>) target(%arg8 : memref<8x128xi32, #tpu.memory_space<vmem>>) target_semaphore(%arg17 : memref<!tpu.dma_semaphore, #tpu.memory_space<semaphore_mem>>)
        %mul3A_556 = arith.constant 8 : i32
        %mul3A_557 = arith.muli %add3A_547, %mul3A_556 : i32
        %dma_start3A_558 = arith.constant 0 : i32
        %dma_start3A_559 = tpu.memref_slice %arg4[%add3A, %mul3A_557, %dma_start3A_558] : memref<32x80x128xi32, #tpu.memory_space<hbm>> -> memref<1x8x128xi32, #tpu.memory_space<hbm>>
        %dma_start3A_560 = tpu.memref_squeeze %dma_start3A_559 : memref<1x8x128xi32, #tpu.memory_space<hbm>> -> memref<8x128xi32, #tpu.memory_space<hbm>>
        %dma_start3A_561 = arith.constant 0 : i32
        %dma_start3A_562 = tpu.memref_slice %arg4[%add3A, %mul3A_557, %dma_start3A_561] : memref<32x80x128xi32, #tpu.memory_space<hbm>> -> memref<1x8x128xi32, #tpu.memory_space<hbm>>
        %dma_start3A_563 = tpu.memref_squeeze %dma_start3A_562 : memref<1x8x128xi32, #tpu.memory_space<hbm>> -> memref<8x128xi32, #tpu.memory_space<hbm>>
        tpu.enqueue_dma source(%dma_start3A_563 : memref<8x128xi32, #tpu.memory_space<hbm>>) target(%arg9 : memref<8x128xi32, #tpu.memory_space<vmem>>) target_semaphore(%arg17 : memref<!tpu.dma_semaphore, #tpu.memory_space<semaphore_mem>>)
      } else {
      }
      %dma_start3A_76 = arith.constant 0 : i32
      %dma_start3A_77 = arith.constant 0 : i32
      %dma_start3A_78 = tpu.memref_slice %arg6[%dma_start3A_76, %dma_start3A_77] : memref<8x128xi32, #tpu.memory_space<vmem>> -> memref<1x128xi32, #tpu.memory_space<vmem>>
      %dma_start3A_79 = tpu.memref_squeeze %dma_start3A_78 : memref<1x128xi32, #tpu.memory_space<vmem>> -> memref<128xi32, #tpu.memory_space<vmem>>
      %dma_start3A_80 = arith.constant 0 : i32
      %dma_start3A_81 = arith.constant 0 : i32
      %dma_start3A_82 = tpu.memref_slice %arg2[%dma_start3A_80, %dma_start3A_81] : memref<10000x128xf32, #tpu.memory_space<hbm>> -> memref<10000x128xf32, #tpu.memory_space<hbm>>
      tpu.enqueue_indirect_dma source(%dma_start3A_82 : memref<10000x128xf32, #tpu.memory_space<hbm>>) target(%arg10 : memref<128x128xf32, #tpu.memory_space<vmem>>) offsets(%dma_start3A_79 : memref<128xi32, #tpu.memory_space<vmem>>) semaphore(%arg12 : memref<!tpu.dma_semaphore, #tpu.memory_space<semaphore_mem>>)
      %dma_start3A_83 = arith.constant 1 : i32
      %dma_start3A_84 = arith.constant 0 : i32
      %dma_start3A_85 = tpu.memref_slice %arg6[%dma_start3A_83, %dma_start3A_84] : memref<8x128xi32, #tpu.memory_space<vmem>> -> memref<1x128xi32, #tpu.memory_space<vmem>>
      %dma_start3A_86 = tpu.memref_squeeze %dma_start3A_85 : memref<1x128xi32, #tpu.memory_space<vmem>> -> memref<128xi32, #tpu.memory_space<vmem>>
      %dma_start3A_87 = arith.constant 0 : i32
      %dma_start3A_88 = arith.constant 0 : i32
      %dma_start3A_89 = tpu.memref_slice %arg2[%dma_start3A_87, %dma_start3A_88] : memref<10000x128xf32, #tpu.memory_space<hbm>> -> memref<10000x128xf32, #tpu.memory_space<hbm>>
      tpu.enqueue_indirect_dma source(%dma_start3A_89 : memref<10000x128xf32, #tpu.memory_space<hbm>>) target(%arg11 : memref<128x128xf32, #tpu.memory_space<vmem>>) offsets(%dma_start3A_86 : memref<128xi32, #tpu.memory_space<vmem>>) semaphore(%arg13 : memref<!tpu.dma_semaphore, #tpu.memory_space<semaphore_mem>>)
      %dma_wait3A_90 = arith.constant 0 : i32
      %dma_wait3A_91 = arith.constant 0 : i32
      %dma_wait3A_92 = tpu.memref_slice %arg6[%dma_wait3A_90, %dma_wait3A_91] : memref<8x128xi32, #tpu.memory_space<vmem>> -> memref<1x128xi32, #tpu.memory_space<vmem>>
      %dma_wait3A_93 = tpu.memref_squeeze %dma_wait3A_92 : memref<1x128xi32, #tpu.memory_space<vmem>> -> memref<128xi32, #tpu.memory_space<vmem>>
      %dma_wait3A_94 = arith.constant 0 : i32
      %dma_wait3A_95 = arith.constant 0 : i32
      %dma_wait3A_96 = tpu.memref_slice %arg2[%dma_wait3A_94, %dma_wait3A_95] : memref<10000x128xf32, #tpu.memory_space<hbm>> -> memref<10000x128xf32, #tpu.memory_space<hbm>>
      tpu.wait_indirect_dma semaphore(%arg12 : memref<!tpu.dma_semaphore, #tpu.memory_space<semaphore_mem>>) src(%dma_wait3A_96 : memref<10000x128xf32, #tpu.memory_space<hbm>>) dst(%arg10 : memref<128x128xf32, #tpu.memory_space<vmem>>)
      %dma_start3A_97 = arith.constant 0 : i32
      %dma_start3A_98 = arith.constant 0 : i32
      %dma_start3A_99 = tpu.memref_slice %arg7[%dma_start3A_97, %dma_start3A_98] : memref<8x128xi32, #tpu.memory_space<vmem>> -> memref<1x128xi32, #tpu.memory_space<vmem>>
      %dma_start3A_100 = tpu.memref_squeeze %dma_start3A_99 : memref<1x128xi32, #tpu.memory_space<vmem>> -> memref<128xi32, #tpu.memory_space<vmem>>
      %dma_start3A_101 = arith.constant 0 : i32
      %dma_start3A_102 = arith.constant 0 : i32
      %dma_start3A_103 = tpu.memref_slice %arg18[%dma_start3A_101, %dma_start3A_102] : memref<10112x128xf32, #tpu.memory_space<vmem_shared>> -> memref<10112x128xf32, #tpu.memory_space<vmem_shared>>
      tpu.enqueue_indirect_dma source(%arg10 : memref<128x128xf32, #tpu.memory_space<vmem>>) target(%dma_start3A_103 : memref<10112x128xf32, #tpu.memory_space<vmem_shared>>) offsets(%dma_start3A_100 : memref<128xi32, #tpu.memory_space<vmem>>) semaphore(%arg14 : memref<!tpu.dma_semaphore, #tpu.memory_space<semaphore_mem>>) {add = true}
      %dma_wait3A_104 = arith.constant 0 : i32
      %dma_wait3A_105 = arith.constant 0 : i32
      %dma_wait3A_106 = tpu.memref_slice %arg7[%dma_wait3A_104, %dma_wait3A_105] : memref<8x128xi32, #tpu.memory_space<vmem>> -> memref<1x128xi32, #tpu.memory_space<vmem>>
      %dma_wait3A_107 = tpu.memref_squeeze %dma_wait3A_106 : memref<1x128xi32, #tpu.memory_space<vmem>> -> memref<128xi32, #tpu.memory_space<vmem>>
      %dma_wait3A_108 = arith.constant 0 : i32
      %dma_wait3A_109 = arith.constant 0 : i32
      %dma_wait3A_110 = tpu.memref_slice %arg18[%dma_wait3A_108, %dma_wait3A_109] : memref<10112x128xf32, #tpu.memory_space<vmem_shared>> -> memref<10112x128xf32, #tpu.memory_space<vmem_shared>>
      tpu.wait_indirect_dma semaphore(%arg14 : memref<!tpu.dma_semaphore, #tpu.memory_space<semaphore_mem>>) src(%arg10 : memref<128x128xf32, #tpu.memory_space<vmem>>) dst(%dma_wait3A_110 : memref<10112x128xf32, #tpu.memory_space<vmem_shared>>)
      %dma_start3A_111 = arith.constant 2 : i32
      %dma_start3A_112 = arith.constant 0 : i32
      %dma_start3A_113 = tpu.memref_slice %arg6[%dma_start3A_111, %dma_start3A_112] : memref<8x128xi32, #tpu.memory_space<vmem>> -> memref<1x128xi32, #tpu.memory_space<vmem>>
      %dma_start3A_114 = tpu.memref_squeeze %dma_start3A_113 : memref<1x128xi32, #tpu.memory_space<vmem>> -> memref<128xi32, #tpu.memory_space<vmem>>
      %dma_start3A_115 = arith.constant 0 : i32
      %dma_start3A_116 = arith.constant 0 : i32
      %dma_start3A_117 = tpu.memref_slice %arg2[%dma_start3A_115, %dma_start3A_116] : memref<10000x128xf32, #tpu.memory_space<hbm>> -> memref<10000x128xf32, #tpu.memory_space<hbm>>
      tpu.enqueue_indirect_dma source(%dma_start3A_117 : memref<10000x128xf32, #tpu.memory_space<hbm>>) target(%arg10 : memref<128x128xf32, #tpu.memory_space<vmem>>) offsets(%dma_start3A_114 : memref<128xi32, #tpu.memory_space<vmem>>) semaphore(%arg12 : memref<!tpu.dma_semaphore, #tpu.memory_space<semaphore_mem>>)
      %dma_wait3A_118 = arith.constant 1 : i32
      %dma_wait3A_119 = arith.constant 0 : i32
      %dma_wait3A_120 = tpu.memref_slice %arg6[%dma_wait3A_118, %dma_wait3A_119] : memref<8x128xi32, #tpu.memory_space<vmem>> -> memref<1x128xi32, #tpu.memory_space<vmem>>
      %dma_wait3A_121 = tpu.memref_squeeze %dma_wait3A_120 : memref<1x128xi32, #tpu.memory_space<vmem>> -> memref<128xi32, #tpu.memory_space<vmem>>
      %dma_wait3A_122 = arith.constant 0 : i32
      %dma_wait3A_123 = arith.constant 0 : i32
      %dma_wait3A_124 = tpu.memref_slice %arg2[%dma_wait3A_122, %dma_wait3A_123] : memref<10000x128xf32, #tpu.memory_space<hbm>> -> memref<10000x128xf32, #tpu.memory_space<hbm>>
      tpu.wait_indirect_dma semaphore(%arg13 : memref<!tpu.dma_semaphore, #tpu.memory_space<semaphore_mem>>) src(%dma_wait3A_124 : memref<10000x128xf32, #tpu.memory_space<hbm>>) dst(%arg11 : memref<128x128xf32, #tpu.memory_space<vmem>>)
      %dma_start3A_125 = arith.constant 1 : i32
      %dma_start3A_126 = arith.constant 0 : i32
      %dma_start3A_127 = tpu.memref_slice %arg7[%dma_start3A_125, %dma_start3A_126] : memref<8x128xi32, #tpu.memory_space<vmem>> -> memref<1x128xi32, #tpu.memory_space<vmem>>
      %dma_start3A_128 = tpu.memref_squeeze %dma_start3A_127 : memref<1x128xi32, #tpu.memory_space<vmem>> -> memref<128xi32, #tpu.memory_space<vmem>>
      %dma_start3A_129 = arith.constant 0 : i32
      %dma_start3A_130 = arith.constant 0 : i32
      %dma_start3A_131 = tpu.memref_slice %arg18[%dma_start3A_129, %dma_start3A_130] : memref<10112x128xf32, #tpu.memory_space<vmem_shared>> -> memref<10112x128xf32, #tpu.memory_space<vmem_shared>>
      tpu.enqueue_indirect_dma source(%arg11 : memref<128x128xf32, #tpu.memory_space<vmem>>) target(%dma_start3A_131 : memref<10112x128xf32, #tpu.memory_space<vmem_shared>>) offsets(%dma_start3A_128 : memref<128xi32, #tpu.memory_space<vmem>>) semaphore(%arg15 : memref<!tpu.dma_semaphore, #tpu.memory_space<semaphore_mem>>) {add = true}
      %dma_wait3A_132 = arith.constant 1 : i32
      %dma_wait3A_133 = arith.constant 0 : i32
      %dma_wait3A_134 = tpu.memref_slice %arg7[%dma_wait3A_132, %dma_wait3A_133] : memref<8x128xi32, #tpu.memory_space<vmem>> -> memref<1x128xi32, #tpu.memory_space<vmem>>
      %dma_wait3A_135 = tpu.memref_squeeze %dma_wait3A_134 : memref<1x128xi32, #tpu.memory_space<vmem>> -> memref<128xi32, #tpu.memory_space<vmem>>
      %dma_wait3A_136 = arith.constant 0 : i32
      %dma_wait3A_137 = arith.constant 0 : i32
      %dma_wait3A_138 = tpu.memref_slice %arg18[%dma_wait3A_136, %dma_wait3A_137] : memref<10112x128xf32, #tpu.memory_space<vmem_shared>> -> memref<10112x128xf32, #tpu.memory_space<vmem_shared>>
      tpu.wait_indirect_dma semaphore(%arg15 : memref<!tpu.dma_semaphore, #tpu.memory_space<semaphore_mem>>) src(%arg11 : memref<128x128xf32, #tpu.memory_space<vmem>>) dst(%dma_wait3A_138 : memref<10112x128xf32, #tpu.memory_space<vmem_shared>>)
      %dma_start3A_139 = arith.constant 3 : i32
      %dma_start3A_140 = arith.constant 0 : i32
      %dma_start3A_141 = tpu.memref_slice %arg6[%dma_start3A_139, %dma_start3A_140] : memref<8x128xi32, #tpu.memory_space<vmem>> -> memref<1x128xi32, #tpu.memory_space<vmem>>
      %dma_start3A_142 = tpu.memref_squeeze %dma_start3A_141 : memref<1x128xi32, #tpu.memory_space<vmem>> -> memref<128xi32, #tpu.memory_space<vmem>>
      %dma_start3A_143 = arith.constant 0 : i32
      %dma_start3A_144 = arith.constant 0 : i32
      %dma_start3A_145 = tpu.memref_slice %arg2[%dma_start3A_143, %dma_start3A_144] : memref<10000x128xf32, #tpu.memory_space<hbm>> -> memref<10000x128xf32, #tpu.memory_space<hbm>>
      tpu.enqueue_indirect_dma source(%dma_start3A_145 : memref<10000x128xf32, #tpu.memory_space<hbm>>) target(%arg11 : memref<128x128xf32, #tpu.memory_space<vmem>>) offsets(%dma_start3A_142 : memref<128xi32, #tpu.memory_space<vmem>>) semaphore(%arg13 : memref<!tpu.dma_semaphore, #tpu.memory_space<semaphore_mem>>)
      %dma_wait3A_146 = arith.constant 2 : i32
      %dma_wait3A_147 = arith.constant 0 : i32
      %dma_wait3A_148 = tpu.memref_slice %arg6[%dma_wait3A_146, %dma_wait3A_147] : memref<8x128xi32, #tpu.memory_space<vmem>> -> memref<1x128xi32, #tpu.memory_space<vmem>>
      %dma_wait3A_149 = tpu.memref_squeeze %dma_wait3A_148 : memref<1x128xi32, #tpu.memory_space<vmem>> -> memref<128xi32, #tpu.memory_space<vmem>>
      %dma_wait3A_150 = arith.constant 0 : i32
      %dma_wait3A_151 = arith.constant 0 : i32
      %dma_wait3A_152 = tpu.memref_slice %arg2[%dma_wait3A_150, %dma_wait3A_151] : memref<10000x128xf32, #tpu.memory_space<hbm>> -> memref<10000x128xf32, #tpu.memory_space<hbm>>
      tpu.wait_indirect_dma semaphore(%arg12 : memref<!tpu.dma_semaphore, #tpu.memory_space<semaphore_mem>>) src(%dma_wait3A_152 : memref<10000x128xf32, #tpu.memory_space<hbm>>) dst(%arg10 : memref<128x128xf32, #tpu.memory_space<vmem>>)
      %dma_start3A_153 = arith.constant 2 : i32
      %dma_start3A_154 = arith.constant 0 : i32
      %dma_start3A_155 = tpu.memref_slice %arg7[%dma_start3A_153, %dma_start3A_154] : memref<8x128xi32, #tpu.memory_space<vmem>> -> memref<1x128xi32, #tpu.memory_space<vmem>>
      %dma_start3A_156 = tpu.memref_squeeze %dma_start3A_155 : memref<1x128xi32, #tpu.memory_space<vmem>> -> memref<128xi32, #tpu.memory_space<vmem>>
      %dma_start3A_157 = arith.constant 0 : i32
      %dma_start3A_158 = arith.constant 0 : i32
      %dma_start3A_159 = tpu.memref_slice %arg18[%dma_start3A_157, %dma_start3A_158] : memref<10112x128xf32, #tpu.memory_space<vmem_shared>> -> memref<10112x128xf32, #tpu.memory_space<vmem_shared>>
      tpu.enqueue_indirect_dma source(%arg10 : memref<128x128xf32, #tpu.memory_space<vmem>>) target(%dma_start3A_159 : memref<10112x128xf32, #tpu.memory_space<vmem_shared>>) offsets(%dma_start3A_156 : memref<128xi32, #tpu.memory_space<vmem>>) semaphore(%arg14 : memref<!tpu.dma_semaphore, #tpu.memory_space<semaphore_mem>>) {add = true}
      %dma_wait3A_160 = arith.constant 2 : i32
      %dma_wait3A_161 = arith.constant 0 : i32
      %dma_wait3A_162 = tpu.memref_slice %arg7[%dma_wait3A_160, %dma_wait3A_161] : memref<8x128xi32, #tpu.memory_space<vmem>> -> memref<1x128xi32, #tpu.memory_space<vmem>>
      %dma_wait3A_163 = tpu.memref_squeeze %dma_wait3A_162 : memref<1x128xi32, #tpu.memory_space<vmem>> -> memref<128xi32, #tpu.memory_space<vmem>>
      %dma_wait3A_164 = arith.constant 0 : i32
      %dma_wait3A_165 = arith.constant 0 : i32
      %dma_wait3A_166 = tpu.memref_slice %arg18[%dma_wait3A_164, %dma_wait3A_165] : memref<10112x128xf32, #tpu.memory_space<vmem_shared>> -> memref<10112x128xf32, #tpu.memory_space<vmem_shared>>
      tpu.wait_indirect_dma semaphore(%arg14 : memref<!tpu.dma_semaphore, #tpu.memory_space<semaphore_mem>>) src(%arg10 : memref<128x128xf32, #tpu.memory_space<vmem>>) dst(%dma_wait3A_166 : memref<10112x128xf32, #tpu.memory_space<vmem_shared>>)
      %dma_start3A_167 = arith.constant 4 : i32
      %dma_start3A_168 = arith.constant 0 : i32
      %dma_start3A_169 = tpu.memref_slice %arg6[%dma_start3A_167, %dma_start3A_168] : memref<8x128xi32, #tpu.memory_space<vmem>> -> memref<1x128xi32, #tpu.memory_space<vmem>>
      %dma_start3A_170 = tpu.memref_squeeze %dma_start3A_169 : memref<1x128xi32, #tpu.memory_space<vmem>> -> memref<128xi32, #tpu.memory_space<vmem>>
      %dma_start3A_171 = arith.constant 0 : i32
      %dma_start3A_172 = arith.constant 0 : i32
      %dma_start3A_173 = tpu.memref_slice %arg2[%dma_start3A_171, %dma_start3A_172] : memref<10000x128xf32, #tpu.memory_space<hbm>> -> memref<10000x128xf32, #tpu.memory_space<hbm>>
      tpu.enqueue_indirect_dma source(%dma_start3A_173 : memref<10000x128xf32, #tpu.memory_space<hbm>>) target(%arg10 : memref<128x128xf32, #tpu.memory_space<vmem>>) offsets(%dma_start3A_170 : memref<128xi32, #tpu.memory_space<vmem>>) semaphore(%arg12 : memref<!tpu.dma_semaphore, #tpu.memory_space<semaphore_mem>>)
      %dma_wait3A_174 = arith.constant 3 : i32
      %dma_wait3A_175 = arith.constant 0 : i32
      %dma_wait3A_176 = tpu.memref_slice %arg6[%dma_wait3A_174, %dma_wait3A_175] : memref<8x128xi32, #tpu.memory_space<vmem>> -> memref<1x128xi32, #tpu.memory_space<vmem>>
      %dma_wait3A_177 = tpu.memref_squeeze %dma_wait3A_176 : memref<1x128xi32, #tpu.memory_space<vmem>> -> memref<128xi32, #tpu.memory_space<vmem>>
      %dma_wait3A_178 = arith.constant 0 : i32
      %dma_wait3A_179 = arith.constant 0 : i32
      %dma_wait3A_180 = tpu.memref_slice %arg2[%dma_wait3A_178, %dma_wait3A_179] : memref<10000x128xf32, #tpu.memory_space<hbm>> -> memref<10000x128xf32, #tpu.memory_space<hbm>>
      tpu.wait_indirect_dma semaphore(%arg13 : memref<!tpu.dma_semaphore, #tpu.memory_space<semaphore_mem>>) src(%dma_wait3A_180 : memref<10000x128xf32, #tpu.memory_space<hbm>>) dst(%arg11 : memref<128x128xf32, #tpu.memory_space<vmem>>)
      %dma_start3A_181 = arith.constant 3 : i32
      %dma_start3A_182 = arith.constant 0 : i32
      %dma_start3A_183 = tpu.memref_slice %arg7[%dma_start3A_181, %dma_start3A_182] : memref<8x128xi32, #tpu.memory_space<vmem>> -> memref<1x128xi32, #tpu.memory_space<vmem>>
      %dma_start3A_184 = tpu.memref_squeeze %dma_start3A_183 : memref<1x128xi32, #tpu.memory_space<vmem>> -> memref<128xi32, #tpu.memory_space<vmem>>
      %dma_start3A_185 = arith.constant 0 : i32
      %dma_start3A_186 = arith.constant 0 : i32
      %dma_start3A_187 = tpu.memref_slice %arg18[%dma_start3A_185, %dma_start3A_186] : memref<10112x128xf32, #tpu.memory_space<vmem_shared>> -> memref<10112x128xf32, #tpu.memory_space<vmem_shared>>
      tpu.enqueue_indirect_dma source(%arg11 : memref<128x128xf32, #tpu.memory_space<vmem>>) target(%dma_start3A_187 : memref<10112x128xf32, #tpu.memory_space<vmem_shared>>) offsets(%dma_start3A_184 : memref<128xi32, #tpu.memory_space<vmem>>) semaphore(%arg15 : memref<!tpu.dma_semaphore, #tpu.memory_space<semaphore_mem>>) {add = true}
      %dma_wait3A_188 = arith.constant 3 : i32
      %dma_wait3A_189 = arith.constant 0 : i32
      %dma_wait3A_190 = tpu.memref_slice %arg7[%dma_wait3A_188, %dma_wait3A_189] : memref<8x128xi32, #tpu.memory_space<vmem>> -> memref<1x128xi32, #tpu.memory_space<vmem>>
      %dma_wait3A_191 = tpu.memref_squeeze %dma_wait3A_190 : memref<1x128xi32, #tpu.memory_space<vmem>> -> memref<128xi32, #tpu.memory_space<vmem>>
      %dma_wait3A_192 = arith.constant 0 : i32
      %dma_wait3A_193 = arith.constant 0 : i32
      %dma_wait3A_194 = tpu.memref_slice %arg18[%dma_wait3A_192, %dma_wait3A_193] : memref<10112x128xf32, #tpu.memory_space<vmem_shared>> -> memref<10112x128xf32, #tpu.memory_space<vmem_shared>>
      tpu.wait_indirect_dma semaphore(%arg15 : memref<!tpu.dma_semaphore, #tpu.memory_space<semaphore_mem>>) src(%arg11 : memref<128x128xf32, #tpu.memory_space<vmem>>) dst(%dma_wait3A_194 : memref<10112x128xf32, #tpu.memory_space<vmem_shared>>)
      %dma_start3A_195 = arith.constant 5 : i32
      %dma_start3A_196 = arith.constant 0 : i32
      %dma_start3A_197 = tpu.memref_slice %arg6[%dma_start3A_195, %dma_start3A_196] : memref<8x128xi32, #tpu.memory_space<vmem>> -> memref<1x128xi32, #tpu.memory_space<vmem>>
      %dma_start3A_198 = tpu.memref_squeeze %dma_start3A_197 : memref<1x128xi32, #tpu.memory_space<vmem>> -> memref<128xi32, #tpu.memory_space<vmem>>
      %dma_start3A_199 = arith.constant 0 : i32
      %dma_start3A_200 = arith.constant 0 : i32
      %dma_start3A_201 = tpu.memref_slice %arg2[%dma_start3A_199, %dma_start3A_200] : memref<10000x128xf32, #tpu.memory_space<hbm>> -> memref<10000x128xf32, #tpu.memory_space<hbm>>
      tpu.enqueue_indirect_dma source(%dma_start3A_201 : memref<10000x128xf32, #tpu.memory_space<hbm>>) target(%arg11 : memref<128x128xf32, #tpu.memory_space<vmem>>) offsets(%dma_start3A_198 : memref<128xi32, #tpu.memory_space<vmem>>) semaphore(%arg13 : memref<!tpu.dma_semaphore, #tpu.memory_space<semaphore_mem>>)
      %dma_wait3A_202 = arith.constant 4 : i32
      %dma_wait3A_203 = arith.constant 0 : i32
      %dma_wait3A_204 = tpu.memref_slice %arg6[%dma_wait3A_202, %dma_wait3A_203] : memref<8x128xi32, #tpu.memory_space<vmem>> -> memref<1x128xi32, #tpu.memory_space<vmem>>
      %dma_wait3A_205 = tpu.memref_squeeze %dma_wait3A_204 : memref<1x128xi32, #tpu.memory_space<vmem>> -> memref<128xi32, #tpu.memory_space<vmem>>
      %dma_wait3A_206 = arith.constant 0 : i32
      %dma_wait3A_207 = arith.constant 0 : i32
      %dma_wait3A_208 = tpu.memref_slice %arg2[%dma_wait3A_206, %dma_wait3A_207] : memref<10000x128xf32, #tpu.memory_space<hbm>> -> memref<10000x128xf32, #tpu.memory_space<hbm>>
      tpu.wait_indirect_dma semaphore(%arg12 : memref<!tpu.dma_semaphore, #tpu.memory_space<semaphore_mem>>) src(%dma_wait3A_208 : memref<10000x128xf32, #tpu.memory_space<hbm>>) dst(%arg10 : memref<128x128xf32, #tpu.memory_space<vmem>>)
      %dma_start3A_209 = arith.constant 4 : i32
      %dma_start3A_210 = arith.constant 0 : i32
      %dma_start3A_211 = tpu.memref_slice %arg7[%dma_start3A_209, %dma_start3A_210] : memref<8x128xi32, #tpu.memory_space<vmem>> -> memref<1x128xi32, #tpu.memory_space<vmem>>
      %dma_start3A_212 = tpu.memref_squeeze %dma_start3A_211 : memref<1x128xi32, #tpu.memory_space<vmem>> -> memref<128xi32, #tpu.memory_space<vmem>>
      %dma_start3A_213 = arith.constant 0 : i32
      %dma_start3A_214 = arith.constant 0 : i32
      %dma_start3A_215 = tpu.memref_slice %arg18[%dma_start3A_213, %dma_start3A_214] : memref<10112x128xf32, #tpu.memory_space<vmem_shared>> -> memref<10112x128xf32, #tpu.memory_space<vmem_shared>>
      tpu.enqueue_indirect_dma source(%arg10 : memref<128x128xf32, #tpu.memory_space<vmem>>) target(%dma_start3A_215 : memref<10112x128xf32, #tpu.memory_space<vmem_shared>>) offsets(%dma_start3A_212 : memref<128xi32, #tpu.memory_space<vmem>>) semaphore(%arg14 : memref<!tpu.dma_semaphore, #tpu.memory_space<semaphore_mem>>) {add = true}
      %dma_wait3A_216 = arith.constant 4 : i32
      %dma_wait3A_217 = arith.constant 0 : i32
      %dma_wait3A_218 = tpu.memref_slice %arg7[%dma_wait3A_216, %dma_wait3A_217] : memref<8x128xi32, #tpu.memory_space<vmem>> -> memref<1x128xi32, #tpu.memory_space<vmem>>
      %dma_wait3A_219 = tpu.memref_squeeze %dma_wait3A_218 : memref<1x128xi32, #tpu.memory_space<vmem>> -> memref<128xi32, #tpu.memory_space<vmem>>
      %dma_wait3A_220 = arith.constant 0 : i32
      %dma_wait3A_221 = arith.constant 0 : i32
      %dma_wait3A_222 = tpu.memref_slice %arg18[%dma_wait3A_220, %dma_wait3A_221] : memref<10112x128xf32, #tpu.memory_space<vmem_shared>> -> memref<10112x128xf32, #tpu.memory_space<vmem_shared>>
      tpu.wait_indirect_dma semaphore(%arg14 : memref<!tpu.dma_semaphore, #tpu.memory_space<semaphore_mem>>) src(%arg10 : memref<128x128xf32, #tpu.memory_space<vmem>>) dst(%dma_wait3A_222 : memref<10112x128xf32, #tpu.memory_space<vmem_shared>>)
      %dma_start3A_223 = arith.constant 6 : i32
      %dma_start3A_224 = arith.constant 0 : i32
      %dma_start3A_225 = tpu.memref_slice %arg6[%dma_start3A_223, %dma_start3A_224] : memref<8x128xi32, #tpu.memory_space<vmem>> -> memref<1x128xi32, #tpu.memory_space<vmem>>
      %dma_start3A_226 = tpu.memref_squeeze %dma_start3A_225 : memref<1x128xi32, #tpu.memory_space<vmem>> -> memref<128xi32, #tpu.memory_space<vmem>>
      %dma_start3A_227 = arith.constant 0 : i32
      %dma_start3A_228 = arith.constant 0 : i32
      %dma_start3A_229 = tpu.memref_slice %arg2[%dma_start3A_227, %dma_start3A_228] : memref<10000x128xf32, #tpu.memory_space<hbm>> -> memref<10000x128xf32, #tpu.memory_space<hbm>>
      tpu.enqueue_indirect_dma source(%dma_start3A_229 : memref<10000x128xf32, #tpu.memory_space<hbm>>) target(%arg10 : memref<128x128xf32, #tpu.memory_space<vmem>>) offsets(%dma_start3A_226 : memref<128xi32, #tpu.memory_space<vmem>>) semaphore(%arg12 : memref<!tpu.dma_semaphore, #tpu.memory_space<semaphore_mem>>)
      %dma_wait3A_230 = arith.constant 5 : i32
      %dma_wait3A_231 = arith.constant 0 : i32
      %dma_wait3A_232 = tpu.memref_slice %arg6[%dma_wait3A_230, %dma_wait3A_231] : memref<8x128xi32, #tpu.memory_space<vmem>> -> memref<1x128xi32, #tpu.memory_space<vmem>>
      %dma_wait3A_233 = tpu.memref_squeeze %dma_wait3A_232 : memref<1x128xi32, #tpu.memory_space<vmem>> -> memref<128xi32, #tpu.memory_space<vmem>>
      %dma_wait3A_234 = arith.constant 0 : i32
      %dma_wait3A_235 = arith.constant 0 : i32
      %dma_wait3A_236 = tpu.memref_slice %arg2[%dma_wait3A_234, %dma_wait3A_235] : memref<10000x128xf32, #tpu.memory_space<hbm>> -> memref<10000x128xf32, #tpu.memory_space<hbm>>
      tpu.wait_indirect_dma semaphore(%arg13 : memref<!tpu.dma_semaphore, #tpu.memory_space<semaphore_mem>>) src(%dma_wait3A_236 : memref<10000x128xf32, #tpu.memory_space<hbm>>) dst(%arg11 : memref<128x128xf32, #tpu.memory_space<vmem>>)
      %dma_start3A_237 = arith.constant 5 : i32
      %dma_start3A_238 = arith.constant 0 : i32
      %dma_start3A_239 = tpu.memref_slice %arg7[%dma_start3A_237, %dma_start3A_238] : memref<8x128xi32, #tpu.memory_space<vmem>> -> memref<1x128xi32, #tpu.memory_space<vmem>>
      %dma_start3A_240 = tpu.memref_squeeze %dma_start3A_239 : memref<1x128xi32, #tpu.memory_space<vmem>> -> memref<128xi32, #tpu.memory_space<vmem>>
      %dma_start3A_241 = arith.constant 0 : i32
      %dma_start3A_242 = arith.constant 0 : i32
      %dma_start3A_243 = tpu.memref_slice %arg18[%dma_start3A_241, %dma_start3A_242] : memref<10112x128xf32, #tpu.memory_space<vmem_shared>> -> memref<10112x128xf32, #tpu.memory_space<vmem_shared>>
      tpu.enqueue_indirect_dma source(%arg11 : memref<128x128xf32, #tpu.memory_space<vmem>>) target(%dma_start3A_243 : memref<10112x128xf32, #tpu.memory_space<vmem_shared>>) offsets(%dma_start3A_240 : memref<128xi32, #tpu.memory_space<vmem>>) semaphore(%arg15 : memref<!tpu.dma_semaphore, #tpu.memory_space<semaphore_mem>>) {add = true}
      %dma_wait3A_244 = arith.constant 5 : i32
      %dma_wait3A_245 = arith.constant 0 : i32
      %dma_wait3A_246 = tpu.memref_slice %arg7[%dma_wait3A_244, %dma_wait3A_245] : memref<8x128xi32, #tpu.memory_space<vmem>> -> memref<1x128xi32, #tpu.memory_space<vmem>>
      %dma_wait3A_247 = tpu.memref_squeeze %dma_wait3A_246 : memref<1x128xi32, #tpu.memory_space<vmem>> -> memref<128xi32, #tpu.memory_space<vmem>>
      %dma_wait3A_248 = arith.constant 0 : i32
      %dma_wait3A_249 = arith.constant 0 : i32
      %dma_wait3A_250 = tpu.memref_slice %arg18[%dma_wait3A_248, %dma_wait3A_249] : memref<10112x128xf32, #tpu.memory_space<vmem_shared>> -> memref<10112x128xf32, #tpu.memory_space<vmem_shared>>
      tpu.wait_indirect_dma semaphore(%arg15 : memref<!tpu.dma_semaphore, #tpu.memory_space<semaphore_mem>>) src(%arg11 : memref<128x128xf32, #tpu.memory_space<vmem>>) dst(%dma_wait3A_250 : memref<10112x128xf32, #tpu.memory_space<vmem_shared>>)
      %dma_start3A_251 = arith.constant 7 : i32
      %dma_start3A_252 = arith.constant 0 : i32
      %dma_start3A_253 = tpu.memref_slice %arg6[%dma_start3A_251, %dma_start3A_252] : memref<8x128xi32, #tpu.memory_space<vmem>> -> memref<1x128xi32, #tpu.memory_space<vmem>>
      %dma_start3A_254 = tpu.memref_squeeze %dma_start3A_253 : memref<1x128xi32, #tpu.memory_space<vmem>> -> memref<128xi32, #tpu.memory_space<vmem>>
      %dma_start3A_255 = arith.constant 0 : i32
      %dma_start3A_256 = arith.constant 0 : i32
      %dma_start3A_257 = tpu.memref_slice %arg2[%dma_start3A_255, %dma_start3A_256] : memref<10000x128xf32, #tpu.memory_space<hbm>> -> memref<10000x128xf32, #tpu.memory_space<hbm>>
      tpu.enqueue_indirect_dma source(%dma_start3A_257 : memref<10000x128xf32, #tpu.memory_space<hbm>>) target(%arg11 : memref<128x128xf32, #tpu.memory_space<vmem>>) offsets(%dma_start3A_254 : memref<128xi32, #tpu.memory_space<vmem>>) semaphore(%arg13 : memref<!tpu.dma_semaphore, #tpu.memory_space<semaphore_mem>>)
      %dma_wait3A_258 = arith.constant 6 : i32
      %dma_wait3A_259 = arith.constant 0 : i32
      %dma_wait3A_260 = tpu.memref_slice %arg6[%dma_wait3A_258, %dma_wait3A_259] : memref<8x128xi32, #tpu.memory_space<vmem>> -> memref<1x128xi32, #tpu.memory_space<vmem>>
      %dma_wait3A_261 = tpu.memref_squeeze %dma_wait3A_260 : memref<1x128xi32, #tpu.memory_space<vmem>> -> memref<128xi32, #tpu.memory_space<vmem>>
      %dma_wait3A_262 = arith.constant 0 : i32
      %dma_wait3A_263 = arith.constant 0 : i32
      %dma_wait3A_264 = tpu.memref_slice %arg2[%dma_wait3A_262, %dma_wait3A_263] : memref<10000x128xf32, #tpu.memory_space<hbm>> -> memref<10000x128xf32, #tpu.memory_space<hbm>>
      tpu.wait_indirect_dma semaphore(%arg12 : memref<!tpu.dma_semaphore, #tpu.memory_space<semaphore_mem>>) src(%dma_wait3A_264 : memref<10000x128xf32, #tpu.memory_space<hbm>>) dst(%arg10 : memref<128x128xf32, #tpu.memory_space<vmem>>)
      %dma_start3A_265 = arith.constant 6 : i32
      %dma_start3A_266 = arith.constant 0 : i32
      %dma_start3A_267 = tpu.memref_slice %arg7[%dma_start3A_265, %dma_start3A_266] : memref<8x128xi32, #tpu.memory_space<vmem>> -> memref<1x128xi32, #tpu.memory_space<vmem>>
      %dma_start3A_268 = tpu.memref_squeeze %dma_start3A_267 : memref<1x128xi32, #tpu.memory_space<vmem>> -> memref<128xi32, #tpu.memory_space<vmem>>
      %dma_start3A_269 = arith.constant 0 : i32
      %dma_start3A_270 = arith.constant 0 : i32
      %dma_start3A_271 = tpu.memref_slice %arg18[%dma_start3A_269, %dma_start3A_270] : memref<10112x128xf32, #tpu.memory_space<vmem_shared>> -> memref<10112x128xf32, #tpu.memory_space<vmem_shared>>
      tpu.enqueue_indirect_dma source(%arg10 : memref<128x128xf32, #tpu.memory_space<vmem>>) target(%dma_start3A_271 : memref<10112x128xf32, #tpu.memory_space<vmem_shared>>) offsets(%dma_start3A_268 : memref<128xi32, #tpu.memory_space<vmem>>) semaphore(%arg14 : memref<!tpu.dma_semaphore, #tpu.memory_space<semaphore_mem>>) {add = true}
      %dma_wait3A_272 = arith.constant 0 : i32
      %dma_wait3A_273 = arith.constant 0 : i32
      %dma_wait3A_274 = tpu.memref_slice %arg3[%add3A, %dma_wait3A_272, %dma_wait3A_273] : memref<32x80x128xi32, #tpu.memory_space<hbm>> -> memref<1x8x128xi32, #tpu.memory_space<hbm>>
      %dma_wait3A_275 = tpu.memref_squeeze %dma_wait3A_274 : memref<1x8x128xi32, #tpu.memory_space<hbm>> -> memref<8x128xi32, #tpu.memory_space<hbm>>
      %dma_wait3A_276 = arith.constant 0 : i32
      %dma_wait3A_277 = arith.constant 0 : i32
      %dma_wait3A_278 = tpu.memref_slice %arg3[%add3A, %dma_wait3A_276, %dma_wait3A_277] : memref<32x80x128xi32, #tpu.memory_space<hbm>> -> memref<1x8x128xi32, #tpu.memory_space<hbm>>
      %dma_wait3A_279 = tpu.memref_squeeze %dma_wait3A_278 : memref<1x8x128xi32, #tpu.memory_space<hbm>> -> memref<8x128xi32, #tpu.memory_space<hbm>>
      tpu.wait_dma2 semaphore(%arg17 : memref<!tpu.dma_semaphore, #tpu.memory_space<semaphore_mem>>) src(%dma_wait3A_279 : memref<8x128xi32, #tpu.memory_space<hbm>>) dst(%arg8 : memref<8x128xi32, #tpu.memory_space<vmem>>)
      %dma_wait3A_280 = arith.constant 0 : i32
      %dma_wait3A_281 = arith.constant 0 : i32
      %dma_wait3A_282 = tpu.memref_slice %arg4[%add3A, %dma_wait3A_280, %dma_wait3A_281] : memref<32x80x128xi32, #tpu.memory_space<hbm>> -> memref<1x8x128xi32, #tpu.memory_space<hbm>>
      %dma_wait3A_283 = tpu.memref_squeeze %dma_wait3A_282 : memref<1x8x128xi32, #tpu.memory_space<hbm>> -> memref<8x128xi32, #tpu.memory_space<hbm>>
      %dma_wait3A_284 = arith.constant 0 : i32
      %dma_wait3A_285 = arith.constant 0 : i32
      %dma_wait3A_286 = tpu.memref_slice %arg4[%add3A, %dma_wait3A_284, %dma_wait3A_285] : memref<32x80x128xi32, #tpu.memory_space<hbm>> -> memref<1x8x128xi32, #tpu.memory_space<hbm>>
      %dma_wait3A_287 = tpu.memref_squeeze %dma_wait3A_286 : memref<1x8x128xi32, #tpu.memory_space<hbm>> -> memref<8x128xi32, #tpu.memory_space<hbm>>
      tpu.wait_dma2 semaphore(%arg17 : memref<!tpu.dma_semaphore, #tpu.memory_space<semaphore_mem>>) src(%dma_wait3A_287 : memref<8x128xi32, #tpu.memory_space<hbm>>) dst(%arg9 : memref<8x128xi32, #tpu.memory_space<vmem>>)
      %dma_wait3A_288 = arith.constant 6 : i32
      %dma_wait3A_289 = arith.constant 0 : i32
      %dma_wait3A_290 = tpu.memref_slice %arg7[%dma_wait3A_288, %dma_wait3A_289] : memref<8x128xi32, #tpu.memory_space<vmem>> -> memref<1x128xi32, #tpu.memory_space<vmem>>
      %dma_wait3A_291 = tpu.memref_squeeze %dma_wait3A_290 : memref<1x128xi32, #tpu.memory_space<vmem>> -> memref<128xi32, #tpu.memory_space<vmem>>
      %dma_wait3A_292 = arith.constant 0 : i32
      %dma_wait3A_293 = arith.constant 0 : i32
      %dma_wait3A_294 = tpu.memref_slice %arg18[%dma_wait3A_292, %dma_wait3A_293] : memref<10112x128xf32, #tpu.memory_space<vmem_shared>> -> memref<10112x128xf32, #tpu.memory_space<vmem_shared>>
      tpu.wait_indirect_dma semaphore(%arg14 : memref<!tpu.dma_semaphore, #tpu.memory_space<semaphore_mem>>) src(%arg10 : memref<128x128xf32, #tpu.memory_space<vmem>>) dst(%dma_wait3A_294 : memref<10112x128xf32, #tpu.memory_space<vmem_shared>>)
      %dma_start3A_295 = arith.constant 0 : i32
      %dma_start3A_296 = arith.constant 0 : i32
      %dma_start3A_297 = tpu.memref_slice %arg8[%dma_start3A_295, %dma_start3A_296] : memref<8x128xi32, #tpu.memory_space<vmem>> -> memref<1x128xi32, #tpu.memory_space<vmem>>
      %dma_start3A_298 = tpu.memref_squeeze %dma_start3A_297 : memref<1x128xi32, #tpu.memory_space<vmem>> -> memref<128xi32, #tpu.memory_space<vmem>>
      %dma_start3A_299 = arith.constant 0 : i32
      %dma_start3A_300 = arith.constant 0 : i32
      %dma_start3A_301 = tpu.memref_slice %arg2[%dma_start3A_299, %dma_start3A_300] : memref<10000x128xf32, #tpu.memory_space<hbm>> -> memref<10000x128xf32, #tpu.memory_space<hbm>>
      tpu.enqueue_indirect_dma source(%dma_start3A_301 : memref<10000x128xf32, #tpu.memory_space<hbm>>) target(%arg10 : memref<128x128xf32, #tpu.memory_space<vmem>>) offsets(%dma_start3A_298 : memref<128xi32, #tpu.memory_space<vmem>>) semaphore(%arg12 : memref<!tpu.dma_semaphore, #tpu.memory_space<semaphore_mem>>)
      %dma_wait3A_302 = arith.constant 7 : i32
      %dma_wait3A_303 = arith.constant 0 : i32
      %dma_wait3A_304 = tpu.memref_slice %arg6[%dma_wait3A_302, %dma_wait3A_303] : memref<8x128xi32, #tpu.memory_space<vmem>> -> memref<1x128xi32, #tpu.memory_space<vmem>>
      %dma_wait3A_305 = tpu.memref_squeeze %dma_wait3A_304 : memref<1x128xi32, #tpu.memory_space<vmem>> -> memref<128xi32, #tpu.memory_space<vmem>>
      %dma_wait3A_306 = arith.constant 0 : i32
      %dma_wait3A_307 = arith.constant 0 : i32
      %dma_wait3A_308 = tpu.memref_slice %arg2[%dma_wait3A_306, %dma_wait3A_307] : memref<10000x128xf32, #tpu.memory_space<hbm>> -> memref<10000x128xf32, #tpu.memory_space<hbm>>
      tpu.wait_indirect_dma semaphore(%arg13 : memref<!tpu.dma_semaphore, #tpu.memory_space<semaphore_mem>>) src(%dma_wait3A_308 : memref<10000x128xf32, #tpu.memory_space<hbm>>) dst(%arg11 : memref<128x128xf32, #tpu.memory_space<vmem>>)
      %dma_start3A_309 = arith.constant 7 : i32
      %dma_start3A_310 = arith.constant 0 : i32
      %dma_start3A_311 = tpu.memref_slice %arg7[%dma_start3A_309, %dma_start3A_310] : memref<8x128xi32, #tpu.memory_space<vmem>> -> memref<1x128xi32, #tpu.memory_space<vmem>>
      %dma_start3A_312 = tpu.memref_squeeze %dma_start3A_311 : memref<1x128xi32, #tpu.memory_space<vmem>> -> memref<128xi32, #tpu.memory_space<vmem>>
      %dma_start3A_313 = arith.constant 0 : i32
      %dma_start3A_314 = arith.constant 0 : i32
      %dma_start3A_315 = tpu.memref_slice %arg18[%dma_start3A_313, %dma_start3A_314] : memref<10112x128xf32, #tpu.memory_space<vmem_shared>> -> memref<10112x128xf32, #tpu.memory_space<vmem_shared>>
      tpu.enqueue_indirect_dma source(%arg11 : memref<128x128xf32, #tpu.memory_space<vmem>>) target(%dma_start3A_315 : memref<10112x128xf32, #tpu.memory_space<vmem_shared>>) offsets(%dma_start3A_312 : memref<128xi32, #tpu.memory_space<vmem>>) semaphore(%arg15 : memref<!tpu.dma_semaphore, #tpu.memory_space<semaphore_mem>>) {add = true}
      %dma_wait3A_316 = arith.constant 7 : i32
      %dma_wait3A_317 = arith.constant 0 : i32
      %dma_wait3A_318 = tpu.memref_slice %arg7[%dma_wait3A_316, %dma_wait3A_317] : memref<8x128xi32, #tpu.memory_space<vmem>> -> memref<1x128xi32, #tpu.memory_space<vmem>>
      %dma_wait3A_319 = tpu.memref_squeeze %dma_wait3A_318 : memref<1x128xi32, #tpu.memory_space<vmem>> -> memref<128xi32, #tpu.memory_space<vmem>>
      %dma_wait3A_320 = arith.constant 0 : i32
      %dma_wait3A_321 = arith.constant 0 : i32
      %dma_wait3A_322 = tpu.memref_slice %arg18[%dma_wait3A_320, %dma_wait3A_321] : memref<10112x128xf32, #tpu.memory_space<vmem_shared>> -> memref<10112x128xf32, #tpu.memory_space<vmem_shared>>
      tpu.wait_indirect_dma semaphore(%arg15 : memref<!tpu.dma_semaphore, #tpu.memory_space<semaphore_mem>>) src(%arg11 : memref<128x128xf32, #tpu.memory_space<vmem>>) dst(%dma_wait3A_322 : memref<10112x128xf32, #tpu.memory_space<vmem_shared>>)
      %dma_start3A_323 = arith.constant 1 : i32
      %dma_start3A_324 = arith.constant 0 : i32
      %dma_start3A_325 = tpu.memref_slice %arg8[%dma_start3A_323, %dma_start3A_324] : memref<8x128xi32, #tpu.memory_space<vmem>> -> memref<1x128xi32, #tpu.memory_space<vmem>>
      %dma_start3A_326 = tpu.memref_squeeze %dma_start3A_325 : memref<1x128xi32, #tpu.memory_space<vmem>> -> memref<128xi32, #tpu.memory_space<vmem>>
      %dma_start3A_327 = arith.constant 0 : i32
      %dma_start3A_328 = arith.constant 0 : i32
      %dma_start3A_329 = tpu.memref_slice %arg2[%dma_start3A_327, %dma_start3A_328] : memref<10000x128xf32, #tpu.memory_space<hbm>> -> memref<10000x128xf32, #tpu.memory_space<hbm>>
      tpu.enqueue_indirect_dma source(%dma_start3A_329 : memref<10000x128xf32, #tpu.memory_space<hbm>>) target(%arg11 : memref<128x128xf32, #tpu.memory_space<vmem>>) offsets(%dma_start3A_326 : memref<128xi32, #tpu.memory_space<vmem>>) semaphore(%arg13 : memref<!tpu.dma_semaphore, #tpu.memory_space<semaphore_mem>>)
      %dma_wait3A_330 = arith.constant 0 : i32
      %dma_wait3A_331 = arith.constant 0 : i32
      %dma_wait3A_332 = tpu.memref_slice %arg8[%dma_wait3A_330, %dma_wait3A_331] : memref<8x128xi32, #tpu.memory_space<vmem>> -> memref<1x128xi32, #tpu.memory_space<vmem>>
      %dma_wait3A_333 = tpu.memref_squeeze %dma_wait3A_332 : memref<1x128xi32, #tpu.memory_space<vmem>> -> memref<128xi32, #tpu.memory_space<vmem>>
      %dma_wait3A_334 = arith.constant 0 : i32
      %dma_wait3A_335 = arith.constant 0 : i32
      %dma_wait3A_336 = tpu.memref_slice %arg2[%dma_wait3A_334, %dma_wait3A_335] : memref<10000x128xf32, #tpu.memory_space<hbm>> -> memref<10000x128xf32, #tpu.memory_space<hbm>>
      tpu.wait_indirect_dma semaphore(%arg12 : memref<!tpu.dma_semaphore, #tpu.memory_space<semaphore_mem>>) src(%dma_wait3A_336 : memref<10000x128xf32, #tpu.memory_space<hbm>>) dst(%arg10 : memref<128x128xf32, #tpu.memory_space<vmem>>)
      %dma_start3A_337 = arith.constant 0 : i32
      %dma_start3A_338 = arith.constant 0 : i32
      %dma_start3A_339 = tpu.memref_slice %arg9[%dma_start3A_337, %dma_start3A_338] : memref<8x128xi32, #tpu.memory_space<vmem>> -> memref<1x128xi32, #tpu.memory_space<vmem>>
      %dma_start3A_340 = tpu.memref_squeeze %dma_start3A_339 : memref<1x128xi32, #tpu.memory_space<vmem>> -> memref<128xi32, #tpu.memory_space<vmem>>
      %dma_start3A_341 = arith.constant 0 : i32
      %dma_start3A_342 = arith.constant 0 : i32
      %dma_start3A_343 = tpu.memref_slice %arg18[%dma_start3A_341, %dma_start3A_342] : memref<10112x128xf32, #tpu.memory_space<vmem_shared>> -> memref<10112x128xf32, #tpu.memory_space<vmem_shared>>
      tpu.enqueue_indirect_dma source(%arg10 : memref<128x128xf32, #tpu.memory_space<vmem>>) target(%dma_start3A_343 : memref<10112x128xf32, #tpu.memory_space<vmem_shared>>) offsets(%dma_start3A_340 : memref<128xi32, #tpu.memory_space<vmem>>) semaphore(%arg14 : memref<!tpu.dma_semaphore, #tpu.memory_space<semaphore_mem>>) {add = true}
      %dma_wait3A_344 = arith.constant 0 : i32
      %dma_wait3A_345 = arith.constant 0 : i32
      %dma_wait3A_346 = tpu.memref_slice %arg9[%dma_wait3A_344, %dma_wait3A_345] : memref<8x128xi32, #tpu.memory_space<vmem>> -> memref<1x128xi32, #tpu.memory_space<vmem>>
      %dma_wait3A_347 = tpu.memref_squeeze %dma_wait3A_346 : memref<1x128xi32, #tpu.memory_space<vmem>> -> memref<128xi32, #tpu.memory_space<vmem>>
      %dma_wait3A_348 = arith.constant 0 : i32
      %dma_wait3A_349 = arith.constant 0 : i32
      %dma_wait3A_350 = tpu.memref_slice %arg18[%dma_wait3A_348, %dma_wait3A_349] : memref<10112x128xf32, #tpu.memory_space<vmem_shared>> -> memref<10112x128xf32, #tpu.memory_space<vmem_shared>>
      tpu.wait_indirect_dma semaphore(%arg14 : memref<!tpu.dma_semaphore, #tpu.memory_space<semaphore_mem>>) src(%arg10 : memref<128x128xf32, #tpu.memory_space<vmem>>) dst(%dma_wait3A_350 : memref<10112x128xf32, #tpu.memory_space<vmem_shared>>)
      %dma_start3A_351 = arith.constant 2 : i32
      %dma_start3A_352 = arith.constant 0 : i32
      %dma_start3A_353 = tpu.memref_slice %arg8[%dma_start3A_351, %dma_start3A_352] : memref<8x128xi32, #tpu.memory_space<vmem>> -> memref<1x128xi32, #tpu.memory_space<vmem>>
      %dma_start3A_354 = tpu.memref_squeeze %dma_start3A_353 : memref<1x128xi32, #tpu.memory_space<vmem>> -> memref<128xi32, #tpu.memory_space<vmem>>
      %dma_start3A_355 = arith.constant 0 : i32
      %dma_start3A_356 = arith.constant 0 : i32
      %dma_start3A_357 = tpu.memref_slice %arg2[%dma_start3A_355, %dma_start3A_356] : memref<10000x128xf32, #tpu.memory_space<hbm>> -> memref<10000x128xf32, #tpu.memory_space<hbm>>
      tpu.enqueue_indirect_dma source(%dma_start3A_357 : memref<10000x128xf32, #tpu.memory_space<hbm>>) target(%arg10 : memref<128x128xf32, #tpu.memory_space<vmem>>) offsets(%dma_start3A_354 : memref<128xi32, #tpu.memory_space<vmem>>) semaphore(%arg12 : memref<!tpu.dma_semaphore, #tpu.memory_space<semaphore_mem>>)
      %dma_wait3A_358 = arith.constant 1 : i32
      %dma_wait3A_359 = arith.constant 0 : i32
      %dma_wait3A_360 = tpu.memref_slice %arg8[%dma_wait3A_358, %dma_wait3A_359] : memref<8x128xi32, #tpu.memory_space<vmem>> -> memref<1x128xi32, #tpu.memory_space<vmem>>
      %dma_wait3A_361 = tpu.memref_squeeze %dma_wait3A_360 : memref<1x128xi32, #tpu.memory_space<vmem>> -> memref<128xi32, #tpu.memory_space<vmem>>
      %dma_wait3A_362 = arith.constant 0 : i32
      %dma_wait3A_363 = arith.constant 0 : i32
      %dma_wait3A_364 = tpu.memref_slice %arg2[%dma_wait3A_362, %dma_wait3A_363] : memref<10000x128xf32, #tpu.memory_space<hbm>> -> memref<10000x128xf32, #tpu.memory_space<hbm>>
      tpu.wait_indirect_dma semaphore(%arg13 : memref<!tpu.dma_semaphore, #tpu.memory_space<semaphore_mem>>) src(%dma_wait3A_364 : memref<10000x128xf32, #tpu.memory_space<hbm>>) dst(%arg11 : memref<128x128xf32, #tpu.memory_space<vmem>>)
      %dma_start3A_365 = arith.constant 1 : i32
      %dma_start3A_366 = arith.constant 0 : i32
      %dma_start3A_367 = tpu.memref_slice %arg9[%dma_start3A_365, %dma_start3A_366] : memref<8x128xi32, #tpu.memory_space<vmem>> -> memref<1x128xi32, #tpu.memory_space<vmem>>
      %dma_start3A_368 = tpu.memref_squeeze %dma_start3A_367 : memref<1x128xi32, #tpu.memory_space<vmem>> -> memref<128xi32, #tpu.memory_space<vmem>>
      %dma_start3A_369 = arith.constant 0 : i32
      %dma_start3A_370 = arith.constant 0 : i32
      %dma_start3A_371 = tpu.memref_slice %arg18[%dma_start3A_369, %dma_start3A_370] : memref<10112x128xf32, #tpu.memory_space<vmem_shared>> -> memref<10112x128xf32, #tpu.memory_space<vmem_shared>>
      tpu.enqueue_indirect_dma source(%arg11 : memref<128x128xf32, #tpu.memory_space<vmem>>) target(%dma_start3A_371 : memref<10112x128xf32, #tpu.memory_space<vmem_shared>>) offsets(%dma_start3A_368 : memref<128xi32, #tpu.memory_space<vmem>>) semaphore(%arg15 : memref<!tpu.dma_semaphore, #tpu.memory_space<semaphore_mem>>) {add = true}
      %lt3A = arith.constant 4 : i32
      %lt3A_372 = arith.cmpi slt, %scan3A_58, %lt3A : i32
      %convert_element_type3A_373 = arith.extui %lt3A_372 : i1 to i32
      %cond3A_374 = arith.constant 0 : i32
      %cond3A_375 = arith.cmpi ne, %convert_element_type3A_373, %cond3A_374 : i32
      scf.if %cond3A_375 {
        %mul3A_544 = arith.constant 2 : i32
        %mul3A_545 = arith.muli %mul3A_544, %scan3A_58 : i32
        %add3A_546 = arith.constant 2 : i32
        %add3A_547 = arith.addi %mul3A_545, %add3A_546 : i32
        %mul3A_548 = arith.constant 8 : i32
        %mul3A_549 = arith.muli %add3A_547, %mul3A_548 : i32
        %dma_start3A_550 = arith.constant 0 : i32
        %dma_start3A_551 = tpu.memref_slice %arg3[%add3A, %mul3A_549, %dma_start3A_550] : memref<32x80x128xi32, #tpu.memory_space<hbm>> -> memref<1x8x128xi32, #tpu.memory_space<hbm>>
        %dma_start3A_552 = tpu.memref_squeeze %dma_start3A_551 : memref<1x8x128xi32, #tpu.memory_space<hbm>> -> memref<8x128xi32, #tpu.memory_space<hbm>>
        %dma_start3A_553 = arith.constant 0 : i32
        %dma_start3A_554 = tpu.memref_slice %arg3[%add3A, %mul3A_549, %dma_start3A_553] : memref<32x80x128xi32, #tpu.memory_space<hbm>> -> memref<1x8x128xi32, #tpu.memory_space<hbm>>
        %dma_start3A_555 = tpu.memref_squeeze %dma_start3A_554 : memref<1x8x128xi32, #tpu.memory_space<hbm>> -> memref<8x128xi32, #tpu.memory_space<hbm>>
        tpu.enqueue_dma source(%dma_start3A_555 : memref<8x128xi32, #tpu.memory_space<hbm>>) target(%arg6 : memref<8x128xi32, #tpu.memory_space<vmem>>) target_semaphore(%arg16 : memref<!tpu.dma_semaphore, #tpu.memory_space<semaphore_mem>>)
        %mul3A_556 = arith.constant 8 : i32
        %mul3A_557 = arith.muli %add3A_547, %mul3A_556 : i32
        %dma_start3A_558 = arith.constant 0 : i32
        %dma_start3A_559 = tpu.memref_slice %arg4[%add3A, %mul3A_557, %dma_start3A_558] : memref<32x80x128xi32, #tpu.memory_space<hbm>> -> memref<1x8x128xi32, #tpu.memory_space<hbm>>
        %dma_start3A_560 = tpu.memref_squeeze %dma_start3A_559 : memref<1x8x128xi32, #tpu.memory_space<hbm>> -> memref<8x128xi32, #tpu.memory_space<hbm>>
        %dma_start3A_561 = arith.constant 0 : i32
        %dma_start3A_562 = tpu.memref_slice %arg4[%add3A, %mul3A_557, %dma_start3A_561] : memref<32x80x128xi32, #tpu.memory_space<hbm>> -> memref<1x8x128xi32, #tpu.memory_space<hbm>>
        %dma_start3A_563 = tpu.memref_squeeze %dma_start3A_562 : memref<1x8x128xi32, #tpu.memory_space<hbm>> -> memref<8x128xi32, #tpu.memory_space<hbm>>
        tpu.enqueue_dma source(%dma_start3A_563 : memref<8x128xi32, #tpu.memory_space<hbm>>) target(%arg7 : memref<8x128xi32, #tpu.memory_space<vmem>>) target_semaphore(%arg16 : memref<!tpu.dma_semaphore, #tpu.memory_space<semaphore_mem>>)
      } else {
      }
      %dma_wait3A_376 = arith.constant 1 : i32
      %dma_wait3A_377 = arith.constant 0 : i32
      %dma_wait3A_378 = tpu.memref_slice %arg9[%dma_wait3A_376, %dma_wait3A_377] : memref<8x128xi32, #tpu.memory_space<vmem>> -> memref<1x128xi32, #tpu.memory_space<vmem>>
      %dma_wait3A_379 = tpu.memref_squeeze %dma_wait3A_378 : memref<1x128xi32, #tpu.memory_space<vmem>> -> memref<128xi32, #tpu.memory_space<vmem>>
      %dma_wait3A_380 = arith.constant 0 : i32
      %dma_wait3A_381 = arith.constant 0 : i32
      %dma_wait3A_382 = tpu.memref_slice %arg18[%dma_wait3A_380, %dma_wait3A_381] : memref<10112x128xf32, #tpu.memory_space<vmem_shared>> -> memref<10112x128xf32, #tpu.memory_space<vmem_shared>>
      tpu.wait_indirect_dma semaphore(%arg15 : memref<!tpu.dma_semaphore, #tpu.memory_space<semaphore_mem>>) src(%arg11 : memref<128x128xf32, #tpu.memory_space<vmem>>) dst(%dma_wait3A_382 : memref<10112x128xf32, #tpu.memory_space<vmem_shared>>)
      %dma_start3A_383 = arith.constant 3 : i32
      %dma_start3A_384 = arith.constant 0 : i32
      %dma_start3A_385 = tpu.memref_slice %arg8[%dma_start3A_383, %dma_start3A_384] : memref<8x128xi32, #tpu.memory_space<vmem>> -> memref<1x128xi32, #tpu.memory_space<vmem>>
      %dma_start3A_386 = tpu.memref_squeeze %dma_start3A_385 : memref<1x128xi32, #tpu.memory_space<vmem>> -> memref<128xi32, #tpu.memory_space<vmem>>
      %dma_start3A_387 = arith.constant 0 : i32
      %dma_start3A_388 = arith.constant 0 : i32
      %dma_start3A_389 = tpu.memref_slice %arg2[%dma_start3A_387, %dma_start3A_388] : memref<10000x128xf32, #tpu.memory_space<hbm>> -> memref<10000x128xf32, #tpu.memory_space<hbm>>
      tpu.enqueue_indirect_dma source(%dma_start3A_389 : memref<10000x128xf32, #tpu.memory_space<hbm>>) target(%arg11 : memref<128x128xf32, #tpu.memory_space<vmem>>) offsets(%dma_start3A_386 : memref<128xi32, #tpu.memory_space<vmem>>) semaphore(%arg13 : memref<!tpu.dma_semaphore, #tpu.memory_space<semaphore_mem>>)
      %dma_wait3A_390 = arith.constant 2 : i32
      %dma_wait3A_391 = arith.constant 0 : i32
      %dma_wait3A_392 = tpu.memref_slice %arg8[%dma_wait3A_390, %dma_wait3A_391] : memref<8x128xi32, #tpu.memory_space<vmem>> -> memref<1x128xi32, #tpu.memory_space<vmem>>
      %dma_wait3A_393 = tpu.memref_squeeze %dma_wait3A_392 : memref<1x128xi32, #tpu.memory_space<vmem>> -> memref<128xi32, #tpu.memory_space<vmem>>
      %dma_wait3A_394 = arith.constant 0 : i32
      %dma_wait3A_395 = arith.constant 0 : i32
      %dma_wait3A_396 = tpu.memref_slice %arg2[%dma_wait3A_394, %dma_wait3A_395] : memref<10000x128xf32, #tpu.memory_space<hbm>> -> memref<10000x128xf32, #tpu.memory_space<hbm>>
      tpu.wait_indirect_dma semaphore(%arg12 : memref<!tpu.dma_semaphore, #tpu.memory_space<semaphore_mem>>) src(%dma_wait3A_396 : memref<10000x128xf32, #tpu.memory_space<hbm>>) dst(%arg10 : memref<128x128xf32, #tpu.memory_space<vmem>>)
      %dma_start3A_397 = arith.constant 2 : i32
      %dma_start3A_398 = arith.constant 0 : i32
      %dma_start3A_399 = tpu.memref_slice %arg9[%dma_start3A_397, %dma_start3A_398] : memref<8x128xi32, #tpu.memory_space<vmem>> -> memref<1x128xi32, #tpu.memory_space<vmem>>
      %dma_start3A_400 = tpu.memref_squeeze %dma_start3A_399 : memref<1x128xi32, #tpu.memory_space<vmem>> -> memref<128xi32, #tpu.memory_space<vmem>>
      %dma_start3A_401 = arith.constant 0 : i32
      %dma_start3A_402 = arith.constant 0 : i32
      %dma_start3A_403 = tpu.memref_slice %arg18[%dma_start3A_401, %dma_start3A_402] : memref<10112x128xf32, #tpu.memory_space<vmem_shared>> -> memref<10112x128xf32, #tpu.memory_space<vmem_shared>>
      tpu.enqueue_indirect_dma source(%arg10 : memref<128x128xf32, #tpu.memory_space<vmem>>) target(%dma_start3A_403 : memref<10112x128xf32, #tpu.memory_space<vmem_shared>>) offsets(%dma_start3A_400 : memref<128xi32, #tpu.memory_space<vmem>>) semaphore(%arg14 : memref<!tpu.dma_semaphore, #tpu.memory_space<semaphore_mem>>) {add = true}
      %dma_wait3A_404 = arith.constant 2 : i32
      %dma_wait3A_405 = arith.constant 0 : i32
      %dma_wait3A_406 = tpu.memref_slice %arg9[%dma_wait3A_404, %dma_wait3A_405] : memref<8x128xi32, #tpu.memory_space<vmem>> -> memref<1x128xi32, #tpu.memory_space<vmem>>
      %dma_wait3A_407 = tpu.memref_squeeze %dma_wait3A_406 : memref<1x128xi32, #tpu.memory_space<vmem>> -> memref<128xi32, #tpu.memory_space<vmem>>
      %dma_wait3A_408 = arith.constant 0 : i32
      %dma_wait3A_409 = arith.constant 0 : i32
      %dma_wait3A_410 = tpu.memref_slice %arg18[%dma_wait3A_408, %dma_wait3A_409] : memref<10112x128xf32, #tpu.memory_space<vmem_shared>> -> memref<10112x128xf32, #tpu.memory_space<vmem_shared>>
      tpu.wait_indirect_dma semaphore(%arg14 : memref<!tpu.dma_semaphore, #tpu.memory_space<semaphore_mem>>) src(%arg10 : memref<128x128xf32, #tpu.memory_space<vmem>>) dst(%dma_wait3A_410 : memref<10112x128xf32, #tpu.memory_space<vmem_shared>>)
      %dma_start3A_411 = arith.constant 4 : i32
      %dma_start3A_412 = arith.constant 0 : i32
      %dma_start3A_413 = tpu.memref_slice %arg8[%dma_start3A_411, %dma_start3A_412] : memref<8x128xi32, #tpu.memory_space<vmem>> -> memref<1x128xi32, #tpu.memory_space<vmem>>
      %dma_start3A_414 = tpu.memref_squeeze %dma_start3A_413 : memref<1x128xi32, #tpu.memory_space<vmem>> -> memref<128xi32, #tpu.memory_space<vmem>>
      %dma_start3A_415 = arith.constant 0 : i32
      %dma_start3A_416 = arith.constant 0 : i32
      %dma_start3A_417 = tpu.memref_slice %arg2[%dma_start3A_415, %dma_start3A_416] : memref<10000x128xf32, #tpu.memory_space<hbm>> -> memref<10000x128xf32, #tpu.memory_space<hbm>>
      tpu.enqueue_indirect_dma source(%dma_start3A_417 : memref<10000x128xf32, #tpu.memory_space<hbm>>) target(%arg10 : memref<128x128xf32, #tpu.memory_space<vmem>>) offsets(%dma_start3A_414 : memref<128xi32, #tpu.memory_space<vmem>>) semaphore(%arg12 : memref<!tpu.dma_semaphore, #tpu.memory_space<semaphore_mem>>)
      %dma_wait3A_418 = arith.constant 3 : i32
      %dma_wait3A_419 = arith.constant 0 : i32
      %dma_wait3A_420 = tpu.memref_slice %arg8[%dma_wait3A_418, %dma_wait3A_419] : memref<8x128xi32, #tpu.memory_space<vmem>> -> memref<1x128xi32, #tpu.memory_space<vmem>>
      %dma_wait3A_421 = tpu.memref_squeeze %dma_wait3A_420 : memref<1x128xi32, #tpu.memory_space<vmem>> -> memref<128xi32, #tpu.memory_space<vmem>>
      %dma_wait3A_422 = arith.constant 0 : i32
      %dma_wait3A_423 = arith.constant 0 : i32
      %dma_wait3A_424 = tpu.memref_slice %arg2[%dma_wait3A_422, %dma_wait3A_423] : memref<10000x128xf32, #tpu.memory_space<hbm>> -> memref<10000x128xf32, #tpu.memory_space<hbm>>
      tpu.wait_indirect_dma semaphore(%arg13 : memref<!tpu.dma_semaphore, #tpu.memory_space<semaphore_mem>>) src(%dma_wait3A_424 : memref<10000x128xf32, #tpu.memory_space<hbm>>) dst(%arg11 : memref<128x128xf32, #tpu.memory_space<vmem>>)
      %dma_start3A_425 = arith.constant 3 : i32
      %dma_start3A_426 = arith.constant 0 : i32
      %dma_start3A_427 = tpu.memref_slice %arg9[%dma_start3A_425, %dma_start3A_426] : memref<8x128xi32, #tpu.memory_space<vmem>> -> memref<1x128xi32, #tpu.memory_space<vmem>>
      %dma_start3A_428 = tpu.memref_squeeze %dma_start3A_427 : memref<1x128xi32, #tpu.memory_space<vmem>> -> memref<128xi32, #tpu.memory_space<vmem>>
      %dma_start3A_429 = arith.constant 0 : i32
      %dma_start3A_430 = arith.constant 0 : i32
      %dma_start3A_431 = tpu.memref_slice %arg18[%dma_start3A_429, %dma_start3A_430] : memref<10112x128xf32, #tpu.memory_space<vmem_shared>> -> memref<10112x128xf32, #tpu.memory_space<vmem_shared>>
      tpu.enqueue_indirect_dma source(%arg11 : memref<128x128xf32, #tpu.memory_space<vmem>>) target(%dma_start3A_431 : memref<10112x128xf32, #tpu.memory_space<vmem_shared>>) offsets(%dma_start3A_428 : memref<128xi32, #tpu.memory_space<vmem>>) semaphore(%arg15 : memref<!tpu.dma_semaphore, #tpu.memory_space<semaphore_mem>>) {add = true}
      %dma_wait3A_432 = arith.constant 3 : i32
      %dma_wait3A_433 = arith.constant 0 : i32
      %dma_wait3A_434 = tpu.memref_slice %arg9[%dma_wait3A_432, %dma_wait3A_433] : memref<8x128xi32, #tpu.memory_space<vmem>> -> memref<1x128xi32, #tpu.memory_space<vmem>>
      %dma_wait3A_435 = tpu.memref_squeeze %dma_wait3A_434 : memref<1x128xi32, #tpu.memory_space<vmem>> -> memref<128xi32, #tpu.memory_space<vmem>>
      %dma_wait3A_436 = arith.constant 0 : i32
      %dma_wait3A_437 = arith.constant 0 : i32
      %dma_wait3A_438 = tpu.memref_slice %arg18[%dma_wait3A_436, %dma_wait3A_437] : memref<10112x128xf32, #tpu.memory_space<vmem_shared>> -> memref<10112x128xf32, #tpu.memory_space<vmem_shared>>
      tpu.wait_indirect_dma semaphore(%arg15 : memref<!tpu.dma_semaphore, #tpu.memory_space<semaphore_mem>>) src(%arg11 : memref<128x128xf32, #tpu.memory_space<vmem>>) dst(%dma_wait3A_438 : memref<10112x128xf32, #tpu.memory_space<vmem_shared>>)
      %dma_start3A_439 = arith.constant 5 : i32
      %dma_start3A_440 = arith.constant 0 : i32
      %dma_start3A_441 = tpu.memref_slice %arg8[%dma_start3A_439, %dma_start3A_440] : memref<8x128xi32, #tpu.memory_space<vmem>> -> memref<1x128xi32, #tpu.memory_space<vmem>>
      %dma_start3A_442 = tpu.memref_squeeze %dma_start3A_441 : memref<1x128xi32, #tpu.memory_space<vmem>> -> memref<128xi32, #tpu.memory_space<vmem>>
      %dma_start3A_443 = arith.constant 0 : i32
      %dma_start3A_444 = arith.constant 0 : i32
      %dma_start3A_445 = tpu.memref_slice %arg2[%dma_start3A_443, %dma_start3A_444] : memref<10000x128xf32, #tpu.memory_space<hbm>> -> memref<10000x128xf32, #tpu.memory_space<hbm>>
      tpu.enqueue_indirect_dma source(%dma_start3A_445 : memref<10000x128xf32, #tpu.memory_space<hbm>>) target(%arg11 : memref<128x128xf32, #tpu.memory_space<vmem>>) offsets(%dma_start3A_442 : memref<128xi32, #tpu.memory_space<vmem>>) semaphore(%arg13 : memref<!tpu.dma_semaphore, #tpu.memory_space<semaphore_mem>>)
      %dma_wait3A_446 = arith.constant 4 : i32
      %dma_wait3A_447 = arith.constant 0 : i32
      %dma_wait3A_448 = tpu.memref_slice %arg8[%dma_wait3A_446, %dma_wait3A_447] : memref<8x128xi32, #tpu.memory_space<vmem>> -> memref<1x128xi32, #tpu.memory_space<vmem>>
      %dma_wait3A_449 = tpu.memref_squeeze %dma_wait3A_448 : memref<1x128xi32, #tpu.memory_space<vmem>> -> memref<128xi32, #tpu.memory_space<vmem>>
      %dma_wait3A_450 = arith.constant 0 : i32
      %dma_wait3A_451 = arith.constant 0 : i32
      %dma_wait3A_452 = tpu.memref_slice %arg2[%dma_wait3A_450, %dma_wait3A_451] : memref<10000x128xf32, #tpu.memory_space<hbm>> -> memref<10000x128xf32, #tpu.memory_space<hbm>>
      tpu.wait_indirect_dma semaphore(%arg12 : memref<!tpu.dma_semaphore, #tpu.memory_space<semaphore_mem>>) src(%dma_wait3A_452 : memref<10000x128xf32, #tpu.memory_space<hbm>>) dst(%arg10 : memref<128x128xf32, #tpu.memory_space<vmem>>)
      %dma_start3A_453 = arith.constant 4 : i32
      %dma_start3A_454 = arith.constant 0 : i32
      %dma_start3A_455 = tpu.memref_slice %arg9[%dma_start3A_453, %dma_start3A_454] : memref<8x128xi32, #tpu.memory_space<vmem>> -> memref<1x128xi32, #tpu.memory_space<vmem>>
      %dma_start3A_456 = tpu.memref_squeeze %dma_start3A_455 : memref<1x128xi32, #tpu.memory_space<vmem>> -> memref<128xi32, #tpu.memory_space<vmem>>
      %dma_start3A_457 = arith.constant 0 : i32
      %dma_start3A_458 = arith.constant 0 : i32
      %dma_start3A_459 = tpu.memref_slice %arg18[%dma_start3A_457, %dma_start3A_458] : memref<10112x128xf32, #tpu.memory_space<vmem_shared>> -> memref<10112x128xf32, #tpu.memory_space<vmem_shared>>
      tpu.enqueue_indirect_dma source(%arg10 : memref<128x128xf32, #tpu.memory_space<vmem>>) target(%dma_start3A_459 : memref<10112x128xf32, #tpu.memory_space<vmem_shared>>) offsets(%dma_start3A_456 : memref<128xi32, #tpu.memory_space<vmem>>) semaphore(%arg14 : memref<!tpu.dma_semaphore, #tpu.memory_space<semaphore_mem>>) {add = true}
      %dma_wait3A_460 = arith.constant 4 : i32
      %dma_wait3A_461 = arith.constant 0 : i32
      %dma_wait3A_462 = tpu.memref_slice %arg9[%dma_wait3A_460, %dma_wait3A_461] : memref<8x128xi32, #tpu.memory_space<vmem>> -> memref<1x128xi32, #tpu.memory_space<vmem>>
      %dma_wait3A_463 = tpu.memref_squeeze %dma_wait3A_462 : memref<1x128xi32, #tpu.memory_space<vmem>> -> memref<128xi32, #tpu.memory_space<vmem>>
      %dma_wait3A_464 = arith.constant 0 : i32
      %dma_wait3A_465 = arith.constant 0 : i32
      %dma_wait3A_466 = tpu.memref_slice %arg18[%dma_wait3A_464, %dma_wait3A_465] : memref<10112x128xf32, #tpu.memory_space<vmem_shared>> -> memref<10112x128xf32, #tpu.memory_space<vmem_shared>>
      tpu.wait_indirect_dma semaphore(%arg14 : memref<!tpu.dma_semaphore, #tpu.memory_space<semaphore_mem>>) src(%arg10 : memref<128x128xf32, #tpu.memory_space<vmem>>) dst(%dma_wait3A_466 : memref<10112x128xf32, #tpu.memory_space<vmem_shared>>)
      %dma_start3A_467 = arith.constant 6 : i32
      %dma_start3A_468 = arith.constant 0 : i32
      %dma_start3A_469 = tpu.memref_slice %arg8[%dma_start3A_467, %dma_start3A_468] : memref<8x128xi32, #tpu.memory_space<vmem>> -> memref<1x128xi32, #tpu.memory_space<vmem>>
      %dma_start3A_470 = tpu.memref_squeeze %dma_start3A_469 : memref<1x128xi32, #tpu.memory_space<vmem>> -> memref<128xi32, #tpu.memory_space<vmem>>
      %dma_start3A_471 = arith.constant 0 : i32
      %dma_start3A_472 = arith.constant 0 : i32
      %dma_start3A_473 = tpu.memref_slice %arg2[%dma_start3A_471, %dma_start3A_472] : memref<10000x128xf32, #tpu.memory_space<hbm>> -> memref<10000x128xf32, #tpu.memory_space<hbm>>
      tpu.enqueue_indirect_dma source(%dma_start3A_473 : memref<10000x128xf32, #tpu.memory_space<hbm>>) target(%arg10 : memref<128x128xf32, #tpu.memory_space<vmem>>) offsets(%dma_start3A_470 : memref<128xi32, #tpu.memory_space<vmem>>) semaphore(%arg12 : memref<!tpu.dma_semaphore, #tpu.memory_space<semaphore_mem>>)
      %dma_wait3A_474 = arith.constant 5 : i32
      %dma_wait3A_475 = arith.constant 0 : i32
      %dma_wait3A_476 = tpu.memref_slice %arg8[%dma_wait3A_474, %dma_wait3A_475] : memref<8x128xi32, #tpu.memory_space<vmem>> -> memref<1x128xi32, #tpu.memory_space<vmem>>
      %dma_wait3A_477 = tpu.memref_squeeze %dma_wait3A_476 : memref<1x128xi32, #tpu.memory_space<vmem>> -> memref<128xi32, #tpu.memory_space<vmem>>
      %dma_wait3A_478 = arith.constant 0 : i32
      %dma_wait3A_479 = arith.constant 0 : i32
      %dma_wait3A_480 = tpu.memref_slice %arg2[%dma_wait3A_478, %dma_wait3A_479] : memref<10000x128xf32, #tpu.memory_space<hbm>> -> memref<10000x128xf32, #tpu.memory_space<hbm>>
      tpu.wait_indirect_dma semaphore(%arg13 : memref<!tpu.dma_semaphore, #tpu.memory_space<semaphore_mem>>) src(%dma_wait3A_480 : memref<10000x128xf32, #tpu.memory_space<hbm>>) dst(%arg11 : memref<128x128xf32, #tpu.memory_space<vmem>>)
      %dma_start3A_481 = arith.constant 5 : i32
      %dma_start3A_482 = arith.constant 0 : i32
      %dma_start3A_483 = tpu.memref_slice %arg9[%dma_start3A_481, %dma_start3A_482] : memref<8x128xi32, #tpu.memory_space<vmem>> -> memref<1x128xi32, #tpu.memory_space<vmem>>
      %dma_start3A_484 = tpu.memref_squeeze %dma_start3A_483 : memref<1x128xi32, #tpu.memory_space<vmem>> -> memref<128xi32, #tpu.memory_space<vmem>>
      %dma_start3A_485 = arith.constant 0 : i32
      %dma_start3A_486 = arith.constant 0 : i32
      %dma_start3A_487 = tpu.memref_slice %arg18[%dma_start3A_485, %dma_start3A_486] : memref<10112x128xf32, #tpu.memory_space<vmem_shared>> -> memref<10112x128xf32, #tpu.memory_space<vmem_shared>>
      tpu.enqueue_indirect_dma source(%arg11 : memref<128x128xf32, #tpu.memory_space<vmem>>) target(%dma_start3A_487 : memref<10112x128xf32, #tpu.memory_space<vmem_shared>>) offsets(%dma_start3A_484 : memref<128xi32, #tpu.memory_space<vmem>>) semaphore(%arg15 : memref<!tpu.dma_semaphore, #tpu.memory_space<semaphore_mem>>) {add = true}
      %dma_wait3A_488 = arith.constant 5 : i32
      %dma_wait3A_489 = arith.constant 0 : i32
      %dma_wait3A_490 = tpu.memref_slice %arg9[%dma_wait3A_488, %dma_wait3A_489] : memref<8x128xi32, #tpu.memory_space<vmem>> -> memref<1x128xi32, #tpu.memory_space<vmem>>
      %dma_wait3A_491 = tpu.memref_squeeze %dma_wait3A_490 : memref<1x128xi32, #tpu.memory_space<vmem>> -> memref<128xi32, #tpu.memory_space<vmem>>
      %dma_wait3A_492 = arith.constant 0 : i32
      %dma_wait3A_493 = arith.constant 0 : i32
      %dma_wait3A_494 = tpu.memref_slice %arg18[%dma_wait3A_492, %dma_wait3A_493] : memref<10112x128xf32, #tpu.memory_space<vmem_shared>> -> memref<10112x128xf32, #tpu.memory_space<vmem_shared>>
      tpu.wait_indirect_dma semaphore(%arg15 : memref<!tpu.dma_semaphore, #tpu.memory_space<semaphore_mem>>) src(%arg11 : memref<128x128xf32, #tpu.memory_space<vmem>>) dst(%dma_wait3A_494 : memref<10112x128xf32, #tpu.memory_space<vmem_shared>>)
      %dma_start3A_495 = arith.constant 7 : i32
      %dma_start3A_496 = arith.constant 0 : i32
      %dma_start3A_497 = tpu.memref_slice %arg8[%dma_start3A_495, %dma_start3A_496] : memref<8x128xi32, #tpu.memory_space<vmem>> -> memref<1x128xi32, #tpu.memory_space<vmem>>
      %dma_start3A_498 = tpu.memref_squeeze %dma_start3A_497 : memref<1x128xi32, #tpu.memory_space<vmem>> -> memref<128xi32, #tpu.memory_space<vmem>>
      %dma_start3A_499 = arith.constant 0 : i32
      %dma_start3A_500 = arith.constant 0 : i32
      %dma_start3A_501 = tpu.memref_slice %arg2[%dma_start3A_499, %dma_start3A_500] : memref<10000x128xf32, #tpu.memory_space<hbm>> -> memref<10000x128xf32, #tpu.memory_space<hbm>>
      tpu.enqueue_indirect_dma source(%dma_start3A_501 : memref<10000x128xf32, #tpu.memory_space<hbm>>) target(%arg11 : memref<128x128xf32, #tpu.memory_space<vmem>>) offsets(%dma_start3A_498 : memref<128xi32, #tpu.memory_space<vmem>>) semaphore(%arg13 : memref<!tpu.dma_semaphore, #tpu.memory_space<semaphore_mem>>)
      %dma_wait3A_502 = arith.constant 6 : i32
      %dma_wait3A_503 = arith.constant 0 : i32
      %dma_wait3A_504 = tpu.memref_slice %arg8[%dma_wait3A_502, %dma_wait3A_503] : memref<8x128xi32, #tpu.memory_space<vmem>> -> memref<1x128xi32, #tpu.memory_space<vmem>>
      %dma_wait3A_505 = tpu.memref_squeeze %dma_wait3A_504 : memref<1x128xi32, #tpu.memory_space<vmem>> -> memref<128xi32, #tpu.memory_space<vmem>>
      %dma_wait3A_506 = arith.constant 0 : i32
      %dma_wait3A_507 = arith.constant 0 : i32
      %dma_wait3A_508 = tpu.memref_slice %arg2[%dma_wait3A_506, %dma_wait3A_507] : memref<10000x128xf32, #tpu.memory_space<hbm>> -> memref<10000x128xf32, #tpu.memory_space<hbm>>
      tpu.wait_indirect_dma semaphore(%arg12 : memref<!tpu.dma_semaphore, #tpu.memory_space<semaphore_mem>>) src(%dma_wait3A_508 : memref<10000x128xf32, #tpu.memory_space<hbm>>) dst(%arg10 : memref<128x128xf32, #tpu.memory_space<vmem>>)
      %dma_start3A_509 = arith.constant 6 : i32
      %dma_start3A_510 = arith.constant 0 : i32
      %dma_start3A_511 = tpu.memref_slice %arg9[%dma_start3A_509, %dma_start3A_510] : memref<8x128xi32, #tpu.memory_space<vmem>> -> memref<1x128xi32, #tpu.memory_space<vmem>>
      %dma_start3A_512 = tpu.memref_squeeze %dma_start3A_511 : memref<1x128xi32, #tpu.memory_space<vmem>> -> memref<128xi32, #tpu.memory_space<vmem>>
      %dma_start3A_513 = arith.constant 0 : i32
      %dma_start3A_514 = arith.constant 0 : i32
      %dma_start3A_515 = tpu.memref_slice %arg18[%dma_start3A_513, %dma_start3A_514] : memref<10112x128xf32, #tpu.memory_space<vmem_shared>> -> memref<10112x128xf32, #tpu.memory_space<vmem_shared>>
      tpu.enqueue_indirect_dma source(%arg10 : memref<128x128xf32, #tpu.memory_space<vmem>>) target(%dma_start3A_515 : memref<10112x128xf32, #tpu.memory_space<vmem_shared>>) offsets(%dma_start3A_512 : memref<128xi32, #tpu.memory_space<vmem>>) semaphore(%arg14 : memref<!tpu.dma_semaphore, #tpu.memory_space<semaphore_mem>>) {add = true}
      %dma_wait3A_516 = arith.constant 7 : i32
      %dma_wait3A_517 = arith.constant 0 : i32
      %dma_wait3A_518 = tpu.memref_slice %arg8[%dma_wait3A_516, %dma_wait3A_517] : memref<8x128xi32, #tpu.memory_space<vmem>> -> memref<1x128xi32, #tpu.memory_space<vmem>>
      %dma_wait3A_519 = tpu.memref_squeeze %dma_wait3A_518 : memref<1x128xi32, #tpu.memory_space<vmem>> -> memref<128xi32, #tpu.memory_space<vmem>>
      %dma_wait3A_520 = arith.constant 0 : i32
      %dma_wait3A_521 = arith.constant 0 : i32
      %dma_wait3A_522 = tpu.memref_slice %arg2[%dma_wait3A_520, %dma_wait3A_521] : memref<10000x128xf32, #tpu.memory_space<hbm>> -> memref<10000x128xf32, #tpu.memory_space<hbm>>
      tpu.wait_indirect_dma semaphore(%arg13 : memref<!tpu.dma_semaphore, #tpu.memory_space<semaphore_mem>>) src(%dma_wait3A_522 : memref<10000x128xf32, #tpu.memory_space<hbm>>) dst(%arg11 : memref<128x128xf32, #tpu.memory_space<vmem>>)
      %dma_start3A_523 = arith.constant 7 : i32
      %dma_start3A_524 = arith.constant 0 : i32
      %dma_start3A_525 = tpu.memref_slice %arg9[%dma_start3A_523, %dma_start3A_524] : memref<8x128xi32, #tpu.memory_space<vmem>> -> memref<1x128xi32, #tpu.memory_space<vmem>>
      %dma_start3A_526 = tpu.memref_squeeze %dma_start3A_525 : memref<1x128xi32, #tpu.memory_space<vmem>> -> memref<128xi32, #tpu.memory_space<vmem>>
      %dma_start3A_527 = arith.constant 0 : i32
      %dma_start3A_528 = arith.constant 0 : i32
      %dma_start3A_529 = tpu.memref_slice %arg18[%dma_start3A_527, %dma_start3A_528] : memref<10112x128xf32, #tpu.memory_space<vmem_shared>> -> memref<10112x128xf32, #tpu.memory_space<vmem_shared>>
      tpu.enqueue_indirect_dma source(%arg11 : memref<128x128xf32, #tpu.memory_space<vmem>>) target(%dma_start3A_529 : memref<10112x128xf32, #tpu.memory_space<vmem_shared>>) offsets(%dma_start3A_526 : memref<128xi32, #tpu.memory_space<vmem>>) semaphore(%arg15 : memref<!tpu.dma_semaphore, #tpu.memory_space<semaphore_mem>>) {add = true}
      %dma_wait3A_530 = arith.constant 6 : i32
      %dma_wait3A_531 = arith.constant 0 : i32
      %dma_wait3A_532 = tpu.memref_slice %arg9[%dma_wait3A_530, %dma_wait3A_531] : memref<8x128xi32, #tpu.memory_space<vmem>> -> memref<1x128xi32, #tpu.memory_space<vmem>>
      %dma_wait3A_533 = tpu.memref_squeeze %dma_wait3A_532 : memref<1x128xi32, #tpu.memory_space<vmem>> -> memref<128xi32, #tpu.memory_space<vmem>>
      %dma_wait3A_534 = arith.constant 0 : i32
      %dma_wait3A_535 = arith.constant 0 : i32
      %dma_wait3A_536 = tpu.memref_slice %arg18[%dma_wait3A_534, %dma_wait3A_535] : memref<10112x128xf32, #tpu.memory_space<vmem_shared>> -> memref<10112x128xf32, #tpu.memory_space<vmem_shared>>
      tpu.wait_indirect_dma semaphore(%arg14 : memref<!tpu.dma_semaphore, #tpu.memory_space<semaphore_mem>>) src(%arg10 : memref<128x128xf32, #tpu.memory_space<vmem>>) dst(%dma_wait3A_536 : memref<10112x128xf32, #tpu.memory_space<vmem_shared>>)
      %dma_wait3A_537 = arith.constant 7 : i32
      %dma_wait3A_538 = arith.constant 0 : i32
      %dma_wait3A_539 = tpu.memref_slice %arg9[%dma_wait3A_537, %dma_wait3A_538] : memref<8x128xi32, #tpu.memory_space<vmem>> -> memref<1x128xi32, #tpu.memory_space<vmem>>
      %dma_wait3A_540 = tpu.memref_squeeze %dma_wait3A_539 : memref<1x128xi32, #tpu.memory_space<vmem>> -> memref<128xi32, #tpu.memory_space<vmem>>
      %dma_wait3A_541 = arith.constant 0 : i32
      %dma_wait3A_542 = arith.constant 0 : i32
      %dma_wait3A_543 = tpu.memref_slice %arg18[%dma_wait3A_541, %dma_wait3A_542] : memref<10112x128xf32, #tpu.memory_space<vmem_shared>> -> memref<10112x128xf32, #tpu.memory_space<vmem_shared>>
      tpu.wait_indirect_dma semaphore(%arg15 : memref<!tpu.dma_semaphore, #tpu.memory_space<semaphore_mem>>) src(%arg11 : memref<128x128xf32, #tpu.memory_space<vmem>>) dst(%dma_wait3A_543 : memref<10112x128xf32, #tpu.memory_space<vmem_shared>>)
    }
    %scan3A_56 = arith.constant 5 : i32
    %barrier3A_57 = arith.constant 0 : index
    tpu.barrier barrier_id(%barrier3A_57)
    "tpu.region"() ({
      %run_scoped3A = tpu.sem_alloc : memref<!tpu.dma_semaphore, #tpu.memory_space<semaphore_mem>>
      %dma_start3A_58 = arith.constant 0 : i32
      %dma_start3A_59 = tpu.memref_slice %arg5[%arg0, %mul3A_39, %dma_start3A_58] : memref<2x10112x128xf32, #tpu.memory_space<hbm>> -> memref<1x632x128xf32, #tpu.memory_space<hbm>>
      %dma_start3A_60 = tpu.memref_squeeze %dma_start3A_59 : memref<1x632x128xf32, #tpu.memory_space<hbm>> -> memref<632x128xf32, #tpu.memory_space<hbm>>
      %dma_start3A_61 = arith.constant 0 : i32
      %dma_start3A_62 = tpu.memref_slice %arg18[%mul3A_39, %dma_start3A_61] : memref<10112x128xf32, #tpu.memory_space<vmem_shared>> -> memref<632x128xf32, #tpu.memory_space<vmem_shared>>
      tpu.enqueue_dma source(%dma_start3A_62 : memref<632x128xf32, #tpu.memory_space<vmem_shared>>) target(%dma_start3A_60 : memref<632x128xf32, #tpu.memory_space<hbm>>) target_semaphore(%run_scoped3A : memref<!tpu.dma_semaphore, #tpu.memory_space<semaphore_mem>>)
      %dma_wait3A = arith.constant 0 : i32
      %dma_wait3A_63 = tpu.memref_slice %arg5[%arg0, %mul3A_39, %dma_wait3A] : memref<2x10112x128xf32, #tpu.memory_space<hbm>> -> memref<1x632x128xf32, #tpu.memory_space<hbm>>
      %dma_wait3A_64 = tpu.memref_squeeze %dma_wait3A_63 : memref<1x632x128xf32, #tpu.memory_space<hbm>> -> memref<632x128xf32, #tpu.memory_space<hbm>>
      %dma_wait3A_65 = arith.constant 0 : i32
      %dma_wait3A_66 = tpu.memref_slice %arg18[%mul3A_39, %dma_wait3A_65] : memref<10112x128xf32, #tpu.memory_space<vmem_shared>> -> memref<632x128xf32, #tpu.memory_space<vmem_shared>>
      tpu.wait_dma2 semaphore(%run_scoped3A : memref<!tpu.dma_semaphore, #tpu.memory_space<semaphore_mem>>) src(%dma_wait3A_66 : memref<632x128xf32, #tpu.memory_space<vmem_shared>>) dst(%dma_wait3A_64 : memref<632x128xf32, #tpu.memory_space<hbm>>)
      tpu.yield
    }) : () -> ()
    return
  }
}

#map = affine_map<(d0, d1) -> (0, 0)>
#map1 = affine_map<(d0, d1) -> (0, 0, 0)>
module attributes {stable_mosaic.version = 14 : i64} {
  func.func @body(%arg0: i32, %arg1: i32, %arg2: memref<10000x128xf32, #tpu.memory_space<hbm>>, %arg3: memref<32x80x128xi32, #tpu.memory_space<hbm>>, %arg4: memref<32x80x128xi32, #tpu.memory_space<hbm>>, %arg5: memref<2x10112x128xf32, #tpu.memory_space<hbm>>, %arg6: memref<8x128xi32, #tpu.memory_space<vmem>>, %arg7: memref<8x128xi32, #tpu.memory_space<vmem>>, %arg8: memref<8x128xi32, #tpu.memory_space<vmem>>, %arg9: memref<8x128xi32, #tpu.memory_space<vmem>>, %arg10: memref<128x128xf32, #tpu.memory_space<vmem>>, %arg11: memref<128x128xf32, #tpu.memory_space<vmem>>, %arg12: memref<!tpu.dma_semaphore, #tpu.memory_space<semaphore_mem>>, %arg13: memref<!tpu.dma_semaphore, #tpu.memory_space<semaphore_mem>>, %arg14: memref<!tpu.dma_semaphore, #tpu.memory_space<semaphore_mem>>, %arg15: memref<!tpu.dma_semaphore, #tpu.memory_space<semaphore_mem>>, %arg16: memref<!tpu.dma_semaphore, #tpu.memory_space<semaphore_mem>>, %arg17: memref<!tpu.dma_semaphore, #tpu.memory_space<semaphore_mem>>, %arg18: memref<10112x128xf32, #tpu.memory_space<vmem_shared>>) attributes {dimension_semantics = [#tpu.dimension_semantics<core_parallel>, #tpu.dimension_semantics<subcore_parallel>], iteration_bounds = array<i64: 2, 16>, scalar_prefetch = 0 : i64, scratch_operands = 13 : i64, tpu.core_type = #tpu.core_type<sc_vector_subcore>, window_params = [{transform_indices = #map}, {transform_indices = #map1}, {transform_indices = #map1}, {transform_indices = #map1}]} {
    %mul3A = arith.constant 16 : i32
    %mul3A_0 = arith.muli %arg0, %mul3A : i32
    %add3A = arith.addi %mul3A_0, %arg1 : i32
    %dma_start3A = arith.constant 0 : i32
    %dma_start3A_1 = arith.constant 0 : i32
    %dma_start3A_2 = tpu.memref_slice %arg3[%add3A, %dma_start3A, %dma_start3A_1] : memref<32x80x128xi32, #tpu.memory_space<hbm>> -> memref<1x8x128xi32, #tpu.memory_space<hbm>>
    %dma_start3A_3 = tpu.memref_squeeze %dma_start3A_2 : memref<1x8x128xi32, #tpu.memory_space<hbm>> -> memref<8x128xi32, #tpu.memory_space<hbm>>
    %dma_start3A_4 = arith.constant 0 : i32
    %dma_start3A_5 = arith.constant 0 : i32
    %dma_start3A_6 = tpu.memref_slice %arg3[%add3A, %dma_start3A_4, %dma_start3A_5] : memref<32x80x128xi32, #tpu.memory_space<hbm>> -> memref<1x8x128xi32, #tpu.memory_space<hbm>>
    %dma_start3A_7 = tpu.memref_squeeze %dma_start3A_6 : memref<1x8x128xi32, #tpu.memory_space<hbm>> -> memref<8x128xi32, #tpu.memory_space<hbm>>
    tpu.enqueue_dma source(%dma_start3A_7 : memref<8x128xi32, #tpu.memory_space<hbm>>) target(%arg6 : memref<8x128xi32, #tpu.memory_space<vmem>>) target_semaphore(%arg16 : memref<!tpu.dma_semaphore, #tpu.memory_space<semaphore_mem>>)
    %dma_start3A_8 = arith.constant 0 : i32
    %dma_start3A_9 = arith.constant 0 : i32
    %dma_start3A_10 = tpu.memref_slice %arg4[%add3A, %dma_start3A_8, %dma_start3A_9] : memref<32x80x128xi32, #tpu.memory_space<hbm>> -> memref<1x8x128xi32, #tpu.memory_space<hbm>>
    %dma_start3A_11 = tpu.memref_squeeze %dma_start3A_10 : memref<1x8x128xi32, #tpu.memory_space<hbm>> -> memref<8x128xi32, #tpu.memory_space<hbm>>
    %dma_start3A_12 = arith.constant 0 : i32
    %dma_start3A_13 = arith.constant 0 : i32
    %dma_start3A_14 = tpu.memref_slice %arg4[%add3A, %dma_start3A_12, %dma_start3A_13] : memref<32x80x128xi32, #tpu.memory_space<hbm>> -> memref<1x8x128xi32, #tpu.memory_space<hbm>>
    %dma_start3A_15 = tpu.memref_squeeze %dma_start3A_14 : memref<1x8x128xi32, #tpu.memory_space<hbm>> -> memref<8x128xi32, #tpu.memory_space<hbm>>
    tpu.enqueue_dma source(%dma_start3A_15 : memref<8x128xi32, #tpu.memory_space<hbm>>) target(%arg7 : memref<8x128xi32, #tpu.memory_space<vmem>>) target_semaphore(%arg16 : memref<!tpu.dma_semaphore, #tpu.memory_space<semaphore_mem>>)
    %dma_start3A_16 = arith.constant 8 : i32
    %dma_start3A_17 = arith.constant 0 : i32
    %dma_start3A_18 = tpu.memref_slice %arg3[%add3A, %dma_start3A_16, %dma_start3A_17] : memref<32x80x128xi32, #tpu.memory_space<hbm>> -> memref<1x8x128xi32, #tpu.memory_space<hbm>>
    %dma_start3A_19 = tpu.memref_squeeze %dma_start3A_18 : memref<1x8x128xi32, #tpu.memory_space<hbm>> -> memref<8x128xi32, #tpu.memory_space<hbm>>
    %dma_start3A_20 = arith.constant 8 : i32
    %dma_start3A_21 = arith.constant 0 : i32
    %dma_start3A_22 = tpu.memref_slice %arg3[%add3A, %dma_start3A_20, %dma_start3A_21] : memref<32x80x128xi32, #tpu.memory_space<hbm>> -> memref<1x8x128xi32, #tpu.memory_space<hbm>>
    %dma_start3A_23 = tpu.memref_squeeze %dma_start3A_22 : memref<1x8x128xi32, #tpu.memory_space<hbm>> -> memref<8x128xi32, #tpu.memory_space<hbm>>
    tpu.enqueue_dma source(%dma_start3A_23 : memref<8x128xi32, #tpu.memory_space<hbm>>) target(%arg8 : memref<8x128xi32, #tpu.memory_space<vmem>>) target_semaphore(%arg17 : memref<!tpu.dma_semaphore, #tpu.memory_space<semaphore_mem>>)
    %dma_start3A_24 = arith.constant 8 : i32
    %dma_start3A_25 = arith.constant 0 : i32
    %dma_start3A_26 = tpu.memref_slice %arg4[%add3A, %dma_start3A_24, %dma_start3A_25] : memref<32x80x128xi32, #tpu.memory_space<hbm>> -> memref<1x8x128xi32, #tpu.memory_space<hbm>>
    %dma_start3A_27 = tpu.memref_squeeze %dma_start3A_26 : memref<1x8x128xi32, #tpu.memory_space<hbm>> -> memref<8x128xi32, #tpu.memory_space<hbm>>
    %dma_start3A_28 = arith.constant 8 : i32
    %dma_start3A_29 = arith.constant 0 : i32
    %dma_start3A_30 = tpu.memref_slice %arg4[%add3A, %dma_start3A_28, %dma_start3A_29] : memref<32x80x128xi32, #tpu.memory_space<hbm>> -> memref<1x8x128xi32, #tpu.memory_space<hbm>>
    %dma_start3A_31 = tpu.memref_squeeze %dma_start3A_30 : memref<1x8x128xi32, #tpu.memory_space<hbm>> -> memref<8x128xi32, #tpu.memory_space<hbm>>
    tpu.enqueue_dma source(%dma_start3A_31 : memref<8x128xi32, #tpu.memory_space<hbm>>) target(%arg9 : memref<8x128xi32, #tpu.memory_space<vmem>>) target_semaphore(%arg17 : memref<!tpu.dma_semaphore, #tpu.memory_space<semaphore_mem>>)
    %broadcast_in_dim3A = arith.constant 0.000000e+00 : f32
    %broadcast_in_dim3A_32 = vector.broadcast %broadcast_in_dim3A : f32 to vector<16xf32>
    %scan3A = arith.constant 0 : i32
    %scan3A_33 = arith.constant 0 : i32
    %scan3A_34 = arith.constant 128 : i32
    %scan3A_35 = arith.addi %scan3A_33, %scan3A_34 : i32
    %scan3A_36 = arith.constant 1 : i32
    scf.for %scan3A_58 = %scan3A_33 to %scan3A_35 step %scan3A_36  : i32 {
      %swap3A = arith.index_cast %scan3A_58 : i32 to index
      %swap3A_59 = arith.constant 0 : index
      %swap3A_60 = tpu.vector_load %arg10[%swap3A, %swap3A_59] {strides = array<i32>} : memref<128x128xf32, #tpu.memory_space<vmem>>, vector<1x16xf32>,
      %swap3A_61 = vector.shape_cast %swap3A_60 : vector<1x16xf32> to vector<16xf32>
      %swap3A_62 = vector.shape_cast %broadcast_in_dim3A_32 : vector<16xf32> to vector<1x16xf32>
      tpu.vector_store %arg10[%swap3A, %swap3A_59], %swap3A_62 {strides = array<i32>} : memref<128x128xf32, #tpu.memory_space<vmem>>, vector<1x16xf32>,
      %swap3A_63 = arith.index_cast %scan3A_58 : i32 to index
      %swap3A_64 = arith.constant 16 : index
      %swap3A_65 = tpu.vector_load %arg10[%swap3A_63, %swap3A_64] {strides = array<i32>} : memref<128x128xf32, #tpu.memory_space<vmem>>, vector<1x16xf32>,
      %swap3A_66 = vector.shape_cast %swap3A_65 : vector<1x16xf32> to vector<16xf32>
      %swap3A_67 = vector.shape_cast %broadcast_in_dim3A_32 : vector<16xf32> to vector<1x16xf32>
      tpu.vector_store %arg10[%swap3A_63, %swap3A_64], %swap3A_67 {strides = array<i32>} : memref<128x128xf32, #tpu.memory_space<vmem>>, vector<1x16xf32>,
      %swap3A_68 = arith.index_cast %scan3A_58 : i32 to index
      %swap3A_69 = arith.constant 32 : index
      %swap3A_70 = tpu.vector_load %arg10[%swap3A_68, %swap3A_69] {strides = array<i32>} : memref<128x128xf32, #tpu.memory_space<vmem>>, vector<1x16xf32>,
      %swap3A_71 = vector.shape_cast %swap3A_70 : vector<1x16xf32> to vector<16xf32>
      %swap3A_72 = vector.shape_cast %broadcast_in_dim3A_32 : vector<16xf32> to vector<1x16xf32>
      tpu.vector_store %arg10[%swap3A_68, %swap3A_69], %swap3A_72 {strides = array<i32>} : memref<128x128xf32, #tpu.memory_space<vmem>>, vector<1x16xf32>,
      %swap3A_73 = arith.index_cast %scan3A_58 : i32 to index
      %swap3A_74 = arith.constant 48 : index
      %swap3A_75 = tpu.vector_load %arg10[%swap3A_73, %swap3A_74] {strides = array<i32>} : memref<128x128xf32, #tpu.memory_space<vmem>>, vector<1x16xf32>,
      %swap3A_76 = vector.shape_cast %swap3A_75 : vector<1x16xf32> to vector<16xf32>
      %swap3A_77 = vector.shape_cast %broadcast_in_dim3A_32 : vector<16xf32> to vector<1x16xf32>
      tpu.vector_store %arg10[%swap3A_73, %swap3A_74], %swap3A_77 {strides = array<i32>} : memref<128x128xf32, #tpu.memory_space<vmem>>, vector<1x16xf32>,
      %swap3A_78 = arith.index_cast %scan3A_58 : i32 to index
      %swap3A_79 = arith.constant 64 : index
      %swap3A_80 = tpu.vector_load %arg10[%swap3A_78, %swap3A_79] {strides = array<i32>} : memref<128x128xf32, #tpu.memory_space<vmem>>, vector<1x16xf32>,
      %swap3A_81 = vector.shape_cast %swap3A_80 : vector<1x16xf32> to vector<16xf32>
      %swap3A_82 = vector.shape_cast %broadcast_in_dim3A_32 : vector<16xf32> to vector<1x16xf32>
      tpu.vector_store %arg10[%swap3A_78, %swap3A_79], %swap3A_82 {strides = array<i32>} : memref<128x128xf32, #tpu.memory_space<vmem>>, vector<1x16xf32>,
      %swap3A_83 = arith.index_cast %scan3A_58 : i32 to index
      %swap3A_84 = arith.constant 80 : index
      %swap3A_85 = tpu.vector_load %arg10[%swap3A_83, %swap3A_84] {strides = array<i32>} : memref<128x128xf32, #tpu.memory_space<vmem>>, vector<1x16xf32>,
      %swap3A_86 = vector.shape_cast %swap3A_85 : vector<1x16xf32> to vector<16xf32>
      %swap3A_87 = vector.shape_cast %broadcast_in_dim3A_32 : vector<16xf32> to vector<1x16xf32>
      tpu.vector_store %arg10[%swap3A_83, %swap3A_84], %swap3A_87 {strides = array<i32>} : memref<128x128xf32, #tpu.memory_space<vmem>>, vector<1x16xf32>,
      %swap3A_88 = arith.index_cast %scan3A_58 : i32 to index
      %swap3A_89 = arith.constant 96 : index
      %swap3A_90 = tpu.vector_load %arg10[%swap3A_88, %swap3A_89] {strides = array<i32>} : memref<128x128xf32, #tpu.memory_space<vmem>>, vector<1x16xf32>,
      %swap3A_91 = vector.shape_cast %swap3A_90 : vector<1x16xf32> to vector<16xf32>
      %swap3A_92 = vector.shape_cast %broadcast_in_dim3A_32 : vector<16xf32> to vector<1x16xf32>
      tpu.vector_store %arg10[%swap3A_88, %swap3A_89], %swap3A_92 {strides = array<i32>} : memref<128x128xf32, #tpu.memory_space<vmem>>, vector<1x16xf32>,
      %swap3A_93 = arith.index_cast %scan3A_58 : i32 to index
      %swap3A_94 = arith.constant 112 : index
      %swap3A_95 = tpu.vector_load %arg10[%swap3A_93, %swap3A_94] {strides = array<i32>} : memref<128x128xf32, #tpu.memory_space<vmem>>, vector<1x16xf32>,
      %swap3A_96 = vector.shape_cast %swap3A_95 : vector<1x16xf32> to vector<16xf32>
      %swap3A_97 = vector.shape_cast %broadcast_in_dim3A_32 : vector<16xf32> to vector<1x16xf32>
      tpu.vector_store %arg10[%swap3A_93, %swap3A_94], %swap3A_97 {strides = array<i32>} : memref<128x128xf32, #tpu.memory_space<vmem>>, vector<1x16xf32>,
    }
    %scan3A_37 = arith.constant 128 : i32
    %mul3A_38 = arith.constant 632 : i32
    %mul3A_39 = arith.muli %arg1, %mul3A_38 : i32
    %add3A_40 = arith.constant 0 : i32
    %add3A_41 = arith.addi %mul3A_39, %add3A_40 : i32
    "tpu.region"() ({
      %run_scoped3A = tpu.sem_alloc : memref<!tpu.dma_semaphore, #tpu.memory_space<semaphore_mem>>
      %dma_start3A_58 = arith.constant 0 : i32
      %dma_start3A_59 = tpu.memref_slice %arg18[%add3A_41, %dma_start3A_58] : memref<10112x128xf32, #tpu.memory_space<vmem_shared>> -> memref<128x128xf32, #tpu.memory_space<vmem_shared>>
      %dma_start3A_60 = arith.constant 0 : i32
      %dma_start3A_61 = tpu.memref_slice %arg18[%add3A_41, %dma_start3A_60] : memref<10112x128xf32, #tpu.memory_space<vmem_shared>> -> memref<128x128xf32, #tpu.memory_space<vmem_shared>>
      tpu.enqueue_dma source(%arg10 : memref<128x128xf32, #tpu.memory_space<vmem>>) target(%dma_start3A_61 : memref<128x128xf32, #tpu.memory_space<vmem_shared>>) target_semaphore(%run_scoped3A : memref<!tpu.dma_semaphore, #tpu.memory_space<semaphore_mem>>)
      %dma_wait3A = arith.constant 0 : i32
      %dma_wait3A_62 = tpu.memref_slice %arg18[%add3A_41, %dma_wait3A] : memref<10112x128xf32, #tpu.memory_space<vmem_shared>> -> memref<128x128xf32, #tpu.memory_space<vmem_shared>>
      %dma_wait3A_63 = arith.constant 0 : i32
      %dma_wait3A_64 = tpu.memref_slice %arg18[%add3A_41, %dma_wait3A_63] : memref<10112x128xf32, #tpu.memory_space<vmem_shared>> -> memref<128x128xf32, #tpu.memory_space<vmem_shared>>
      tpu.wait_dma2 semaphore(%run_scoped3A : memref<!tpu.dma_semaphore, #tpu.memory_space<semaphore_mem>>) src(%arg10 : memref<128x128xf32, #tpu.memory_space<vmem>>) dst(%dma_wait3A_64 : memref<128x128xf32, #tpu.memory_space<vmem_shared>>)
      tpu.yield
    }) : () -> ()
    %add3A_42 = arith.constant 128 : i32
    %add3A_43 = arith.addi %mul3A_39, %add3A_42 : i32
    "tpu.region"() ({
      %run_scoped3A = tpu.sem_alloc : memref<!tpu.dma_semaphore, #tpu.memory_space<semaphore_mem>>
      %dma_start3A_58 = arith.constant 0 : i32
      %dma_start3A_59 = tpu.memref_slice %arg18[%add3A_43, %dma_start3A_58] : memref<10112x128xf32, #tpu.memory_space<vmem_shared>> -> memref<128x128xf32, #tpu.memory_space<vmem_shared>>
      %dma_start3A_60 = arith.constant 0 : i32
      %dma_start3A_61 = tpu.memref_slice %arg18[%add3A_43, %dma_start3A_60] : memref<10112x128xf32, #tpu.memory_space<vmem_shared>> -> memref<128x128xf32, #tpu.memory_space<vmem_shared>>
      tpu.enqueue_dma source(%arg10 : memref<128x128xf32, #tpu.memory_space<vmem>>) target(%dma_start3A_61 : memref<128x128xf32, #tpu.memory_space<vmem_shared>>) target_semaphore(%run_scoped3A : memref<!tpu.dma_semaphore, #tpu.memory_space<semaphore_mem>>)
      %dma_wait3A = arith.constant 0 : i32
      %dma_wait3A_62 = tpu.memref_slice %arg18[%add3A_43, %dma_wait3A] : memref<10112x128xf32, #tpu.memory_space<vmem_shared>> -> memref<128x128xf32, #tpu.memory_space<vmem_shared>>
      %dma_wait3A_63 = arith.constant 0 : i32
      %dma_wait3A_64 = tpu.memref_slice %arg18[%add3A_43, %dma_wait3A_63] : memref<10112x128xf32, #tpu.memory_space<vmem_shared>> -> memref<128x128xf32, #tpu.memory_space<vmem_shared>>
      tpu.wait_dma2 semaphore(%run_scoped3A : memref<!tpu.dma_semaphore, #tpu.memory_space<semaphore_mem>>) src(%arg10 : memref<128x128xf32, #tpu.memory_space<vmem>>) dst(%dma_wait3A_64 : memref<128x128xf32, #tpu.memory_space<vmem_shared>>)
      tpu.yield
    }) : () -> ()
    %add3A_44 = arith.constant 256 : i32
    %add3A_45 = arith.addi %mul3A_39, %add3A_44 : i32
    "tpu.region"() ({
      %run_scoped3A = tpu.sem_alloc : memref<!tpu.dma_semaphore, #tpu.memory_space<semaphore_mem>>
      %dma_start3A_58 = arith.constant 0 : i32
      %dma_start3A_59 = tpu.memref_slice %arg18[%add3A_45, %dma_start3A_58] : memref<10112x128xf32, #tpu.memory_space<vmem_shared>> -> memref<128x128xf32, #tpu.memory_space<vmem_shared>>
      %dma_start3A_60 = arith.constant 0 : i32
      %dma_start3A_61 = tpu.memref_slice %arg18[%add3A_45, %dma_start3A_60] : memref<10112x128xf32, #tpu.memory_space<vmem_shared>> -> memref<128x128xf32, #tpu.memory_space<vmem_shared>>
      tpu.enqueue_dma source(%arg10 : memref<128x128xf32, #tpu.memory_space<vmem>>) target(%dma_start3A_61 : memref<128x128xf32, #tpu.memory_space<vmem_shared>>) target_semaphore(%run_scoped3A : memref<!tpu.dma_semaphore, #tpu.memory_space<semaphore_mem>>)
      %dma_wait3A = arith.constant 0 : i32
      %dma_wait3A_62 = tpu.memref_slice %arg18[%add3A_45, %dma_wait3A] : memref<10112x128xf32, #tpu.memory_space<vmem_shared>> -> memref<128x128xf32, #tpu.memory_space<vmem_shared>>
      %dma_wait3A_63 = arith.constant 0 : i32
      %dma_wait3A_64 = tpu.memref_slice %arg18[%add3A_45, %dma_wait3A_63] : memref<10112x128xf32, #tpu.memory_space<vmem_shared>> -> memref<128x128xf32, #tpu.memory_space<vmem_shared>>
      tpu.wait_dma2 semaphore(%run_scoped3A : memref<!tpu.dma_semaphore, #tpu.memory_space<semaphore_mem>>) src(%arg10 : memref<128x128xf32, #tpu.memory_space<vmem>>) dst(%dma_wait3A_64 : memref<128x128xf32, #tpu.memory_space<vmem_shared>>)
      tpu.yield
    }) : () -> ()
    %add3A_46 = arith.constant 384 : i32
    %add3A_47 = arith.addi %mul3A_39, %add3A_46 : i32
    "tpu.region"() ({
      %run_scoped3A = tpu.sem_alloc : memref<!tpu.dma_semaphore, #tpu.memory_space<semaphore_mem>>
      %dma_start3A_58 = arith.constant 0 : i32
      %dma_start3A_59 = tpu.memref_slice %arg18[%add3A_47, %dma_start3A_58] : memref<10112x128xf32, #tpu.memory_space<vmem_shared>> -> memref<128x128xf32, #tpu.memory_space<vmem_shared>>
      %dma_start3A_60 = arith.constant 0 : i32
      %dma_start3A_61 = tpu.memref_slice %arg18[%add3A_47, %dma_start3A_60] : memref<10112x128xf32, #tpu.memory_space<vmem_shared>> -> memref<128x128xf32, #tpu.memory_space<vmem_shared>>
      tpu.enqueue_dma source(%arg10 : memref<128x128xf32, #tpu.memory_space<vmem>>) target(%dma_start3A_61 : memref<128x128xf32, #tpu.memory_space<vmem_shared>>) target_semaphore(%run_scoped3A : memref<!tpu.dma_semaphore, #tpu.memory_space<semaphore_mem>>)
      %dma_wait3A = arith.constant 0 : i32
      %dma_wait3A_62 = tpu.memref_slice %arg18[%add3A_47, %dma_wait3A] : memref<10112x128xf32, #tpu.memory_space<vmem_shared>> -> memref<128x128xf32, #tpu.memory_space<vmem_shared>>
      %dma_wait3A_63 = arith.constant 0 : i32
      %dma_wait3A_64 = tpu.memref_slice %arg18[%add3A_47, %dma_wait3A_63] : memref<10112x128xf32, #tpu.memory_space<vmem_shared>> -> memref<128x128xf32, #tpu.memory_space<vmem_shared>>
      tpu.wait_dma2 semaphore(%run_scoped3A : memref<!tpu.dma_semaphore, #tpu.memory_space<semaphore_mem>>) src(%arg10 : memref<128x128xf32, #tpu.memory_space<vmem>>) dst(%dma_wait3A_64 : memref<128x128xf32, #tpu.memory_space<vmem_shared>>)
      tpu.yield
    }) : () -> ()
    %add3A_48 = arith.constant 632 : i32
    %add3A_49 = arith.addi %mul3A_39, %add3A_48 : i32
    %sub3A = arith.constant 120 : i32
    %sub3A_50 = arith.subi %add3A_49, %sub3A : i32
    "tpu.region"() ({
      %run_scoped3A = tpu.sem_alloc : memref<!tpu.dma_semaphore, #tpu.memory_space<semaphore_mem>>
      %dma_start3A_58 = arith.constant 0 : i32
      %dma_start3A_59 = arith.constant 0 : i32
      %dma_start3A_60 = tpu.memref_slice %arg10[%dma_start3A_58, %dma_start3A_59] : memref<128x128xf32, #tpu.memory_space<vmem>> -> memref<120x128xf32, #tpu.memory_space<vmem>>
      %dma_start3A_61 = arith.constant 0 : i32
      %dma_start3A_62 = tpu.memref_slice %arg18[%sub3A_50, %dma_start3A_61] : memref<10112x128xf32, #tpu.memory_space<vmem_shared>> -> memref<120x128xf32, #tpu.memory_space<vmem_shared>>
      %dma_start3A_63 = arith.constant 0 : i32
      %dma_start3A_64 = tpu.memref_slice %arg18[%sub3A_50, %dma_start3A_63] : memref<10112x128xf32, #tpu.memory_space<vmem_shared>> -> memref<120x128xf32, #tpu.memory_space<vmem_shared>>
      %dma_start3A_65 = arith.constant 0 : i32
      %dma_start3A_66 = arith.constant 0 : i32
      %dma_start3A_67 = tpu.memref_slice %arg10[%dma_start3A_65, %dma_start3A_66] : memref<128x128xf32, #tpu.memory_space<vmem>> -> memref<120x128xf32, #tpu.memory_space<vmem>>
      tpu.enqueue_dma source(%dma_start3A_67 : memref<120x128xf32, #tpu.memory_space<vmem>>) target(%dma_start3A_64 : memref<120x128xf32, #tpu.memory_space<vmem_shared>>) target_semaphore(%run_scoped3A : memref<!tpu.dma_semaphore, #tpu.memory_space<semaphore_mem>>)
      %dma_wait3A = arith.constant 0 : i32
      %dma_wait3A_68 = arith.constant 0 : i32
      %dma_wait3A_69 = tpu.memref_slice %arg10[%dma_wait3A, %dma_wait3A_68] : memref<128x128xf32, #tpu.memory_space<vmem>> -> memref<120x128xf32, #tpu.memory_space<vmem>>
      %dma_wait3A_70 = arith.constant 0 : i32
      %dma_wait3A_71 = tpu.memref_slice %arg18[%sub3A_50, %dma_wait3A_70] : memref<10112x128xf32, #tpu.memory_space<vmem_shared>> -> memref<120x128xf32, #tpu.memory_space<vmem_shared>>
      %dma_wait3A_72 = arith.constant 0 : i32
      %dma_wait3A_73 = tpu.memref_slice %arg18[%sub3A_50, %dma_wait3A_72] : memref<10112x128xf32, #tpu.memory_space<vmem_shared>> -> memref<120x128xf32, #tpu.memory_space<vmem_shared>>
      %dma_wait3A_74 = arith.constant 0 : i32
      %dma_wait3A_75 = arith.constant 0 : i32
      %dma_wait3A_76 = tpu.memref_slice %arg10[%dma_wait3A_74, %dma_wait3A_75] : memref<128x128xf32, #tpu.memory_space<vmem>> -> memref<120x128xf32, #tpu.memory_space<vmem>>
      tpu.wait_dma2 semaphore(%run_scoped3A : memref<!tpu.dma_semaphore, #tpu.memory_space<semaphore_mem>>) src(%dma_wait3A_76 : memref<120x128xf32, #tpu.memory_space<vmem>>) dst(%dma_wait3A_73 : memref<120x128xf32, #tpu.memory_space<vmem_shared>>)
      tpu.yield
    }) : () -> ()
    %barrier3A = arith.constant 0 : index
    tpu.barrier barrier_id(%barrier3A)
    %scan3A_51 = arith.constant 0 : i32
    %scan3A_52 = arith.constant 0 : i32
    %scan3A_53 = arith.constant 5 : i32
    %scan3A_54 = arith.addi %scan3A_52, %scan3A_53 : i32
    %scan3A_55 = arith.constant 1 : i32
    scf.for %scan3A_58 = %scan3A_52 to %scan3A_54 step %scan3A_55  : i32 {
      %dma_wait3A = arith.constant 0 : i32
      %dma_wait3A_59 = arith.constant 0 : i32
      %dma_wait3A_60 = tpu.memref_slice %arg3[%add3A, %dma_wait3A, %dma_wait3A_59] : memref<32x80x128xi32, #tpu.memory_space<hbm>> -> memref<1x8x128xi32, #tpu.memory_space<hbm>>
      %dma_wait3A_61 = tpu.memref_squeeze %dma_wait3A_60 : memref<1x8x128xi32, #tpu.memory_space<hbm>> -> memref<8x128xi32, #tpu.memory_space<hbm>>
      %dma_wait3A_62 = arith.constant 0 : i32
      %dma_wait3A_63 = arith.constant 0 : i32
      %dma_wait3A_64 = tpu.memref_slice %arg3[%add3A, %dma_wait3A_62, %dma_wait3A_63] : memref<32x80x128xi32, #tpu.memory_space<hbm>> -> memref<1x8x128xi32, #tpu.memory_space<hbm>>
      %dma_wait3A_65 = tpu.memref_squeeze %dma_wait3A_64 : memref<1x8x128xi32, #tpu.memory_space<hbm>> -> memref<8x128xi32, #tpu.memory_space<hbm>>
      tpu.wait_dma2 semaphore(%arg16 : memref<!tpu.dma_semaphore, #tpu.memory_space<semaphore_mem>>) src(%dma_wait3A_65 : memref<8x128xi32, #tpu.memory_space<hbm>>) dst(%arg6 : memref<8x128xi32, #tpu.memory_space<vmem>>)
      %dma_wait3A_66 = arith.constant 0 : i32
      %dma_wait3A_67 = arith.constant 0 : i32
      %dma_wait3A_68 = tpu.memref_slice %arg4[%add3A, %dma_wait3A_66, %dma_wait3A_67] : memref<32x80x128xi32, #tpu.memory_space<hbm>> -> memref<1x8x128xi32, #tpu.memory_space<hbm>>
      %dma_wait3A_69 = tpu.memref_squeeze %dma_wait3A_68 : memref<1x8x128xi32, #tpu.memory_space<hbm>> -> memref<8x128xi32, #tpu.memory_space<hbm>>
      %dma_wait3A_70 = arith.constant 0 : i32
      %dma_wait3A_71 = arith.constant 0 : i32
      %dma_wait3A_72 = tpu.memref_slice %arg4[%add3A, %dma_wait3A_70, %dma_wait3A_71] : memref<32x80x128xi32, #tpu.memory_space<hbm>> -> memref<1x8x128xi32, #tpu.memory_space<hbm>>
      %dma_wait3A_73 = tpu.memref_squeeze %dma_wait3A_72 : memref<1x8x128xi32, #tpu.memory_space<hbm>> -> memref<8x128xi32, #tpu.memory_space<hbm>>
      tpu.wait_dma2 semaphore(%arg16 : memref<!tpu.dma_semaphore, #tpu.memory_space<semaphore_mem>>) src(%dma_wait3A_73 : memref<8x128xi32, #tpu.memory_space<hbm>>) dst(%arg7 : memref<8x128xi32, #tpu.memory_space<vmem>>)
      %gt3A = arith.constant 0 : i32
      %gt3A_74 = arith.cmpi sgt, %scan3A_58, %gt3A : i32
      %convert_element_type3A = arith.extui %gt3A_74 : i1 to i32
      %cond3A = arith.constant 0 : i32
      %cond3A_75 = arith.cmpi ne, %convert_element_type3A, %cond3A : i32
      scf.if %cond3A_75 {
        %mul3A_544 = arith.constant 2 : i32
        %mul3A_545 = arith.muli %mul3A_544, %scan3A_58 : i32
        %add3A_546 = arith.constant 1 : i32
        %add3A_547 = arith.addi %mul3A_545, %add3A_546 : i32
        %mul3A_548 = arith.constant 8 : i32
        %mul3A_549 = arith.muli %add3A_547, %mul3A_548 : i32
        %dma_start3A_550 = arith.constant 0 : i32
        %dma_start3A_551 = tpu.memref_slice %arg3[%add3A, %mul3A_549, %dma_start3A_550] : memref<32x80x128xi32, #tpu.memory_space<hbm>> -> memref<1x8x128xi32, #tpu.memory_space<hbm>>
        %dma_start3A_552 = tpu.memref_squeeze %dma_start3A_551 : memref<1x8x128xi32, #tpu.memory_space<hbm>> -> memref<8x128xi32, #tpu.memory_space<hbm>>
        %dma_start3A_553 = arith.constant 0 : i32
        %dma_start3A_554 = tpu.memref_slice %arg3[%add3A, %mul3A_549, %dma_start3A_553] : memref<32x80x128xi32, #tpu.memory_space<hbm>> -> memref<1x8x128xi32, #tpu.memory_space<hbm>>
        %dma_start3A_555 = tpu.memref_squeeze %dma_start3A_554 : memref<1x8x128xi32, #tpu.memory_space<hbm>> -> memref<8x128xi32, #tpu.memory_space<hbm>>
        tpu.enqueue_dma source(%dma_start3A_555 : memref<8x128xi32, #tpu.memory_space<hbm>>) target(%arg8 : memref<8x128xi32, #tpu.memory_space<vmem>>) target_semaphore(%arg17 : memref<!tpu.dma_semaphore, #tpu.memory_space<semaphore_mem>>)
        %mul3A_556 = arith.constant 8 : i32
        %mul3A_557 = arith.muli %add3A_547, %mul3A_556 : i32
        %dma_start3A_558 = arith.constant 0 : i32
        %dma_start3A_559 = tpu.memref_slice %arg4[%add3A, %mul3A_557, %dma_start3A_558] : memref<32x80x128xi32, #tpu.memory_space<hbm>> -> memref<1x8x128xi32, #tpu.memory_space<hbm>>
        %dma_start3A_560 = tpu.memref_squeeze %dma_start3A_559 : memref<1x8x128xi32, #tpu.memory_space<hbm>> -> memref<8x128xi32, #tpu.memory_space<hbm>>
        %dma_start3A_561 = arith.constant 0 : i32
        %dma_start3A_562 = tpu.memref_slice %arg4[%add3A, %mul3A_557, %dma_start3A_561] : memref<32x80x128xi32, #tpu.memory_space<hbm>> -> memref<1x8x128xi32, #tpu.memory_space<hbm>>
        %dma_start3A_563 = tpu.memref_squeeze %dma_start3A_562 : memref<1x8x128xi32, #tpu.memory_space<hbm>> -> memref<8x128xi32, #tpu.memory_space<hbm>>
        tpu.enqueue_dma source(%dma_start3A_563 : memref<8x128xi32, #tpu.memory_space<hbm>>) target(%arg9 : memref<8x128xi32, #tpu.memory_space<vmem>>) target_semaphore(%arg17 : memref<!tpu.dma_semaphore, #tpu.memory_space<semaphore_mem>>)
      } else {
      }
      %dma_start3A_76 = arith.constant 0 : i32
      %dma_start3A_77 = arith.constant 0 : i32
      %dma_start3A_78 = tpu.memref_slice %arg6[%dma_start3A_76, %dma_start3A_77] : memref<8x128xi32, #tpu.memory_space<vmem>> -> memref<1x128xi32, #tpu.memory_space<vmem>>
      %dma_start3A_79 = tpu.memref_squeeze %dma_start3A_78 : memref<1x128xi32, #tpu.memory_space<vmem>> -> memref<128xi32, #tpu.memory_space<vmem>>
      %dma_start3A_80 = arith.constant 0 : i32
      %dma_start3A_81 = arith.constant 0 : i32
      %dma_start3A_82 = tpu.memref_slice %arg2[%dma_start3A_80, %dma_start3A_81] : memref<10000x128xf32, #tpu.memory_space<hbm>> -> memref<10000x128xf32, #tpu.memory_space<hbm>>
      tpu.enqueue_indirect_dma source(%dma_start3A_82 : memref<10000x128xf32, #tpu.memory_space<hbm>>) target(%arg10 : memref<128x128xf32, #tpu.memory_space<vmem>>) offsets(%dma_start3A_79 : memref<128xi32, #tpu.memory_space<vmem>>) semaphore(%arg12 : memref<!tpu.dma_semaphore, #tpu.memory_space<semaphore_mem>>)
      %dma_start3A_83 = arith.constant 1 : i32
      %dma_start3A_84 = arith.constant 0 : i32
      %dma_start3A_85 = tpu.memref_slice %arg6[%dma_start3A_83, %dma_start3A_84] : memref<8x128xi32, #tpu.memory_space<vmem>> -> memref<1x128xi32, #tpu.memory_space<vmem>>
      %dma_start3A_86 = tpu.memref_squeeze %dma_start3A_85 : memref<1x128xi32, #tpu.memory_space<vmem>> -> memref<128xi32, #tpu.memory_space<vmem>>
      %dma_start3A_87 = arith.constant 0 : i32
      %dma_start3A_88 = arith.constant 0 : i32
      %dma_start3A_89 = tpu.memref_slice %arg2[%dma_start3A_87, %dma_start3A_88] : memref<10000x128xf32, #tpu.memory_space<hbm>> -> memref<10000x128xf32, #tpu.memory_space<hbm>>
      tpu.enqueue_indirect_dma source(%dma_start3A_89 : memref<10000x128xf32, #tpu.memory_space<hbm>>) target(%arg11 : memref<128x128xf32, #tpu.memory_space<vmem>>) offsets(%dma_start3A_86 : memref<128xi32, #tpu.memory_space<vmem>>) semaphore(%arg13 : memref<!tpu.dma_semaphore, #tpu.memory_space<semaphore_mem>>)
      %dma_wait3A_90 = arith.constant 0 : i32
      %dma_wait3A_91 = arith.constant 0 : i32
      %dma_wait3A_92 = tpu.memref_slice %arg6[%dma_wait3A_90, %dma_wait3A_91] : memref<8x128xi32, #tpu.memory_space<vmem>> -> memref<1x128xi32, #tpu.memory_space<vmem>>
      %dma_wait3A_93 = tpu.memref_squeeze %dma_wait3A_92 : memref<1x128xi32, #tpu.memory_space<vmem>> -> memref<128xi32, #tpu.memory_space<vmem>>
      %dma_wait3A_94 = arith.constant 0 : i32
      %dma_wait3A_95 = arith.constant 0 : i32
      %dma_wait3A_96 = tpu.memref_slice %arg2[%dma_wait3A_94, %dma_wait3A_95] : memref<10000x128xf32, #tpu.memory_space<hbm>> -> memref<10000x128xf32, #tpu.memory_space<hbm>>
      tpu.wait_indirect_dma semaphore(%arg12 : memref<!tpu.dma_semaphore, #tpu.memory_space<semaphore_mem>>) src(%dma_wait3A_96 : memref<10000x128xf32, #tpu.memory_space<hbm>>) dst(%arg10 : memref<128x128xf32, #tpu.memory_space<vmem>>)
      %dma_start3A_97 = arith.constant 0 : i32
      %dma_start3A_98 = arith.constant 0 : i32
      %dma_start3A_99 = tpu.memref_slice %arg7[%dma_start3A_97, %dma_start3A_98] : memref<8x128xi32, #tpu.memory_space<vmem>> -> memref<1x128xi32, #tpu.memory_space<vmem>>
      %dma_start3A_100 = tpu.memref_squeeze %dma_start3A_99 : memref<1x128xi32, #tpu.memory_space<vmem>> -> memref<128xi32, #tpu.memory_space<vmem>>
      %dma_start3A_101 = arith.constant 0 : i32
      %dma_start3A_102 = arith.constant 0 : i32
      %dma_start3A_103 = tpu.memref_slice %arg18[%dma_start3A_101, %dma_start3A_102] : memref<10112x128xf32, #tpu.memory_space<vmem_shared>> -> memref<10112x128xf32, #tpu.memory_space<vmem_shared>>
      tpu.enqueue_indirect_dma source(%arg10 : memref<128x128xf32, #tpu.memory_space<vmem>>) target(%dma_start3A_103 : memref<10112x128xf32, #tpu.memory_space<vmem_shared>>) offsets(%dma_start3A_100 : memref<128xi32, #tpu.memory_space<vmem>>) semaphore(%arg14 : memref<!tpu.dma_semaphore, #tpu.memory_space<semaphore_mem>>) {add = true}
      %dma_wait3A_104 = arith.constant 0 : i32
      %dma_wait3A_105 = arith.constant 0 : i32
      %dma_wait3A_106 = tpu.memref_slice %arg7[%dma_wait3A_104, %dma_wait3A_105] : memref<8x128xi32, #tpu.memory_space<vmem>> -> memref<1x128xi32, #tpu.memory_space<vmem>>
      %dma_wait3A_107 = tpu.memref_squeeze %dma_wait3A_106 : memref<1x128xi32, #tpu.memory_space<vmem>> -> memref<128xi32, #tpu.memory_space<vmem>>
      %dma_wait3A_108 = arith.constant 0 : i32
      %dma_wait3A_109 = arith.constant 0 : i32
      %dma_wait3A_110 = tpu.memref_slice %arg18[%dma_wait3A_108, %dma_wait3A_109] : memref<10112x128xf32, #tpu.memory_space<vmem_shared>> -> memref<10112x128xf32, #tpu.memory_space<vmem_shared>>
      tpu.wait_indirect_dma semaphore(%arg14 : memref<!tpu.dma_semaphore, #tpu.memory_space<semaphore_mem>>) src(%arg10 : memref<128x128xf32, #tpu.memory_space<vmem>>) dst(%dma_wait3A_110 : memref<10112x128xf32, #tpu.memory_space<vmem_shared>>)
      %dma_start3A_111 = arith.constant 2 : i32
      %dma_start3A_112 = arith.constant 0 : i32
      %dma_start3A_113 = tpu.memref_slice %arg6[%dma_start3A_111, %dma_start3A_112] : memref<8x128xi32, #tpu.memory_space<vmem>> -> memref<1x128xi32, #tpu.memory_space<vmem>>
      %dma_start3A_114 = tpu.memref_squeeze %dma_start3A_113 : memref<1x128xi32, #tpu.memory_space<vmem>> -> memref<128xi32, #tpu.memory_space<vmem>>
      %dma_start3A_115 = arith.constant 0 : i32
      %dma_start3A_116 = arith.constant 0 : i32
      %dma_start3A_117 = tpu.memref_slice %arg2[%dma_start3A_115, %dma_start3A_116] : memref<10000x128xf32, #tpu.memory_space<hbm>> -> memref<10000x128xf32, #tpu.memory_space<hbm>>
      tpu.enqueue_indirect_dma source(%dma_start3A_117 : memref<10000x128xf32, #tpu.memory_space<hbm>>) target(%arg10 : memref<128x128xf32, #tpu.memory_space<vmem>>) offsets(%dma_start3A_114 : memref<128xi32, #tpu.memory_space<vmem>>) semaphore(%arg12 : memref<!tpu.dma_semaphore, #tpu.memory_space<semaphore_mem>>)
      %dma_wait3A_118 = arith.constant 1 : i32
      %dma_wait3A_119 = arith.constant 0 : i32
      %dma_wait3A_120 = tpu.memref_slice %arg6[%dma_wait3A_118, %dma_wait3A_119] : memref<8x128xi32, #tpu.memory_space<vmem>> -> memref<1x128xi32, #tpu.memory_space<vmem>>
      %dma_wait3A_121 = tpu.memref_squeeze %dma_wait3A_120 : memref<1x128xi32, #tpu.memory_space<vmem>> -> memref<128xi32, #tpu.memory_space<vmem>>
      %dma_wait3A_122 = arith.constant 0 : i32
      %dma_wait3A_123 = arith.constant 0 : i32
      %dma_wait3A_124 = tpu.memref_slice %arg2[%dma_wait3A_122, %dma_wait3A_123] : memref<10000x128xf32, #tpu.memory_space<hbm>> -> memref<10000x128xf32, #tpu.memory_space<hbm>>
      tpu.wait_indirect_dma semaphore(%arg13 : memref<!tpu.dma_semaphore, #tpu.memory_space<semaphore_mem>>) src(%dma_wait3A_124 : memref<10000x128xf32, #tpu.memory_space<hbm>>) dst(%arg11 : memref<128x128xf32, #tpu.memory_space<vmem>>)
      %dma_start3A_125 = arith.constant 1 : i32
      %dma_start3A_126 = arith.constant 0 : i32
      %dma_start3A_127 = tpu.memref_slice %arg7[%dma_start3A_125, %dma_start3A_126] : memref<8x128xi32, #tpu.memory_space<vmem>> -> memref<1x128xi32, #tpu.memory_space<vmem>>
      %dma_start3A_128 = tpu.memref_squeeze %dma_start3A_127 : memref<1x128xi32, #tpu.memory_space<vmem>> -> memref<128xi32, #tpu.memory_space<vmem>>
      %dma_start3A_129 = arith.constant 0 : i32
      %dma_start3A_130 = arith.constant 0 : i32
      %dma_start3A_131 = tpu.memref_slice %arg18[%dma_start3A_129, %dma_start3A_130] : memref<10112x128xf32, #tpu.memory_space<vmem_shared>> -> memref<10112x128xf32, #tpu.memory_space<vmem_shared>>
      tpu.enqueue_indirect_dma source(%arg11 : memref<128x128xf32, #tpu.memory_space<vmem>>) target(%dma_start3A_131 : memref<10112x128xf32, #tpu.memory_space<vmem_shared>>) offsets(%dma_start3A_128 : memref<128xi32, #tpu.memory_space<vmem>>) semaphore(%arg15 : memref<!tpu.dma_semaphore, #tpu.memory_space<semaphore_mem>>) {add = true}
      %dma_wait3A_132 = arith.constant 1 : i32
      %dma_wait3A_133 = arith.constant 0 : i32
      %dma_wait3A_134 = tpu.memref_slice %arg7[%dma_wait3A_132, %dma_wait3A_133] : memref<8x128xi32, #tpu.memory_space<vmem>> -> memref<1x128xi32, #tpu.memory_space<vmem>>
      %dma_wait3A_135 = tpu.memref_squeeze %dma_wait3A_134 : memref<1x128xi32, #tpu.memory_space<vmem>> -> memref<128xi32, #tpu.memory_space<vmem>>
      %dma_wait3A_136 = arith.constant 0 : i32
      %dma_wait3A_137 = arith.constant 0 : i32
      %dma_wait3A_138 = tpu.memref_slice %arg18[%dma_wait3A_136, %dma_wait3A_137] : memref<10112x128xf32, #tpu.memory_space<vmem_shared>> -> memref<10112x128xf32, #tpu.memory_space<vmem_shared>>
      tpu.wait_indirect_dma semaphore(%arg15 : memref<!tpu.dma_semaphore, #tpu.memory_space<semaphore_mem>>) src(%arg11 : memref<128x128xf32, #tpu.memory_space<vmem>>) dst(%dma_wait3A_138 : memref<10112x128xf32, #tpu.memory_space<vmem_shared>>)
      %dma_start3A_139 = arith.constant 3 : i32
      %dma_start3A_140 = arith.constant 0 : i32
      %dma_start3A_141 = tpu.memref_slice %arg6[%dma_start3A_139, %dma_start3A_140] : memref<8x128xi32, #tpu.memory_space<vmem>> -> memref<1x128xi32, #tpu.memory_space<vmem>>
      %dma_start3A_142 = tpu.memref_squeeze %dma_start3A_141 : memref<1x128xi32, #tpu.memory_space<vmem>> -> memref<128xi32, #tpu.memory_space<vmem>>
      %dma_start3A_143 = arith.constant 0 : i32
      %dma_start3A_144 = arith.constant 0 : i32
      %dma_start3A_145 = tpu.memref_slice %arg2[%dma_start3A_143, %dma_start3A_144] : memref<10000x128xf32, #tpu.memory_space<hbm>> -> memref<10000x128xf32, #tpu.memory_space<hbm>>
      tpu.enqueue_indirect_dma source(%dma_start3A_145 : memref<10000x128xf32, #tpu.memory_space<hbm>>) target(%arg11 : memref<128x128xf32, #tpu.memory_space<vmem>>) offsets(%dma_start3A_142 : memref<128xi32, #tpu.memory_space<vmem>>) semaphore(%arg13 : memref<!tpu.dma_semaphore, #tpu.memory_space<semaphore_mem>>)
      %dma_wait3A_146 = arith.constant 2 : i32
      %dma_wait3A_147 = arith.constant 0 : i32
      %dma_wait3A_148 = tpu.memref_slice %arg6[%dma_wait3A_146, %dma_wait3A_147] : memref<8x128xi32, #tpu.memory_space<vmem>> -> memref<1x128xi32, #tpu.memory_space<vmem>>
      %dma_wait3A_149 = tpu.memref_squeeze %dma_wait3A_148 : memref<1x128xi32, #tpu.memory_space<vmem>> -> memref<128xi32, #tpu.memory_space<vmem>>
      %dma_wait3A_150 = arith.constant 0 : i32
      %dma_wait3A_151 = arith.constant 0 : i32
      %dma_wait3A_152 = tpu.memref_slice %arg2[%dma_wait3A_150, %dma_wait3A_151] : memref<10000x128xf32, #tpu.memory_space<hbm>> -> memref<10000x128xf32, #tpu.memory_space<hbm>>
      tpu.wait_indirect_dma semaphore(%arg12 : memref<!tpu.dma_semaphore, #tpu.memory_space<semaphore_mem>>) src(%dma_wait3A_152 : memref<10000x128xf32, #tpu.memory_space<hbm>>) dst(%arg10 : memref<128x128xf32, #tpu.memory_space<vmem>>)
      %dma_start3A_153 = arith.constant 2 : i32
      %dma_start3A_154 = arith.constant 0 : i32
      %dma_start3A_155 = tpu.memref_slice %arg7[%dma_start3A_153, %dma_start3A_154] : memref<8x128xi32, #tpu.memory_space<vmem>> -> memref<1x128xi32, #tpu.memory_space<vmem>>
      %dma_start3A_156 = tpu.memref_squeeze %dma_start3A_155 : memref<1x128xi32, #tpu.memory_space<vmem>> -> memref<128xi32, #tpu.memory_space<vmem>>
      %dma_start3A_157 = arith.constant 0 : i32
      %dma_start3A_158 = arith.constant 0 : i32
      %dma_start3A_159 = tpu.memref_slice %arg18[%dma_start3A_157, %dma_start3A_158] : memref<10112x128xf32, #tpu.memory_space<vmem_shared>> -> memref<10112x128xf32, #tpu.memory_space<vmem_shared>>
      tpu.enqueue_indirect_dma source(%arg10 : memref<128x128xf32, #tpu.memory_space<vmem>>) target(%dma_start3A_159 : memref<10112x128xf32, #tpu.memory_space<vmem_shared>>) offsets(%dma_start3A_156 : memref<128xi32, #tpu.memory_space<vmem>>) semaphore(%arg14 : memref<!tpu.dma_semaphore, #tpu.memory_space<semaphore_mem>>) {add = true}
      %dma_wait3A_160 = arith.constant 2 : i32
      %dma_wait3A_161 = arith.constant 0 : i32
      %dma_wait3A_162 = tpu.memref_slice %arg7[%dma_wait3A_160, %dma_wait3A_161] : memref<8x128xi32, #tpu.memory_space<vmem>> -> memref<1x128xi32, #tpu.memory_space<vmem>>
      %dma_wait3A_163 = tpu.memref_squeeze %dma_wait3A_162 : memref<1x128xi32, #tpu.memory_space<vmem>> -> memref<128xi32, #tpu.memory_space<vmem>>
      %dma_wait3A_164 = arith.constant 0 : i32
      %dma_wait3A_165 = arith.constant 0 : i32
      %dma_wait3A_166 = tpu.memref_slice %arg18[%dma_wait3A_164, %dma_wait3A_165] : memref<10112x128xf32, #tpu.memory_space<vmem_shared>> -> memref<10112x128xf32, #tpu.memory_space<vmem_shared>>
      tpu.wait_indirect_dma semaphore(%arg14 : memref<!tpu.dma_semaphore, #tpu.memory_space<semaphore_mem>>) src(%arg10 : memref<128x128xf32, #tpu.memory_space<vmem>>) dst(%dma_wait3A_166 : memref<10112x128xf32, #tpu.memory_space<vmem_shared>>)
      %dma_start3A_167 = arith.constant 4 : i32
      %dma_start3A_168 = arith.constant 0 : i32
      %dma_start3A_169 = tpu.memref_slice %arg6[%dma_start3A_167, %dma_start3A_168] : memref<8x128xi32, #tpu.memory_space<vmem>> -> memref<1x128xi32, #tpu.memory_space<vmem>>
      %dma_start3A_170 = tpu.memref_squeeze %dma_start3A_169 : memref<1x128xi32, #tpu.memory_space<vmem>> -> memref<128xi32, #tpu.memory_space<vmem>>
      %dma_start3A_171 = arith.constant 0 : i32
      %dma_start3A_172 = arith.constant 0 : i32
      %dma_start3A_173 = tpu.memref_slice %arg2[%dma_start3A_171, %dma_start3A_172] : memref<10000x128xf32, #tpu.memory_space<hbm>> -> memref<10000x128xf32, #tpu.memory_space<hbm>>
      tpu.enqueue_indirect_dma source(%dma_start3A_173 : memref<10000x128xf32, #tpu.memory_space<hbm>>) target(%arg10 : memref<128x128xf32, #tpu.memory_space<vmem>>) offsets(%dma_start3A_170 : memref<128xi32, #tpu.memory_space<vmem>>) semaphore(%arg12 : memref<!tpu.dma_semaphore, #tpu.memory_space<semaphore_mem>>)
      %dma_wait3A_174 = arith.constant 3 : i32
      %dma_wait3A_175 = arith.constant 0 : i32
      %dma_wait3A_176 = tpu.memref_slice %arg6[%dma_wait3A_174, %dma_wait3A_175] : memref<8x128xi32, #tpu.memory_space<vmem>> -> memref<1x128xi32, #tpu.memory_space<vmem>>
      %dma_wait3A_177 = tpu.memref_squeeze %dma_wait3A_176 : memref<1x128xi32, #tpu.memory_space<vmem>> -> memref<128xi32, #tpu.memory_space<vmem>>
      %dma_wait3A_178 = arith.constant 0 : i32
      %dma_wait3A_179 = arith.constant 0 : i32
      %dma_wait3A_180 = tpu.memref_slice %arg2[%dma_wait3A_178, %dma_wait3A_179] : memref<10000x128xf32, #tpu.memory_space<hbm>> -> memref<10000x128xf32, #tpu.memory_space<hbm>>
      tpu.wait_indirect_dma semaphore(%arg13 : memref<!tpu.dma_semaphore, #tpu.memory_space<semaphore_mem>>) src(%dma_wait3A_180 : memref<10000x128xf32, #tpu.memory_space<hbm>>) dst(%arg11 : memref<128x128xf32, #tpu.memory_space<vmem>>)
      %dma_start3A_181 = arith.constant 3 : i32
      %dma_start3A_182 = arith.constant 0 : i32
      %dma_start3A_183 = tpu.memref_slice %arg7[%dma_start3A_181, %dma_start3A_182] : memref<8x128xi32, #tpu.memory_space<vmem>> -> memref<1x128xi32, #tpu.memory_space<vmem>>
      %dma_start3A_184 = tpu.memref_squeeze %dma_start3A_183 : memref<1x128xi32, #tpu.memory_space<vmem>> -> memref<128xi32, #tpu.memory_space<vmem>>
      %dma_start3A_185 = arith.constant 0 : i32
      %dma_start3A_186 = arith.constant 0 : i32
      %dma_start3A_187 = tpu.memref_slice %arg18[%dma_start3A_185, %dma_start3A_186] : memref<10112x128xf32, #tpu.memory_space<vmem_shared>> -> memref<10112x128xf32, #tpu.memory_space<vmem_shared>>
      tpu.enqueue_indirect_dma source(%arg11 : memref<128x128xf32, #tpu.memory_space<vmem>>) target(%dma_start3A_187 : memref<10112x128xf32, #tpu.memory_space<vmem_shared>>) offsets(%dma_start3A_184 : memref<128xi32, #tpu.memory_space<vmem>>) semaphore(%arg15 : memref<!tpu.dma_semaphore, #tpu.memory_space<semaphore_mem>>) {add = true}
      %dma_wait3A_188 = arith.constant 3 : i32
      %dma_wait3A_189 = arith.constant 0 : i32
      %dma_wait3A_190 = tpu.memref_slice %arg7[%dma_wait3A_188, %dma_wait3A_189] : memref<8x128xi32, #tpu.memory_space<vmem>> -> memref<1x128xi32, #tpu.memory_space<vmem>>
      %dma_wait3A_191 = tpu.memref_squeeze %dma_wait3A_190 : memref<1x128xi32, #tpu.memory_space<vmem>> -> memref<128xi32, #tpu.memory_space<vmem>>
      %dma_wait3A_192 = arith.constant 0 : i32
      %dma_wait3A_193 = arith.constant 0 : i32
      %dma_wait3A_194 = tpu.memref_slice %arg18[%dma_wait3A_192, %dma_wait3A_193] : memref<10112x128xf32, #tpu.memory_space<vmem_shared>> -> memref<10112x128xf32, #tpu.memory_space<vmem_shared>>
      tpu.wait_indirect_dma semaphore(%arg15 : memref<!tpu.dma_semaphore, #tpu.memory_space<semaphore_mem>>) src(%arg11 : memref<128x128xf32, #tpu.memory_space<vmem>>) dst(%dma_wait3A_194 : memref<10112x128xf32, #tpu.memory_space<vmem_shared>>)
      %dma_start3A_195 = arith.constant 5 : i32
      %dma_start3A_196 = arith.constant 0 : i32
      %dma_start3A_197 = tpu.memref_slice %arg6[%dma_start3A_195, %dma_start3A_196] : memref<8x128xi32, #tpu.memory_space<vmem>> -> memref<1x128xi32, #tpu.memory_space<vmem>>
      %dma_start3A_198 = tpu.memref_squeeze %dma_start3A_197 : memref<1x128xi32, #tpu.memory_space<vmem>> -> memref<128xi32, #tpu.memory_space<vmem>>
      %dma_start3A_199 = arith.constant 0 : i32
      %dma_start3A_200 = arith.constant 0 : i32
      %dma_start3A_201 = tpu.memref_slice %arg2[%dma_start3A_199, %dma_start3A_200] : memref<10000x128xf32, #tpu.memory_space<hbm>> -> memref<10000x128xf32, #tpu.memory_space<hbm>>
      tpu.enqueue_indirect_dma source(%dma_start3A_201 : memref<10000x128xf32, #tpu.memory_space<hbm>>) target(%arg11 : memref<128x128xf32, #tpu.memory_space<vmem>>) offsets(%dma_start3A_198 : memref<128xi32, #tpu.memory_space<vmem>>) semaphore(%arg13 : memref<!tpu.dma_semaphore, #tpu.memory_space<semaphore_mem>>)
      %dma_wait3A_202 = arith.constant 4 : i32
      %dma_wait3A_203 = arith.constant 0 : i32
      %dma_wait3A_204 = tpu.memref_slice %arg6[%dma_wait3A_202, %dma_wait3A_203] : memref<8x128xi32, #tpu.memory_space<vmem>> -> memref<1x128xi32, #tpu.memory_space<vmem>>
      %dma_wait3A_205 = tpu.memref_squeeze %dma_wait3A_204 : memref<1x128xi32, #tpu.memory_space<vmem>> -> memref<128xi32, #tpu.memory_space<vmem>>
      %dma_wait3A_206 = arith.constant 0 : i32
      %dma_wait3A_207 = arith.constant 0 : i32
      %dma_wait3A_208 = tpu.memref_slice %arg2[%dma_wait3A_206, %dma_wait3A_207] : memref<10000x128xf32, #tpu.memory_space<hbm>> -> memref<10000x128xf32, #tpu.memory_space<hbm>>
      tpu.wait_indirect_dma semaphore(%arg12 : memref<!tpu.dma_semaphore, #tpu.memory_space<semaphore_mem>>) src(%dma_wait3A_208 : memref<10000x128xf32, #tpu.memory_space<hbm>>) dst(%arg10 : memref<128x128xf32, #tpu.memory_space<vmem>>)
      %dma_start3A_209 = arith.constant 4 : i32
      %dma_start3A_210 = arith.constant 0 : i32
      %dma_start3A_211 = tpu.memref_slice %arg7[%dma_start3A_209, %dma_start3A_210] : memref<8x128xi32, #tpu.memory_space<vmem>> -> memref<1x128xi32, #tpu.memory_space<vmem>>
      %dma_start3A_212 = tpu.memref_squeeze %dma_start3A_211 : memref<1x128xi32, #tpu.memory_space<vmem>> -> memref<128xi32, #tpu.memory_space<vmem>>
      %dma_start3A_213 = arith.constant 0 : i32
      %dma_start3A_214 = arith.constant 0 : i32
      %dma_start3A_215 = tpu.memref_slice %arg18[%dma_start3A_213, %dma_start3A_214] : memref<10112x128xf32, #tpu.memory_space<vmem_shared>> -> memref<10112x128xf32, #tpu.memory_space<vmem_shared>>
      tpu.enqueue_indirect_dma source(%arg10 : memref<128x128xf32, #tpu.memory_space<vmem>>) target(%dma_start3A_215 : memref<10112x128xf32, #tpu.memory_space<vmem_shared>>) offsets(%dma_start3A_212 : memref<128xi32, #tpu.memory_space<vmem>>) semaphore(%arg14 : memref<!tpu.dma_semaphore, #tpu.memory_space<semaphore_mem>>) {add = true}
      %dma_wait3A_216 = arith.constant 4 : i32
      %dma_wait3A_217 = arith.constant 0 : i32
      %dma_wait3A_218 = tpu.memref_slice %arg7[%dma_wait3A_216, %dma_wait3A_217] : memref<8x128xi32, #tpu.memory_space<vmem>> -> memref<1x128xi32, #tpu.memory_space<vmem>>
      %dma_wait3A_219 = tpu.memref_squeeze %dma_wait3A_218 : memref<1x128xi32, #tpu.memory_space<vmem>> -> memref<128xi32, #tpu.memory_space<vmem>>
      %dma_wait3A_220 = arith.constant 0 : i32
      %dma_wait3A_221 = arith.constant 0 : i32
      %dma_wait3A_222 = tpu.memref_slice %arg18[%dma_wait3A_220, %dma_wait3A_221] : memref<10112x128xf32, #tpu.memory_space<vmem_shared>> -> memref<10112x128xf32, #tpu.memory_space<vmem_shared>>
      tpu.wait_indirect_dma semaphore(%arg14 : memref<!tpu.dma_semaphore, #tpu.memory_space<semaphore_mem>>) src(%arg10 : memref<128x128xf32, #tpu.memory_space<vmem>>) dst(%dma_wait3A_222 : memref<10112x128xf32, #tpu.memory_space<vmem_shared>>)
      %dma_start3A_223 = arith.constant 6 : i32
      %dma_start3A_224 = arith.constant 0 : i32
      %dma_start3A_225 = tpu.memref_slice %arg6[%dma_start3A_223, %dma_start3A_224] : memref<8x128xi32, #tpu.memory_space<vmem>> -> memref<1x128xi32, #tpu.memory_space<vmem>>
      %dma_start3A_226 = tpu.memref_squeeze %dma_start3A_225 : memref<1x128xi32, #tpu.memory_space<vmem>> -> memref<128xi32, #tpu.memory_space<vmem>>
      %dma_start3A_227 = arith.constant 0 : i32
      %dma_start3A_228 = arith.constant 0 : i32
      %dma_start3A_229 = tpu.memref_slice %arg2[%dma_start3A_227, %dma_start3A_228] : memref<10000x128xf32, #tpu.memory_space<hbm>> -> memref<10000x128xf32, #tpu.memory_space<hbm>>
      tpu.enqueue_indirect_dma source(%dma_start3A_229 : memref<10000x128xf32, #tpu.memory_space<hbm>>) target(%arg10 : memref<128x128xf32, #tpu.memory_space<vmem>>) offsets(%dma_start3A_226 : memref<128xi32, #tpu.memory_space<vmem>>) semaphore(%arg12 : memref<!tpu.dma_semaphore, #tpu.memory_space<semaphore_mem>>)
      %dma_wait3A_230 = arith.constant 5 : i32
      %dma_wait3A_231 = arith.constant 0 : i32
      %dma_wait3A_232 = tpu.memref_slice %arg6[%dma_wait3A_230, %dma_wait3A_231] : memref<8x128xi32, #tpu.memory_space<vmem>> -> memref<1x128xi32, #tpu.memory_space<vmem>>
      %dma_wait3A_233 = tpu.memref_squeeze %dma_wait3A_232 : memref<1x128xi32, #tpu.memory_space<vmem>> -> memref<128xi32, #tpu.memory_space<vmem>>
      %dma_wait3A_234 = arith.constant 0 : i32
      %dma_wait3A_235 = arith.constant 0 : i32
      %dma_wait3A_236 = tpu.memref_slice %arg2[%dma_wait3A_234, %dma_wait3A_235] : memref<10000x128xf32, #tpu.memory_space<hbm>> -> memref<10000x128xf32, #tpu.memory_space<hbm>>
      tpu.wait_indirect_dma semaphore(%arg13 : memref<!tpu.dma_semaphore, #tpu.memory_space<semaphore_mem>>) src(%dma_wait3A_236 : memref<10000x128xf32, #tpu.memory_space<hbm>>) dst(%arg11 : memref<128x128xf32, #tpu.memory_space<vmem>>)
      %dma_start3A_237 = arith.constant 5 : i32
      %dma_start3A_238 = arith.constant 0 : i32
      %dma_start3A_239 = tpu.memref_slice %arg7[%dma_start3A_237, %dma_start3A_238] : memref<8x128xi32, #tpu.memory_space<vmem>> -> memref<1x128xi32, #tpu.memory_space<vmem>>
      %dma_start3A_240 = tpu.memref_squeeze %dma_start3A_239 : memref<1x128xi32, #tpu.memory_space<vmem>> -> memref<128xi32, #tpu.memory_space<vmem>>
      %dma_start3A_241 = arith.constant 0 : i32
      %dma_start3A_242 = arith.constant 0 : i32
      %dma_start3A_243 = tpu.memref_slice %arg18[%dma_start3A_241, %dma_start3A_242] : memref<10112x128xf32, #tpu.memory_space<vmem_shared>> -> memref<10112x128xf32, #tpu.memory_space<vmem_shared>>
      tpu.enqueue_indirect_dma source(%arg11 : memref<128x128xf32, #tpu.memory_space<vmem>>) target(%dma_start3A_243 : memref<10112x128xf32, #tpu.memory_space<vmem_shared>>) offsets(%dma_start3A_240 : memref<128xi32, #tpu.memory_space<vmem>>) semaphore(%arg15 : memref<!tpu.dma_semaphore, #tpu.memory_space<semaphore_mem>>) {add = true}
      %dma_wait3A_244 = arith.constant 5 : i32
      %dma_wait3A_245 = arith.constant 0 : i32
      %dma_wait3A_246 = tpu.memref_slice %arg7[%dma_wait3A_244, %dma_wait3A_245] : memref<8x128xi32, #tpu.memory_space<vmem>> -> memref<1x128xi32, #tpu.memory_space<vmem>>
      %dma_wait3A_247 = tpu.memref_squeeze %dma_wait3A_246 : memref<1x128xi32, #tpu.memory_space<vmem>> -> memref<128xi32, #tpu.memory_space<vmem>>
      %dma_wait3A_248 = arith.constant 0 : i32
      %dma_wait3A_249 = arith.constant 0 : i32
      %dma_wait3A_250 = tpu.memref_slice %arg18[%dma_wait3A_248, %dma_wait3A_249] : memref<10112x128xf32, #tpu.memory_space<vmem_shared>> -> memref<10112x128xf32, #tpu.memory_space<vmem_shared>>
      tpu.wait_indirect_dma semaphore(%arg15 : memref<!tpu.dma_semaphore, #tpu.memory_space<semaphore_mem>>) src(%arg11 : memref<128x128xf32, #tpu.memory_space<vmem>>) dst(%dma_wait3A_250 : memref<10112x128xf32, #tpu.memory_space<vmem_shared>>)
      %dma_start3A_251 = arith.constant 7 : i32
      %dma_start3A_252 = arith.constant 0 : i32
      %dma_start3A_253 = tpu.memref_slice %arg6[%dma_start3A_251, %dma_start3A_252] : memref<8x128xi32, #tpu.memory_space<vmem>> -> memref<1x128xi32, #tpu.memory_space<vmem>>
      %dma_start3A_254 = tpu.memref_squeeze %dma_start3A_253 : memref<1x128xi32, #tpu.memory_space<vmem>> -> memref<128xi32, #tpu.memory_space<vmem>>
      %dma_start3A_255 = arith.constant 0 : i32
      %dma_start3A_256 = arith.constant 0 : i32
      %dma_start3A_257 = tpu.memref_slice %arg2[%dma_start3A_255, %dma_start3A_256] : memref<10000x128xf32, #tpu.memory_space<hbm>> -> memref<10000x128xf32, #tpu.memory_space<hbm>>
      tpu.enqueue_indirect_dma source(%dma_start3A_257 : memref<10000x128xf32, #tpu.memory_space<hbm>>) target(%arg11 : memref<128x128xf32, #tpu.memory_space<vmem>>) offsets(%dma_start3A_254 : memref<128xi32, #tpu.memory_space<vmem>>) semaphore(%arg13 : memref<!tpu.dma_semaphore, #tpu.memory_space<semaphore_mem>>)
      %dma_wait3A_258 = arith.constant 6 : i32
      %dma_wait3A_259 = arith.constant 0 : i32
      %dma_wait3A_260 = tpu.memref_slice %arg6[%dma_wait3A_258, %dma_wait3A_259] : memref<8x128xi32, #tpu.memory_space<vmem>> -> memref<1x128xi32, #tpu.memory_space<vmem>>
      %dma_wait3A_261 = tpu.memref_squeeze %dma_wait3A_260 : memref<1x128xi32, #tpu.memory_space<vmem>> -> memref<128xi32, #tpu.memory_space<vmem>>
      %dma_wait3A_262 = arith.constant 0 : i32
      %dma_wait3A_263 = arith.constant 0 : i32
      %dma_wait3A_264 = tpu.memref_slice %arg2[%dma_wait3A_262, %dma_wait3A_263] : memref<10000x128xf32, #tpu.memory_space<hbm>> -> memref<10000x128xf32, #tpu.memory_space<hbm>>
      tpu.wait_indirect_dma semaphore(%arg12 : memref<!tpu.dma_semaphore, #tpu.memory_space<semaphore_mem>>) src(%dma_wait3A_264 : memref<10000x128xf32, #tpu.memory_space<hbm>>) dst(%arg10 : memref<128x128xf32, #tpu.memory_space<vmem>>)
      %dma_start3A_265 = arith.constant 6 : i32
      %dma_start3A_266 = arith.constant 0 : i32
      %dma_start3A_267 = tpu.memref_slice %arg7[%dma_start3A_265, %dma_start3A_266] : memref<8x128xi32, #tpu.memory_space<vmem>> -> memref<1x128xi32, #tpu.memory_space<vmem>>
      %dma_start3A_268 = tpu.memref_squeeze %dma_start3A_267 : memref<1x128xi32, #tpu.memory_space<vmem>> -> memref<128xi32, #tpu.memory_space<vmem>>
      %dma_start3A_269 = arith.constant 0 : i32
      %dma_start3A_270 = arith.constant 0 : i32
      %dma_start3A_271 = tpu.memref_slice %arg18[%dma_start3A_269, %dma_start3A_270] : memref<10112x128xf32, #tpu.memory_space<vmem_shared>> -> memref<10112x128xf32, #tpu.memory_space<vmem_shared>>
      tpu.enqueue_indirect_dma source(%arg10 : memref<128x128xf32, #tpu.memory_space<vmem>>) target(%dma_start3A_271 : memref<10112x128xf32, #tpu.memory_space<vmem_shared>>) offsets(%dma_start3A_268 : memref<128xi32, #tpu.memory_space<vmem>>) semaphore(%arg14 : memref<!tpu.dma_semaphore, #tpu.memory_space<semaphore_mem>>) {add = true}
      %dma_wait3A_272 = arith.constant 0 : i32
      %dma_wait3A_273 = arith.constant 0 : i32
      %dma_wait3A_274 = tpu.memref_slice %arg3[%add3A, %dma_wait3A_272, %dma_wait3A_273] : memref<32x80x128xi32, #tpu.memory_space<hbm>> -> memref<1x8x128xi32, #tpu.memory_space<hbm>>
      %dma_wait3A_275 = tpu.memref_squeeze %dma_wait3A_274 : memref<1x8x128xi32, #tpu.memory_space<hbm>> -> memref<8x128xi32, #tpu.memory_space<hbm>>
      %dma_wait3A_276 = arith.constant 0 : i32
      %dma_wait3A_277 = arith.constant 0 : i32
      %dma_wait3A_278 = tpu.memref_slice %arg3[%add3A, %dma_wait3A_276, %dma_wait3A_277] : memref<32x80x128xi32, #tpu.memory_space<hbm>> -> memref<1x8x128xi32, #tpu.memory_space<hbm>>
      %dma_wait3A_279 = tpu.memref_squeeze %dma_wait3A_278 : memref<1x8x128xi32, #tpu.memory_space<hbm>> -> memref<8x128xi32, #tpu.memory_space<hbm>>
      tpu.wait_dma2 semaphore(%arg17 : memref<!tpu.dma_semaphore, #tpu.memory_space<semaphore_mem>>) src(%dma_wait3A_279 : memref<8x128xi32, #tpu.memory_space<hbm>>) dst(%arg8 : memref<8x128xi32, #tpu.memory_space<vmem>>)
      %dma_wait3A_280 = arith.constant 0 : i32
      %dma_wait3A_281 = arith.constant 0 : i32
      %dma_wait3A_282 = tpu.memref_slice %arg4[%add3A, %dma_wait3A_280, %dma_wait3A_281] : memref<32x80x128xi32, #tpu.memory_space<hbm>> -> memref<1x8x128xi32, #tpu.memory_space<hbm>>
      %dma_wait3A_283 = tpu.memref_squeeze %dma_wait3A_282 : memref<1x8x128xi32, #tpu.memory_space<hbm>> -> memref<8x128xi32, #tpu.memory_space<hbm>>
      %dma_wait3A_284 = arith.constant 0 : i32
      %dma_wait3A_285 = arith.constant 0 : i32
      %dma_wait3A_286 = tpu.memref_slice %arg4[%add3A, %dma_wait3A_284, %dma_wait3A_285] : memref<32x80x128xi32, #tpu.memory_space<hbm>> -> memref<1x8x128xi32, #tpu.memory_space<hbm>>
      %dma_wait3A_287 = tpu.memref_squeeze %dma_wait3A_286 : memref<1x8x128xi32, #tpu.memory_space<hbm>> -> memref<8x128xi32, #tpu.memory_space<hbm>>
      tpu.wait_dma2 semaphore(%arg17 : memref<!tpu.dma_semaphore, #tpu.memory_space<semaphore_mem>>) src(%dma_wait3A_287 : memref<8x128xi32, #tpu.memory_space<hbm>>) dst(%arg9 : memref<8x128xi32, #tpu.memory_space<vmem>>)
      %dma_wait3A_288 = arith.constant 6 : i32
      %dma_wait3A_289 = arith.constant 0 : i32
      %dma_wait3A_290 = tpu.memref_slice %arg7[%dma_wait3A_288, %dma_wait3A_289] : memref<8x128xi32, #tpu.memory_space<vmem>> -> memref<1x128xi32, #tpu.memory_space<vmem>>
      %dma_wait3A_291 = tpu.memref_squeeze %dma_wait3A_290 : memref<1x128xi32, #tpu.memory_space<vmem>> -> memref<128xi32, #tpu.memory_space<vmem>>
      %dma_wait3A_292 = arith.constant 0 : i32
      %dma_wait3A_293 = arith.constant 0 : i32
      %dma_wait3A_294 = tpu.memref_slice %arg18[%dma_wait3A_292, %dma_wait3A_293] : memref<10112x128xf32, #tpu.memory_space<vmem_shared>> -> memref<10112x128xf32, #tpu.memory_space<vmem_shared>>
      tpu.wait_indirect_dma semaphore(%arg14 : memref<!tpu.dma_semaphore, #tpu.memory_space<semaphore_mem>>) src(%arg10 : memref<128x128xf32, #tpu.memory_space<vmem>>) dst(%dma_wait3A_294 : memref<10112x128xf32, #tpu.memory_space<vmem_shared>>)
      %dma_start3A_295 = arith.constant 0 : i32
      %dma_start3A_296 = arith.constant 0 : i32
      %dma_start3A_297 = tpu.memref_slice %arg8[%dma_start3A_295, %dma_start3A_296] : memref<8x128xi32, #tpu.memory_space<vmem>> -> memref<1x128xi32, #tpu.memory_space<vmem>>
      %dma_start3A_298 = tpu.memref_squeeze %dma_start3A_297 : memref<1x128xi32, #tpu.memory_space<vmem>> -> memref<128xi32, #tpu.memory_space<vmem>>
      %dma_start3A_299 = arith.constant 0 : i32
      %dma_start3A_300 = arith.constant 0 : i32
      %dma_start3A_301 = tpu.memref_slice %arg2[%dma_start3A_299, %dma_start3A_300] : memref<10000x128xf32, #tpu.memory_space<hbm>> -> memref<10000x128xf32, #tpu.memory_space<hbm>>
      tpu.enqueue_indirect_dma source(%dma_start3A_301 : memref<10000x128xf32, #tpu.memory_space<hbm>>) target(%arg10 : memref<128x128xf32, #tpu.memory_space<vmem>>) offsets(%dma_start3A_298 : memref<128xi32, #tpu.memory_space<vmem>>) semaphore(%arg12 : memref<!tpu.dma_semaphore, #tpu.memory_space<semaphore_mem>>)
      %dma_wait3A_302 = arith.constant 7 : i32
      %dma_wait3A_303 = arith.constant 0 : i32
      %dma_wait3A_304 = tpu.memref_slice %arg6[%dma_wait3A_302, %dma_wait3A_303] : memref<8x128xi32, #tpu.memory_space<vmem>> -> memref<1x128xi32, #tpu.memory_space<vmem>>
      %dma_wait3A_305 = tpu.memref_squeeze %dma_wait3A_304 : memref<1x128xi32, #tpu.memory_space<vmem>> -> memref<128xi32, #tpu.memory_space<vmem>>
      %dma_wait3A_306 = arith.constant 0 : i32
      %dma_wait3A_307 = arith.constant 0 : i32
      %dma_wait3A_308 = tpu.memref_slice %arg2[%dma_wait3A_306, %dma_wait3A_307] : memref<10000x128xf32, #tpu.memory_space<hbm>> -> memref<10000x128xf32, #tpu.memory_space<hbm>>
      tpu.wait_indirect_dma semaphore(%arg13 : memref<!tpu.dma_semaphore, #tpu.memory_space<semaphore_mem>>) src(%dma_wait3A_308 : memref<10000x128xf32, #tpu.memory_space<hbm>>) dst(%arg11 : memref<128x128xf32, #tpu.memory_space<vmem>>)
      %dma_start3A_309 = arith.constant 7 : i32
      %dma_start3A_310 = arith.constant 0 : i32
      %dma_start3A_311 = tpu.memref_slice %arg7[%dma_start3A_309, %dma_start3A_310] : memref<8x128xi32, #tpu.memory_space<vmem>> -> memref<1x128xi32, #tpu.memory_space<vmem>>
      %dma_start3A_312 = tpu.memref_squeeze %dma_start3A_311 : memref<1x128xi32, #tpu.memory_space<vmem>> -> memref<128xi32, #tpu.memory_space<vmem>>
      %dma_start3A_313 = arith.constant 0 : i32
      %dma_start3A_314 = arith.constant 0 : i32
      %dma_start3A_315 = tpu.memref_slice %arg18[%dma_start3A_313, %dma_start3A_314] : memref<10112x128xf32, #tpu.memory_space<vmem_shared>> -> memref<10112x128xf32, #tpu.memory_space<vmem_shared>>
      tpu.enqueue_indirect_dma source(%arg11 : memref<128x128xf32, #tpu.memory_space<vmem>>) target(%dma_start3A_315 : memref<10112x128xf32, #tpu.memory_space<vmem_shared>>) offsets(%dma_start3A_312 : memref<128xi32, #tpu.memory_space<vmem>>) semaphore(%arg15 : memref<!tpu.dma_semaphore, #tpu.memory_space<semaphore_mem>>) {add = true}
      %dma_wait3A_316 = arith.constant 7 : i32
      %dma_wait3A_317 = arith.constant 0 : i32
      %dma_wait3A_318 = tpu.memref_slice %arg7[%dma_wait3A_316, %dma_wait3A_317] : memref<8x128xi32, #tpu.memory_space<vmem>> -> memref<1x128xi32, #tpu.memory_space<vmem>>
      %dma_wait3A_319 = tpu.memref_squeeze %dma_wait3A_318 : memref<1x128xi32, #tpu.memory_space<vmem>> -> memref<128xi32, #tpu.memory_space<vmem>>
      %dma_wait3A_320 = arith.constant 0 : i32
      %dma_wait3A_321 = arith.constant 0 : i32
      %dma_wait3A_322 = tpu.memref_slice %arg18[%dma_wait3A_320, %dma_wait3A_321] : memref<10112x128xf32, #tpu.memory_space<vmem_shared>> -> memref<10112x128xf32, #tpu.memory_space<vmem_shared>>
      tpu.wait_indirect_dma semaphore(%arg15 : memref<!tpu.dma_semaphore, #tpu.memory_space<semaphore_mem>>) src(%arg11 : memref<128x128xf32, #tpu.memory_space<vmem>>) dst(%dma_wait3A_322 : memref<10112x128xf32, #tpu.memory_space<vmem_shared>>)
      %dma_start3A_323 = arith.constant 1 : i32
      %dma_start3A_324 = arith.constant 0 : i32
      %dma_start3A_325 = tpu.memref_slice %arg8[%dma_start3A_323, %dma_start3A_324] : memref<8x128xi32, #tpu.memory_space<vmem>> -> memref<1x128xi32, #tpu.memory_space<vmem>>
      %dma_start3A_326 = tpu.memref_squeeze %dma_start3A_325 : memref<1x128xi32, #tpu.memory_space<vmem>> -> memref<128xi32, #tpu.memory_space<vmem>>
      %dma_start3A_327 = arith.constant 0 : i32
      %dma_start3A_328 = arith.constant 0 : i32
      %dma_start3A_329 = tpu.memref_slice %arg2[%dma_start3A_327, %dma_start3A_328] : memref<10000x128xf32, #tpu.memory_space<hbm>> -> memref<10000x128xf32, #tpu.memory_space<hbm>>
      tpu.enqueue_indirect_dma source(%dma_start3A_329 : memref<10000x128xf32, #tpu.memory_space<hbm>>) target(%arg11 : memref<128x128xf32, #tpu.memory_space<vmem>>) offsets(%dma_start3A_326 : memref<128xi32, #tpu.memory_space<vmem>>) semaphore(%arg13 : memref<!tpu.dma_semaphore, #tpu.memory_space<semaphore_mem>>)
      %dma_wait3A_330 = arith.constant 0 : i32
      %dma_wait3A_331 = arith.constant 0 : i32
      %dma_wait3A_332 = tpu.memref_slice %arg8[%dma_wait3A_330, %dma_wait3A_331] : memref<8x128xi32, #tpu.memory_space<vmem>> -> memref<1x128xi32, #tpu.memory_space<vmem>>
      %dma_wait3A_333 = tpu.memref_squeeze %dma_wait3A_332 : memref<1x128xi32, #tpu.memory_space<vmem>> -> memref<128xi32, #tpu.memory_space<vmem>>
      %dma_wait3A_334 = arith.constant 0 : i32
      %dma_wait3A_335 = arith.constant 0 : i32
      %dma_wait3A_336 = tpu.memref_slice %arg2[%dma_wait3A_334, %dma_wait3A_335] : memref<10000x128xf32, #tpu.memory_space<hbm>> -> memref<10000x128xf32, #tpu.memory_space<hbm>>
      tpu.wait_indirect_dma semaphore(%arg12 : memref<!tpu.dma_semaphore, #tpu.memory_space<semaphore_mem>>) src(%dma_wait3A_336 : memref<10000x128xf32, #tpu.memory_space<hbm>>) dst(%arg10 : memref<128x128xf32, #tpu.memory_space<vmem>>)
      %dma_start3A_337 = arith.constant 0 : i32
      %dma_start3A_338 = arith.constant 0 : i32
      %dma_start3A_339 = tpu.memref_slice %arg9[%dma_start3A_337, %dma_start3A_338] : memref<8x128xi32, #tpu.memory_space<vmem>> -> memref<1x128xi32, #tpu.memory_space<vmem>>
      %dma_start3A_340 = tpu.memref_squeeze %dma_start3A_339 : memref<1x128xi32, #tpu.memory_space<vmem>> -> memref<128xi32, #tpu.memory_space<vmem>>
      %dma_start3A_341 = arith.constant 0 : i32
      %dma_start3A_342 = arith.constant 0 : i32
      %dma_start3A_343 = tpu.memref_slice %arg18[%dma_start3A_341, %dma_start3A_342] : memref<10112x128xf32, #tpu.memory_space<vmem_shared>> -> memref<10112x128xf32, #tpu.memory_space<vmem_shared>>
      tpu.enqueue_indirect_dma source(%arg10 : memref<128x128xf32, #tpu.memory_space<vmem>>) target(%dma_start3A_343 : memref<10112x128xf32, #tpu.memory_space<vmem_shared>>) offsets(%dma_start3A_340 : memref<128xi32, #tpu.memory_space<vmem>>) semaphore(%arg14 : memref<!tpu.dma_semaphore, #tpu.memory_space<semaphore_mem>>) {add = true}
      %dma_wait3A_344 = arith.constant 0 : i32
      %dma_wait3A_345 = arith.constant 0 : i32
      %dma_wait3A_346 = tpu.memref_slice %arg9[%dma_wait3A_344, %dma_wait3A_345] : memref<8x128xi32, #tpu.memory_space<vmem>> -> memref<1x128xi32, #tpu.memory_space<vmem>>
      %dma_wait3A_347 = tpu.memref_squeeze %dma_wait3A_346 : memref<1x128xi32, #tpu.memory_space<vmem>> -> memref<128xi32, #tpu.memory_space<vmem>>
      %dma_wait3A_348 = arith.constant 0 : i32
      %dma_wait3A_349 = arith.constant 0 : i32
      %dma_wait3A_350 = tpu.memref_slice %arg18[%dma_wait3A_348, %dma_wait3A_349] : memref<10112x128xf32, #tpu.memory_space<vmem_shared>> -> memref<10112x128xf32, #tpu.memory_space<vmem_shared>>
      tpu.wait_indirect_dma semaphore(%arg14 : memref<!tpu.dma_semaphore, #tpu.memory_space<semaphore_mem>>) src(%arg10 : memref<128x128xf32, #tpu.memory_space<vmem>>) dst(%dma_wait3A_350 : memref<10112x128xf32, #tpu.memory_space<vmem_shared>>)
      %dma_start3A_351 = arith.constant 2 : i32
      %dma_start3A_352 = arith.constant 0 : i32
      %dma_start3A_353 = tpu.memref_slice %arg8[%dma_start3A_351, %dma_start3A_352] : memref<8x128xi32, #tpu.memory_space<vmem>> -> memref<1x128xi32, #tpu.memory_space<vmem>>
      %dma_start3A_354 = tpu.memref_squeeze %dma_start3A_353 : memref<1x128xi32, #tpu.memory_space<vmem>> -> memref<128xi32, #tpu.memory_space<vmem>>
      %dma_start3A_355 = arith.constant 0 : i32
      %dma_start3A_356 = arith.constant 0 : i32
      %dma_start3A_357 = tpu.memref_slice %arg2[%dma_start3A_355, %dma_start3A_356] : memref<10000x128xf32, #tpu.memory_space<hbm>> -> memref<10000x128xf32, #tpu.memory_space<hbm>>
      tpu.enqueue_indirect_dma source(%dma_start3A_357 : memref<10000x128xf32, #tpu.memory_space<hbm>>) target(%arg10 : memref<128x128xf32, #tpu.memory_space<vmem>>) offsets(%dma_start3A_354 : memref<128xi32, #tpu.memory_space<vmem>>) semaphore(%arg12 : memref<!tpu.dma_semaphore, #tpu.memory_space<semaphore_mem>>)
      %dma_wait3A_358 = arith.constant 1 : i32
      %dma_wait3A_359 = arith.constant 0 : i32
      %dma_wait3A_360 = tpu.memref_slice %arg8[%dma_wait3A_358, %dma_wait3A_359] : memref<8x128xi32, #tpu.memory_space<vmem>> -> memref<1x128xi32, #tpu.memory_space<vmem>>
      %dma_wait3A_361 = tpu.memref_squeeze %dma_wait3A_360 : memref<1x128xi32, #tpu.memory_space<vmem>> -> memref<128xi32, #tpu.memory_space<vmem>>
      %dma_wait3A_362 = arith.constant 0 : i32
      %dma_wait3A_363 = arith.constant 0 : i32
      %dma_wait3A_364 = tpu.memref_slice %arg2[%dma_wait3A_362, %dma_wait3A_363] : memref<10000x128xf32, #tpu.memory_space<hbm>> -> memref<10000x128xf32, #tpu.memory_space<hbm>>
      tpu.wait_indirect_dma semaphore(%arg13 : memref<!tpu.dma_semaphore, #tpu.memory_space<semaphore_mem>>) src(%dma_wait3A_364 : memref<10000x128xf32, #tpu.memory_space<hbm>>) dst(%arg11 : memref<128x128xf32, #tpu.memory_space<vmem>>)
      %dma_start3A_365 = arith.constant 1 : i32
      %dma_start3A_366 = arith.constant 0 : i32
      %dma_start3A_367 = tpu.memref_slice %arg9[%dma_start3A_365, %dma_start3A_366] : memref<8x128xi32, #tpu.memory_space<vmem>> -> memref<1x128xi32, #tpu.memory_space<vmem>>
      %dma_start3A_368 = tpu.memref_squeeze %dma_start3A_367 : memref<1x128xi32, #tpu.memory_space<vmem>> -> memref<128xi32, #tpu.memory_space<vmem>>
      %dma_start3A_369 = arith.constant 0 : i32
      %dma_start3A_370 = arith.constant 0 : i32
      %dma_start3A_371 = tpu.memref_slice %arg18[%dma_start3A_369, %dma_start3A_370] : memref<10112x128xf32, #tpu.memory_space<vmem_shared>> -> memref<10112x128xf32, #tpu.memory_space<vmem_shared>>
      tpu.enqueue_indirect_dma source(%arg11 : memref<128x128xf32, #tpu.memory_space<vmem>>) target(%dma_start3A_371 : memref<10112x128xf32, #tpu.memory_space<vmem_shared>>) offsets(%dma_start3A_368 : memref<128xi32, #tpu.memory_space<vmem>>) semaphore(%arg15 : memref<!tpu.dma_semaphore, #tpu.memory_space<semaphore_mem>>) {add = true}
      %lt3A = arith.constant 4 : i32
      %lt3A_372 = arith.cmpi slt, %scan3A_58, %lt3A : i32
      %convert_element_type3A_373 = arith.extui %lt3A_372 : i1 to i32
      %cond3A_374 = arith.constant 0 : i32
      %cond3A_375 = arith.cmpi ne, %convert_element_type3A_373, %cond3A_374 : i32
      scf.if %cond3A_375 {
        %mul3A_544 = arith.constant 2 : i32
        %mul3A_545 = arith.muli %mul3A_544, %scan3A_58 : i32
        %add3A_546 = arith.constant 2 : i32
        %add3A_547 = arith.addi %mul3A_545, %add3A_546 : i32
        %mul3A_548 = arith.constant 8 : i32
        %mul3A_549 = arith.muli %add3A_547, %mul3A_548 : i32
        %dma_start3A_550 = arith.constant 0 : i32
        %dma_start3A_551 = tpu.memref_slice %arg3[%add3A, %mul3A_549, %dma_start3A_550] : memref<32x80x128xi32, #tpu.memory_space<hbm>> -> memref<1x8x128xi32, #tpu.memory_space<hbm>>
        %dma_start3A_552 = tpu.memref_squeeze %dma_start3A_551 : memref<1x8x128xi32, #tpu.memory_space<hbm>> -> memref<8x128xi32, #tpu.memory_space<hbm>>
        %dma_start3A_553 = arith.constant 0 : i32
        %dma_start3A_554 = tpu.memref_slice %arg3[%add3A, %mul3A_549, %dma_start3A_553] : memref<32x80x128xi32, #tpu.memory_space<hbm>> -> memref<1x8x128xi32, #tpu.memory_space<hbm>>
        %dma_start3A_555 = tpu.memref_squeeze %dma_start3A_554 : memref<1x8x128xi32, #tpu.memory_space<hbm>> -> memref<8x128xi32, #tpu.memory_space<hbm>>
        tpu.enqueue_dma source(%dma_start3A_555 : memref<8x128xi32, #tpu.memory_space<hbm>>) target(%arg6 : memref<8x128xi32, #tpu.memory_space<vmem>>) target_semaphore(%arg16 : memref<!tpu.dma_semaphore, #tpu.memory_space<semaphore_mem>>)
        %mul3A_556 = arith.constant 8 : i32
        %mul3A_557 = arith.muli %add3A_547, %mul3A_556 : i32
        %dma_start3A_558 = arith.constant 0 : i32
        %dma_start3A_559 = tpu.memref_slice %arg4[%add3A, %mul3A_557, %dma_start3A_558] : memref<32x80x128xi32, #tpu.memory_space<hbm>> -> memref<1x8x128xi32, #tpu.memory_space<hbm>>
        %dma_start3A_560 = tpu.memref_squeeze %dma_start3A_559 : memref<1x8x128xi32, #tpu.memory_space<hbm>> -> memref<8x128xi32, #tpu.memory_space<hbm>>
        %dma_start3A_561 = arith.constant 0 : i32
        %dma_start3A_562 = tpu.memref_slice %arg4[%add3A, %mul3A_557, %dma_start3A_561] : memref<32x80x128xi32, #tpu.memory_space<hbm>> -> memref<1x8x128xi32, #tpu.memory_space<hbm>>
        %dma_start3A_563 = tpu.memref_squeeze %dma_start3A_562 : memref<1x8x128xi32, #tpu.memory_space<hbm>> -> memref<8x128xi32, #tpu.memory_space<hbm>>
        tpu.enqueue_dma source(%dma_start3A_563 : memref<8x128xi32, #tpu.memory_space<hbm>>) target(%arg7 : memref<8x128xi32, #tpu.memory_space<vmem>>) target_semaphore(%arg16 : memref<!tpu.dma_semaphore, #tpu.memory_space<semaphore_mem>>)
      } else {
      }
      %dma_wait3A_376 = arith.constant 1 : i32
      %dma_wait3A_377 = arith.constant 0 : i32
      %dma_wait3A_378 = tpu.memref_slice %arg9[%dma_wait3A_376, %dma_wait3A_377] : memref<8x128xi32, #tpu.memory_space<vmem>> -> memref<1x128xi32, #tpu.memory_space<vmem>>
      %dma_wait3A_379 = tpu.memref_squeeze %dma_wait3A_378 : memref<1x128xi32, #tpu.memory_space<vmem>> -> memref<128xi32, #tpu.memory_space<vmem>>
      %dma_wait3A_380 = arith.constant 0 : i32
      %dma_wait3A_381 = arith.constant 0 : i32
      %dma_wait3A_382 = tpu.memref_slice %arg18[%dma_wait3A_380, %dma_wait3A_381] : memref<10112x128xf32, #tpu.memory_space<vmem_shared>> -> memref<10112x128xf32, #tpu.memory_space<vmem_shared>>
      tpu.wait_indirect_dma semaphore(%arg15 : memref<!tpu.dma_semaphore, #tpu.memory_space<semaphore_mem>>) src(%arg11 : memref<128x128xf32, #tpu.memory_space<vmem>>) dst(%dma_wait3A_382 : memref<10112x128xf32, #tpu.memory_space<vmem_shared>>)
      %dma_start3A_383 = arith.constant 3 : i32
      %dma_start3A_384 = arith.constant 0 : i32
      %dma_start3A_385 = tpu.memref_slice %arg8[%dma_start3A_383, %dma_start3A_384] : memref<8x128xi32, #tpu.memory_space<vmem>> -> memref<1x128xi32, #tpu.memory_space<vmem>>
      %dma_start3A_386 = tpu.memref_squeeze %dma_start3A_385 : memref<1x128xi32, #tpu.memory_space<vmem>> -> memref<128xi32, #tpu.memory_space<vmem>>
      %dma_start3A_387 = arith.constant 0 : i32
      %dma_start3A_388 = arith.constant 0 : i32
      %dma_start3A_389 = tpu.memref_slice %arg2[%dma_start3A_387, %dma_start3A_388] : memref<10000x128xf32, #tpu.memory_space<hbm>> -> memref<10000x128xf32, #tpu.memory_space<hbm>>
      tpu.enqueue_indirect_dma source(%dma_start3A_389 : memref<10000x128xf32, #tpu.memory_space<hbm>>) target(%arg11 : memref<128x128xf32, #tpu.memory_space<vmem>>) offsets(%dma_start3A_386 : memref<128xi32, #tpu.memory_space<vmem>>) semaphore(%arg13 : memref<!tpu.dma_semaphore, #tpu.memory_space<semaphore_mem>>)
      %dma_wait3A_390 = arith.constant 2 : i32
      %dma_wait3A_391 = arith.constant 0 : i32
      %dma_wait3A_392 = tpu.memref_slice %arg8[%dma_wait3A_390, %dma_wait3A_391] : memref<8x128xi32, #tpu.memory_space<vmem>> -> memref<1x128xi32, #tpu.memory_space<vmem>>
      %dma_wait3A_393 = tpu.memref_squeeze %dma_wait3A_392 : memref<1x128xi32, #tpu.memory_space<vmem>> -> memref<128xi32, #tpu.memory_space<vmem>>
      %dma_wait3A_394 = arith.constant 0 : i32
      %dma_wait3A_395 = arith.constant 0 : i32
      %dma_wait3A_396 = tpu.memref_slice %arg2[%dma_wait3A_394, %dma_wait3A_395] : memref<10000x128xf32, #tpu.memory_space<hbm>> -> memref<10000x128xf32, #tpu.memory_space<hbm>>
      tpu.wait_indirect_dma semaphore(%arg12 : memref<!tpu.dma_semaphore, #tpu.memory_space<semaphore_mem>>) src(%dma_wait3A_396 : memref<10000x128xf32, #tpu.memory_space<hbm>>) dst(%arg10 : memref<128x128xf32, #tpu.memory_space<vmem>>)
      %dma_start3A_397 = arith.constant 2 : i32
      %dma_start3A_398 = arith.constant 0 : i32
      %dma_start3A_399 = tpu.memref_slice %arg9[%dma_start3A_397, %dma_start3A_398] : memref<8x128xi32, #tpu.memory_space<vmem>> -> memref<1x128xi32, #tpu.memory_space<vmem>>
      %dma_start3A_400 = tpu.memref_squeeze %dma_start3A_399 : memref<1x128xi32, #tpu.memory_space<vmem>> -> memref<128xi32, #tpu.memory_space<vmem>>
      %dma_start3A_401 = arith.constant 0 : i32
      %dma_start3A_402 = arith.constant 0 : i32
      %dma_start3A_403 = tpu.memref_slice %arg18[%dma_start3A_401, %dma_start3A_402] : memref<10112x128xf32, #tpu.memory_space<vmem_shared>> -> memref<10112x128xf32, #tpu.memory_space<vmem_shared>>
      tpu.enqueue_indirect_dma source(%arg10 : memref<128x128xf32, #tpu.memory_space<vmem>>) target(%dma_start3A_403 : memref<10112x128xf32, #tpu.memory_space<vmem_shared>>) offsets(%dma_start3A_400 : memref<128xi32, #tpu.memory_space<vmem>>) semaphore(%arg14 : memref<!tpu.dma_semaphore, #tpu.memory_space<semaphore_mem>>) {add = true}
      %dma_wait3A_404 = arith.constant 2 : i32
      %dma_wait3A_405 = arith.constant 0 : i32
      %dma_wait3A_406 = tpu.memref_slice %arg9[%dma_wait3A_404, %dma_wait3A_405] : memref<8x128xi32, #tpu.memory_space<vmem>> -> memref<1x128xi32, #tpu.memory_space<vmem>>
      %dma_wait3A_407 = tpu.memref_squeeze %dma_wait3A_406 : memref<1x128xi32, #tpu.memory_space<vmem>> -> memref<128xi32, #tpu.memory_space<vmem>>
      %dma_wait3A_408 = arith.constant 0 : i32
      %dma_wait3A_409 = arith.constant 0 : i32
      %dma_wait3A_410 = tpu.memref_slice %arg18[%dma_wait3A_408, %dma_wait3A_409] : memref<10112x128xf32, #tpu.memory_space<vmem_shared>> -> memref<10112x128xf32, #tpu.memory_space<vmem_shared>>
      tpu.wait_indirect_dma semaphore(%arg14 : memref<!tpu.dma_semaphore, #tpu.memory_space<semaphore_mem>>) src(%arg10 : memref<128x128xf32, #tpu.memory_space<vmem>>) dst(%dma_wait3A_410 : memref<10112x128xf32, #tpu.memory_space<vmem_shared>>)
      %dma_start3A_411 = arith.constant 4 : i32
      %dma_start3A_412 = arith.constant 0 : i32
      %dma_start3A_413 = tpu.memref_slice %arg8[%dma_start3A_411, %dma_start3A_412] : memref<8x128xi32, #tpu.memory_space<vmem>> -> memref<1x128xi32, #tpu.memory_space<vmem>>
      %dma_start3A_414 = tpu.memref_squeeze %dma_start3A_413 : memref<1x128xi32, #tpu.memory_space<vmem>> -> memref<128xi32, #tpu.memory_space<vmem>>
      %dma_start3A_415 = arith.constant 0 : i32
      %dma_start3A_416 = arith.constant 0 : i32
      %dma_start3A_417 = tpu.memref_slice %arg2[%dma_start3A_415, %dma_start3A_416] : memref<10000x128xf32, #tpu.memory_space<hbm>> -> memref<10000x128xf32, #tpu.memory_space<hbm>>
      tpu.enqueue_indirect_dma source(%dma_start3A_417 : memref<10000x128xf32, #tpu.memory_space<hbm>>) target(%arg10 : memref<128x128xf32, #tpu.memory_space<vmem>>) offsets(%dma_start3A_414 : memref<128xi32, #tpu.memory_space<vmem>>) semaphore(%arg12 : memref<!tpu.dma_semaphore, #tpu.memory_space<semaphore_mem>>)
      %dma_wait3A_418 = arith.constant 3 : i32
      %dma_wait3A_419 = arith.constant 0 : i32
      %dma_wait3A_420 = tpu.memref_slice %arg8[%dma_wait3A_418, %dma_wait3A_419] : memref<8x128xi32, #tpu.memory_space<vmem>> -> memref<1x128xi32, #tpu.memory_space<vmem>>
      %dma_wait3A_421 = tpu.memref_squeeze %dma_wait3A_420 : memref<1x128xi32, #tpu.memory_space<vmem>> -> memref<128xi32, #tpu.memory_space<vmem>>
      %dma_wait3A_422 = arith.constant 0 : i32
      %dma_wait3A_423 = arith.constant 0 : i32
      %dma_wait3A_424 = tpu.memref_slice %arg2[%dma_wait3A_422, %dma_wait3A_423] : memref<10000x128xf32, #tpu.memory_space<hbm>> -> memref<10000x128xf32, #tpu.memory_space<hbm>>
      tpu.wait_indirect_dma semaphore(%arg13 : memref<!tpu.dma_semaphore, #tpu.memory_space<semaphore_mem>>) src(%dma_wait3A_424 : memref<10000x128xf32, #tpu.memory_space<hbm>>) dst(%arg11 : memref<128x128xf32, #tpu.memory_space<vmem>>)
      %dma_start3A_425 = arith.constant 3 : i32
      %dma_start3A_426 = arith.constant 0 : i32
      %dma_start3A_427 = tpu.memref_slice %arg9[%dma_start3A_425, %dma_start3A_426] : memref<8x128xi32, #tpu.memory_space<vmem>> -> memref<1x128xi32, #tpu.memory_space<vmem>>
      %dma_start3A_428 = tpu.memref_squeeze %dma_start3A_427 : memref<1x128xi32, #tpu.memory_space<vmem>> -> memref<128xi32, #tpu.memory_space<vmem>>
      %dma_start3A_429 = arith.constant 0 : i32
      %dma_start3A_430 = arith.constant 0 : i32
      %dma_start3A_431 = tpu.memref_slice %arg18[%dma_start3A_429, %dma_start3A_430] : memref<10112x128xf32, #tpu.memory_space<vmem_shared>> -> memref<10112x128xf32, #tpu.memory_space<vmem_shared>>
      tpu.enqueue_indirect_dma source(%arg11 : memref<128x128xf32, #tpu.memory_space<vmem>>) target(%dma_start3A_431 : memref<10112x128xf32, #tpu.memory_space<vmem_shared>>) offsets(%dma_start3A_428 : memref<128xi32, #tpu.memory_space<vmem>>) semaphore(%arg15 : memref<!tpu.dma_semaphore, #tpu.memory_space<semaphore_mem>>) {add = true}
      %dma_wait3A_432 = arith.constant 3 : i32
      %dma_wait3A_433 = arith.constant 0 : i32
      %dma_wait3A_434 = tpu.memref_slice %arg9[%dma_wait3A_432, %dma_wait3A_433] : memref<8x128xi32, #tpu.memory_space<vmem>> -> memref<1x128xi32, #tpu.memory_space<vmem>>
      %dma_wait3A_435 = tpu.memref_squeeze %dma_wait3A_434 : memref<1x128xi32, #tpu.memory_space<vmem>> -> memref<128xi32, #tpu.memory_space<vmem>>
      %dma_wait3A_436 = arith.constant 0 : i32
      %dma_wait3A_437 = arith.constant 0 : i32
      %dma_wait3A_438 = tpu.memref_slice %arg18[%dma_wait3A_436, %dma_wait3A_437] : memref<10112x128xf32, #tpu.memory_space<vmem_shared>> -> memref<10112x128xf32, #tpu.memory_space<vmem_shared>>
      tpu.wait_indirect_dma semaphore(%arg15 : memref<!tpu.dma_semaphore, #tpu.memory_space<semaphore_mem>>) src(%arg11 : memref<128x128xf32, #tpu.memory_space<vmem>>) dst(%dma_wait3A_438 : memref<10112x128xf32, #tpu.memory_space<vmem_shared>>)
      %dma_start3A_439 = arith.constant 5 : i32
      %dma_start3A_440 = arith.constant 0 : i32
      %dma_start3A_441 = tpu.memref_slice %arg8[%dma_start3A_439, %dma_start3A_440] : memref<8x128xi32, #tpu.memory_space<vmem>> -> memref<1x128xi32, #tpu.memory_space<vmem>>
      %dma_start3A_442 = tpu.memref_squeeze %dma_start3A_441 : memref<1x128xi32, #tpu.memory_space<vmem>> -> memref<128xi32, #tpu.memory_space<vmem>>
      %dma_start3A_443 = arith.constant 0 : i32
      %dma_start3A_444 = arith.constant 0 : i32
      %dma_start3A_445 = tpu.memref_slice %arg2[%dma_start3A_443, %dma_start3A_444] : memref<10000x128xf32, #tpu.memory_space<hbm>> -> memref<10000x128xf32, #tpu.memory_space<hbm>>
      tpu.enqueue_indirect_dma source(%dma_start3A_445 : memref<10000x128xf32, #tpu.memory_space<hbm>>) target(%arg11 : memref<128x128xf32, #tpu.memory_space<vmem>>) offsets(%dma_start3A_442 : memref<128xi32, #tpu.memory_space<vmem>>) semaphore(%arg13 : memref<!tpu.dma_semaphore, #tpu.memory_space<semaphore_mem>>)
      %dma_wait3A_446 = arith.constant 4 : i32
      %dma_wait3A_447 = arith.constant 0 : i32
      %dma_wait3A_448 = tpu.memref_slice %arg8[%dma_wait3A_446, %dma_wait3A_447] : memref<8x128xi32, #tpu.memory_space<vmem>> -> memref<1x128xi32, #tpu.memory_space<vmem>>
      %dma_wait3A_449 = tpu.memref_squeeze %dma_wait3A_448 : memref<1x128xi32, #tpu.memory_space<vmem>> -> memref<128xi32, #tpu.memory_space<vmem>>
      %dma_wait3A_450 = arith.constant 0 : i32
      %dma_wait3A_451 = arith.constant 0 : i32
      %dma_wait3A_452 = tpu.memref_slice %arg2[%dma_wait3A_450, %dma_wait3A_451] : memref<10000x128xf32, #tpu.memory_space<hbm>> -> memref<10000x128xf32, #tpu.memory_space<hbm>>
      tpu.wait_indirect_dma semaphore(%arg12 : memref<!tpu.dma_semaphore, #tpu.memory_space<semaphore_mem>>) src(%dma_wait3A_452 : memref<10000x128xf32, #tpu.memory_space<hbm>>) dst(%arg10 : memref<128x128xf32, #tpu.memory_space<vmem>>)
      %dma_start3A_453 = arith.constant 4 : i32
      %dma_start3A_454 = arith.constant 0 : i32
      %dma_start3A_455 = tpu.memref_slice %arg9[%dma_start3A_453, %dma_start3A_454] : memref<8x128xi32, #tpu.memory_space<vmem>> -> memref<1x128xi32, #tpu.memory_space<vmem>>
      %dma_start3A_456 = tpu.memref_squeeze %dma_start3A_455 : memref<1x128xi32, #tpu.memory_space<vmem>> -> memref<128xi32, #tpu.memory_space<vmem>>
      %dma_start3A_457 = arith.constant 0 : i32
      %dma_start3A_458 = arith.constant 0 : i32
      %dma_start3A_459 = tpu.memref_slice %arg18[%dma_start3A_457, %dma_start3A_458] : memref<10112x128xf32, #tpu.memory_space<vmem_shared>> -> memref<10112x128xf32, #tpu.memory_space<vmem_shared>>
      tpu.enqueue_indirect_dma source(%arg10 : memref<128x128xf32, #tpu.memory_space<vmem>>) target(%dma_start3A_459 : memref<10112x128xf32, #tpu.memory_space<vmem_shared>>) offsets(%dma_start3A_456 : memref<128xi32, #tpu.memory_space<vmem>>) semaphore(%arg14 : memref<!tpu.dma_semaphore, #tpu.memory_space<semaphore_mem>>) {add = true}
      %dma_wait3A_460 = arith.constant 4 : i32
      %dma_wait3A_461 = arith.constant 0 : i32
      %dma_wait3A_462 = tpu.memref_slice %arg9[%dma_wait3A_460, %dma_wait3A_461] : memref<8x128xi32, #tpu.memory_space<vmem>> -> memref<1x128xi32, #tpu.memory_space<vmem>>
      %dma_wait3A_463 = tpu.memref_squeeze %dma_wait3A_462 : memref<1x128xi32, #tpu.memory_space<vmem>> -> memref<128xi32, #tpu.memory_space<vmem>>
      %dma_wait3A_464 = arith.constant 0 : i32
      %dma_wait3A_465 = arith.constant 0 : i32
      %dma_wait3A_466 = tpu.memref_slice %arg18[%dma_wait3A_464, %dma_wait3A_465] : memref<10112x128xf32, #tpu.memory_space<vmem_shared>> -> memref<10112x128xf32, #tpu.memory_space<vmem_shared>>
      tpu.wait_indirect_dma semaphore(%arg14 : memref<!tpu.dma_semaphore, #tpu.memory_space<semaphore_mem>>) src(%arg10 : memref<128x128xf32, #tpu.memory_space<vmem>>) dst(%dma_wait3A_466 : memref<10112x128xf32, #tpu.memory_space<vmem_shared>>)
      %dma_start3A_467 = arith.constant 6 : i32
      %dma_start3A_468 = arith.constant 0 : i32
      %dma_start3A_469 = tpu.memref_slice %arg8[%dma_start3A_467, %dma_start3A_468] : memref<8x128xi32, #tpu.memory_space<vmem>> -> memref<1x128xi32, #tpu.memory_space<vmem>>
      %dma_start3A_470 = tpu.memref_squeeze %dma_start3A_469 : memref<1x128xi32, #tpu.memory_space<vmem>> -> memref<128xi32, #tpu.memory_space<vmem>>
      %dma_start3A_471 = arith.constant 0 : i32
      %dma_start3A_472 = arith.constant 0 : i32
      %dma_start3A_473 = tpu.memref_slice %arg2[%dma_start3A_471, %dma_start3A_472] : memref<10000x128xf32, #tpu.memory_space<hbm>> -> memref<10000x128xf32, #tpu.memory_space<hbm>>
      tpu.enqueue_indirect_dma source(%dma_start3A_473 : memref<10000x128xf32, #tpu.memory_space<hbm>>) target(%arg10 : memref<128x128xf32, #tpu.memory_space<vmem>>) offsets(%dma_start3A_470 : memref<128xi32, #tpu.memory_space<vmem>>) semaphore(%arg12 : memref<!tpu.dma_semaphore, #tpu.memory_space<semaphore_mem>>)
      %dma_wait3A_474 = arith.constant 5 : i32
      %dma_wait3A_475 = arith.constant 0 : i32
      %dma_wait3A_476 = tpu.memref_slice %arg8[%dma_wait3A_474, %dma_wait3A_475] : memref<8x128xi32, #tpu.memory_space<vmem>> -> memref<1x128xi32, #tpu.memory_space<vmem>>
      %dma_wait3A_477 = tpu.memref_squeeze %dma_wait3A_476 : memref<1x128xi32, #tpu.memory_space<vmem>> -> memref<128xi32, #tpu.memory_space<vmem>>
      %dma_wait3A_478 = arith.constant 0 : i32
      %dma_wait3A_479 = arith.constant 0 : i32
      %dma_wait3A_480 = tpu.memref_slice %arg2[%dma_wait3A_478, %dma_wait3A_479] : memref<10000x128xf32, #tpu.memory_space<hbm>> -> memref<10000x128xf32, #tpu.memory_space<hbm>>
      tpu.wait_indirect_dma semaphore(%arg13 : memref<!tpu.dma_semaphore, #tpu.memory_space<semaphore_mem>>) src(%dma_wait3A_480 : memref<10000x128xf32, #tpu.memory_space<hbm>>) dst(%arg11 : memref<128x128xf32, #tpu.memory_space<vmem>>)
      %dma_start3A_481 = arith.constant 5 : i32
      %dma_start3A_482 = arith.constant 0 : i32
      %dma_start3A_483 = tpu.memref_slice %arg9[%dma_start3A_481, %dma_start3A_482] : memref<8x128xi32, #tpu.memory_space<vmem>> -> memref<1x128xi32, #tpu.memory_space<vmem>>
      %dma_start3A_484 = tpu.memref_squeeze %dma_start3A_483 : memref<1x128xi32, #tpu.memory_space<vmem>> -> memref<128xi32, #tpu.memory_space<vmem>>
      %dma_start3A_485 = arith.constant 0 : i32
      %dma_start3A_486 = arith.constant 0 : i32
      %dma_start3A_487 = tpu.memref_slice %arg18[%dma_start3A_485, %dma_start3A_486] : memref<10112x128xf32, #tpu.memory_space<vmem_shared>> -> memref<10112x128xf32, #tpu.memory_space<vmem_shared>>
      tpu.enqueue_indirect_dma source(%arg11 : memref<128x128xf32, #tpu.memory_space<vmem>>) target(%dma_start3A_487 : memref<10112x128xf32, #tpu.memory_space<vmem_shared>>) offsets(%dma_start3A_484 : memref<128xi32, #tpu.memory_space<vmem>>) semaphore(%arg15 : memref<!tpu.dma_semaphore, #tpu.memory_space<semaphore_mem>>) {add = true}
      %dma_wait3A_488 = arith.constant 5 : i32
      %dma_wait3A_489 = arith.constant 0 : i32
      %dma_wait3A_490 = tpu.memref_slice %arg9[%dma_wait3A_488, %dma_wait3A_489] : memref<8x128xi32, #tpu.memory_space<vmem>> -> memref<1x128xi32, #tpu.memory_space<vmem>>
      %dma_wait3A_491 = tpu.memref_squeeze %dma_wait3A_490 : memref<1x128xi32, #tpu.memory_space<vmem>> -> memref<128xi32, #tpu.memory_space<vmem>>
      %dma_wait3A_492 = arith.constant 0 : i32
      %dma_wait3A_493 = arith.constant 0 : i32
      %dma_wait3A_494 = tpu.memref_slice %arg18[%dma_wait3A_492, %dma_wait3A_493] : memref<10112x128xf32, #tpu.memory_space<vmem_shared>> -> memref<10112x128xf32, #tpu.memory_space<vmem_shared>>
      tpu.wait_indirect_dma semaphore(%arg15 : memref<!tpu.dma_semaphore, #tpu.memory_space<semaphore_mem>>) src(%arg11 : memref<128x128xf32, #tpu.memory_space<vmem>>) dst(%dma_wait3A_494 : memref<10112x128xf32, #tpu.memory_space<vmem_shared>>)
      %dma_start3A_495 = arith.constant 7 : i32
      %dma_start3A_496 = arith.constant 0 : i32
      %dma_start3A_497 = tpu.memref_slice %arg8[%dma_start3A_495, %dma_start3A_496] : memref<8x128xi32, #tpu.memory_space<vmem>> -> memref<1x128xi32, #tpu.memory_space<vmem>>
      %dma_start3A_498 = tpu.memref_squeeze %dma_start3A_497 : memref<1x128xi32, #tpu.memory_space<vmem>> -> memref<128xi32, #tpu.memory_space<vmem>>
      %dma_start3A_499 = arith.constant 0 : i32
      %dma_start3A_500 = arith.constant 0 : i32
      %dma_start3A_501 = tpu.memref_slice %arg2[%dma_start3A_499, %dma_start3A_500] : memref<10000x128xf32, #tpu.memory_space<hbm>> -> memref<10000x128xf32, #tpu.memory_space<hbm>>
      tpu.enqueue_indirect_dma source(%dma_start3A_501 : memref<10000x128xf32, #tpu.memory_space<hbm>>) target(%arg11 : memref<128x128xf32, #tpu.memory_space<vmem>>) offsets(%dma_start3A_498 : memref<128xi32, #tpu.memory_space<vmem>>) semaphore(%arg13 : memref<!tpu.dma_semaphore, #tpu.memory_space<semaphore_mem>>)
      %dma_wait3A_502 = arith.constant 6 : i32
      %dma_wait3A_503 = arith.constant 0 : i32
      %dma_wait3A_504 = tpu.memref_slice %arg8[%dma_wait3A_502, %dma_wait3A_503] : memref<8x128xi32, #tpu.memory_space<vmem>> -> memref<1x128xi32, #tpu.memory_space<vmem>>
      %dma_wait3A_505 = tpu.memref_squeeze %dma_wait3A_504 : memref<1x128xi32, #tpu.memory_space<vmem>> -> memref<128xi32, #tpu.memory_space<vmem>>
      %dma_wait3A_506 = arith.constant 0 : i32
      %dma_wait3A_507 = arith.constant 0 : i32
      %dma_wait3A_508 = tpu.memref_slice %arg2[%dma_wait3A_506, %dma_wait3A_507] : memref<10000x128xf32, #tpu.memory_space<hbm>> -> memref<10000x128xf32, #tpu.memory_space<hbm>>
      tpu.wait_indirect_dma semaphore(%arg12 : memref<!tpu.dma_semaphore, #tpu.memory_space<semaphore_mem>>) src(%dma_wait3A_508 : memref<10000x128xf32, #tpu.memory_space<hbm>>) dst(%arg10 : memref<128x128xf32, #tpu.memory_space<vmem>>)
      %dma_start3A_509 = arith.constant 6 : i32
      %dma_start3A_510 = arith.constant 0 : i32
      %dma_start3A_511 = tpu.memref_slice %arg9[%dma_start3A_509, %dma_start3A_510] : memref<8x128xi32, #tpu.memory_space<vmem>> -> memref<1x128xi32, #tpu.memory_space<vmem>>
      %dma_start3A_512 = tpu.memref_squeeze %dma_start3A_511 : memref<1x128xi32, #tpu.memory_space<vmem>> -> memref<128xi32, #tpu.memory_space<vmem>>
      %dma_start3A_513 = arith.constant 0 : i32
      %dma_start3A_514 = arith.constant 0 : i32
      %dma_start3A_515 = tpu.memref_slice %arg18[%dma_start3A_513, %dma_start3A_514] : memref<10112x128xf32, #tpu.memory_space<vmem_shared>> -> memref<10112x128xf32, #tpu.memory_space<vmem_shared>>
      tpu.enqueue_indirect_dma source(%arg10 : memref<128x128xf32, #tpu.memory_space<vmem>>) target(%dma_start3A_515 : memref<10112x128xf32, #tpu.memory_space<vmem_shared>>) offsets(%dma_start3A_512 : memref<128xi32, #tpu.memory_space<vmem>>) semaphore(%arg14 : memref<!tpu.dma_semaphore, #tpu.memory_space<semaphore_mem>>) {add = true}
      %dma_wait3A_516 = arith.constant 7 : i32
      %dma_wait3A_517 = arith.constant 0 : i32
      %dma_wait3A_518 = tpu.memref_slice %arg8[%dma_wait3A_516, %dma_wait3A_517] : memref<8x128xi32, #tpu.memory_space<vmem>> -> memref<1x128xi32, #tpu.memory_space<vmem>>
      %dma_wait3A_519 = tpu.memref_squeeze %dma_wait3A_518 : memref<1x128xi32, #tpu.memory_space<vmem>> -> memref<128xi32, #tpu.memory_space<vmem>>
      %dma_wait3A_520 = arith.constant 0 : i32
      %dma_wait3A_521 = arith.constant 0 : i32
      %dma_wait3A_522 = tpu.memref_slice %arg2[%dma_wait3A_520, %dma_wait3A_521] : memref<10000x128xf32, #tpu.memory_space<hbm>> -> memref<10000x128xf32, #tpu.memory_space<hbm>>
      tpu.wait_indirect_dma semaphore(%arg13 : memref<!tpu.dma_semaphore, #tpu.memory_space<semaphore_mem>>) src(%dma_wait3A_522 : memref<10000x128xf32, #tpu.memory_space<hbm>>) dst(%arg11 : memref<128x128xf32, #tpu.memory_space<vmem>>)
      %dma_start3A_523 = arith.constant 7 : i32
      %dma_start3A_524 = arith.constant 0 : i32
      %dma_start3A_525 = tpu.memref_slice %arg9[%dma_start3A_523, %dma_start3A_524] : memref<8x128xi32, #tpu.memory_space<vmem>> -> memref<1x128xi32, #tpu.memory_space<vmem>>
      %dma_start3A_526 = tpu.memref_squeeze %dma_start3A_525 : memref<1x128xi32, #tpu.memory_space<vmem>> -> memref<128xi32, #tpu.memory_space<vmem>>
      %dma_start3A_527 = arith.constant 0 : i32
      %dma_start3A_528 = arith.constant 0 : i32
      %dma_start3A_529 = tpu.memref_slice %arg18[%dma_start3A_527, %dma_start3A_528] : memref<10112x128xf32, #tpu.memory_space<vmem_shared>> -> memref<10112x128xf32, #tpu.memory_space<vmem_shared>>
      tpu.enqueue_indirect_dma source(%arg11 : memref<128x128xf32, #tpu.memory_space<vmem>>) target(%dma_start3A_529 : memref<10112x128xf32, #tpu.memory_space<vmem_shared>>) offsets(%dma_start3A_526 : memref<128xi32, #tpu.memory_space<vmem>>) semaphore(%arg15 : memref<!tpu.dma_semaphore, #tpu.memory_space<semaphore_mem>>) {add = true}
      %dma_wait3A_530 = arith.constant 6 : i32
      %dma_wait3A_531 = arith.constant 0 : i32
      %dma_wait3A_532 = tpu.memref_slice %arg9[%dma_wait3A_530, %dma_wait3A_531] : memref<8x128xi32, #tpu.memory_space<vmem>> -> memref<1x128xi32, #tpu.memory_space<vmem>>
      %dma_wait3A_533 = tpu.memref_squeeze %dma_wait3A_532 : memref<1x128xi32, #tpu.memory_space<vmem>> -> memref<128xi32, #tpu.memory_space<vmem>>
      %dma_wait3A_534 = arith.constant 0 : i32
      %dma_wait3A_535 = arith.constant 0 : i32
      %dma_wait3A_536 = tpu.memref_slice %arg18[%dma_wait3A_534, %dma_wait3A_535] : memref<10112x128xf32, #tpu.memory_space<vmem_shared>> -> memref<10112x128xf32, #tpu.memory_space<vmem_shared>>
      tpu.wait_indirect_dma semaphore(%arg14 : memref<!tpu.dma_semaphore, #tpu.memory_space<semaphore_mem>>) src(%arg10 : memref<128x128xf32, #tpu.memory_space<vmem>>) dst(%dma_wait3A_536 : memref<10112x128xf32, #tpu.memory_space<vmem_shared>>)
      %dma_wait3A_537 = arith.constant 7 : i32
      %dma_wait3A_538 = arith.constant 0 : i32
      %dma_wait3A_539 = tpu.memref_slice %arg9[%dma_wait3A_537, %dma_wait3A_538] : memref<8x128xi32, #tpu.memory_space<vmem>> -> memref<1x128xi32, #tpu.memory_space<vmem>>
      %dma_wait3A_540 = tpu.memref_squeeze %dma_wait3A_539 : memref<1x128xi32, #tpu.memory_space<vmem>> -> memref<128xi32, #tpu.memory_space<vmem>>
      %dma_wait3A_541 = arith.constant 0 : i32
      %dma_wait3A_542 = arith.constant 0 : i32
      %dma_wait3A_543 = tpu.memref_slice %arg18[%dma_wait3A_541, %dma_wait3A_542] : memref<10112x128xf32, #tpu.memory_space<vmem_shared>> -> memref<10112x128xf32, #tpu.memory_space<vmem_shared>>
      tpu.wait_indirect_dma semaphore(%arg15 : memref<!tpu.dma_semaphore, #tpu.memory_space<semaphore_mem>>) src(%arg11 : memref<128x128xf32, #tpu.memory_space<vmem>>) dst(%dma_wait3A_543 : memref<10112x128xf32, #tpu.memory_space<vmem_shared>>)
    }
    %scan3A_56 = arith.constant 5 : i32
    %barrier3A_57 = arith.constant 0 : index
    tpu.barrier barrier_id(%barrier3A_57)
    "tpu.region"() ({
      %run_scoped3A = tpu.sem_alloc : memref<!tpu.dma_semaphore, #tpu.memory_space<semaphore_mem>>
      %dma_start3A_58 = arith.constant 0 : i32
      %dma_start3A_59 = tpu.memref_slice %arg5[%arg0, %mul3A_39, %dma_start3A_58] : memref<2x10112x128xf32, #tpu.memory_space<hbm>> -> memref<1x632x128xf32, #tpu.memory_space<hbm>>
      %dma_start3A_60 = tpu.memref_squeeze %dma_start3A_59 : memref<1x632x128xf32, #tpu.memory_space<hbm>> -> memref<632x128xf32, #tpu.memory_space<hbm>>
      %dma_start3A_61 = arith.constant 0 : i32
      %dma_start3A_62 = tpu.memref_slice %arg18[%mul3A_39, %dma_start3A_61] : memref<10112x128xf32, #tpu.memory_space<vmem_shared>> -> memref<632x128xf32, #tpu.memory_space<vmem_shared>>
      tpu.enqueue_dma source(%dma_start3A_62 : memref<632x128xf32, #tpu.memory_space<vmem_shared>>) target(%dma_start3A_60 : memref<632x128xf32, #tpu.memory_space<hbm>>) target_semaphore(%run_scoped3A : memref<!tpu.dma_semaphore, #tpu.memory_space<semaphore_mem>>)
      %dma_wait3A = arith.constant 0 : i32
      %dma_wait3A_63 = tpu.memref_slice %arg5[%arg0, %mul3A_39, %dma_wait3A] : memref<2x10112x128xf32, #tpu.memory_space<hbm>> -> memref<1x632x128xf32, #tpu.memory_space<hbm>>
      %dma_wait3A_64 = tpu.memref_squeeze %dma_wait3A_63 : memref<1x632x128xf32, #tpu.memory_space<hbm>> -> memref<632x128xf32, #tpu.memory_space<hbm>>
      %dma_wait3A_65 = arith.constant 0 : i32
      %dma_wait3A_66 = tpu.memref_slice %arg18[%mul3A_39, %dma_wait3A_65] : memref<10112x128xf32, #tpu.memory_space<vmem_shared>> -> memref<632x128xf32, #tpu.memory_space<vmem_shared>>
      tpu.wait_dma2 semaphore(%run_scoped3A : memref<!tpu.dma_semaphore, #tpu.memory_space<semaphore_mem>>) src(%dma_wait3A_66 : memref<632x128xf32, #tpu.memory_space<vmem_shared>>) dst(%dma_wait3A_64 : memref<632x128xf32, #tpu.memory_space<hbm>>)
      tpu.yield
    }) : () -> ()
    return
  }
}

#map = affine_map<(d0, d1) -> (0, 0, 0)>
module attributes {stable_mosaic.version = 14 : i64} {
  func.func @body(%arg0: i32, %arg1: i32, %arg2: memref<32x80x128xi32, #tpu.memory_space<hbm>>, %arg3: memref<2x10112x128xf32, #tpu.memory_space<hbm>>, %arg4: memref<8x128xi32, #tpu.memory_space<vmem>>, %arg5: memref<8x128xi32, #tpu.memory_space<vmem>>, %arg6: memref<128x128xf32, #tpu.memory_space<vmem>>, %arg7: memref<!tpu.dma_semaphore, #tpu.memory_space<semaphore_mem>>, %arg8: memref<!tpu.dma_semaphore, #tpu.memory_space<semaphore_mem>>, %arg9: memref<10112x128xf32, #tpu.memory_space<vmem_shared>>) attributes {dimension_semantics = [#tpu.dimension_semantics<core_parallel>, #tpu.dimension_semantics<subcore_parallel>], iteration_bounds = array<i64: 2, 16>, scalar_prefetch = 0 : i64, scratch_operands = 6 : i64, tpu.core_type = #tpu.core_type<sc_vector_subcore>, window_params = [{transform_indices = #map}, {transform_indices = #map}]} {
    %mul3A = arith.constant 16 : i32
    %mul3A_0 = arith.muli %arg0, %mul3A : i32
    %add3A = arith.addi %mul3A_0, %arg1 : i32
    %dma_start3A = arith.constant 0 : i32
    %dma_start3A_1 = arith.constant 0 : i32
    %dma_start3A_2 = tpu.memref_slice %arg2[%add3A, %dma_start3A, %dma_start3A_1] : memref<32x80x128xi32, #tpu.memory_space<hbm>> -> memref<1x8x128xi32, #tpu.memory_space<hbm>>
    %dma_start3A_3 = tpu.memref_squeeze %dma_start3A_2 : memref<1x8x128xi32, #tpu.memory_space<hbm>> -> memref<8x128xi32, #tpu.memory_space<hbm>>
    %dma_start3A_4 = arith.constant 0 : i32
    %dma_start3A_5 = arith.constant 0 : i32
    %dma_start3A_6 = tpu.memref_slice %arg2[%add3A, %dma_start3A_4, %dma_start3A_5] : memref<32x80x128xi32, #tpu.memory_space<hbm>> -> memref<1x8x128xi32, #tpu.memory_space<hbm>>
    %dma_start3A_7 = tpu.memref_squeeze %dma_start3A_6 : memref<1x8x128xi32, #tpu.memory_space<hbm>> -> memref<8x128xi32, #tpu.memory_space<hbm>>
    tpu.enqueue_dma source(%dma_start3A_7 : memref<8x128xi32, #tpu.memory_space<hbm>>) target(%arg4 : memref<8x128xi32, #tpu.memory_space<vmem>>) target_semaphore(%arg7 : memref<!tpu.dma_semaphore, #tpu.memory_space<semaphore_mem>>)
    %dma_start3A_8 = arith.constant 8 : i32
    %dma_start3A_9 = arith.constant 0 : i32
    %dma_start3A_10 = tpu.memref_slice %arg2[%add3A, %dma_start3A_8, %dma_start3A_9] : memref<32x80x128xi32, #tpu.memory_space<hbm>> -> memref<1x8x128xi32, #tpu.memory_space<hbm>>
    %dma_start3A_11 = tpu.memref_squeeze %dma_start3A_10 : memref<1x8x128xi32, #tpu.memory_space<hbm>> -> memref<8x128xi32, #tpu.memory_space<hbm>>
    %dma_start3A_12 = arith.constant 8 : i32
    %dma_start3A_13 = arith.constant 0 : i32
    %dma_start3A_14 = tpu.memref_slice %arg2[%add3A, %dma_start3A_12, %dma_start3A_13] : memref<32x80x128xi32, #tpu.memory_space<hbm>> -> memref<1x8x128xi32, #tpu.memory_space<hbm>>
    %dma_start3A_15 = tpu.memref_squeeze %dma_start3A_14 : memref<1x8x128xi32, #tpu.memory_space<hbm>> -> memref<8x128xi32, #tpu.memory_space<hbm>>
    tpu.enqueue_dma source(%dma_start3A_15 : memref<8x128xi32, #tpu.memory_space<hbm>>) target(%arg5 : memref<8x128xi32, #tpu.memory_space<vmem>>) target_semaphore(%arg8 : memref<!tpu.dma_semaphore, #tpu.memory_space<semaphore_mem>>)
    %broadcast_in_dim3A = arith.constant 0.000000e+00 : f32
    %broadcast_in_dim3A_16 = vector.broadcast %broadcast_in_dim3A : f32 to vector<16xf32>
    %scan3A = arith.constant 0 : i32
    %scan3A_17 = arith.constant 0 : i32
    %scan3A_18 = arith.constant 128 : i32
    %scan3A_19 = arith.addi %scan3A_17, %scan3A_18 : i32
    %scan3A_20 = arith.constant 1 : i32
    scf.for %scan3A_50 = %scan3A_17 to %scan3A_19 step %scan3A_20  : i32 {
      %swap3A = arith.index_cast %scan3A_50 : i32 to index
      %swap3A_51 = arith.constant 0 : index
      %swap3A_52 = tpu.vector_load %arg6[%swap3A, %swap3A_51] {strides = array<i32>} : memref<128x128xf32, #tpu.memory_space<vmem>>, vector<1x16xf32>,
      %swap3A_53 = vector.shape_cast %swap3A_52 : vector<1x16xf32> to vector<16xf32>
      %swap3A_54 = vector.shape_cast %broadcast_in_dim3A_16 : vector<16xf32> to vector<1x16xf32>
      tpu.vector_store %arg6[%swap3A, %swap3A_51], %swap3A_54 {strides = array<i32>} : memref<128x128xf32, #tpu.memory_space<vmem>>, vector<1x16xf32>,
      %swap3A_55 = arith.index_cast %scan3A_50 : i32 to index
      %swap3A_56 = arith.constant 16 : index
      %swap3A_57 = tpu.vector_load %arg6[%swap3A_55, %swap3A_56] {strides = array<i32>} : memref<128x128xf32, #tpu.memory_space<vmem>>, vector<1x16xf32>,
      %swap3A_58 = vector.shape_cast %swap3A_57 : vector<1x16xf32> to vector<16xf32>
      %swap3A_59 = vector.shape_cast %broadcast_in_dim3A_16 : vector<16xf32> to vector<1x16xf32>
      tpu.vector_store %arg6[%swap3A_55, %swap3A_56], %swap3A_59 {strides = array<i32>} : memref<128x128xf32, #tpu.memory_space<vmem>>, vector<1x16xf32>,
      %swap3A_60 = arith.index_cast %scan3A_50 : i32 to index
      %swap3A_61 = arith.constant 32 : index
      %swap3A_62 = tpu.vector_load %arg6[%swap3A_60, %swap3A_61] {strides = array<i32>} : memref<128x128xf32, #tpu.memory_space<vmem>>, vector<1x16xf32>,
      %swap3A_63 = vector.shape_cast %swap3A_62 : vector<1x16xf32> to vector<16xf32>
      %swap3A_64 = vector.shape_cast %broadcast_in_dim3A_16 : vector<16xf32> to vector<1x16xf32>
      tpu.vector_store %arg6[%swap3A_60, %swap3A_61], %swap3A_64 {strides = array<i32>} : memref<128x128xf32, #tpu.memory_space<vmem>>, vector<1x16xf32>,
      %swap3A_65 = arith.index_cast %scan3A_50 : i32 to index
      %swap3A_66 = arith.constant 48 : index
      %swap3A_67 = tpu.vector_load %arg6[%swap3A_65, %swap3A_66] {strides = array<i32>} : memref<128x128xf32, #tpu.memory_space<vmem>>, vector<1x16xf32>,
      %swap3A_68 = vector.shape_cast %swap3A_67 : vector<1x16xf32> to vector<16xf32>
      %swap3A_69 = vector.shape_cast %broadcast_in_dim3A_16 : vector<16xf32> to vector<1x16xf32>
      tpu.vector_store %arg6[%swap3A_65, %swap3A_66], %swap3A_69 {strides = array<i32>} : memref<128x128xf32, #tpu.memory_space<vmem>>, vector<1x16xf32>,
      %swap3A_70 = arith.index_cast %scan3A_50 : i32 to index
      %swap3A_71 = arith.constant 64 : index
      %swap3A_72 = tpu.vector_load %arg6[%swap3A_70, %swap3A_71] {strides = array<i32>} : memref<128x128xf32, #tpu.memory_space<vmem>>, vector<1x16xf32>,
      %swap3A_73 = vector.shape_cast %swap3A_72 : vector<1x16xf32> to vector<16xf32>
      %swap3A_74 = vector.shape_cast %broadcast_in_dim3A_16 : vector<16xf32> to vector<1x16xf32>
      tpu.vector_store %arg6[%swap3A_70, %swap3A_71], %swap3A_74 {strides = array<i32>} : memref<128x128xf32, #tpu.memory_space<vmem>>, vector<1x16xf32>,
      %swap3A_75 = arith.index_cast %scan3A_50 : i32 to index
      %swap3A_76 = arith.constant 80 : index
      %swap3A_77 = tpu.vector_load %arg6[%swap3A_75, %swap3A_76] {strides = array<i32>} : memref<128x128xf32, #tpu.memory_space<vmem>>, vector<1x16xf32>,
      %swap3A_78 = vector.shape_cast %swap3A_77 : vector<1x16xf32> to vector<16xf32>
      %swap3A_79 = vector.shape_cast %broadcast_in_dim3A_16 : vector<16xf32> to vector<1x16xf32>
      tpu.vector_store %arg6[%swap3A_75, %swap3A_76], %swap3A_79 {strides = array<i32>} : memref<128x128xf32, #tpu.memory_space<vmem>>, vector<1x16xf32>,
      %swap3A_80 = arith.index_cast %scan3A_50 : i32 to index
      %swap3A_81 = arith.constant 96 : index
      %swap3A_82 = tpu.vector_load %arg6[%swap3A_80, %swap3A_81] {strides = array<i32>} : memref<128x128xf32, #tpu.memory_space<vmem>>, vector<1x16xf32>,
      %swap3A_83 = vector.shape_cast %swap3A_82 : vector<1x16xf32> to vector<16xf32>
      %swap3A_84 = vector.shape_cast %broadcast_in_dim3A_16 : vector<16xf32> to vector<1x16xf32>
      tpu.vector_store %arg6[%swap3A_80, %swap3A_81], %swap3A_84 {strides = array<i32>} : memref<128x128xf32, #tpu.memory_space<vmem>>, vector<1x16xf32>,
      %swap3A_85 = arith.index_cast %scan3A_50 : i32 to index
      %swap3A_86 = arith.constant 112 : index
      %swap3A_87 = tpu.vector_load %arg6[%swap3A_85, %swap3A_86] {strides = array<i32>} : memref<128x128xf32, #tpu.memory_space<vmem>>, vector<1x16xf32>,
      %swap3A_88 = vector.shape_cast %swap3A_87 : vector<1x16xf32> to vector<16xf32>
      %swap3A_89 = vector.shape_cast %broadcast_in_dim3A_16 : vector<16xf32> to vector<1x16xf32>
      tpu.vector_store %arg6[%swap3A_85, %swap3A_86], %swap3A_89 {strides = array<i32>} : memref<128x128xf32, #tpu.memory_space<vmem>>, vector<1x16xf32>,
    }
    %scan3A_21 = arith.constant 128 : i32
    %mul3A_22 = arith.constant 632 : i32
    %mul3A_23 = arith.muli %arg1, %mul3A_22 : i32
    %add3A_24 = arith.constant 0 : i32
    %add3A_25 = arith.addi %mul3A_23, %add3A_24 : i32
    "tpu.region"() ({
      %run_scoped3A = tpu.sem_alloc : memref<!tpu.dma_semaphore, #tpu.memory_space<semaphore_mem>>
      %dma_start3A_50 = arith.constant 0 : i32
      %dma_start3A_51 = tpu.memref_slice %arg9[%add3A_25, %dma_start3A_50] : memref<10112x128xf32, #tpu.memory_space<vmem_shared>> -> memref<128x128xf32, #tpu.memory_space<vmem_shared>>
      %dma_start3A_52 = arith.constant 0 : i32
      %dma_start3A_53 = tpu.memref_slice %arg9[%add3A_25, %dma_start3A_52] : memref<10112x128xf32, #tpu.memory_space<vmem_shared>> -> memref<128x128xf32, #tpu.memory_space<vmem_shared>>
      tpu.enqueue_dma source(%arg6 : memref<128x128xf32, #tpu.memory_space<vmem>>) target(%dma_start3A_53 : memref<128x128xf32, #tpu.memory_space<vmem_shared>>) target_semaphore(%run_scoped3A : memref<!tpu.dma_semaphore, #tpu.memory_space<semaphore_mem>>)
      %dma_wait3A = arith.constant 0 : i32
      %dma_wait3A_54 = tpu.memref_slice %arg9[%add3A_25, %dma_wait3A] : memref<10112x128xf32, #tpu.memory_space<vmem_shared>> -> memref<128x128xf32, #tpu.memory_space<vmem_shared>>
      %dma_wait3A_55 = arith.constant 0 : i32
      %dma_wait3A_56 = tpu.memref_slice %arg9[%add3A_25, %dma_wait3A_55] : memref<10112x128xf32, #tpu.memory_space<vmem_shared>> -> memref<128x128xf32, #tpu.memory_space<vmem_shared>>
      tpu.wait_dma2 semaphore(%run_scoped3A : memref<!tpu.dma_semaphore, #tpu.memory_space<semaphore_mem>>) src(%arg6 : memref<128x128xf32, #tpu.memory_space<vmem>>) dst(%dma_wait3A_56 : memref<128x128xf32, #tpu.memory_space<vmem_shared>>)
      tpu.yield
    }) : () -> ()
    %add3A_26 = arith.constant 128 : i32
    %add3A_27 = arith.addi %mul3A_23, %add3A_26 : i32
    "tpu.region"() ({
      %run_scoped3A = tpu.sem_alloc : memref<!tpu.dma_semaphore, #tpu.memory_space<semaphore_mem>>
      %dma_start3A_50 = arith.constant 0 : i32
      %dma_start3A_51 = tpu.memref_slice %arg9[%add3A_27, %dma_start3A_50] : memref<10112x128xf32, #tpu.memory_space<vmem_shared>> -> memref<128x128xf32, #tpu.memory_space<vmem_shared>>
      %dma_start3A_52 = arith.constant 0 : i32
      %dma_start3A_53 = tpu.memref_slice %arg9[%add3A_27, %dma_start3A_52] : memref<10112x128xf32, #tpu.memory_space<vmem_shared>> -> memref<128x128xf32, #tpu.memory_space<vmem_shared>>
      tpu.enqueue_dma source(%arg6 : memref<128x128xf32, #tpu.memory_space<vmem>>) target(%dma_start3A_53 : memref<128x128xf32, #tpu.memory_space<vmem_shared>>) target_semaphore(%run_scoped3A : memref<!tpu.dma_semaphore, #tpu.memory_space<semaphore_mem>>)
      %dma_wait3A = arith.constant 0 : i32
      %dma_wait3A_54 = tpu.memref_slice %arg9[%add3A_27, %dma_wait3A] : memref<10112x128xf32, #tpu.memory_space<vmem_shared>> -> memref<128x128xf32, #tpu.memory_space<vmem_shared>>
      %dma_wait3A_55 = arith.constant 0 : i32
      %dma_wait3A_56 = tpu.memref_slice %arg9[%add3A_27, %dma_wait3A_55] : memref<10112x128xf32, #tpu.memory_space<vmem_shared>> -> memref<128x128xf32, #tpu.memory_space<vmem_shared>>
      tpu.wait_dma2 semaphore(%run_scoped3A : memref<!tpu.dma_semaphore, #tpu.memory_space<semaphore_mem>>) src(%arg6 : memref<128x128xf32, #tpu.memory_space<vmem>>) dst(%dma_wait3A_56 : memref<128x128xf32, #tpu.memory_space<vmem_shared>>)
      tpu.yield
    }) : () -> ()
    %add3A_28 = arith.constant 256 : i32
    %add3A_29 = arith.addi %mul3A_23, %add3A_28 : i32
    "tpu.region"() ({
      %run_scoped3A = tpu.sem_alloc : memref<!tpu.dma_semaphore, #tpu.memory_space<semaphore_mem>>
      %dma_start3A_50 = arith.constant 0 : i32
      %dma_start3A_51 = tpu.memref_slice %arg9[%add3A_29, %dma_start3A_50] : memref<10112x128xf32, #tpu.memory_space<vmem_shared>> -> memref<128x128xf32, #tpu.memory_space<vmem_shared>>
      %dma_start3A_52 = arith.constant 0 : i32
      %dma_start3A_53 = tpu.memref_slice %arg9[%add3A_29, %dma_start3A_52] : memref<10112x128xf32, #tpu.memory_space<vmem_shared>> -> memref<128x128xf32, #tpu.memory_space<vmem_shared>>
      tpu.enqueue_dma source(%arg6 : memref<128x128xf32, #tpu.memory_space<vmem>>) target(%dma_start3A_53 : memref<128x128xf32, #tpu.memory_space<vmem_shared>>) target_semaphore(%run_scoped3A : memref<!tpu.dma_semaphore, #tpu.memory_space<semaphore_mem>>)
      %dma_wait3A = arith.constant 0 : i32
      %dma_wait3A_54 = tpu.memref_slice %arg9[%add3A_29, %dma_wait3A] : memref<10112x128xf32, #tpu.memory_space<vmem_shared>> -> memref<128x128xf32, #tpu.memory_space<vmem_shared>>
      %dma_wait3A_55 = arith.constant 0 : i32
      %dma_wait3A_56 = tpu.memref_slice %arg9[%add3A_29, %dma_wait3A_55] : memref<10112x128xf32, #tpu.memory_space<vmem_shared>> -> memref<128x128xf32, #tpu.memory_space<vmem_shared>>
      tpu.wait_dma2 semaphore(%run_scoped3A : memref<!tpu.dma_semaphore, #tpu.memory_space<semaphore_mem>>) src(%arg6 : memref<128x128xf32, #tpu.memory_space<vmem>>) dst(%dma_wait3A_56 : memref<128x128xf32, #tpu.memory_space<vmem_shared>>)
      tpu.yield
    }) : () -> ()
    %add3A_30 = arith.constant 384 : i32
    %add3A_31 = arith.addi %mul3A_23, %add3A_30 : i32
    "tpu.region"() ({
      %run_scoped3A = tpu.sem_alloc : memref<!tpu.dma_semaphore, #tpu.memory_space<semaphore_mem>>
      %dma_start3A_50 = arith.constant 0 : i32
      %dma_start3A_51 = tpu.memref_slice %arg9[%add3A_31, %dma_start3A_50] : memref<10112x128xf32, #tpu.memory_space<vmem_shared>> -> memref<128x128xf32, #tpu.memory_space<vmem_shared>>
      %dma_start3A_52 = arith.constant 0 : i32
      %dma_start3A_53 = tpu.memref_slice %arg9[%add3A_31, %dma_start3A_52] : memref<10112x128xf32, #tpu.memory_space<vmem_shared>> -> memref<128x128xf32, #tpu.memory_space<vmem_shared>>
      tpu.enqueue_dma source(%arg6 : memref<128x128xf32, #tpu.memory_space<vmem>>) target(%dma_start3A_53 : memref<128x128xf32, #tpu.memory_space<vmem_shared>>) target_semaphore(%run_scoped3A : memref<!tpu.dma_semaphore, #tpu.memory_space<semaphore_mem>>)
      %dma_wait3A = arith.constant 0 : i32
      %dma_wait3A_54 = tpu.memref_slice %arg9[%add3A_31, %dma_wait3A] : memref<10112x128xf32, #tpu.memory_space<vmem_shared>> -> memref<128x128xf32, #tpu.memory_space<vmem_shared>>
      %dma_wait3A_55 = arith.constant 0 : i32
      %dma_wait3A_56 = tpu.memref_slice %arg9[%add3A_31, %dma_wait3A_55] : memref<10112x128xf32, #tpu.memory_space<vmem_shared>> -> memref<128x128xf32, #tpu.memory_space<vmem_shared>>
      tpu.wait_dma2 semaphore(%run_scoped3A : memref<!tpu.dma_semaphore, #tpu.memory_space<semaphore_mem>>) src(%arg6 : memref<128x128xf32, #tpu.memory_space<vmem>>) dst(%dma_wait3A_56 : memref<128x128xf32, #tpu.memory_space<vmem_shared>>)
      tpu.yield
    }) : () -> ()
    %add3A_32 = arith.constant 632 : i32
    %add3A_33 = arith.addi %mul3A_23, %add3A_32 : i32
    %sub3A = arith.constant 120 : i32
    %sub3A_34 = arith.subi %add3A_33, %sub3A : i32
    "tpu.region"() ({
      %run_scoped3A = tpu.sem_alloc : memref<!tpu.dma_semaphore, #tpu.memory_space<semaphore_mem>>
      %dma_start3A_50 = arith.constant 0 : i32
      %dma_start3A_51 = arith.constant 0 : i32
      %dma_start3A_52 = tpu.memref_slice %arg6[%dma_start3A_50, %dma_start3A_51] : memref<128x128xf32, #tpu.memory_space<vmem>> -> memref<120x128xf32, #tpu.memory_space<vmem>>
      %dma_start3A_53 = arith.constant 0 : i32
      %dma_start3A_54 = tpu.memref_slice %arg9[%sub3A_34, %dma_start3A_53] : memref<10112x128xf32, #tpu.memory_space<vmem_shared>> -> memref<120x128xf32, #tpu.memory_space<vmem_shared>>
      %dma_start3A_55 = arith.constant 0 : i32
      %dma_start3A_56 = tpu.memref_slice %arg9[%sub3A_34, %dma_start3A_55] : memref<10112x128xf32, #tpu.memory_space<vmem_shared>> -> memref<120x128xf32, #tpu.memory_space<vmem_shared>>
      %dma_start3A_57 = arith.constant 0 : i32
      %dma_start3A_58 = arith.constant 0 : i32
      %dma_start3A_59 = tpu.memref_slice %arg6[%dma_start3A_57, %dma_start3A_58] : memref<128x128xf32, #tpu.memory_space<vmem>> -> memref<120x128xf32, #tpu.memory_space<vmem>>
      tpu.enqueue_dma source(%dma_start3A_59 : memref<120x128xf32, #tpu.memory_space<vmem>>) target(%dma_start3A_56 : memref<120x128xf32, #tpu.memory_space<vmem_shared>>) target_semaphore(%run_scoped3A : memref<!tpu.dma_semaphore, #tpu.memory_space<semaphore_mem>>)
      %dma_wait3A = arith.constant 0 : i32
      %dma_wait3A_60 = arith.constant 0 : i32
      %dma_wait3A_61 = tpu.memref_slice %arg6[%dma_wait3A, %dma_wait3A_60] : memref<128x128xf32, #tpu.memory_space<vmem>> -> memref<120x128xf32, #tpu.memory_space<vmem>>
      %dma_wait3A_62 = arith.constant 0 : i32
      %dma_wait3A_63 = tpu.memref_slice %arg9[%sub3A_34, %dma_wait3A_62] : memref<10112x128xf32, #tpu.memory_space<vmem_shared>> -> memref<120x128xf32, #tpu.memory_space<vmem_shared>>
      %dma_wait3A_64 = arith.constant 0 : i32
      %dma_wait3A_65 = tpu.memref_slice %arg9[%sub3A_34, %dma_wait3A_64] : memref<10112x128xf32, #tpu.memory_space<vmem_shared>> -> memref<120x128xf32, #tpu.memory_space<vmem_shared>>
      %dma_wait3A_66 = arith.constant 0 : i32
      %dma_wait3A_67 = arith.constant 0 : i32
      %dma_wait3A_68 = tpu.memref_slice %arg6[%dma_wait3A_66, %dma_wait3A_67] : memref<128x128xf32, #tpu.memory_space<vmem>> -> memref<120x128xf32, #tpu.memory_space<vmem>>
      tpu.wait_dma2 semaphore(%run_scoped3A : memref<!tpu.dma_semaphore, #tpu.memory_space<semaphore_mem>>) src(%dma_wait3A_68 : memref<120x128xf32, #tpu.memory_space<vmem>>) dst(%dma_wait3A_65 : memref<120x128xf32, #tpu.memory_space<vmem_shared>>)
      tpu.yield
    }) : () -> ()
    %broadcast_in_dim3A_35 = arith.constant 1.000000e+00 : f32
    %broadcast_in_dim3A_36 = vector.broadcast %broadcast_in_dim3A_35 : f32 to vector<16xf32>
    %scan3A_37 = arith.constant 0 : i32
    %scan3A_38 = arith.constant 0 : i32
    %scan3A_39 = arith.constant 128 : i32
    %scan3A_40 = arith.addi %scan3A_38, %scan3A_39 : i32
    %scan3A_41 = arith.constant 1 : i32
    scf.for %scan3A_50 = %scan3A_38 to %scan3A_40 step %scan3A_41  : i32 {
      %swap3A = arith.index_cast %scan3A_50 : i32 to index
      %swap3A_51 = arith.constant 0 : index
      %swap3A_52 = tpu.vector_load %arg6[%swap3A, %swap3A_51] {strides = array<i32>} : memref<128x128xf32, #tpu.memory_space<vmem>>, vector<1x16xf32>,
      %swap3A_53 = vector.shape_cast %swap3A_52 : vector<1x16xf32> to vector<16xf32>
      %swap3A_54 = vector.shape_cast %broadcast_in_dim3A_36 : vector<16xf32> to vector<1x16xf32>
      tpu.vector_store %arg6[%swap3A, %swap3A_51], %swap3A_54 {strides = array<i32>} : memref<128x128xf32, #tpu.memory_space<vmem>>, vector<1x16xf32>,
      %swap3A_55 = arith.index_cast %scan3A_50 : i32 to index
      %swap3A_56 = arith.constant 16 : index
      %swap3A_57 = tpu.vector_load %arg6[%swap3A_55, %swap3A_56] {strides = array<i32>} : memref<128x128xf32, #tpu.memory_space<vmem>>, vector<1x16xf32>,
      %swap3A_58 = vector.shape_cast %swap3A_57 : vector<1x16xf32> to vector<16xf32>
      %swap3A_59 = vector.shape_cast %broadcast_in_dim3A_36 : vector<16xf32> to vector<1x16xf32>
      tpu.vector_store %arg6[%swap3A_55, %swap3A_56], %swap3A_59 {strides = array<i32>} : memref<128x128xf32, #tpu.memory_space<vmem>>, vector<1x16xf32>,
      %swap3A_60 = arith.index_cast %scan3A_50 : i32 to index
      %swap3A_61 = arith.constant 32 : index
      %swap3A_62 = tpu.vector_load %arg6[%swap3A_60, %swap3A_61] {strides = array<i32>} : memref<128x128xf32, #tpu.memory_space<vmem>>, vector<1x16xf32>,
      %swap3A_63 = vector.shape_cast %swap3A_62 : vector<1x16xf32> to vector<16xf32>
      %swap3A_64 = vector.shape_cast %broadcast_in_dim3A_36 : vector<16xf32> to vector<1x16xf32>
      tpu.vector_store %arg6[%swap3A_60, %swap3A_61], %swap3A_64 {strides = array<i32>} : memref<128x128xf32, #tpu.memory_space<vmem>>, vector<1x16xf32>,
      %swap3A_65 = arith.index_cast %scan3A_50 : i32 to index
      %swap3A_66 = arith.constant 48 : index
      %swap3A_67 = tpu.vector_load %arg6[%swap3A_65, %swap3A_66] {strides = array<i32>} : memref<128x128xf32, #tpu.memory_space<vmem>>, vector<1x16xf32>,
      %swap3A_68 = vector.shape_cast %swap3A_67 : vector<1x16xf32> to vector<16xf32>
      %swap3A_69 = vector.shape_cast %broadcast_in_dim3A_36 : vector<16xf32> to vector<1x16xf32>
      tpu.vector_store %arg6[%swap3A_65, %swap3A_66], %swap3A_69 {strides = array<i32>} : memref<128x128xf32, #tpu.memory_space<vmem>>, vector<1x16xf32>,
      %swap3A_70 = arith.index_cast %scan3A_50 : i32 to index
      %swap3A_71 = arith.constant 64 : index
      %swap3A_72 = tpu.vector_load %arg6[%swap3A_70, %swap3A_71] {strides = array<i32>} : memref<128x128xf32, #tpu.memory_space<vmem>>, vector<1x16xf32>,
      %swap3A_73 = vector.shape_cast %swap3A_72 : vector<1x16xf32> to vector<16xf32>
      %swap3A_74 = vector.shape_cast %broadcast_in_dim3A_36 : vector<16xf32> to vector<1x16xf32>
      tpu.vector_store %arg6[%swap3A_70, %swap3A_71], %swap3A_74 {strides = array<i32>} : memref<128x128xf32, #tpu.memory_space<vmem>>, vector<1x16xf32>,
      %swap3A_75 = arith.index_cast %scan3A_50 : i32 to index
      %swap3A_76 = arith.constant 80 : index
      %swap3A_77 = tpu.vector_load %arg6[%swap3A_75, %swap3A_76] {strides = array<i32>} : memref<128x128xf32, #tpu.memory_space<vmem>>, vector<1x16xf32>,
      %swap3A_78 = vector.shape_cast %swap3A_77 : vector<1x16xf32> to vector<16xf32>
      %swap3A_79 = vector.shape_cast %broadcast_in_dim3A_36 : vector<16xf32> to vector<1x16xf32>
      tpu.vector_store %arg6[%swap3A_75, %swap3A_76], %swap3A_79 {strides = array<i32>} : memref<128x128xf32, #tpu.memory_space<vmem>>, vector<1x16xf32>,
      %swap3A_80 = arith.index_cast %scan3A_50 : i32 to index
      %swap3A_81 = arith.constant 96 : index
      %swap3A_82 = tpu.vector_load %arg6[%swap3A_80, %swap3A_81] {strides = array<i32>} : memref<128x128xf32, #tpu.memory_space<vmem>>, vector<1x16xf32>,
      %swap3A_83 = vector.shape_cast %swap3A_82 : vector<1x16xf32> to vector<16xf32>
      %swap3A_84 = vector.shape_cast %broadcast_in_dim3A_36 : vector<16xf32> to vector<1x16xf32>
      tpu.vector_store %arg6[%swap3A_80, %swap3A_81], %swap3A_84 {strides = array<i32>} : memref<128x128xf32, #tpu.memory_space<vmem>>, vector<1x16xf32>,
      %swap3A_85 = arith.index_cast %scan3A_50 : i32 to index
      %swap3A_86 = arith.constant 112 : index
      %swap3A_87 = tpu.vector_load %arg6[%swap3A_85, %swap3A_86] {strides = array<i32>} : memref<128x128xf32, #tpu.memory_space<vmem>>, vector<1x16xf32>,
      %swap3A_88 = vector.shape_cast %swap3A_87 : vector<1x16xf32> to vector<16xf32>
      %swap3A_89 = vector.shape_cast %broadcast_in_dim3A_36 : vector<16xf32> to vector<1x16xf32>
      tpu.vector_store %arg6[%swap3A_85, %swap3A_86], %swap3A_89 {strides = array<i32>} : memref<128x128xf32, #tpu.memory_space<vmem>>, vector<1x16xf32>,
    }
    %scan3A_42 = arith.constant 128 : i32
    %barrier3A = arith.constant 0 : index
    tpu.barrier barrier_id(%barrier3A)
    %scan3A_43 = arith.constant 0 : i32
    %scan3A_44 = arith.constant 0 : i32
    %scan3A_45 = arith.constant 5 : i32
    %scan3A_46 = arith.addi %scan3A_44, %scan3A_45 : i32
    %scan3A_47 = arith.constant 1 : i32
    scf.for %scan3A_50 = %scan3A_44 to %scan3A_46 step %scan3A_47  : i32 {
      %dma_wait3A = arith.constant 0 : i32
      %dma_wait3A_51 = arith.constant 0 : i32
      %dma_wait3A_52 = tpu.memref_slice %arg2[%add3A, %dma_wait3A, %dma_wait3A_51] : memref<32x80x128xi32, #tpu.memory_space<hbm>> -> memref<1x8x128xi32, #tpu.memory_space<hbm>>
      %dma_wait3A_53 = tpu.memref_squeeze %dma_wait3A_52 : memref<1x8x128xi32, #tpu.memory_space<hbm>> -> memref<8x128xi32, #tpu.memory_space<hbm>>
      %dma_wait3A_54 = arith.constant 0 : i32
      %dma_wait3A_55 = arith.constant 0 : i32
      %dma_wait3A_56 = tpu.memref_slice %arg2[%add3A, %dma_wait3A_54, %dma_wait3A_55] : memref<32x80x128xi32, #tpu.memory_space<hbm>> -> memref<1x8x128xi32, #tpu.memory_space<hbm>>
      %dma_wait3A_57 = tpu.memref_squeeze %dma_wait3A_56 : memref<1x8x128xi32, #tpu.memory_space<hbm>> -> memref<8x128xi32, #tpu.memory_space<hbm>>
      tpu.wait_dma2 semaphore(%arg7 : memref<!tpu.dma_semaphore, #tpu.memory_space<semaphore_mem>>) src(%dma_wait3A_57 : memref<8x128xi32, #tpu.memory_space<hbm>>) dst(%arg4 : memref<8x128xi32, #tpu.memory_space<vmem>>)
      %run_scoped3A = arith.constant 0 : i32
      "tpu.region"() ({
        %run_scoped3A_88 = tpu.sem_alloc : memref<!tpu.dma_semaphore, #tpu.memory_space<semaphore_mem>>
        %dma_start3A_89 = arith.constant 0 : i32
        %dma_start3A_90 = tpu.memref_slice %arg4[%run_scoped3A, %dma_start3A_89] : memref<8x128xi32, #tpu.memory_space<vmem>> -> memref<1x128xi32, #tpu.memory_space<vmem>>
        %dma_start3A_91 = tpu.memref_squeeze %dma_start3A_90 : memref<1x128xi32, #tpu.memory_space<vmem>> -> memref<128xi32, #tpu.memory_space<vmem>>
        %dma_start3A_92 = arith.constant 0 : i32
        %dma_start3A_93 = arith.constant 0 : i32
        %dma_start3A_94 = tpu.memref_slice %arg9[%dma_start3A_92, %dma_start3A_93] : memref<10112x128xf32, #tpu.memory_space<vmem_shared>> -> memref<10112x128xf32, #tpu.memory_space<vmem_shared>>
        tpu.enqueue_indirect_dma source(%arg6 : memref<128x128xf32, #tpu.memory_space<vmem>>) target(%dma_start3A_94 : memref<10112x128xf32, #tpu.memory_space<vmem_shared>>) offsets(%dma_start3A_91 : memref<128xi32, #tpu.memory_space<vmem>>) semaphore(%run_scoped3A_88 : memref<!tpu.dma_semaphore, #tpu.memory_space<semaphore_mem>>) {add = true}
        %dma_wait3A_95 = arith.constant 0 : i32
        %dma_wait3A_96 = tpu.memref_slice %arg4[%run_scoped3A, %dma_wait3A_95] : memref<8x128xi32, #tpu.memory_space<vmem>> -> memref<1x128xi32, #tpu.memory_space<vmem>>
        %dma_wait3A_97 = tpu.memref_squeeze %dma_wait3A_96 : memref<1x128xi32, #tpu.memory_space<vmem>> -> memref<128xi32, #tpu.memory_space<vmem>>
        %dma_wait3A_98 = arith.constant 0 : i32
        %dma_wait3A_99 = arith.constant 0 : i32
        %dma_wait3A_100 = tpu.memref_slice %arg9[%dma_wait3A_98, %dma_wait3A_99] : memref<10112x128xf32, #tpu.memory_space<vmem_shared>> -> memref<10112x128xf32, #tpu.memory_space<vmem_shared>>
        tpu.wait_indirect_dma semaphore(%run_scoped3A_88 : memref<!tpu.dma_semaphore, #tpu.memory_space<semaphore_mem>>) src(%arg6 : memref<128x128xf32, #tpu.memory_space<vmem>>) dst(%dma_wait3A_100 : memref<10112x128xf32, #tpu.memory_space<vmem_shared>>)
        tpu.yield
      }) : () -> ()
      %run_scoped3A_58 = arith.constant 1 : i32
      "tpu.region"() ({
        %run_scoped3A_88 = tpu.sem_alloc : memref<!tpu.dma_semaphore, #tpu.memory_space<semaphore_mem>>
        %dma_start3A_89 = arith.constant 0 : i32
        %dma_start3A_90 = tpu.memref_slice %arg4[%run_scoped3A_58, %dma_start3A_89] : memref<8x128xi32, #tpu.memory_space<vmem>> -> memref<1x128xi32, #tpu.memory_space<vmem>>
        %dma_start3A_91 = tpu.memref_squeeze %dma_start3A_90 : memref<1x128xi32, #tpu.memory_space<vmem>> -> memref<128xi32, #tpu.memory_space<vmem>>
        %dma_start3A_92 = arith.constant 0 : i32
        %dma_start3A_93 = arith.constant 0 : i32
        %dma_start3A_94 = tpu.memref_slice %arg9[%dma_start3A_92, %dma_start3A_93] : memref<10112x128xf32, #tpu.memory_space<vmem_shared>> -> memref<10112x128xf32, #tpu.memory_space<vmem_shared>>
        tpu.enqueue_indirect_dma source(%arg6 : memref<128x128xf32, #tpu.memory_space<vmem>>) target(%dma_start3A_94 : memref<10112x128xf32, #tpu.memory_space<vmem_shared>>) offsets(%dma_start3A_91 : memref<128xi32, #tpu.memory_space<vmem>>) semaphore(%run_scoped3A_88 : memref<!tpu.dma_semaphore, #tpu.memory_space<semaphore_mem>>) {add = true}
        %dma_wait3A_95 = arith.constant 0 : i32
        %dma_wait3A_96 = tpu.memref_slice %arg4[%run_scoped3A_58, %dma_wait3A_95] : memref<8x128xi32, #tpu.memory_space<vmem>> -> memref<1x128xi32, #tpu.memory_space<vmem>>
        %dma_wait3A_97 = tpu.memref_squeeze %dma_wait3A_96 : memref<1x128xi32, #tpu.memory_space<vmem>> -> memref<128xi32, #tpu.memory_space<vmem>>
        %dma_wait3A_98 = arith.constant 0 : i32
        %dma_wait3A_99 = arith.constant 0 : i32
        %dma_wait3A_100 = tpu.memref_slice %arg9[%dma_wait3A_98, %dma_wait3A_99] : memref<10112x128xf32, #tpu.memory_space<vmem_shared>> -> memref<10112x128xf32, #tpu.memory_space<vmem_shared>>
        tpu.wait_indirect_dma semaphore(%run_scoped3A_88 : memref<!tpu.dma_semaphore, #tpu.memory_space<semaphore_mem>>) src(%arg6 : memref<128x128xf32, #tpu.memory_space<vmem>>) dst(%dma_wait3A_100 : memref<10112x128xf32, #tpu.memory_space<vmem_shared>>)
        tpu.yield
      }) : () -> ()
      %run_scoped3A_59 = arith.constant 2 : i32
      "tpu.region"() ({
        %run_scoped3A_88 = tpu.sem_alloc : memref<!tpu.dma_semaphore, #tpu.memory_space<semaphore_mem>>
        %dma_start3A_89 = arith.constant 0 : i32
        %dma_start3A_90 = tpu.memref_slice %arg4[%run_scoped3A_59, %dma_start3A_89] : memref<8x128xi32, #tpu.memory_space<vmem>> -> memref<1x128xi32, #tpu.memory_space<vmem>>
        %dma_start3A_91 = tpu.memref_squeeze %dma_start3A_90 : memref<1x128xi32, #tpu.memory_space<vmem>> -> memref<128xi32, #tpu.memory_space<vmem>>
        %dma_start3A_92 = arith.constant 0 : i32
        %dma_start3A_93 = arith.constant 0 : i32
        %dma_start3A_94 = tpu.memref_slice %arg9[%dma_start3A_92, %dma_start3A_93] : memref<10112x128xf32, #tpu.memory_space<vmem_shared>> -> memref<10112x128xf32, #tpu.memory_space<vmem_shared>>
        tpu.enqueue_indirect_dma source(%arg6 : memref<128x128xf32, #tpu.memory_space<vmem>>) target(%dma_start3A_94 : memref<10112x128xf32, #tpu.memory_space<vmem_shared>>) offsets(%dma_start3A_91 : memref<128xi32, #tpu.memory_space<vmem>>) semaphore(%run_scoped3A_88 : memref<!tpu.dma_semaphore, #tpu.memory_space<semaphore_mem>>) {add = true}
        %dma_wait3A_95 = arith.constant 0 : i32
        %dma_wait3A_96 = tpu.memref_slice %arg4[%run_scoped3A_59, %dma_wait3A_95] : memref<8x128xi32, #tpu.memory_space<vmem>> -> memref<1x128xi32, #tpu.memory_space<vmem>>
        %dma_wait3A_97 = tpu.memref_squeeze %dma_wait3A_96 : memref<1x128xi32, #tpu.memory_space<vmem>> -> memref<128xi32, #tpu.memory_space<vmem>>
        %dma_wait3A_98 = arith.constant 0 : i32
        %dma_wait3A_99 = arith.constant 0 : i32
        %dma_wait3A_100 = tpu.memref_slice %arg9[%dma_wait3A_98, %dma_wait3A_99] : memref<10112x128xf32, #tpu.memory_space<vmem_shared>> -> memref<10112x128xf32, #tpu.memory_space<vmem_shared>>
        tpu.wait_indirect_dma semaphore(%run_scoped3A_88 : memref<!tpu.dma_semaphore, #tpu.memory_space<semaphore_mem>>) src(%arg6 : memref<128x128xf32, #tpu.memory_space<vmem>>) dst(%dma_wait3A_100 : memref<10112x128xf32, #tpu.memory_space<vmem_shared>>)
        tpu.yield
      }) : () -> ()
      %run_scoped3A_60 = arith.constant 3 : i32
      "tpu.region"() ({
        %run_scoped3A_88 = tpu.sem_alloc : memref<!tpu.dma_semaphore, #tpu.memory_space<semaphore_mem>>
        %dma_start3A_89 = arith.constant 0 : i32
        %dma_start3A_90 = tpu.memref_slice %arg4[%run_scoped3A_60, %dma_start3A_89] : memref<8x128xi32, #tpu.memory_space<vmem>> -> memref<1x128xi32, #tpu.memory_space<vmem>>
        %dma_start3A_91 = tpu.memref_squeeze %dma_start3A_90 : memref<1x128xi32, #tpu.memory_space<vmem>> -> memref<128xi32, #tpu.memory_space<vmem>>
        %dma_start3A_92 = arith.constant 0 : i32
        %dma_start3A_93 = arith.constant 0 : i32
        %dma_start3A_94 = tpu.memref_slice %arg9[%dma_start3A_92, %dma_start3A_93] : memref<10112x128xf32, #tpu.memory_space<vmem_shared>> -> memref<10112x128xf32, #tpu.memory_space<vmem_shared>>
        tpu.enqueue_indirect_dma source(%arg6 : memref<128x128xf32, #tpu.memory_space<vmem>>) target(%dma_start3A_94 : memref<10112x128xf32, #tpu.memory_space<vmem_shared>>) offsets(%dma_start3A_91 : memref<128xi32, #tpu.memory_space<vmem>>) semaphore(%run_scoped3A_88 : memref<!tpu.dma_semaphore, #tpu.memory_space<semaphore_mem>>) {add = true}
        %dma_wait3A_95 = arith.constant 0 : i32
        %dma_wait3A_96 = tpu.memref_slice %arg4[%run_scoped3A_60, %dma_wait3A_95] : memref<8x128xi32, #tpu.memory_space<vmem>> -> memref<1x128xi32, #tpu.memory_space<vmem>>
        %dma_wait3A_97 = tpu.memref_squeeze %dma_wait3A_96 : memref<1x128xi32, #tpu.memory_space<vmem>> -> memref<128xi32, #tpu.memory_space<vmem>>
        %dma_wait3A_98 = arith.constant 0 : i32
        %dma_wait3A_99 = arith.constant 0 : i32
        %dma_wait3A_100 = tpu.memref_slice %arg9[%dma_wait3A_98, %dma_wait3A_99] : memref<10112x128xf32, #tpu.memory_space<vmem_shared>> -> memref<10112x128xf32, #tpu.memory_space<vmem_shared>>
        tpu.wait_indirect_dma semaphore(%run_scoped3A_88 : memref<!tpu.dma_semaphore, #tpu.memory_space<semaphore_mem>>) src(%arg6 : memref<128x128xf32, #tpu.memory_space<vmem>>) dst(%dma_wait3A_100 : memref<10112x128xf32, #tpu.memory_space<vmem_shared>>)
        tpu.yield
      }) : () -> ()
      %run_scoped3A_61 = arith.constant 4 : i32
      "tpu.region"() ({
        %run_scoped3A_88 = tpu.sem_alloc : memref<!tpu.dma_semaphore, #tpu.memory_space<semaphore_mem>>
        %dma_start3A_89 = arith.constant 0 : i32
        %dma_start3A_90 = tpu.memref_slice %arg4[%run_scoped3A_61, %dma_start3A_89] : memref<8x128xi32, #tpu.memory_space<vmem>> -> memref<1x128xi32, #tpu.memory_space<vmem>>
        %dma_start3A_91 = tpu.memref_squeeze %dma_start3A_90 : memref<1x128xi32, #tpu.memory_space<vmem>> -> memref<128xi32, #tpu.memory_space<vmem>>
        %dma_start3A_92 = arith.constant 0 : i32
        %dma_start3A_93 = arith.constant 0 : i32
        %dma_start3A_94 = tpu.memref_slice %arg9[%dma_start3A_92, %dma_start3A_93] : memref<10112x128xf32, #tpu.memory_space<vmem_shared>> -> memref<10112x128xf32, #tpu.memory_space<vmem_shared>>
        tpu.enqueue_indirect_dma source(%arg6 : memref<128x128xf32, #tpu.memory_space<vmem>>) target(%dma_start3A_94 : memref<10112x128xf32, #tpu.memory_space<vmem_shared>>) offsets(%dma_start3A_91 : memref<128xi32, #tpu.memory_space<vmem>>) semaphore(%run_scoped3A_88 : memref<!tpu.dma_semaphore, #tpu.memory_space<semaphore_mem>>) {add = true}
        %dma_wait3A_95 = arith.constant 0 : i32
        %dma_wait3A_96 = tpu.memref_slice %arg4[%run_scoped3A_61, %dma_wait3A_95] : memref<8x128xi32, #tpu.memory_space<vmem>> -> memref<1x128xi32, #tpu.memory_space<vmem>>
        %dma_wait3A_97 = tpu.memref_squeeze %dma_wait3A_96 : memref<1x128xi32, #tpu.memory_space<vmem>> -> memref<128xi32, #tpu.memory_space<vmem>>
        %dma_wait3A_98 = arith.constant 0 : i32
        %dma_wait3A_99 = arith.constant 0 : i32
        %dma_wait3A_100 = tpu.memref_slice %arg9[%dma_wait3A_98, %dma_wait3A_99] : memref<10112x128xf32, #tpu.memory_space<vmem_shared>> -> memref<10112x128xf32, #tpu.memory_space<vmem_shared>>
        tpu.wait_indirect_dma semaphore(%run_scoped3A_88 : memref<!tpu.dma_semaphore, #tpu.memory_space<semaphore_mem>>) src(%arg6 : memref<128x128xf32, #tpu.memory_space<vmem>>) dst(%dma_wait3A_100 : memref<10112x128xf32, #tpu.memory_space<vmem_shared>>)
        tpu.yield
      }) : () -> ()
      %run_scoped3A_62 = arith.constant 5 : i32
      "tpu.region"() ({
        %run_scoped3A_88 = tpu.sem_alloc : memref<!tpu.dma_semaphore, #tpu.memory_space<semaphore_mem>>
        %dma_start3A_89 = arith.constant 0 : i32
        %dma_start3A_90 = tpu.memref_slice %arg4[%run_scoped3A_62, %dma_start3A_89] : memref<8x128xi32, #tpu.memory_space<vmem>> -> memref<1x128xi32, #tpu.memory_space<vmem>>
        %dma_start3A_91 = tpu.memref_squeeze %dma_start3A_90 : memref<1x128xi32, #tpu.memory_space<vmem>> -> memref<128xi32, #tpu.memory_space<vmem>>
        %dma_start3A_92 = arith.constant 0 : i32
        %dma_start3A_93 = arith.constant 0 : i32
        %dma_start3A_94 = tpu.memref_slice %arg9[%dma_start3A_92, %dma_start3A_93] : memref<10112x128xf32, #tpu.memory_space<vmem_shared>> -> memref<10112x128xf32, #tpu.memory_space<vmem_shared>>
        tpu.enqueue_indirect_dma source(%arg6 : memref<128x128xf32, #tpu.memory_space<vmem>>) target(%dma_start3A_94 : memref<10112x128xf32, #tpu.memory_space<vmem_shared>>) offsets(%dma_start3A_91 : memref<128xi32, #tpu.memory_space<vmem>>) semaphore(%run_scoped3A_88 : memref<!tpu.dma_semaphore, #tpu.memory_space<semaphore_mem>>) {add = true}
        %dma_wait3A_95 = arith.constant 0 : i32
        %dma_wait3A_96 = tpu.memref_slice %arg4[%run_scoped3A_62, %dma_wait3A_95] : memref<8x128xi32, #tpu.memory_space<vmem>> -> memref<1x128xi32, #tpu.memory_space<vmem>>
        %dma_wait3A_97 = tpu.memref_squeeze %dma_wait3A_96 : memref<1x128xi32, #tpu.memory_space<vmem>> -> memref<128xi32, #tpu.memory_space<vmem>>
        %dma_wait3A_98 = arith.constant 0 : i32
        %dma_wait3A_99 = arith.constant 0 : i32
        %dma_wait3A_100 = tpu.memref_slice %arg9[%dma_wait3A_98, %dma_wait3A_99] : memref<10112x128xf32, #tpu.memory_space<vmem_shared>> -> memref<10112x128xf32, #tpu.memory_space<vmem_shared>>
        tpu.wait_indirect_dma semaphore(%run_scoped3A_88 : memref<!tpu.dma_semaphore, #tpu.memory_space<semaphore_mem>>) src(%arg6 : memref<128x128xf32, #tpu.memory_space<vmem>>) dst(%dma_wait3A_100 : memref<10112x128xf32, #tpu.memory_space<vmem_shared>>)
        tpu.yield
      }) : () -> ()
      %run_scoped3A_63 = arith.constant 6 : i32
      "tpu.region"() ({
        %run_scoped3A_88 = tpu.sem_alloc : memref<!tpu.dma_semaphore, #tpu.memory_space<semaphore_mem>>
        %dma_start3A_89 = arith.constant 0 : i32
        %dma_start3A_90 = tpu.memref_slice %arg4[%run_scoped3A_63, %dma_start3A_89] : memref<8x128xi32, #tpu.memory_space<vmem>> -> memref<1x128xi32, #tpu.memory_space<vmem>>
        %dma_start3A_91 = tpu.memref_squeeze %dma_start3A_90 : memref<1x128xi32, #tpu.memory_space<vmem>> -> memref<128xi32, #tpu.memory_space<vmem>>
        %dma_start3A_92 = arith.constant 0 : i32
        %dma_start3A_93 = arith.constant 0 : i32
        %dma_start3A_94 = tpu.memref_slice %arg9[%dma_start3A_92, %dma_start3A_93] : memref<10112x128xf32, #tpu.memory_space<vmem_shared>> -> memref<10112x128xf32, #tpu.memory_space<vmem_shared>>
        tpu.enqueue_indirect_dma source(%arg6 : memref<128x128xf32, #tpu.memory_space<vmem>>) target(%dma_start3A_94 : memref<10112x128xf32, #tpu.memory_space<vmem_shared>>) offsets(%dma_start3A_91 : memref<128xi32, #tpu.memory_space<vmem>>) semaphore(%run_scoped3A_88 : memref<!tpu.dma_semaphore, #tpu.memory_space<semaphore_mem>>) {add = true}
        %dma_wait3A_95 = arith.constant 0 : i32
        %dma_wait3A_96 = tpu.memref_slice %arg4[%run_scoped3A_63, %dma_wait3A_95] : memref<8x128xi32, #tpu.memory_space<vmem>> -> memref<1x128xi32, #tpu.memory_space<vmem>>
        %dma_wait3A_97 = tpu.memref_squeeze %dma_wait3A_96 : memref<1x128xi32, #tpu.memory_space<vmem>> -> memref<128xi32, #tpu.memory_space<vmem>>
        %dma_wait3A_98 = arith.constant 0 : i32
        %dma_wait3A_99 = arith.constant 0 : i32
        %dma_wait3A_100 = tpu.memref_slice %arg9[%dma_wait3A_98, %dma_wait3A_99] : memref<10112x128xf32, #tpu.memory_space<vmem_shared>> -> memref<10112x128xf32, #tpu.memory_space<vmem_shared>>
        tpu.wait_indirect_dma semaphore(%run_scoped3A_88 : memref<!tpu.dma_semaphore, #tpu.memory_space<semaphore_mem>>) src(%arg6 : memref<128x128xf32, #tpu.memory_space<vmem>>) dst(%dma_wait3A_100 : memref<10112x128xf32, #tpu.memory_space<vmem_shared>>)
        tpu.yield
      }) : () -> ()
      %run_scoped3A_64 = arith.constant 7 : i32
      "tpu.region"() ({
        %run_scoped3A_88 = tpu.sem_alloc : memref<!tpu.dma_semaphore, #tpu.memory_space<semaphore_mem>>
        %dma_start3A_89 = arith.constant 0 : i32
        %dma_start3A_90 = tpu.memref_slice %arg4[%run_scoped3A_64, %dma_start3A_89] : memref<8x128xi32, #tpu.memory_space<vmem>> -> memref<1x128xi32, #tpu.memory_space<vmem>>
        %dma_start3A_91 = tpu.memref_squeeze %dma_start3A_90 : memref<1x128xi32, #tpu.memory_space<vmem>> -> memref<128xi32, #tpu.memory_space<vmem>>
        %dma_start3A_92 = arith.constant 0 : i32
        %dma_start3A_93 = arith.constant 0 : i32
        %dma_start3A_94 = tpu.memref_slice %arg9[%dma_start3A_92, %dma_start3A_93] : memref<10112x128xf32, #tpu.memory_space<vmem_shared>> -> memref<10112x128xf32, #tpu.memory_space<vmem_shared>>
        tpu.enqueue_indirect_dma source(%arg6 : memref<128x128xf32, #tpu.memory_space<vmem>>) target(%dma_start3A_94 : memref<10112x128xf32, #tpu.memory_space<vmem_shared>>) offsets(%dma_start3A_91 : memref<128xi32, #tpu.memory_space<vmem>>) semaphore(%run_scoped3A_88 : memref<!tpu.dma_semaphore, #tpu.memory_space<semaphore_mem>>) {add = true}
        %dma_wait3A_95 = arith.constant 0 : i32
        %dma_wait3A_96 = tpu.memref_slice %arg4[%run_scoped3A_64, %dma_wait3A_95] : memref<8x128xi32, #tpu.memory_space<vmem>> -> memref<1x128xi32, #tpu.memory_space<vmem>>
        %dma_wait3A_97 = tpu.memref_squeeze %dma_wait3A_96 : memref<1x128xi32, #tpu.memory_space<vmem>> -> memref<128xi32, #tpu.memory_space<vmem>>
        %dma_wait3A_98 = arith.constant 0 : i32
        %dma_wait3A_99 = arith.constant 0 : i32
        %dma_wait3A_100 = tpu.memref_slice %arg9[%dma_wait3A_98, %dma_wait3A_99] : memref<10112x128xf32, #tpu.memory_space<vmem_shared>> -> memref<10112x128xf32, #tpu.memory_space<vmem_shared>>
        tpu.wait_indirect_dma semaphore(%run_scoped3A_88 : memref<!tpu.dma_semaphore, #tpu.memory_space<semaphore_mem>>) src(%arg6 : memref<128x128xf32, #tpu.memory_space<vmem>>) dst(%dma_wait3A_100 : memref<10112x128xf32, #tpu.memory_space<vmem_shared>>)
        tpu.yield
      }) : () -> ()
      %lt3A = arith.constant 4 : i32
      %lt3A_65 = arith.cmpi slt, %scan3A_50, %lt3A : i32
      %convert_element_type3A = arith.extui %lt3A_65 : i1 to i32
      %cond3A = arith.constant 0 : i32
      %cond3A_66 = arith.cmpi ne, %convert_element_type3A, %cond3A : i32
      scf.if %cond3A_66 {
        %mul3A_88 = arith.constant 2 : i32
        %mul3A_89 = arith.muli %mul3A_88, %scan3A_50 : i32
        %add3A_90 = arith.constant 2 : i32
        %add3A_91 = arith.addi %mul3A_89, %add3A_90 : i32
        %mul3A_92 = arith.constant 8 : i32
        %mul3A_93 = arith.muli %add3A_91, %mul3A_92 : i32
        %dma_start3A_94 = arith.constant 0 : i32
        %dma_start3A_95 = tpu.memref_slice %arg2[%add3A, %mul3A_93, %dma_start3A_94] : memref<32x80x128xi32, #tpu.memory_space<hbm>> -> memref<1x8x128xi32, #tpu.memory_space<hbm>>
        %dma_start3A_96 = tpu.memref_squeeze %dma_start3A_95 : memref<1x8x128xi32, #tpu.memory_space<hbm>> -> memref<8x128xi32, #tpu.memory_space<hbm>>
        %dma_start3A_97 = arith.constant 0 : i32
        %dma_start3A_98 = tpu.memref_slice %arg2[%add3A, %mul3A_93, %dma_start3A_97] : memref<32x80x128xi32, #tpu.memory_space<hbm>> -> memref<1x8x128xi32, #tpu.memory_space<hbm>>
        %dma_start3A_99 = tpu.memref_squeeze %dma_start3A_98 : memref<1x8x128xi32, #tpu.memory_space<hbm>> -> memref<8x128xi32, #tpu.memory_space<hbm>>
        tpu.enqueue_dma source(%dma_start3A_99 : memref<8x128xi32, #tpu.memory_space<hbm>>) target(%arg4 : memref<8x128xi32, #tpu.memory_space<vmem>>) target_semaphore(%arg7 : memref<!tpu.dma_semaphore, #tpu.memory_space<semaphore_mem>>)
      } else {
      }
      %dma_wait3A_67 = arith.constant 0 : i32
      %dma_wait3A_68 = arith.constant 0 : i32
      %dma_wait3A_69 = tpu.memref_slice %arg2[%add3A, %dma_wait3A_67, %dma_wait3A_68] : memref<32x80x128xi32, #tpu.memory_space<hbm>> -> memref<1x8x128xi32, #tpu.memory_space<hbm>>
      %dma_wait3A_70 = tpu.memref_squeeze %dma_wait3A_69 : memref<1x8x128xi32, #tpu.memory_space<hbm>> -> memref<8x128xi32, #tpu.memory_space<hbm>>
      %dma_wait3A_71 = arith.constant 0 : i32
      %dma_wait3A_72 = arith.constant 0 : i32
      %dma_wait3A_73 = tpu.memref_slice %arg2[%add3A, %dma_wait3A_71, %dma_wait3A_72] : memref<32x80x128xi32, #tpu.memory_space<hbm>> -> memref<1x8x128xi32, #tpu.memory_space<hbm>>
      %dma_wait3A_74 = tpu.memref_squeeze %dma_wait3A_73 : memref<1x8x128xi32, #tpu.memory_space<hbm>> -> memref<8x128xi32, #tpu.memory_space<hbm>>
      tpu.wait_dma2 semaphore(%arg8 : memref<!tpu.dma_semaphore, #tpu.memory_space<semaphore_mem>>) src(%dma_wait3A_74 : memref<8x128xi32, #tpu.memory_space<hbm>>) dst(%arg5 : memref<8x128xi32, #tpu.memory_space<vmem>>)
      %run_scoped3A_75 = arith.constant 0 : i32
      "tpu.region"() ({
        %run_scoped3A_88 = tpu.sem_alloc : memref<!tpu.dma_semaphore, #tpu.memory_space<semaphore_mem>>
        %dma_start3A_89 = arith.constant 0 : i32
        %dma_start3A_90 = tpu.memref_slice %arg5[%run_scoped3A_75, %dma_start3A_89] : memref<8x128xi32, #tpu.memory_space<vmem>> -> memref<1x128xi32, #tpu.memory_space<vmem>>
        %dma_start3A_91 = tpu.memref_squeeze %dma_start3A_90 : memref<1x128xi32, #tpu.memory_space<vmem>> -> memref<128xi32, #tpu.memory_space<vmem>>
        %dma_start3A_92 = arith.constant 0 : i32
        %dma_start3A_93 = arith.constant 0 : i32
        %dma_start3A_94 = tpu.memref_slice %arg9[%dma_start3A_92, %dma_start3A_93] : memref<10112x128xf32, #tpu.memory_space<vmem_shared>> -> memref<10112x128xf32, #tpu.memory_space<vmem_shared>>
        tpu.enqueue_indirect_dma source(%arg6 : memref<128x128xf32, #tpu.memory_space<vmem>>) target(%dma_start3A_94 : memref<10112x128xf32, #tpu.memory_space<vmem_shared>>) offsets(%dma_start3A_91 : memref<128xi32, #tpu.memory_space<vmem>>) semaphore(%run_scoped3A_88 : memref<!tpu.dma_semaphore, #tpu.memory_space<semaphore_mem>>) {add = true}
        %dma_wait3A_95 = arith.constant 0 : i32
        %dma_wait3A_96 = tpu.memref_slice %arg5[%run_scoped3A_75, %dma_wait3A_95] : memref<8x128xi32, #tpu.memory_space<vmem>> -> memref<1x128xi32, #tpu.memory_space<vmem>>
        %dma_wait3A_97 = tpu.memref_squeeze %dma_wait3A_96 : memref<1x128xi32, #tpu.memory_space<vmem>> -> memref<128xi32, #tpu.memory_space<vmem>>
        %dma_wait3A_98 = arith.constant 0 : i32
        %dma_wait3A_99 = arith.constant 0 : i32
        %dma_wait3A_100 = tpu.memref_slice %arg9[%dma_wait3A_98, %dma_wait3A_99] : memref<10112x128xf32, #tpu.memory_space<vmem_shared>> -> memref<10112x128xf32, #tpu.memory_space<vmem_shared>>
        tpu.wait_indirect_dma semaphore(%run_scoped3A_88 : memref<!tpu.dma_semaphore, #tpu.memory_space<semaphore_mem>>) src(%arg6 : memref<128x128xf32, #tpu.memory_space<vmem>>) dst(%dma_wait3A_100 : memref<10112x128xf32, #tpu.memory_space<vmem_shared>>)
        tpu.yield
      }) : () -> ()
      %run_scoped3A_76 = arith.constant 1 : i32
      "tpu.region"() ({
        %run_scoped3A_88 = tpu.sem_alloc : memref<!tpu.dma_semaphore, #tpu.memory_space<semaphore_mem>>
        %dma_start3A_89 = arith.constant 0 : i32
        %dma_start3A_90 = tpu.memref_slice %arg5[%run_scoped3A_76, %dma_start3A_89] : memref<8x128xi32, #tpu.memory_space<vmem>> -> memref<1x128xi32, #tpu.memory_space<vmem>>
        %dma_start3A_91 = tpu.memref_squeeze %dma_start3A_90 : memref<1x128xi32, #tpu.memory_space<vmem>> -> memref<128xi32, #tpu.memory_space<vmem>>
        %dma_start3A_92 = arith.constant 0 : i32
        %dma_start3A_93 = arith.constant 0 : i32
        %dma_start3A_94 = tpu.memref_slice %arg9[%dma_start3A_92, %dma_start3A_93] : memref<10112x128xf32, #tpu.memory_space<vmem_shared>> -> memref<10112x128xf32, #tpu.memory_space<vmem_shared>>
        tpu.enqueue_indirect_dma source(%arg6 : memref<128x128xf32, #tpu.memory_space<vmem>>) target(%dma_start3A_94 : memref<10112x128xf32, #tpu.memory_space<vmem_shared>>) offsets(%dma_start3A_91 : memref<128xi32, #tpu.memory_space<vmem>>) semaphore(%run_scoped3A_88 : memref<!tpu.dma_semaphore, #tpu.memory_space<semaphore_mem>>) {add = true}
        %dma_wait3A_95 = arith.constant 0 : i32
        %dma_wait3A_96 = tpu.memref_slice %arg5[%run_scoped3A_76, %dma_wait3A_95] : memref<8x128xi32, #tpu.memory_space<vmem>> -> memref<1x128xi32, #tpu.memory_space<vmem>>
        %dma_wait3A_97 = tpu.memref_squeeze %dma_wait3A_96 : memref<1x128xi32, #tpu.memory_space<vmem>> -> memref<128xi32, #tpu.memory_space<vmem>>
        %dma_wait3A_98 = arith.constant 0 : i32
        %dma_wait3A_99 = arith.constant 0 : i32
        %dma_wait3A_100 = tpu.memref_slice %arg9[%dma_wait3A_98, %dma_wait3A_99] : memref<10112x128xf32, #tpu.memory_space<vmem_shared>> -> memref<10112x128xf32, #tpu.memory_space<vmem_shared>>
        tpu.wait_indirect_dma semaphore(%run_scoped3A_88 : memref<!tpu.dma_semaphore, #tpu.memory_space<semaphore_mem>>) src(%arg6 : memref<128x128xf32, #tpu.memory_space<vmem>>) dst(%dma_wait3A_100 : memref<10112x128xf32, #tpu.memory_space<vmem_shared>>)
        tpu.yield
      }) : () -> ()
      %run_scoped3A_77 = arith.constant 2 : i32
      "tpu.region"() ({
        %run_scoped3A_88 = tpu.sem_alloc : memref<!tpu.dma_semaphore, #tpu.memory_space<semaphore_mem>>
        %dma_start3A_89 = arith.constant 0 : i32
        %dma_start3A_90 = tpu.memref_slice %arg5[%run_scoped3A_77, %dma_start3A_89] : memref<8x128xi32, #tpu.memory_space<vmem>> -> memref<1x128xi32, #tpu.memory_space<vmem>>
        %dma_start3A_91 = tpu.memref_squeeze %dma_start3A_90 : memref<1x128xi32, #tpu.memory_space<vmem>> -> memref<128xi32, #tpu.memory_space<vmem>>
        %dma_start3A_92 = arith.constant 0 : i32
        %dma_start3A_93 = arith.constant 0 : i32
        %dma_start3A_94 = tpu.memref_slice %arg9[%dma_start3A_92, %dma_start3A_93] : memref<10112x128xf32, #tpu.memory_space<vmem_shared>> -> memref<10112x128xf32, #tpu.memory_space<vmem_shared>>
        tpu.enqueue_indirect_dma source(%arg6 : memref<128x128xf32, #tpu.memory_space<vmem>>) target(%dma_start3A_94 : memref<10112x128xf32, #tpu.memory_space<vmem_shared>>) offsets(%dma_start3A_91 : memref<128xi32, #tpu.memory_space<vmem>>) semaphore(%run_scoped3A_88 : memref<!tpu.dma_semaphore, #tpu.memory_space<semaphore_mem>>) {add = true}
        %dma_wait3A_95 = arith.constant 0 : i32
        %dma_wait3A_96 = tpu.memref_slice %arg5[%run_scoped3A_77, %dma_wait3A_95] : memref<8x128xi32, #tpu.memory_space<vmem>> -> memref<1x128xi32, #tpu.memory_space<vmem>>
        %dma_wait3A_97 = tpu.memref_squeeze %dma_wait3A_96 : memref<1x128xi32, #tpu.memory_space<vmem>> -> memref<128xi32, #tpu.memory_space<vmem>>
        %dma_wait3A_98 = arith.constant 0 : i32
        %dma_wait3A_99 = arith.constant 0 : i32
        %dma_wait3A_100 = tpu.memref_slice %arg9[%dma_wait3A_98, %dma_wait3A_99] : memref<10112x128xf32, #tpu.memory_space<vmem_shared>> -> memref<10112x128xf32, #tpu.memory_space<vmem_shared>>
        tpu.wait_indirect_dma semaphore(%run_scoped3A_88 : memref<!tpu.dma_semaphore, #tpu.memory_space<semaphore_mem>>) src(%arg6 : memref<128x128xf32, #tpu.memory_space<vmem>>) dst(%dma_wait3A_100 : memref<10112x128xf32, #tpu.memory_space<vmem_shared>>)
        tpu.yield
      }) : () -> ()
      %run_scoped3A_78 = arith.constant 3 : i32
      "tpu.region"() ({
        %run_scoped3A_88 = tpu.sem_alloc : memref<!tpu.dma_semaphore, #tpu.memory_space<semaphore_mem>>
        %dma_start3A_89 = arith.constant 0 : i32
        %dma_start3A_90 = tpu.memref_slice %arg5[%run_scoped3A_78, %dma_start3A_89] : memref<8x128xi32, #tpu.memory_space<vmem>> -> memref<1x128xi32, #tpu.memory_space<vmem>>
        %dma_start3A_91 = tpu.memref_squeeze %dma_start3A_90 : memref<1x128xi32, #tpu.memory_space<vmem>> -> memref<128xi32, #tpu.memory_space<vmem>>
        %dma_start3A_92 = arith.constant 0 : i32
        %dma_start3A_93 = arith.constant 0 : i32
        %dma_start3A_94 = tpu.memref_slice %arg9[%dma_start3A_92, %dma_start3A_93] : memref<10112x128xf32, #tpu.memory_space<vmem_shared>> -> memref<10112x128xf32, #tpu.memory_space<vmem_shared>>
        tpu.enqueue_indirect_dma source(%arg6 : memref<128x128xf32, #tpu.memory_space<vmem>>) target(%dma_start3A_94 : memref<10112x128xf32, #tpu.memory_space<vmem_shared>>) offsets(%dma_start3A_91 : memref<128xi32, #tpu.memory_space<vmem>>) semaphore(%run_scoped3A_88 : memref<!tpu.dma_semaphore, #tpu.memory_space<semaphore_mem>>) {add = true}
        %dma_wait3A_95 = arith.constant 0 : i32
        %dma_wait3A_96 = tpu.memref_slice %arg5[%run_scoped3A_78, %dma_wait3A_95] : memref<8x128xi32, #tpu.memory_space<vmem>> -> memref<1x128xi32, #tpu.memory_space<vmem>>
        %dma_wait3A_97 = tpu.memref_squeeze %dma_wait3A_96 : memref<1x128xi32, #tpu.memory_space<vmem>> -> memref<128xi32, #tpu.memory_space<vmem>>
        %dma_wait3A_98 = arith.constant 0 : i32
        %dma_wait3A_99 = arith.constant 0 : i32
        %dma_wait3A_100 = tpu.memref_slice %arg9[%dma_wait3A_98, %dma_wait3A_99] : memref<10112x128xf32, #tpu.memory_space<vmem_shared>> -> memref<10112x128xf32, #tpu.memory_space<vmem_shared>>
        tpu.wait_indirect_dma semaphore(%run_scoped3A_88 : memref<!tpu.dma_semaphore, #tpu.memory_space<semaphore_mem>>) src(%arg6 : memref<128x128xf32, #tpu.memory_space<vmem>>) dst(%dma_wait3A_100 : memref<10112x128xf32, #tpu.memory_space<vmem_shared>>)
        tpu.yield
      }) : () -> ()
      %run_scoped3A_79 = arith.constant 4 : i32
      "tpu.region"() ({
        %run_scoped3A_88 = tpu.sem_alloc : memref<!tpu.dma_semaphore, #tpu.memory_space<semaphore_mem>>
        %dma_start3A_89 = arith.constant 0 : i32
        %dma_start3A_90 = tpu.memref_slice %arg5[%run_scoped3A_79, %dma_start3A_89] : memref<8x128xi32, #tpu.memory_space<vmem>> -> memref<1x128xi32, #tpu.memory_space<vmem>>
        %dma_start3A_91 = tpu.memref_squeeze %dma_start3A_90 : memref<1x128xi32, #tpu.memory_space<vmem>> -> memref<128xi32, #tpu.memory_space<vmem>>
        %dma_start3A_92 = arith.constant 0 : i32
        %dma_start3A_93 = arith.constant 0 : i32
        %dma_start3A_94 = tpu.memref_slice %arg9[%dma_start3A_92, %dma_start3A_93] : memref<10112x128xf32, #tpu.memory_space<vmem_shared>> -> memref<10112x128xf32, #tpu.memory_space<vmem_shared>>
        tpu.enqueue_indirect_dma source(%arg6 : memref<128x128xf32, #tpu.memory_space<vmem>>) target(%dma_start3A_94 : memref<10112x128xf32, #tpu.memory_space<vmem_shared>>) offsets(%dma_start3A_91 : memref<128xi32, #tpu.memory_space<vmem>>) semaphore(%run_scoped3A_88 : memref<!tpu.dma_semaphore, #tpu.memory_space<semaphore_mem>>) {add = true}
        %dma_wait3A_95 = arith.constant 0 : i32
        %dma_wait3A_96 = tpu.memref_slice %arg5[%run_scoped3A_79, %dma_wait3A_95] : memref<8x128xi32, #tpu.memory_space<vmem>> -> memref<1x128xi32, #tpu.memory_space<vmem>>
        %dma_wait3A_97 = tpu.memref_squeeze %dma_wait3A_96 : memref<1x128xi32, #tpu.memory_space<vmem>> -> memref<128xi32, #tpu.memory_space<vmem>>
        %dma_wait3A_98 = arith.constant 0 : i32
        %dma_wait3A_99 = arith.constant 0 : i32
        %dma_wait3A_100 = tpu.memref_slice %arg9[%dma_wait3A_98, %dma_wait3A_99] : memref<10112x128xf32, #tpu.memory_space<vmem_shared>> -> memref<10112x128xf32, #tpu.memory_space<vmem_shared>>
        tpu.wait_indirect_dma semaphore(%run_scoped3A_88 : memref<!tpu.dma_semaphore, #tpu.memory_space<semaphore_mem>>) src(%arg6 : memref<128x128xf32, #tpu.memory_space<vmem>>) dst(%dma_wait3A_100 : memref<10112x128xf32, #tpu.memory_space<vmem_shared>>)
        tpu.yield
      }) : () -> ()
      %run_scoped3A_80 = arith.constant 5 : i32
      "tpu.region"() ({
        %run_scoped3A_88 = tpu.sem_alloc : memref<!tpu.dma_semaphore, #tpu.memory_space<semaphore_mem>>
        %dma_start3A_89 = arith.constant 0 : i32
        %dma_start3A_90 = tpu.memref_slice %arg5[%run_scoped3A_80, %dma_start3A_89] : memref<8x128xi32, #tpu.memory_space<vmem>> -> memref<1x128xi32, #tpu.memory_space<vmem>>
        %dma_start3A_91 = tpu.memref_squeeze %dma_start3A_90 : memref<1x128xi32, #tpu.memory_space<vmem>> -> memref<128xi32, #tpu.memory_space<vmem>>
        %dma_start3A_92 = arith.constant 0 : i32
        %dma_start3A_93 = arith.constant 0 : i32
        %dma_start3A_94 = tpu.memref_slice %arg9[%dma_start3A_92, %dma_start3A_93] : memref<10112x128xf32, #tpu.memory_space<vmem_shared>> -> memref<10112x128xf32, #tpu.memory_space<vmem_shared>>
        tpu.enqueue_indirect_dma source(%arg6 : memref<128x128xf32, #tpu.memory_space<vmem>>) target(%dma_start3A_94 : memref<10112x128xf32, #tpu.memory_space<vmem_shared>>) offsets(%dma_start3A_91 : memref<128xi32, #tpu.memory_space<vmem>>) semaphore(%run_scoped3A_88 : memref<!tpu.dma_semaphore, #tpu.memory_space<semaphore_mem>>) {add = true}
        %dma_wait3A_95 = arith.constant 0 : i32
        %dma_wait3A_96 = tpu.memref_slice %arg5[%run_scoped3A_80, %dma_wait3A_95] : memref<8x128xi32, #tpu.memory_space<vmem>> -> memref<1x128xi32, #tpu.memory_space<vmem>>
        %dma_wait3A_97 = tpu.memref_squeeze %dma_wait3A_96 : memref<1x128xi32, #tpu.memory_space<vmem>> -> memref<128xi32, #tpu.memory_space<vmem>>
        %dma_wait3A_98 = arith.constant 0 : i32
        %dma_wait3A_99 = arith.constant 0 : i32
        %dma_wait3A_100 = tpu.memref_slice %arg9[%dma_wait3A_98, %dma_wait3A_99] : memref<10112x128xf32, #tpu.memory_space<vmem_shared>> -> memref<10112x128xf32, #tpu.memory_space<vmem_shared>>
        tpu.wait_indirect_dma semaphore(%run_scoped3A_88 : memref<!tpu.dma_semaphore, #tpu.memory_space<semaphore_mem>>) src(%arg6 : memref<128x128xf32, #tpu.memory_space<vmem>>) dst(%dma_wait3A_100 : memref<10112x128xf32, #tpu.memory_space<vmem_shared>>)
        tpu.yield
      }) : () -> ()
      %run_scoped3A_81 = arith.constant 6 : i32
      "tpu.region"() ({
        %run_scoped3A_88 = tpu.sem_alloc : memref<!tpu.dma_semaphore, #tpu.memory_space<semaphore_mem>>
        %dma_start3A_89 = arith.constant 0 : i32
        %dma_start3A_90 = tpu.memref_slice %arg5[%run_scoped3A_81, %dma_start3A_89] : memref<8x128xi32, #tpu.memory_space<vmem>> -> memref<1x128xi32, #tpu.memory_space<vmem>>
        %dma_start3A_91 = tpu.memref_squeeze %dma_start3A_90 : memref<1x128xi32, #tpu.memory_space<vmem>> -> memref<128xi32, #tpu.memory_space<vmem>>
        %dma_start3A_92 = arith.constant 0 : i32
        %dma_start3A_93 = arith.constant 0 : i32
        %dma_start3A_94 = tpu.memref_slice %arg9[%dma_start3A_92, %dma_start3A_93] : memref<10112x128xf32, #tpu.memory_space<vmem_shared>> -> memref<10112x128xf32, #tpu.memory_space<vmem_shared>>
        tpu.enqueue_indirect_dma source(%arg6 : memref<128x128xf32, #tpu.memory_space<vmem>>) target(%dma_start3A_94 : memref<10112x128xf32, #tpu.memory_space<vmem_shared>>) offsets(%dma_start3A_91 : memref<128xi32, #tpu.memory_space<vmem>>) semaphore(%run_scoped3A_88 : memref<!tpu.dma_semaphore, #tpu.memory_space<semaphore_mem>>) {add = true}
        %dma_wait3A_95 = arith.constant 0 : i32
        %dma_wait3A_96 = tpu.memref_slice %arg5[%run_scoped3A_81, %dma_wait3A_95] : memref<8x128xi32, #tpu.memory_space<vmem>> -> memref<1x128xi32, #tpu.memory_space<vmem>>
        %dma_wait3A_97 = tpu.memref_squeeze %dma_wait3A_96 : memref<1x128xi32, #tpu.memory_space<vmem>> -> memref<128xi32, #tpu.memory_space<vmem>>
        %dma_wait3A_98 = arith.constant 0 : i32
        %dma_wait3A_99 = arith.constant 0 : i32
        %dma_wait3A_100 = tpu.memref_slice %arg9[%dma_wait3A_98, %dma_wait3A_99] : memref<10112x128xf32, #tpu.memory_space<vmem_shared>> -> memref<10112x128xf32, #tpu.memory_space<vmem_shared>>
        tpu.wait_indirect_dma semaphore(%run_scoped3A_88 : memref<!tpu.dma_semaphore, #tpu.memory_space<semaphore_mem>>) src(%arg6 : memref<128x128xf32, #tpu.memory_space<vmem>>) dst(%dma_wait3A_100 : memref<10112x128xf32, #tpu.memory_space<vmem_shared>>)
        tpu.yield
      }) : () -> ()
      %run_scoped3A_82 = arith.constant 7 : i32
      "tpu.region"() ({
        %run_scoped3A_88 = tpu.sem_alloc : memref<!tpu.dma_semaphore, #tpu.memory_space<semaphore_mem>>
        %dma_start3A_89 = arith.constant 0 : i32
        %dma_start3A_90 = tpu.memref_slice %arg5[%run_scoped3A_82, %dma_start3A_89] : memref<8x128xi32, #tpu.memory_space<vmem>> -> memref<1x128xi32, #tpu.memory_space<vmem>>
        %dma_start3A_91 = tpu.memref_squeeze %dma_start3A_90 : memref<1x128xi32, #tpu.memory_space<vmem>> -> memref<128xi32, #tpu.memory_space<vmem>>
        %dma_start3A_92 = arith.constant 0 : i32
        %dma_start3A_93 = arith.constant 0 : i32
        %dma_start3A_94 = tpu.memref_slice %arg9[%dma_start3A_92, %dma_start3A_93] : memref<10112x128xf32, #tpu.memory_space<vmem_shared>> -> memref<10112x128xf32, #tpu.memory_space<vmem_shared>>
        tpu.enqueue_indirect_dma source(%arg6 : memref<128x128xf32, #tpu.memory_space<vmem>>) target(%dma_start3A_94 : memref<10112x128xf32, #tpu.memory_space<vmem_shared>>) offsets(%dma_start3A_91 : memref<128xi32, #tpu.memory_space<vmem>>) semaphore(%run_scoped3A_88 : memref<!tpu.dma_semaphore, #tpu.memory_space<semaphore_mem>>) {add = true}
        %dma_wait3A_95 = arith.constant 0 : i32
        %dma_wait3A_96 = tpu.memref_slice %arg5[%run_scoped3A_82, %dma_wait3A_95] : memref<8x128xi32, #tpu.memory_space<vmem>> -> memref<1x128xi32, #tpu.memory_space<vmem>>
        %dma_wait3A_97 = tpu.memref_squeeze %dma_wait3A_96 : memref<1x128xi32, #tpu.memory_space<vmem>> -> memref<128xi32, #tpu.memory_space<vmem>>
        %dma_wait3A_98 = arith.constant 0 : i32
        %dma_wait3A_99 = arith.constant 0 : i32
        %dma_wait3A_100 = tpu.memref_slice %arg9[%dma_wait3A_98, %dma_wait3A_99] : memref<10112x128xf32, #tpu.memory_space<vmem_shared>> -> memref<10112x128xf32, #tpu.memory_space<vmem_shared>>
        tpu.wait_indirect_dma semaphore(%run_scoped3A_88 : memref<!tpu.dma_semaphore, #tpu.memory_space<semaphore_mem>>) src(%arg6 : memref<128x128xf32, #tpu.memory_space<vmem>>) dst(%dma_wait3A_100 : memref<10112x128xf32, #tpu.memory_space<vmem_shared>>)
        tpu.yield
      }) : () -> ()
      %lt3A_83 = arith.constant 4 : i32
      %lt3A_84 = arith.cmpi slt, %scan3A_50, %lt3A_83 : i32
      %convert_element_type3A_85 = arith.extui %lt3A_84 : i1 to i32
      %cond3A_86 = arith.constant 0 : i32
      %cond3A_87 = arith.cmpi ne, %convert_element_type3A_85, %cond3A_86 : i32
      scf.if %cond3A_87 {
        %mul3A_88 = arith.constant 2 : i32
        %mul3A_89 = arith.muli %mul3A_88, %scan3A_50 : i32
        %add3A_90 = arith.constant 3 : i32
        %add3A_91 = arith.addi %mul3A_89, %add3A_90 : i32
        %mul3A_92 = arith.constant 8 : i32
        %mul3A_93 = arith.muli %add3A_91, %mul3A_92 : i32
        %dma_start3A_94 = arith.constant 0 : i32
        %dma_start3A_95 = tpu.memref_slice %arg2[%add3A, %mul3A_93, %dma_start3A_94] : memref<32x80x128xi32, #tpu.memory_space<hbm>> -> memref<1x8x128xi32, #tpu.memory_space<hbm>>
        %dma_start3A_96 = tpu.memref_squeeze %dma_start3A_95 : memref<1x8x128xi32, #tpu.memory_space<hbm>> -> memref<8x128xi32, #tpu.memory_space<hbm>>
        %dma_start3A_97 = arith.constant 0 : i32
        %dma_start3A_98 = tpu.memref_slice %arg2[%add3A, %mul3A_93, %dma_start3A_97] : memref<32x80x128xi32, #tpu.memory_space<hbm>> -> memref<1x8x128xi32, #tpu.memory_space<hbm>>
        %dma_start3A_99 = tpu.memref_squeeze %dma_start3A_98 : memref<1x8x128xi32, #tpu.memory_space<hbm>> -> memref<8x128xi32, #tpu.memory_space<hbm>>
        tpu.enqueue_dma source(%dma_start3A_99 : memref<8x128xi32, #tpu.memory_space<hbm>>) target(%arg5 : memref<8x128xi32, #tpu.memory_space<vmem>>) target_semaphore(%arg8 : memref<!tpu.dma_semaphore, #tpu.memory_space<semaphore_mem>>)
      } else {
      }
    }
    %scan3A_48 = arith.constant 5 : i32
    %barrier3A_49 = arith.constant 0 : index
    tpu.barrier barrier_id(%barrier3A_49)
    "tpu.region"() ({
      %run_scoped3A = tpu.sem_alloc : memref<!tpu.dma_semaphore, #tpu.memory_space<semaphore_mem>>
      %dma_start3A_50 = arith.constant 0 : i32
      %dma_start3A_51 = tpu.memref_slice %arg3[%arg0, %mul3A_23, %dma_start3A_50] : memref<2x10112x128xf32, #tpu.memory_space<hbm>> -> memref<1x632x128xf32, #tpu.memory_space<hbm>>
      %dma_start3A_52 = tpu.memref_squeeze %dma_start3A_51 : memref<1x632x128xf32, #tpu.memory_space<hbm>> -> memref<632x128xf32, #tpu.memory_space<hbm>>
      %dma_start3A_53 = arith.constant 0 : i32
      %dma_start3A_54 = tpu.memref_slice %arg9[%mul3A_23, %dma_start3A_53] : memref<10112x128xf32, #tpu.memory_space<vmem_shared>> -> memref<632x128xf32, #tpu.memory_space<vmem_shared>>
      tpu.enqueue_dma source(%dma_start3A_54 : memref<632x128xf32, #tpu.memory_space<vmem_shared>>) target(%dma_start3A_52 : memref<632x128xf32, #tpu.memory_space<hbm>>) target_semaphore(%run_scoped3A : memref<!tpu.dma_semaphore, #tpu.memory_space<semaphore_mem>>)
      %dma_wait3A = arith.constant 0 : i32
      %dma_wait3A_55 = tpu.memref_slice %arg3[%arg0, %mul3A_23, %dma_wait3A] : memref<2x10112x128xf32, #tpu.memory_space<hbm>> -> memref<1x632x128xf32, #tpu.memory_space<hbm>>
      %dma_wait3A_56 = tpu.memref_squeeze %dma_wait3A_55 : memref<1x632x128xf32, #tpu.memory_space<hbm>> -> memref<632x128xf32, #tpu.memory_space<hbm>>
      %dma_wait3A_57 = arith.constant 0 : i32
      %dma_wait3A_58 = tpu.memref_slice %arg9[%mul3A_23, %dma_wait3A_57] : memref<10112x128xf32, #tpu.memory_space<vmem_shared>> -> memref<632x128xf32, #tpu.memory_space<vmem_shared>>
      tpu.wait_dma2 semaphore(%run_scoped3A : memref<!tpu.dma_semaphore, #tpu.memory_space<semaphore_mem>>) src(%dma_wait3A_58 : memref<632x128xf32, #tpu.memory_space<vmem_shared>>) dst(%dma_wait3A_56 : memref<632x128xf32, #tpu.memory_space<hbm>>)
      tpu.yield
    }) : () -> ()
    return
  }
}

module attributes {stable_mosaic.version = 14 : i64} {
  func.func @_dense_in_body(%arg0: i32, %arg1: memref<1000x128xf32, #tpu.memory_space<vmem>>, %arg2: memref<128x128xf32, #tpu.memory_space<vmem>>, %arg3: memref<128x128xf32, #tpu.memory_space<vmem>>, %arg4: memref<1x128xf32, #tpu.memory_space<vmem>>, %arg5: memref<1000x128xf32, #tpu.memory_space<vmem>>, %arg6: memref<1000x128xf32, #tpu.memory_space<vmem>>) attributes {dimension_semantics = [#tpu.dimension_semantics<arbitrary>], iteration_bounds = array<i64: 10>, scalar_prefetch = 0 : i64, scratch_operands = 0 : i64, tpu.core_type = #tpu.core_type<tc>, window_params = [{transform_indices = @transform_0, window_bounds = array<i64: 1000, 128>}, {pipeline_mode = #tpu.pipeline_mode<synchronous>, transform_indices = @transform_1, window_bounds = array<i64: 128, 128>}, {pipeline_mode = #tpu.pipeline_mode<synchronous>, transform_indices = @transform_2, window_bounds = array<i64: 128, 128>}, {pipeline_mode = #tpu.pipeline_mode<synchronous>, transform_indices = @transform_3, window_bounds = array<i64: 1, 128>}, {transform_indices = @transform_4, window_bounds = array<i64: 1000, 128>}, {transform_indices = @transform_5, window_bounds = array<i64: 1000, 128>}]} {
    %get3A = arith.constant 0 : index
    %get3A_0 = arith.constant 0 : index
    %get3A_1 = vector.load %arg1[%get3A, %get3A_0] : memref<1000x128xf32, #tpu.memory_space<vmem>>, vector<1000x128xf32>
    %get3A_2 = arith.constant 0 : index
    %get3A_3 = arith.constant 0 : index
    %get3A_4 = vector.load %arg2[%get3A_2, %get3A_3] : memref<128x128xf32, #tpu.memory_space<vmem>>, vector<128x128xf32>
    %dot_general3A = arith.constant dense<0.000000e+00> : vector<1000x128xf32>
    %dot_general3A_5 = tpu.matmul %get3A_1, %get3A_4, %dot_general3A {dimension_numbers = #tpu.dot_dimension_numbers<[1], [0], [0], [1], [0, 0, 1, 1], [], []>, transpose_lhs_hint = false} : vector<1000x128xf32>, vector<128x128xf32>, vector<1000x128xf32> -> vector<1000x128xf32>
    %swap3A = arith.constant 0 : index
    %swap3A_6 = arith.constant 0 : index
    %swap3A_7 = vector.load %arg5[%swap3A, %swap3A_6] : memref<1000x128xf32, #tpu.memory_space<vmem>>, vector<1000x128xf32>
    tpu.vector_store %arg5[%swap3A, %swap3A_6], %dot_general3A_5 {strides = array<i32>} : memref<1000x128xf32, #tpu.memory_space<vmem>>, vector<1000x128xf32>,
    %get3A_8 = arith.constant 0 : index
    %get3A_9 = arith.constant 0 : index
    %get3A_10 = vector.load %arg3[%get3A_8, %get3A_9] : memref<128x128xf32, #tpu.memory_space<vmem>>, vector<128x128xf32>
    %dot_general3A_11 = arith.constant dense<0.000000e+00> : vector<1000x128xf32>
    %dot_general3A_12 = tpu.matmul %get3A_1, %get3A_10, %dot_general3A_11 {dimension_numbers = #tpu.dot_dimension_numbers<[1], [0], [0], [1], [0, 0, 1, 1], [], []>, transpose_lhs_hint = false} : vector<1000x128xf32>, vector<128x128xf32>, vector<1000x128xf32> -> vector<1000x128xf32>
    %get3A_13 = arith.constant 0 : index
    %get3A_14 = arith.constant 0 : index
    %get3A_15 = vector.load %arg4[%get3A_13, %get3A_14] : memref<1x128xf32, #tpu.memory_space<vmem>>, vector<1x128xf32>
    %add3A = vector.broadcast %get3A_15 : vector<1x128xf32> to vector<1000x128xf32>
    %add3A_16 = arith.addf %dot_general3A_12, %add3A : vector<1000x128xf32>
    %swap3A_17 = arith.constant 0 : index
    %swap3A_18 = arith.constant 0 : index
    %swap3A_19 = vector.load %arg6[%swap3A_17, %swap3A_18] : memref<1000x128xf32, #tpu.memory_space<vmem>>, vector<1000x128xf32>
    tpu.vector_store %arg6[%swap3A_17, %swap3A_18], %add3A_16 {strides = array<i32>} : memref<1000x128xf32, #tpu.memory_space<vmem>>, vector<1000x128xf32>,
    return
  }
  func.func @transform_0(%arg0: i32) -> (i32, i32) {
    %c0_i32 = arith.constant 0 : i32
    %c0_i32_0 = arith.constant 0 : i32
    return %arg0, %c0_i32 : i32, i32
  }
  func.func @transform_1(%arg0: i32) -> (i32, i32) {
    %c0_i32 = arith.constant 0 : i32
    %c0_i32_0 = arith.constant 0 : i32
    %c0_i32_1 = arith.constant 0 : i32
    return %c0_i32, %c0_i32_0 : i32, i32
  }
  func.func @transform_2(%arg0: i32) -> (i32, i32) {
    %c0_i32 = arith.constant 0 : i32
    %c0_i32_0 = arith.constant 0 : i32
    %c0_i32_1 = arith.constant 0 : i32
    return %c0_i32, %c0_i32_0 : i32, i32
  }
  func.func @transform_3(%arg0: i32) -> (i32, i32) {
    %c0_i32 = arith.constant 0 : i32
    %c0_i32_0 = arith.constant 0 : i32
    %c0_i32_1 = arith.constant 0 : i32
    return %c0_i32, %c0_i32_0 : i32, i32
  }
  func.func @transform_4(%arg0: i32) -> (i32, i32) {
    %c0_i32 = arith.constant 0 : i32
    %c0_i32_0 = arith.constant 0 : i32
    return %arg0, %c0_i32 : i32, i32
  }
  func.func @transform_5(%arg0: i32) -> (i32, i32) {
    %c0_i32 = arith.constant 0 : i32
    %c0_i32_0 = arith.constant 0 : i32
    return %arg0, %c0_i32 : i32, i32
  }
}

module attributes {stable_mosaic.version = 14 : i64} {
  func.func @_dense_mid_body(%arg0: i32, %arg1: memref<1x1000x128xf32, #tpu.memory_space<vmem>>, %arg2: memref<1x1000x128xf32, #tpu.memory_space<vmem>>, %arg3: memref<1x1000x128xf32, #tpu.memory_space<vmem>>, %arg4: memref<1x1000x128xf32, #tpu.memory_space<vmem>>, %arg5: memref<1000x128xf32, #tpu.memory_space<vmem>>, %arg6: memref<128x128xf32, #tpu.memory_space<vmem>>, %arg7: memref<128x128xf32, #tpu.memory_space<vmem>>, %arg8: memref<1x128xf32, #tpu.memory_space<vmem>>, %arg9: memref<1000x128xf32, #tpu.memory_space<vmem>>, %arg10: memref<1000x128xf32, #tpu.memory_space<vmem>>) attributes {dimension_semantics = [#tpu.dimension_semantics<arbitrary>], iteration_bounds = array<i64: 10>, scalar_prefetch = 0 : i64, scratch_operands = 0 : i64, tpu.core_type = #tpu.core_type<tc>, window_params = [{transform_indices = @transform_0, window_bounds = array<i64: 1, 1000, 128>}, {transform_indices = @transform_1, window_bounds = array<i64: 1, 1000, 128>}, {transform_indices = @transform_2, window_bounds = array<i64: 1, 1000, 128>}, {transform_indices = @transform_3, window_bounds = array<i64: 1, 1000, 128>}, {transform_indices = @transform_4, window_bounds = array<i64: 1000, 128>}, {pipeline_mode = #tpu.pipeline_mode<synchronous>, transform_indices = @transform_5, window_bounds = array<i64: 128, 128>}, {pipeline_mode = #tpu.pipeline_mode<synchronous>, transform_indices = @transform_6, window_bounds = array<i64: 128, 128>}, {pipeline_mode = #tpu.pipeline_mode<synchronous>, transform_indices = @transform_7, window_bounds = array<i64: 1, 128>}, {transform_indices = @transform_8, window_bounds = array<i64: 1000, 128>}, {transform_indices = @transform_9, window_bounds = array<i64: 1000, 128>}]} {
    %get3A = arith.constant 0 : index
    %get3A_0 = arith.constant 0 : index
    %get3A_1 = arith.constant 0 : index
    %get3A_2 = vector.load %arg3[%get3A, %get3A_0, %get3A_1] : memref<1x1000x128xf32, #tpu.memory_space<vmem>>, vector<1x1000x1xf32>
    %get3A_3 = vector.shape_cast %get3A_2 : vector<1x1000x1xf32> to vector<1000x1xf32>
    %get3A_4 = arith.constant 0 : index
    %get3A_5 = arith.constant 0 : index
    %get3A_6 = arith.constant 0 : index
    %get3A_7 = vector.load %arg4[%get3A_4, %get3A_5, %get3A_6] : memref<1x1000x128xf32, #tpu.memory_space<vmem>>, vector<1x1000x1xf32>
    %get3A_8 = vector.shape_cast %get3A_7 : vector<1x1000x1xf32> to vector<1000x1xf32>
    %add3A = arith.addf %get3A_3, %get3A_8 : vector<1000x1xf32>
    %max3A = arith.constant 1.000000e+00 : f32
    %max3A_9 = vector.broadcast %max3A : f32 to vector<1000x1xf32>
    %max3A_10 = arith.maximumf %add3A, %max3A_9 : vector<1000x1xf32>
    %div3A = arith.constant 1.000000e+00 : f32
    %div3A_11 = vector.broadcast %div3A : f32 to vector<1000x1xf32>
    %div3A_12 = arith.divf %div3A_11, %max3A_10 : vector<1000x1xf32>
    %get3A_13 = arith.constant 0 : index
    %get3A_14 = arith.constant 0 : index
    %get3A_15 = arith.constant 0 : index
    %get3A_16 = vector.load %arg1[%get3A_13, %get3A_14, %get3A_15] : memref<1x1000x128xf32, #tpu.memory_space<vmem>>, vector<1x1000x128xf32>
    %get3A_17 = vector.shape_cast %get3A_16 : vector<1x1000x128xf32> to vector<1000x128xf32>
    %get3A_18 = arith.constant 0 : index
    %get3A_19 = arith.constant 0 : index
    %get3A_20 = arith.constant 0 : index
    %get3A_21 = vector.load %arg2[%get3A_18, %get3A_19, %get3A_20] : memref<1x1000x128xf32, #tpu.memory_space<vmem>>, vector<1x1000x128xf32>
    %get3A_22 = vector.shape_cast %get3A_21 : vector<1x1000x128xf32> to vector<1000x128xf32>
    %add3A_23 = arith.addf %get3A_17, %get3A_22 : vector<1000x128xf32>
    %mul3A = vector.broadcast %div3A_12 : vector<1000x1xf32> to vector<1000x128xf32>
    %mul3A_24 = arith.mulf %add3A_23, %mul3A : vector<1000x128xf32>
    %get3A_25 = arith.constant 0 : index
    %get3A_26 = arith.constant 0 : index
    %get3A_27 = vector.load %arg5[%get3A_25, %get3A_26] : memref<1000x128xf32, #tpu.memory_space<vmem>>, vector<1000x128xf32>
    %add3A_28 = arith.addf %mul3A_24, %get3A_27 : vector<1000x128xf32>
    %max3A_29 = arith.constant 0.000000e+00 : f32
    %max3A_30 = vector.broadcast %max3A_29 : f32 to vector<1000x128xf32>
    %max3A_31 = arith.maximumf %add3A_28, %max3A_30 : vector<1000x128xf32>
    %get3A_32 = arith.constant 0 : index
    %get3A_33 = arith.constant 0 : index
    %get3A_34 = vector.load %arg6[%get3A_32, %get3A_33] : memref<128x128xf32, #tpu.memory_space<vmem>>, vector<128x128xf32>
    %dot_general3A = arith.constant dense<0.000000e+00> : vector<1000x128xf32>
    %dot_general3A_35 = tpu.matmul %max3A_31, %get3A_34, %dot_general3A {dimension_numbers = #tpu.dot_dimension_numbers<[1], [0], [0], [1], [0, 0, 1, 1], [], []>, transpose_lhs_hint = false} : vector<1000x128xf32>, vector<128x128xf32>, vector<1000x128xf32> -> vector<1000x128xf32>
    %swap3A = arith.constant 0 : index
    %swap3A_36 = arith.constant 0 : index
    %swap3A_37 = vector.load %arg9[%swap3A, %swap3A_36] : memref<1000x128xf32, #tpu.memory_space<vmem>>, vector<1000x128xf32>
    tpu.vector_store %arg9[%swap3A, %swap3A_36], %dot_general3A_35 {strides = array<i32>} : memref<1000x128xf32, #tpu.memory_space<vmem>>, vector<1000x128xf32>,
    %get3A_38 = arith.constant 0 : index
    %get3A_39 = arith.constant 0 : index
    %get3A_40 = vector.load %arg7[%get3A_38, %get3A_39] : memref<128x128xf32, #tpu.memory_space<vmem>>, vector<128x128xf32>
    %dot_general3A_41 = arith.constant dense<0.000000e+00> : vector<1000x128xf32>
    %dot_general3A_42 = tpu.matmul %max3A_31, %get3A_40, %dot_general3A_41 {dimension_numbers = #tpu.dot_dimension_numbers<[1], [0], [0], [1], [0, 0, 1, 1], [], []>, transpose_lhs_hint = false} : vector<1000x128xf32>, vector<128x128xf32>, vector<1000x128xf32> -> vector<1000x128xf32>
    %get3A_43 = arith.constant 0 : index
    %get3A_44 = arith.constant 0 : index
    %get3A_45 = vector.load %arg8[%get3A_43, %get3A_44] : memref<1x128xf32, #tpu.memory_space<vmem>>, vector<1x128xf32>
    %add3A_46 = vector.broadcast %get3A_45 : vector<1x128xf32> to vector<1000x128xf32>
    %add3A_47 = arith.addf %dot_general3A_42, %add3A_46 : vector<1000x128xf32>
    %swap3A_48 = arith.constant 0 : index
    %swap3A_49 = arith.constant 0 : index
    %swap3A_50 = vector.load %arg10[%swap3A_48, %swap3A_49] : memref<1000x128xf32, #tpu.memory_space<vmem>>, vector<1000x128xf32>
    tpu.vector_store %arg10[%swap3A_48, %swap3A_49], %add3A_47 {strides = array<i32>} : memref<1000x128xf32, #tpu.memory_space<vmem>>, vector<1000x128xf32>,
    return
  }
  func.func @transform_0(%arg0: i32) -> (i32, i32, i32) {
    %c0_i32 = arith.constant 0 : i32
    %c0_i32_0 = arith.constant 0 : i32
    %c0_i32_1 = arith.constant 0 : i32
    return %c0_i32, %arg0, %c0_i32_0 : i32, i32, i32
  }
  func.func @transform_1(%arg0: i32) -> (i32, i32, i32) {
    %c1_i32 = arith.constant 1 : i32
    %c0_i32 = arith.constant 0 : i32
    %c0_i32_0 = arith.constant 0 : i32
    return %c1_i32, %arg0, %c0_i32 : i32, i32, i32
  }
  func.func @transform_2(%arg0: i32) -> (i32, i32, i32) {
    %c0_i32 = arith.constant 0 : i32
    %c0_i32_0 = arith.constant 0 : i32
    %c0_i32_1 = arith.constant 0 : i32
    return %c0_i32, %arg0, %c0_i32_0 : i32, i32, i32
  }
  func.func @transform_3(%arg0: i32) -> (i32, i32, i32) {
    %c1_i32 = arith.constant 1 : i32
    %c0_i32 = arith.constant 0 : i32
    %c0_i32_0 = arith.constant 0 : i32
    return %c1_i32, %arg0, %c0_i32 : i32, i32, i32
  }
  func.func @transform_4(%arg0: i32) -> (i32, i32) {
    %c0_i32 = arith.constant 0 : i32
    %c0_i32_0 = arith.constant 0 : i32
    return %arg0, %c0_i32 : i32, i32
  }
  func.func @transform_5(%arg0: i32) -> (i32, i32) {
    %c0_i32 = arith.constant 0 : i32
    %c0_i32_0 = arith.constant 0 : i32
    %c0_i32_1 = arith.constant 0 : i32
    return %c0_i32, %c0_i32_0 : i32, i32
  }
  func.func @transform_6(%arg0: i32) -> (i32, i32) {
    %c0_i32 = arith.constant 0 : i32
    %c0_i32_0 = arith.constant 0 : i32
    %c0_i32_1 = arith.constant 0 : i32
    return %c0_i32, %c0_i32_0 : i32, i32
  }
  func.func @transform_7(%arg0: i32) -> (i32, i32) {
    %c0_i32 = arith.constant 0 : i32
    %c0_i32_0 = arith.constant 0 : i32
    %c0_i32_1 = arith.constant 0 : i32
    return %c0_i32, %c0_i32_0 : i32, i32
  }
  func.func @transform_8(%arg0: i32) -> (i32, i32) {
    %c0_i32 = arith.constant 0 : i32
    %c0_i32_0 = arith.constant 0 : i32
    return %arg0, %c0_i32 : i32, i32
  }
  func.func @transform_9(%arg0: i32) -> (i32, i32) {
    %c0_i32 = arith.constant 0 : i32
    %c0_i32_0 = arith.constant 0 : i32
    return %arg0, %c0_i32 : i32, i32
  }
}

module attributes {stable_mosaic.version = 14 : i64} {
  func.func @_combine_body(%arg0: i32, %arg1: memref<1x1000x128xf32, #tpu.memory_space<vmem>>, %arg2: memref<1x1000x128xf32, #tpu.memory_space<vmem>>, %arg3: memref<1x1000x128xf32, #tpu.memory_space<vmem>>, %arg4: memref<1x1000x128xf32, #tpu.memory_space<vmem>>, %arg5: memref<1000x128xf32, #tpu.memory_space<vmem>>, %arg6: memref<1000x128xf32, #tpu.memory_space<vmem>>) attributes {dimension_semantics = [#tpu.dimension_semantics<arbitrary>], iteration_bounds = array<i64: 10>, scalar_prefetch = 0 : i64, scratch_operands = 0 : i64, tpu.core_type = #tpu.core_type<tc>, window_params = [{transform_indices = @transform_0, window_bounds = array<i64: 1, 1000, 128>}, {transform_indices = @transform_1, window_bounds = array<i64: 1, 1000, 128>}, {transform_indices = @transform_2, window_bounds = array<i64: 1, 1000, 128>}, {transform_indices = @transform_3, window_bounds = array<i64: 1, 1000, 128>}, {transform_indices = @transform_4, window_bounds = array<i64: 1000, 128>}, {transform_indices = @transform_5, window_bounds = array<i64: 1000, 128>}]} {
    %get3A = arith.constant 0 : index
    %get3A_0 = arith.constant 0 : index
    %get3A_1 = arith.constant 0 : index
    %get3A_2 = vector.load %arg3[%get3A, %get3A_0, %get3A_1] : memref<1x1000x128xf32, #tpu.memory_space<vmem>>, vector<1x1000x1xf32>
    %get3A_3 = vector.shape_cast %get3A_2 : vector<1x1000x1xf32> to vector<1000x1xf32>
    %get3A_4 = arith.constant 0 : index
    %get3A_5 = arith.constant 0 : index
    %get3A_6 = arith.constant 0 : index
    %get3A_7 = vector.load %arg4[%get3A_4, %get3A_5, %get3A_6] : memref<1x1000x128xf32, #tpu.memory_space<vmem>>, vector<1x1000x1xf32>
    %get3A_8 = vector.shape_cast %get3A_7 : vector<1x1000x1xf32> to vector<1000x1xf32>
    %add3A = arith.addf %get3A_3, %get3A_8 : vector<1000x1xf32>
    %max3A = arith.constant 1.000000e+00 : f32
    %max3A_9 = vector.broadcast %max3A : f32 to vector<1000x1xf32>
    %max3A_10 = arith.maximumf %add3A, %max3A_9 : vector<1000x1xf32>
    %div3A = arith.constant 1.000000e+00 : f32
    %div3A_11 = vector.broadcast %div3A : f32 to vector<1000x1xf32>
    %div3A_12 = arith.divf %div3A_11, %max3A_10 : vector<1000x1xf32>
    %get3A_13 = arith.constant 0 : index
    %get3A_14 = arith.constant 0 : index
    %get3A_15 = arith.constant 0 : index
    %get3A_16 = vector.load %arg1[%get3A_13, %get3A_14, %get3A_15] : memref<1x1000x128xf32, #tpu.memory_space<vmem>>, vector<1x1000x128xf32>
    %get3A_17 = vector.shape_cast %get3A_16 : vector<1x1000x128xf32> to vector<1000x128xf32>
    %get3A_18 = arith.constant 0 : index
    %get3A_19 = arith.constant 0 : index
    %get3A_20 = arith.constant 0 : index
    %get3A_21 = vector.load %arg2[%get3A_18, %get3A_19, %get3A_20] : memref<1x1000x128xf32, #tpu.memory_space<vmem>>, vector<1x1000x128xf32>
    %get3A_22 = vector.shape_cast %get3A_21 : vector<1x1000x128xf32> to vector<1000x128xf32>
    %add3A_23 = arith.addf %get3A_17, %get3A_22 : vector<1000x128xf32>
    %mul3A = vector.broadcast %div3A_12 : vector<1000x1xf32> to vector<1000x128xf32>
    %mul3A_24 = arith.mulf %add3A_23, %mul3A : vector<1000x128xf32>
    %get3A_25 = arith.constant 0 : index
    %get3A_26 = arith.constant 0 : index
    %get3A_27 = vector.load %arg5[%get3A_25, %get3A_26] : memref<1000x128xf32, #tpu.memory_space<vmem>>, vector<1000x128xf32>
    %add3A_28 = arith.addf %mul3A_24, %get3A_27 : vector<1000x128xf32>
    %swap3A = arith.constant 0 : index
    %swap3A_29 = arith.constant 0 : index
    %swap3A_30 = vector.load %arg6[%swap3A, %swap3A_29] : memref<1000x128xf32, #tpu.memory_space<vmem>>, vector<1000x128xf32>
    tpu.vector_store %arg6[%swap3A, %swap3A_29], %add3A_28 {strides = array<i32>} : memref<1000x128xf32, #tpu.memory_space<vmem>>, vector<1000x128xf32>,
    return
  }
  func.func @transform_0(%arg0: i32) -> (i32, i32, i32) {
    %c0_i32 = arith.constant 0 : i32
    %c0_i32_0 = arith.constant 0 : i32
    %c0_i32_1 = arith.constant 0 : i32
    return %c0_i32, %arg0, %c0_i32_0 : i32, i32, i32
  }
  func.func @transform_1(%arg0: i32) -> (i32, i32, i32) {
    %c1_i32 = arith.constant 1 : i32
    %c0_i32 = arith.constant 0 : i32
    %c0_i32_0 = arith.constant 0 : i32
    return %c1_i32, %arg0, %c0_i32 : i32, i32, i32
  }
  func.func @transform_2(%arg0: i32) -> (i32, i32, i32) {
    %c0_i32 = arith.constant 0 : i32
    %c0_i32_0 = arith.constant 0 : i32
    %c0_i32_1 = arith.constant 0 : i32
    return %c0_i32, %arg0, %c0_i32_0 : i32, i32, i32
  }
  func.func @transform_3(%arg0: i32) -> (i32, i32, i32) {
    %c1_i32 = arith.constant 1 : i32
    %c0_i32 = arith.constant 0 : i32
    %c0_i32_0 = arith.constant 0 : i32
    return %c1_i32, %arg0, %c0_i32 : i32, i32, i32
  }
  func.func @transform_4(%arg0: i32) -> (i32, i32) {
    %c0_i32 = arith.constant 0 : i32
    %c0_i32_0 = arith.constant 0 : i32
    return %arg0, %c0_i32 : i32, i32
  }
  func.func @transform_5(%arg0: i32) -> (i32, i32) {
    %c0_i32 = arith.constant 0 : i32
    %c0_i32_0 = arith.constant 0 : i32
    return %arg0, %c0_i32 : i32, i32
  }
}

</mosaic_0001>

<sc_bundles>
// kernel: kernel.11.cloned.1.call-start
scs
__scs_entry_jumppad:
0x0: {  	(pc) =	sbr.rel $0x88, $3  }
0x1: {  	(tag) =	ssettag $0x0;
	lr =	simm.s32 $0x1  }
0x2: {  	[smem:$0x3F99] =	sst lr;
	_ =	strace $0xD0000000  }
0x3: {  	_ = 	snop  }
0x4: {  	_ = 	snop  }
0x5: {  	_ = 	snop  }
0x6: {  	_ = 	snop  }
0x7: {  	_ = 	snop  }
__scs_overlays_trampoline_lowered:
0x8: {  	[smem:$0x3FA8] =	sst s0  }
0x9: {  	[smem:$0x3FA9] =	sst s1  }
0xa: {  	[smem:$0x3FAA] =	sst s2  }
0xb: {  	[smem:$0x3FAB] =	sst s3  }
0xc: {  	[smem:$0x3FAC] =	sst s4  }
0xd: {  	[smem:$0x3FAD] =	sst s5  }
0xe: {  	[smem:$0x3FAE] =	sst s6  }
0xf: {  	[smem:$0x3FAF] =	sst s7  }
0x10: {  	[smem:$0x3FB0] =	sst s8  }
0x11: {  	[smem:$0x3FB1] =	sst s9;
	s0 =	simm.s32 @!p0 $0x0  }
0x12: {  	s1 =	sld [smem:$0x3F97];
	s0 =	simm.s32 @p0 $0x1  }
0x13: {  	[smem:$0x3FB2] =	sst s0;
	s0 =	simm.s32 @!p1 $0x0  }
0x14: {  	s2 =	sld [smem:$0x3F96];
	s0 =	simm.s32 @p1 $0x1  }
0x15: {  	[smem:$0x3FB3] =	sst s0;
	s0 =	simm.s32 @!p2 $0x0  }
0x16: {  	s3 =	sld [smem:$0x3FDB];
	s0 =	simm.s32 @p2 $0x1  }
0x17: {  	s4 =	simm.s32 $0x1BF5;
	[smem:$0x3FB5] =	sst s0  }
0x18: {  	s0 =	sld [smem:$0x3F98];
	_ =	swait.ge [sflag:s4], $0x0  }
0x19: {  	s7 =	sld [smem:$0x3F99]  }
0x1a: {  	s8 =	sadd.s32 $0xFFFFE003, lr  }
0x1b: {  	s9 =	sadd.s32 $0xFFFFFEF7, lr;
	s5 =	simm.s32 $0xFFFFFFFF;
	p2 =	slt.u32 s8, $0xFFFFF086  }
0x1c: {  	p1 =	slt.u32 s9, $0xF7A;
	s5 =	simm.s32 @!p2 $0x0  }
0x1d: {  	s5 =	simm.s32 @p1 $0x1;
	p0 =	seq.s32 s7, s2  }
0x1e: {  	s7 =	smul.u32 @!p0 $0xF7A, s2;
	p2 =	seq.s32 @!p0 s5, $0x0  }
0x1f: {  	s9 =	smul.u32 $0xF7A, s1;
	s8 =	simm.s32 @!p0 $0x1BF5;
	p2 =	por !p2, p0  }
0x20: {  	[sflag:s8] =	ssyncset.s32 @!p0 $0xFFFFF086;
	s6 =	sadd.s32 @!p0 s3, s7;
	s7 =	simm.s32 @!p0 $0x108  }
0x21: {  	s3 =	sadd.s32 s3, s9;
	s6 =	sadd.s32 @!p0 $0x88, s6;
	s7 =	simm.s32 @p2 $0x1082  }
0x22: {  	[simem:s7], [sflag:s8] =	dma.local @!p0 [hbm:s6], $0xF7A  }
0x23: {  	s9 =	sor.u32 $0xD0000000, s2;
	s6 =	simm.s32 $0x108;
	_ =	swait.ge @!p0 [sflag:s8], $0x0  }
0x24: {  	s3 =	sadd.s32 $0x88, s3;
	s6 =	simm.s32 @!p1 $0x1082;
	[sflag:s4] =	ssyncset.s32 $0xFFFFF086  }
0x25: {  	[simem:s6], [sflag:s4] =	dma.local [hbm:s3], $0xF7A  }
0x26: {  	[smem:$0x3F99] =	sst s1;
	(tag) =	ssettag s2;
	_ =	strace s9  }
0x27: {  	s1 =	sld [smem:$0x3FA9]  }
0x28: {  	s2 =	sld [smem:$0x3FAA]  }
0x29: {  	s4 =	sld [smem:$0x3FAC]  }
0x2a: {  	p0 =	seq.s32 s5, $0x0;
	s5 =	sld [smem:$0x3FAD]  }
0x2b: {  	s6 =	sld [smem:$0x3FAE]  }
0x2c: {  	s7 =	sld [smem:$0x3FAF]  }
0x2d: {  	s3 =	simm.s32 $0x108;
	s8 =	sld [smem:$0x3FB0]  }
0x2e: {  	s3 =	simm.s32 @!p0 $0x1082;
	s9 =	sld [smem:$0x3FB1]  }
0x2f: {  	lr =	sadd.s32 s0, s3;
	s0 =	sld [smem:$0x3FA8]  }
0x30: {  	s3 =	sld [smem:$0x3FAB]  }
0x31: {  	[smem:$0x3FB4] =	sst s10  }
0x32: {  	s10 =	sld [smem:$0x3FB2];
	_ =	sdelay $0x3  }
0x33: {  	p0 =	seq.s32 s10, $0x1;
	s10 =	sld [smem:$0x3FB4];
	_ =	sdelay $0x3  }
0x34: {  	[smem:$0x3FB4] =	sst s10  }
0x35: {  	s10 =	sld [smem:$0x3FB3];
	_ =	sdelay $0x3  }
0x36: {  	p1 =	seq.s32 s10, $0x1;
	s10 =	sld [smem:$0x3FB4];
	_ =	sdelay $0x3  }
0x37: {  	[smem:$0x3FB4] =	sst s10  }
0x38: {  	s10 =	sld [smem:$0x3FB5]  }
0x39: {  	_ = 	snop;
	(pc) =	sbr.ind lr, $3  }
0x3a: {  	_ = 	snop  }
0x3b: {  	_ = 	snop  }
0x3c: {  	p2 =	seq.s32 s10, $0x1;
	s10 =	sld [smem:$0x3FB4]  }
0x3d: {  	_ =	shalt  }
0x3e: {  	_ =	shalt  }
0x3f: {  	_ =	shalt  }
0x40: {  	_ =	shalt  }
0x41: {  	_ =	shalt  }
0x42: {  	_ =	shalt  }
0x43: {  	_ =	shalt  }
0x44: {  	_ =	shalt  }
0x45: {  	_ =	shalt  }
0x46: {  	_ =	shalt  }
0x47: {  	_ =	shalt  }
0x48: {  	_ =	shalt  }
0x49: {  	_ =	shalt  }
0x4a: {  	_ =	shalt  }
0x4b: {  	_ =	shalt  }
0x4c: {  	_ =	shalt  }
0x4d: {  	_ =	shalt  }
0x4e: {  	_ =	shalt  }
0x4f: {  	_ =	shalt  }
0x50: {  	_ =	shalt  }
0x51: {  	_ =	shalt  }
0x52: {  	_ =	shalt  }
0x53: {  	_ =	shalt  }
0x54: {  	_ =	shalt  }
0x55: {  	_ =	shalt  }
0x56: {  	_ =	shalt  }
0x57: {  	_ =	shalt  }
0x58: {  	_ =	shalt  }
0x59: {  	_ =	shalt  }
0x5a: {  	_ =	shalt  }
0x5b: {  	_ =	shalt  }
0x5c: {  	_ =	shalt  }
0x5d: {  	_ =	shalt  }
0x5e: {  	_ =	shalt  }
0x5f: {  	_ =	shalt  }
0x60: {  	_ =	shalt  }
0x61: {  	_ =	shalt  }
0x62: {  	_ =	shalt  }
0x63: {  	_ =	shalt  }
0x64: {  	_ =	shalt  }
0x65: {  	_ =	shalt  }
0x66: {  	_ =	shalt  }
0x67: {  	_ =	shalt  }
0x68: {  	_ =	shalt  }
0x69: {  	_ =	shalt  }
0x6a: {  	_ =	shalt  }
0x6b: {  	_ =	shalt  }
0x6c: {  	_ =	shalt  }
0x6d: {  	_ =	shalt  }
0x6e: {  	_ =	shalt  }
0x6f: {  	_ =	shalt  }
0x70: {  	_ =	shalt  }
0x71: {  	_ =	shalt  }
0x72: {  	_ =	shalt  }
0x73: {  	_ =	shalt  }
0x74: {  	_ =	shalt  }
0x75: {  	_ =	shalt  }
0x76: {  	_ =	shalt  }
0x77: {  	_ =	shalt  }
0x78: {  	_ =	shalt  }
0x79: {  	_ =	shalt  }
0x7a: {  	_ =	shalt  }
0x7b: {  	_ =	shalt  }
0x7c: {  	_ =	shalt  }
0x7d: {  	_ =	shalt  }
0x7e: {  	_ =	shalt  }
0x7f: {  	_ =	shalt  }
0x80: {  	_ =	shalt  }
0x81: {  	_ =	shalt  }
0x82: {  	_ =	shalt  }
0x83: {  	_ =	shalt  }
0x84: {  	_ =	shalt  }
0x85: {  	_ =	shalt  }
0x86: {  	_ =	shalt  }
0x87: {  	_ =	shalt  }
.Lfunc_end0:
.L_simem_size_0:
called_computation.1_lowered:
.L_overlay_start_0:
0x88: {  	s2 =	sld [smem:$0x3FD9]  }
0x89: {  	s3 =	sld [smem:$0x3FFE];
	_ =	sdelay $0x1  }
0x8a: {  	s1 =	srdreg.scid  }
0x8b: {  	s0 =	sand.u32 $0x1, s1  }
0x8c: {  	s17 =	sshll.u32 s0, $0xA;
	s2 =	sadd.s32 s3, s2  }
0x8d: {  	s2 =	sadd.s32 s2, s17  }
0x8e: {  	[smem:$0x3FC0] =	sst s2  }
0x8f: {  	_ = 	snop  }
0x90: {  	s2 =	sld [smem:$0x3FD0];
	(tm) =	ssettm $0x1  }
0x91: {  	s18 =	sld [smem:$0x3FFB];
	_ =	sdelay $0x3  }
0x92: {  	_ =	strace s18  }
0x93: {  	s3 =	sld [smem:$0x3FFC];
	_ =	sdelay $0x3  }
0x94: {  	_ =	strace s3  }
0x95: {  	s3 =	sld [smem:$0x3FFD];
	_ =	sdelay $0x3  }
0x96: {  	_ =	strace s3  }
0x97: {  	_ =	strace $0x8FFFFFFF  }
0x98: {  	s19 =	sld [smem:$0x3FDB];
	_ =	sdelay $0x1  }
0x99: {  	s4 =	simm.s32 $_scs_section_size  }
0x9a: {  	s5 =	simm.s32 $_size__tile_overlayer_lowered;
	s6 =	simm.s32 $_tile_overlayer_lowered  }
0x9b: {  	s22 =	simm.s32 $0x1BFF;
	s21 =	sshll.u32 s6, $0x1;
	s3 =	sadd.s32 s4, s19  }
0x9c: {  	s7 =	simm.s32 $0x0;
	s20 =	sshll.u32 s5, $0x1;
	s5 =	sadd.s32 s21, s3  }
0x9d: {  	[timem:s7], [sflag:s22] =	dma.local [hbm:s5], s20  }
0x9e: {  	_ =	swait.ge [sflag:s22], s20  }
0x9f: {  	s4 =	ssub.s32 $0x0, s20;
	[sflag:s22] =	ssyncset.done $0x0  }
0xa0: {  	[sflag:s22] =	ssyncadd.s32 s4;
	_ =	sdelay $0x1  }
0xa1: {  	s23 =	simm.s32 $0x1B8B  }
0xa2: {  	_ =	swait.ge [sflag:s23], $0x1  }
0xa3: {  	[sflag:s23] =	ssyncset.done $0x0  }
0xa4: {  	s25 =	simm.s32 $0x1B8E;
	s24 =	sld [smem:$0x3FFE];
	[sflag:s23] =	ssyncadd.s32 $0xFFFFFFFF  }
0xa5: {  	s26 =	simm.s32 $execute0_lowered;
	[smem:$0x3FD2] =	sst s25  }
0xa6: {  	s5 =	sshll.u32 s26, $0x1;
	_ =	strace $0x80000046;
	[dreg:$0x1] =	wrdreg $0xFFFFFFFF  }
0xa7: {  	s28 =	simm.s32 $_size_execute0_lowered;
	s3 =	sadd.s32 s3, s5;
	[dreg:$0x0] =	wrdreg $0x0  }
0xa8: {  	s5 =	sshll.u32 s28, $0x1;
	[dreg:$0x2] =	wrdreg s3  }
0xa9: {  	[dreg:$0x3] =	wrdreg s5  }
0xaa: {  	[dreg:$0x4] =	wrdreg $0xC0  }
0xab: {  	_ =	task [dreg:s7], $0x5FFFF  }
0xac: {  	[dreg:$0x1] =	wrdreg $0xFFFFFFFF  }
0xad: {  	[dreg:$0x0] =	wrdreg $0x60  }
0xae: {  	[dreg:$0x2] =	wrdreg s2  }
0xaf: {  	[dreg:$0x3] =	wrdreg s24  }
0xb0: {  	[dreg:$0x4] =	wrdreg $0x90000  }
0xb1: {  	[dreg:$0x5] =	wrdreg $0xA  }
0xb2: {  	_ =	task.clear_ibuf [dreg:s7], $0x6FFFF;
	_ =	strace $0x90000046  }
0xb3: {  	s29 =	simm.s32 $0xA;
	_ =	strace $0x80000048  }
0xb4: {  	_ =	swait.ge [sflag:s29], $0x1  }
0xb5: {  	[sflag:s29] =	ssyncadd.s32 $0xFFFFFFFF  }
0xb6: {  	_ =	strace $0x90000048  }
0xb7: {  	_ =	sfence  }
0xb8: {  	s30 =	sld [smem:$0x0];
	_ =	sdelay $0x2  }
0xb9: {  	s31 =	sshll.u32 s1, $0xD;
	s1 =	sshrl.u32 s1, $0x2  }
0xba: {  	s3 =	sand.u32 $0x4000, s31;
	s1 =	sadd.s32 s1, s30  }
0xbb: {  	s0 =	sor.u32 s3, s0;
	s1 =	sshll.u32 s1, $0x11  }
0xbc: {  	s0 =	sor.u32 s1, s0  }
0xbd: {  	s0 =	sadd.s32 $0x8F2B, s0  }
0xbe: {  	[sflag:s0] =	ssyncadd.remote.s32 $0x1  }
0xbf: {  	_ =	sfence.sel $0xFFFF  }
0xc0: {  	[dreg:$0x0] =	wrdreg $0xFFFFFFFF;
	(pc) =	sbr.abs _section_cstart, $3  }
0xc1: {  	[dreg:$0x1] =	wrdreg $0xFFFFFFFF  }
0xc2: {  	_ =	task.clear_ibuf [dreg:s7], $0x2FFFF;
	_ =	strace $0x9FFFFFFF  }
0xc3: {  	(tm) =	ssettm $0x7FFFFFFF  }
tec
execute0_lowered:
.L_overlay_start_1:
0x0: {  	(tag) =	ssettag $0x1  }
0x1: {  	s0 =	rddreg [dreg:$0x0]  }
0x2: {  	s2 =	rddreg [dreg:$0x1]  }
0x3: {  	s3 =	rddreg [dreg:$0x2];
	s4 =	simm.s32 $0x0  }
0x4: {  	s25 =	simm.s32 $0x100;
	[smem:$0x7FF] =	sst s4  }
0x5: {  	s26 =	simm.s32 $0x480;
	_ =	strace $0x80000047;
	[dreg:$0x6] =	wrdreg s25  }
0x6: {  	s13 =	simm.s32 $0x200;
	[dreg:$0x7] =	wrdreg s26  }
0x7: {  	s15 =	simm.s32 $0x580;
	[dreg:$0xa] =	wrdreg s13  }
0x8: {  	s17 =	simm.s32 $0x280;
	[dreg:$0xb] =	wrdreg s15  }
0x9: {  	s18 =	simm.s32 $0x600;
	[dreg:$0xc] =	wrdreg s17  }
0xa: {  	s20 =	simm.s32 $0x300;
	[dreg:$0xd] =	wrdreg s18  }
0xb: {  	s22 =	simm.s32 $0x680;
	[dreg:$0xe] =	wrdreg s20  }
0xc: {  	s1 =	srdreg.scid;
	s23 =	simm.s32 $0x380;
	[dreg:$0xf] =	wrdreg s22  }
0xd: {  	s12 =	stileid.u32;
	[dreg:$0x10] =	wrdreg s23;
	s25 =	simm.s32 $0x700  }
0xe: {  	s7 =	sand.u32 $0x1, s1;
	s26 =	simm.s32 $0x780;
	[dreg:$0x11] =	wrdreg s25  }
0xf: {  	s5 =	smul.u32 $0x2800, s12;
	s13 =	simm.s32 $0x900;
	[dreg:$0x12] =	wrdreg s26  }
0x10: {  	s8 =	smul.u32 $0x13C00, s12;
	s15 =	simm.s32 $0xC80;
	[dreg:$0x14] =	wrdreg s13  }
0x11: {  	s21 =	smul.u32 $0x4F000, s12;
	s17 =	simm.s32 $0x980;
	[dreg:$0x15] =	wrdreg s15  }
0x12: {  	s6 =	smul.u32 $0x13C000, s7;
	s18 =	simm.s32 $0xD00;
	[dreg:$0x16] =	wrdreg s17  }
0x13: {  	s1 =	smul.u32 $0x28000, s7;
	s20 =	simm.s32 $0xA00;
	[dreg:$0x17] =	wrdreg s18  }
0x14: {  	s24 =	ssub.s32 $0x2, s7;
	s22 =	simm.s32 $0xA80;
	[dreg:$0x18] =	wrdreg s20  }
0x15: {  	s7 =	sshll.u32 s7, $0x4;
	s23 =	simm.s32 $0xE00;
	[dreg:$0x1a] =	wrdreg s22  }
0x16: {  	s11 =	sshrl.u32 s24, $0x1;
	s7 =	sor.u32 s12, s7;
	[dreg:$0x1b] =	wrdreg s23  }
0x17: {  	s25 =	simm.s32 $0xE80;
	s26 =	simm.s32 $0xB80;
	s1 =	sadd.s32 s5, s1  }
0x18: {  	s5 =	sadd.s32 $0x2400, s2;
	s8 =	sadd.s32 s8, s6;
	s6 =	sadd.s32 $0xC400, s2  }
0x19: {  	s7 =	smul.u32 $0x2800, s7;
	[dreg:$0x1d] =	wrdreg s25;
	s9 =	sor.u32 $0x400, s1  }
0x1a: {  	[dreg:$0x1e] =	wrdreg s26;
	s8 =	sshrl.u32 s8, $0x3;
	s9 =	sshrl.u32 s9, $0x3  }
0x1b: {  	s2 =	sadd.s32 s8, s2;
	s8 =	ssub.s32 s24, s11;
	s11 =	simm.s32 $0x500  }
0x1c: {  	s24 =	sshrl.u32 s21, $0x2;
	s21 =	simm.s32 $0xD80;
	[dreg:$0x9] =	wrdreg s11  }
0x1d: {  	s28 =	simm.s32 $0x1;
	s10 =	sadd.s32 s9, s6;
	[dreg:$0x19] =	wrdreg s21  }
0x1e: {  	s7 =	sshrl.u32 s7, $0x3;
	s9 =	sadd.s32 s9, s5;
	[dreg:$0x4] =	wrdreg s10  }
0x1f: {  	s29 =	simm.s32 $0x3;
	s14 =	sadd.s32 s5, s7;
	[dreg:$0x5] =	wrdreg s9  }
0x20: {  	s30 =	simm.s32 $0x2;
	s16 =	sadd.s32 s6, s7;
	[dreg:$0x1f] =	wrdreg s14  }
0x21: {  	s31 =	simm.s32 $0x4;
	s2 =	sadd.s32 $0x16400, s2;
	[smem:$0x7F5] =	sst s16  }
0x22: {  	s11 =	sadd.s32 s24, s3;
	s24 =	simm.s32 $0xB00;
	[smem:$0x7FC] =	sst s2  }
0x23: {  	s7 =	sor.u32 $0x80, s7;
	s10 =	simm.s32 $0x180;
	[dreg:$0x1c] =	wrdreg s24  }
0x24: {  	s20 =	simm.s32 $0x800;
	s19 =	sadd.s32 s5, s7;
	[dreg:$0x8] =	wrdreg s10  }
0x25: {  	s22 =	simm.s32 $0x1000;
	s7 =	sadd.s32 s6, s7;
	[smem:$0x7F6] =	sst s19  }
0x26: {  	s23 =	simm.s32 $0x7;
	s9 =	sadd.s32 $0x4000, s11;
	[smem:$0x7F7] =	sst s7  }
0x27: {  	s25 =	simm.s32 $0x80;
	s12 =	sadd.s32 $0x8000, s11;
	[smem:$0x7F8] =	sst s9  }
0x28: {  	s26 =	simm.s32 $0x5000;
	s14 =	sadd.s32 $0xC000, s11;
	[smem:$0x7F9] =	sst s12  }
0x29: {  	s21 =	simm.s32 $0xC00;
	s16 =	sadd.s32 $0x10000, s11;
	[smem:$0x7FA] =	sst s14  }
0x2a: {  	s24 =	simm.s32 $0x5;
	s10 =	simm.s32 $0x880;
	[smem:$0x7FB] =	sst s16  }
0x2b: {  	s2 =	simm.s32 $0xF00;
	s19 =	smax.u32 s8, $0x1;
	[dreg:$0x13] =	wrdreg s10  }
0x2c: {  	s7 =	simm.s32 $0xF80;
	s8 =	simm.s32 $0x0;
	[smem:$0x7FD] =	sst s19  }
0x2d: {  	v0 =	vimm.f32 $0.0e+00;
	s10 =	sadd.s32 $0x800, s1;
	s19 =	simm.s32 $0x400;
	s1 =	simm.s32 $0x6  }
.LBB2_1:
0x2e: {  	s9 =	rddreg [dreg:$0x1f]  }
0x2f: {  	s16 =	sld [smem:$0x7F5]  }
0x30: {  	[tilespmem:s4], [sflag:$0x5] =	stream.linear.gather [hbm4b:s9+s4], $0x400, $0x38;
	[tilespmem:$0x1CC00] =	vst v63  }
0x31: {  	s17 =	sld [smem:$0x7F6]  }
0x32: {  	[tilespmem:s19], [sflag:$0x5] =	stream.linear.gather [hbm4b:s16+s4], $0x400, $0x38;
	[tilespmem:$0x1CC00] =	vst v63  }
0x33: {  	s18 =	sld [smem:$0x7F7]  }
0x34: {  	[tilespmem:s20], [sflag:$0x6] =	stream.linear.gather [hbm4b:s17+s4], $0x400, $0x38;
	[tilespmem:$0x1CC00] =	vst v63  }
0x35: {  	s12 =	simm.s32 $0x200;
	s9 =	simm.s32 $0x0  }
0x36: {  	[tilespmem:s21], [sflag:$0x6] =	stream.linear.gather [hbm4b:s18+s4], $0x400, $0x38;
	[tilespmem:$0x1CC00] =	vst v63  }
.LBB2_2:
0x37: {  	p0 =	sne.s32 s12, $0xFE00;
	[tilespmem:s9+$0x1070] =	vst v0  }
0x38: {  	[tilespmem:s9+$0x1000] =	vst v0  }
0x39: {  	[tilespmem:s9+$0x1010] =	vst v0  }
.Ltmp0:
0x3a: {  	[tilespmem:s9+$0x1020] =	vst v0;
	(pc) =	sbr.rel @p0 .LBB2_2-.Ltmp0, $4  }
0x3b: {  	[tilespmem:s9+$0x1030] =	vst v0  }
0x3c: {  	[tilespmem:s9+$0x1040] =	vst v0  }
0x3d: {  	[tilespmem:s9+$0x1050] =	vst v0  }
0x3e: {  	[tilespmem:s9+$0x1060] =	vst v0;
	s9 =	sshra.s32 s12, $0x2;
	s12 =	sadd.s32 $0x200, s12  }
0x3f: {  	[tilespmem:s9+$0x1070] =	vst v0  }
0x40: {  	[tilespmem:s9+$0x1000] =	vst v0  }
0x41: {  	[tilespmem:s9+$0x1010] =	vst v0  }
0x42: {  	[tilespmem:s9+$0x1020] =	vst v0  }
0x43: {  	[tilespmem:s9+$0x1030] =	vst v0  }
0x44: {  	[tilespmem:s9+$0x1040] =	vst v0  }
0x45: {  	[tilespmem:s9+$0x1050] =	vst v0  }
0x46: {  	[tilespmem:s9+$0x1060] =	vst v0  }
0x47: {  	[spmem:s11] =	stream.linear.scatter [tilespmem:s22], [sflag:$0x7], $0x4000, $0x38;
	[tilespmem:$0x1CC00] =	vst v63  }
0x48: {  	_ =	swait.ge [sflag:s23], $0x4000  }
0x49: {  	s18 =	sld [smem:$0x7F8]  }
0x4a: {  	[sflag:s23] =	ssyncset.done $0x0  }
0x4b: {  	[sflag:s23] =	ssyncadd.s32 $0xFFFFC000  }
0x4c: {  	[spmem:s18] =	stream.linear.scatter [tilespmem:s22], [sflag:$0x7], $0x4000, $0x38;
	[tilespmem:$0x1CC00] =	vst v63  }
0x4d: {  	_ =	swait.ge [sflag:s23], $0x4000  }
0x4e: {  	s12 =	sld [smem:$0x7F9]  }
0x4f: {  	[sflag:s23] =	ssyncset.done $0x0  }
0x50: {  	[sflag:s23] =	ssyncadd.s32 $0xFFFFC000  }
0x51: {  	[spmem:s12] =	stream.linear.scatter [tilespmem:s22], [sflag:$0x7], $0x4000, $0x38;
	[tilespmem:$0x1CC00] =	vst v63  }
0x52: {  	_ =	swait.ge [sflag:s23], $0x4000  }
0x53: {  	s13 =	sld [smem:$0x7FA]  }
0x54: {  	[sflag:s23] =	ssyncset.done $0x0  }
0x55: {  	[sflag:s23] =	ssyncadd.s32 $0xFFFFC000  }
0x56: {  	[spmem:s13] =	stream.linear.scatter [tilespmem:s22], [sflag:$0x7], $0x4000, $0x38;
	[tilespmem:$0x1CC00] =	vst v63  }
0x57: {  	_ =	swait.ge [sflag:s23], $0x4000  }
0x58: {  	s14 =	sld [smem:$0x7FB]  }
0x59: {  	[sflag:s23] =	ssyncset.done $0x0  }
0x5a: {  	[sflag:s23] =	ssyncadd.s32 $0xFFFFC000  }
0x5b: {  	[spmem:s14] =	stream.linear.scatter [tilespmem:s22], [sflag:$0x7], $0x3C00, $0x38;
	[tilespmem:$0x1CC00] =	vst v63  }
0x5c: {  	_ =	swait.ge [sflag:s23], $0x3C00  }
0x5d: {  	[sflag:s23] =	ssyncset.done $0x0  }
0x5e: {  	[sflag:s23] =	ssyncadd.s32 $0xFFFFC400  }
0x5f: {  	[bflag:$0x0] =	sbarrier.arrive $0xFFFF  }
0x60: {  	_ =	swait.ge [sflag:s24], $0x400  }
0x61: {  	[sflag:s24] =	ssyncset.done $0x0  }
0x62: {  	p0 =	por $0x1, $0x1;
	[sflag:s24] =	ssyncadd.s32 $0xFFFFFC00  }
0x63: {  	s18 =	simm.s32 @!p0 $0x0;
	_ =	swait.ge [sflag:s24], $0x400  }
0x64: {  	s13 =	simm.s32 @!p0 $0x800;
	s9 =	rddreg [dreg:$0x5];
	[sflag:s24] =	ssyncset.done $0x0  }
0x65: {  	s12 =	rddreg [dreg:$0x4];
	[sflag:s24] =	ssyncadd.s32 $0xFFFFFC00;
	s9 =	sadd.s32 @!p0 $0x0, s9  }
0x66: {  	[tilespmem:s13], [sflag:$0x6] =	stream.linear.gather @!p0 [hbm4b:s9+s18], $0x400, $0x38;
	[tilespmem:$0x1CC00] =	vst v63  }
0x67: {  	s12 =	sadd.s32 @!p0 $0x0, s12;
	s9 =	simm.s32 @!p0 $0xC00  }
0x68: {  	[tilespmem:s9], [sflag:$0x6] =	stream.linear.gather @!p0 [hbm4b:s12+s18], $0x400, $0x38;
	[tilespmem:$0x1CC00] =	vst v63  }
0x69: {  	_ = 	snop  }
0x6a: {  	[tilespmem:s22], [sflag:$0x1] =	stream.indirect.gather [hbm4b:s0+s25], $0x80, s4, s25, $0xb8;
	[tilespmem:$0x1CC00] =	vst v63  }
0x6b: {  	_ = 	snop  }
0x6c: {  	[tilespmem:s26], [sflag:$0x2] =	stream.indirect.gather [hbm4b:s0+s25], $0x80, s25, s25, $0xb8;
	[tilespmem:$0x1CC00] =	vst v63  }
0x6d: {  	_ =	swait.ge [sflag:s28], $0x4000  }
0x6e: {  	[sflag:s28] =	ssyncset.done $0x0  }
0x6f: {  	[sflag:s28] =	ssyncadd.s32 $0xFFFFC000  }
0x70: {  	[spmem:s3] =	stream.indirect.scatter.add.f32 [tilespmem:s22], [sflag:$0x3], $0x80, s19, s25, $0xb8;
	[tilespmem:$0x1CC00] =	vst v63  }
0x71: {  	_ =	swait.ge [sflag:s29], $0x4000  }
0x72: {  	[sflag:s29] =	ssyncset.done $0x0  }
0x73: {  	s15 =	rddreg [dreg:$0x6];
	[sflag:s29] =	ssyncadd.s32 $0xFFFFC000  }
0x74: {  	[tilespmem:s22], [sflag:$0x1] =	stream.indirect.gather [hbm4b:s0+s25], $0x80, s15, s25, $0xb8;
	[tilespmem:$0x1CC00] =	vst v63  }
0x75: {  	_ =	swait.ge [sflag:s30], $0x4000  }
0x76: {  	[sflag:s30] =	ssyncset.done $0x0  }
0x77: {  	s16 =	rddreg [dreg:$0x7];
	[sflag:s30] =	ssyncadd.s32 $0xFFFFC000  }
0x78: {  	[spmem:s3] =	stream.indirect.scatter.add.f32 [tilespmem:s26], [sflag:$0x4], $0x80, s16, s25, $0xb8;
	[tilespmem:$0x1CC00] =	vst v63  }
0x79: {  	_ =	swait.ge [sflag:s31], $0x4000  }
0x7a: {  	[sflag:s31] =	ssyncset.done $0x0  }
0x7b: {  	s17 =	rddreg [dreg:$0x8];
	[sflag:s31] =	ssyncadd.s32 $0xFFFFC000  }
0x7c: {  	[tilespmem:s26], [sflag:$0x2] =	stream.indirect.gather [hbm4b:s0+s25], $0x80, s17, s25, $0xb8;
	[tilespmem:$0x1CC00] =	vst v63  }
0x7d: {  	_ =	swait.ge [sflag:s28], $0x4000  }
0x7e: {  	[sflag:s28] =	ssyncset.done $0x0  }
0x7f: {  	s18 =	rddreg [dreg:$0x9];
	[sflag:s28] =	ssyncadd.s32 $0xFFFFC000  }
0x80: {  	[spmem:s3] =	stream.indirect.scatter.add.f32 [tilespmem:s22], [sflag:$0x3], $0x80, s18, s25, $0xb8;
	[tilespmem:$0x1CC00] =	vst v63  }
0x81: {  	_ =	swait.ge [sflag:s29], $0x4000  }
0x82: {  	[sflag:s29] =	ssyncset.done $0x0  }
0x83: {  	s12 =	rddreg [dreg:$0xa];
	[sflag:s29] =	ssyncadd.s32 $0xFFFFC000  }
0x84: {  	[tilespmem:s22], [sflag:$0x1] =	stream.indirect.gather [hbm4b:s0+s25], $0x80, s12, s25, $0xb8;
	[tilespmem:$0x1CC00] =	vst v63  }
0x85: {  	_ =	swait.ge [sflag:s30], $0x4000  }
0x86: {  	[sflag:s30] =	ssyncset.done $0x0  }
0x87: {  	s13 =	rddreg [dreg:$0xb];
	[sflag:s30] =	ssyncadd.s32 $0xFFFFC000  }
0x88: {  	[spmem:s3] =	stream.indirect.scatter.add.f32 [tilespmem:s26], [sflag:$0x4], $0x80, s13, s25, $0xb8;
	[tilespmem:$0x1CC00] =	vst v63  }
0x89: {  	_ =	swait.ge [sflag:s31], $0x4000  }
0x8a: {  	[sflag:s31] =	ssyncset.done $0x0  }
0x8b: {  	s14 =	rddreg [dreg:$0xc];
	[sflag:s31] =	ssyncadd.s32 $0xFFFFC000  }
0x8c: {  	[tilespmem:s26], [sflag:$0x2] =	stream.indirect.gather [hbm4b:s0+s25], $0x80, s14, s25, $0xb8;
	[tilespmem:$0x1CC00] =	vst v63  }
0x8d: {  	_ =	swait.ge [sflag:s28], $0x4000  }
0x8e: {  	[sflag:s28] =	ssyncset.done $0x0  }
0x8f: {  	s15 =	rddreg [dreg:$0xd];
	[sflag:s28] =	ssyncadd.s32 $0xFFFFC000  }
0x90: {  	[spmem:s3] =	stream.indirect.scatter.add.f32 [tilespmem:s22], [sflag:$0x3], $0x80, s15, s25, $0xb8;
	[tilespmem:$0x1CC00] =	vst v63  }
0x91: {  	_ =	swait.ge [sflag:s29], $0x4000  }
0x92: {  	[sflag:s29] =	ssyncset.done $0x0  }
0x93: {  	s16 =	rddreg [dreg:$0xe];
	[sflag:s29] =	ssyncadd.s32 $0xFFFFC000  }
0x94: {  	[tilespmem:s22], [sflag:$0x1] =	stream.indirect.gather [hbm4b:s0+s25], $0x80, s16, s25, $0xb8;
	[tilespmem:$0x1CC00] =	vst v63  }
0x95: {  	_ =	swait.ge [sflag:s30], $0x4000  }
0x96: {  	[sflag:s30] =	ssyncset.done $0x0  }
0x97: {  	s17 =	rddreg [dreg:$0xf];
	[sflag:s30] =	ssyncadd.s32 $0xFFFFC000  }
0x98: {  	[spmem:s3] =	stream.indirect.scatter.add.f32 [tilespmem:s26], [sflag:$0x4], $0x80, s17, s25, $0xb8;
	[tilespmem:$0x1CC00] =	vst v63  }
0x99: {  	_ =	swait.ge [sflag:s31], $0x4000  }
0x9a: {  	[sflag:s31] =	ssyncset.done $0x0  }
0x9b: {  	s18 =	rddreg [dreg:$0x10];
	[sflag:s31] =	ssyncadd.s32 $0xFFFFC000  }
0x9c: {  	[tilespmem:s26], [sflag:$0x2] =	stream.indirect.gather [hbm4b:s0+s25], $0x80, s18, s25, $0xb8;
	[tilespmem:$0x1CC00] =	vst v63  }
0x9d: {  	_ =	swait.ge [sflag:s28], $0x4000  }
0x9e: {  	[sflag:s28] =	ssyncset.done $0x0  }
0x9f: {  	s12 =	rddreg [dreg:$0x11];
	[sflag:s28] =	ssyncadd.s32 $0xFFFFC000  }
0xa0: {  	[spmem:s3] =	stream.indirect.scatter.add.f32 [tilespmem:s22], [sflag:$0x3], $0x80, s12, s25, $0xb8;
	[tilespmem:$0x1CC00] =	vst v63  }
0xa1: {  	_ =	swait.ge [sflag:s1], $0x400  }
0xa2: {  	[sflag:s1] =	ssyncset.done $0x0  }
0xa3: {  	[sflag:s1] =	ssyncadd.s32 $0xFFFFFC00  }
0xa4: {  	_ =	swait.ge [sflag:s1], $0x400  }
0xa5: {  	[sflag:s1] =	ssyncset.done $0x0  }
0xa6: {  	[sflag:s1] =	ssyncadd.s32 $0xFFFFFC00  }
0xa7: {  	_ =	swait.ge [sflag:s29], $0x4000  }
0xa8: {  	[sflag:s29] =	ssyncset.done $0x0  }
0xa9: {  	[sflag:s29] =	ssyncadd.s32 $0xFFFFC000  }
0xaa: {  	[tilespmem:s22], [sflag:$0x1] =	stream.indirect.gather [hbm4b:s0+s25], $0x80, s20, s25, $0xb8;
	[tilespmem:$0x1CC00] =	vst v63  }
0xab: {  	_ =	swait.ge [sflag:s30], $0x4000  }
0xac: {  	[sflag:s30] =	ssyncset.done $0x0  }
0xad: {  	s13 =	rddreg [dreg:$0x12];
	[sflag:s30] =	ssyncadd.s32 $0xFFFFC000  }
0xae: {  	[spmem:s3] =	stream.indirect.scatter.add.f32 [tilespmem:s26], [sflag:$0x4], $0x80, s13, s25, $0xb8;
	[tilespmem:$0x1CC00] =	vst v63  }
0xaf: {  	_ =	swait.ge [sflag:s31], $0x4000  }
0xb0: {  	[sflag:s31] =	ssyncset.done $0x0  }
0xb1: {  	s14 =	rddreg [dreg:$0x13];
	[sflag:s31] =	ssyncadd.s32 $0xFFFFC000  }
0xb2: {  	[tilespmem:s26], [sflag:$0x2] =	stream.indirect.gather [hbm4b:s0+s25], $0x80, s14, s25, $0xb8;
	[tilespmem:$0x1CC00] =	vst v63  }
0xb3: {  	_ =	swait.ge [sflag:s28], $0x4000  }
0xb4: {  	[sflag:s28] =	ssyncset.done $0x0  }
0xb5: {  	[sflag:s28] =	ssyncadd.s32 $0xFFFFC000  }
0xb6: {  	[spmem:s3] =	stream.indirect.scatter.add.f32 [tilespmem:s22], [sflag:$0x3], $0x80, s21, s25, $0xb8;
	[tilespmem:$0x1CC00] =	vst v63  }
0xb7: {  	_ =	swait.ge [sflag:s29], $0x4000  }
0xb8: {  	[sflag:s29] =	ssyncset.done $0x0  }
0xb9: {  	s15 =	rddreg [dreg:$0x14];
	[sflag:s29] =	ssyncadd.s32 $0xFFFFC000  }
0xba: {  	[tilespmem:s22], [sflag:$0x1] =	stream.indirect.gather [hbm4b:s0+s25], $0x80, s15, s25, $0xb8;
	[tilespmem:$0x1CC00] =	vst v63  }
0xbb: {  	_ =	swait.ge [sflag:s30], $0x4000  }
0xbc: {  	p0 =	por $0x0, $0x0;
	[sflag:s30] =	ssyncset.done $0x0  }
0xbd: {  	s12 =	sshrl.u32 @!p0 s10, $0x3;
	s16 =	rddreg [dreg:$0x15];
	[sflag:s30] =	ssyncadd.s32 $0xFFFFC000  }
0xbe: {  	[spmem:s3] =	stream.indirect.scatter.add.f32 [tilespmem:s26], [sflag:$0x4], $0x80, s16, s25, $0xb8;
	[tilespmem:$0x1CC00] =	vst v63  }
0xbf: {  	s9 =	simm.s32 @!p0 $0x0;
	s13 =	sadd.s32 @!p0 s5, s12  }
0xc0: {  	[tilespmem:s9], [sflag:$0x5] =	stream.linear.gather @!p0 [hbm4b:s13+s9], $0x400, $0x38;
	[tilespmem:$0x1CC00] =	vst v63  }
0xc1: {  	s12 =	sadd.s32 @!p0 s6, s12;
	s13 =	simm.s32 @!p0 $0x400  }
0xc2: {  	[tilespmem:s13], [sflag:$0x5] =	stream.linear.gather @!p0 [hbm4b:s12+s9], $0x400, $0x38;
	[tilespmem:$0x1CC00] =	vst v63  }
0xc3: {  	_ =	swait.ge [sflag:s31], $0x4000  }
0xc4: {  	[sflag:s31] =	ssyncset.done $0x0  }
0xc5: {  	s17 =	rddreg [dreg:$0x16];
	[sflag:s31] =	ssyncadd.s32 $0xFFFFC000  }
0xc6: {  	[tilespmem:s26], [sflag:$0x2] =	stream.indirect.gather [hbm4b:s0+s25], $0x80, s17, s25, $0xb8;
	[tilespmem:$0x1CC00] =	vst v63  }
0xc7: {  	_ =	swait.ge [sflag:s28], $0x4000  }
0xc8: {  	[sflag:s28] =	ssyncset.done $0x0  }
0xc9: {  	s18 =	rddreg [dreg:$0x17];
	[sflag:s28] =	ssyncadd.s32 $0xFFFFC000  }
0xca: {  	[spmem:s3] =	stream.indirect.scatter.add.f32 [tilespmem:s22], [sflag:$0x3], $0x80, s18, s25, $0xb8;
	[tilespmem:$0x1CC00] =	vst v63  }
0xcb: {  	_ =	swait.ge [sflag:s29], $0x4000  }
0xcc: {  	[sflag:s29] =	ssyncset.done $0x0  }
0xcd: {  	s12 =	rddreg [dreg:$0x18];
	[sflag:s29] =	ssyncadd.s32 $0xFFFFC000  }
0xce: {  	[tilespmem:s22], [sflag:$0x1] =	stream.indirect.gather [hbm4b:s0+s25], $0x80, s12, s25, $0xb8;
	[tilespmem:$0x1CC00] =	vst v63  }
0xcf: {  	_ =	swait.ge [sflag:s30], $0x4000  }
0xd0: {  	[sflag:s30] =	ssyncset.done $0x0  }
0xd1: {  	s13 =	rddreg [dreg:$0x19];
	[sflag:s30] =	ssyncadd.s32 $0xFFFFC000  }
0xd2: {  	[spmem:s3] =	stream.indirect.scatter.add.f32 [tilespmem:s26], [sflag:$0x4], $0x80, s13, s25, $0xb8;
	[tilespmem:$0x1CC00] =	vst v63  }
0xd3: {  	_ =	swait.ge [sflag:s31], $0x4000  }
0xd4: {  	[sflag:s31] =	ssyncset.done $0x0  }
0xd5: {  	s14 =	rddreg [dreg:$0x1a];
	[sflag:s31] =	ssyncadd.s32 $0xFFFFC000  }
0xd6: {  	[tilespmem:s26], [sflag:$0x2] =	stream.indirect.gather [hbm4b:s0+s25], $0x80, s14, s25, $0xb8;
	[tilespmem:$0x1CC00] =	vst v63  }
0xd7: {  	_ =	swait.ge [sflag:s28], $0x4000  }
0xd8: {  	[sflag:s28] =	ssyncset.done $0x0  }
0xd9: {  	s15 =	rddreg [dreg:$0x1b];
	[sflag:s28] =	ssyncadd.s32 $0xFFFFC000  }
0xda: {  	[spmem:s3] =	stream.indirect.scatter.add.f32 [tilespmem:s22], [sflag:$0x3], $0x80, s15, s25, $0xb8;
	[tilespmem:$0x1CC00] =	vst v63  }
0xdb: {  	_ =	swait.ge [sflag:s29], $0x4000  }
0xdc: {  	[sflag:s29] =	ssyncset.done $0x0  }
0xdd: {  	s16 =	rddreg [dreg:$0x1c];
	[sflag:s29] =	ssyncadd.s32 $0xFFFFC000  }
0xde: {  	[tilespmem:s22], [sflag:$0x1] =	stream.indirect.gather [hbm4b:s0+s25], $0x80, s16, s25, $0xb8;
	[tilespmem:$0x1CC00] =	vst v63  }
0xdf: {  	_ =	swait.ge [sflag:s30], $0x4000  }
0xe0: {  	[sflag:s30] =	ssyncset.done $0x0  }
0xe1: {  	s17 =	rddreg [dreg:$0x1d];
	[sflag:s30] =	ssyncadd.s32 $0xFFFFC000  }
0xe2: {  	[spmem:s3] =	stream.indirect.scatter.add.f32 [tilespmem:s26], [sflag:$0x4], $0x80, s17, s25, $0xb8;
	[tilespmem:$0x1CC00] =	vst v63  }
0xe3: {  	_ =	swait.ge [sflag:s31], $0x4000  }
0xe4: {  	[sflag:s31] =	ssyncset.done $0x0  }
0xe5: {  	s18 =	rddreg [dreg:$0x1e];
	[sflag:s31] =	ssyncadd.s32 $0xFFFFC000  }
0xe6: {  	[tilespmem:s26], [sflag:$0x2] =	stream.indirect.gather [hbm4b:s0+s25], $0x80, s18, s25, $0xb8;
	[tilespmem:$0x1CC00] =	vst v63  }
0xe7: {  	_ =	swait.ge [sflag:s28], $0x4000  }
0xe8: {  	[sflag:s28] =	ssyncset.done $0x0  }
0xe9: {  	[sflag:s28] =	ssyncadd.s32 $0xFFFFC000  }
0xea: {  	[spmem:s3] =	stream.indirect.scatter.add.f32 [tilespmem:s22], [sflag:$0x3], $0x80, s2, s25, $0xb8;
	[tilespmem:$0x1CC00] =	vst v63  }
0xeb: {  	_ =	swait.ge [sflag:s30], $0x4000  }
0xec: {  	[sflag:s30] =	ssyncset.done $0x0  }
0xed: {  	[sflag:s30] =	ssyncadd.s32 $0xFFFFC000  }
0xee: {  	[spmem:s3] =	stream.indirect.scatter.add.f32 [tilespmem:s26], [sflag:$0x4], $0x80, s7, s25, $0xb8;
	[tilespmem:$0x1CC00] =	vst v63  }
0xef: {  	_ =	swait.ge [sflag:s29], $0x4000  }
0xf0: {  	[sflag:s29] =	ssyncset.done $0x0  }
0xf1: {  	[sflag:s29] =	ssyncadd.s32 $0xFFFFC000  }
0xf2: {  	s9 =	simm.s32 $0x100;
	s18 =	smov.u32 s10;
	_ =	swait.ge [sflag:s31], $0x4000  }
.LBB2_4:
0xf3: {  	[sflag:s31] =	ssyncset.done $0x0  }
0xf4: {  	[sflag:s31] =	ssyncadd.s32 $0xFFFFC000  }
0xf5: {  	_ =	swait.ge [sflag:s24], $0x400  }
0xf6: {  	s12 =	smov.u32 s9;
	[sflag:s24] =	ssyncset.done $0x0  }
0xf7: {  	p1 =	seq.s32 s12, $0x0;
	[sflag:s24] =	ssyncadd.s32 $0xFFFFFC00  }
0xf8: {  	s15 =	simm.s32 @!p1 $0x0;
	_ =	swait.ge [sflag:s24], $0x400  }
0xf9: {  	s16 =	simm.s32 @!p1 $0x800;
	s13 =	rddreg [dreg:$0x5];
	[sflag:s24] =	ssyncset.done $0x0  }
0xfa: {  	s14 =	rddreg [dreg:$0x4];
	[sflag:s24] =	ssyncadd.s32 $0xFFFFFC00;
	s13 =	sadd.s32 @!p1 s12, s13  }
0xfb: {  	[tilespmem:s16], [sflag:$0x6] =	stream.linear.gather @!p1 [hbm4b:s13+s15], $0x400, $0x38;
	[tilespmem:$0x1CC00] =	vst v63  }
0xfc: {  	s17 =	simm.s32 @!p1 $0xC00;
	s13 =	sadd.s32 @!p1 s12, s14  }
0xfd: {  	[tilespmem:s17], [sflag:$0x6] =	stream.linear.gather @!p1 [hbm4b:s13+s15], $0x400, $0x38;
	[tilespmem:$0x1CC00] =	vst v63  }
0xfe: {  	_ = 	snop  }
0xff: {  	[tilespmem:s22], [sflag:$0x1] =	stream.indirect.gather [hbm4b:s0+s25], $0x80, s4, s25, $0xb8;
	[tilespmem:$0x1CC00] =	vst v63  }
0x100: {  	_ = 	snop  }
0x101: {  	[tilespmem:s26], [sflag:$0x2] =	stream.indirect.gather [hbm4b:s0+s25], $0x80, s25, s25, $0xb8;
	[tilespmem:$0x1CC00] =	vst v63  }
0x102: {  	_ =	swait.ge [sflag:s28], $0x4000  }
0x103: {  	[sflag:s28] =	ssyncset.done $0x0  }
0x104: {  	[sflag:s28] =	ssyncadd.s32 $0xFFFFC000  }
0x105: {  	[spmem:s3] =	stream.indirect.scatter.add.f32 [tilespmem:s22], [sflag:$0x3], $0x80, s19, s25, $0xb8;
	[tilespmem:$0x1CC00] =	vst v63  }
0x106: {  	_ =	swait.ge [sflag:s29], $0x4000  }
0x107: {  	[sflag:s29] =	ssyncset.done $0x0  }
0x108: {  	s14 =	rddreg [dreg:$0x6];
	[sflag:s29] =	ssyncadd.s32 $0xFFFFC000  }
0x109: {  	[tilespmem:s22], [sflag:$0x1] =	stream.indirect.gather [hbm4b:s0+s25], $0x80, s14, s25, $0xb8;
	[tilespmem:$0x1CC00] =	vst v63  }
0x10a: {  	_ =	swait.ge [sflag:s30], $0x4000  }
0x10b: {  	[sflag:s30] =	ssyncset.done $0x0  }
0x10c: {  	s15 =	rddreg [dreg:$0x7];
	[sflag:s30] =	ssyncadd.s32 $0xFFFFC000  }
0x10d: {  	[spmem:s3] =	stream.indirect.scatter.add.f32 [tilespmem:s26], [sflag:$0x4], $0x80, s15, s25, $0xb8;
	[tilespmem:$0x1CC00] =	vst v63  }
0x10e: {  	_ =	swait.ge [sflag:s31], $0x4000  }
0x10f: {  	[sflag:s31] =	ssyncset.done $0x0  }
0x110: {  	s16 =	rddreg [dreg:$0x8];
	[sflag:s31] =	ssyncadd.s32 $0xFFFFC000  }
0x111: {  	[tilespmem:s26], [sflag:$0x2] =	stream.indirect.gather [hbm4b:s0+s25], $0x80, s16, s25, $0xb8;
	[tilespmem:$0x1CC00] =	vst v63  }
0x112: {  	_ =	swait.ge [sflag:s28], $0x4000  }
0x113: {  	[sflag:s28] =	ssyncset.done $0x0  }
0x114: {  	s17 =	rddreg [dreg:$0x9];
	[sflag:s28] =	ssyncadd.s32 $0xFFFFC000  }
0x115: {  	[spmem:s3] =	stream.indirect.scatter.add.f32 [tilespmem:s22], [sflag:$0x3], $0x80, s17, s25, $0xb8;
	[tilespmem:$0x1CC00] =	vst v63  }
0x116: {  	_ =	swait.ge [sflag:s29], $0x4000  }
0x117: {  	[sflag:s29] =	ssyncset.done $0x0  }
0x118: {  	s14 =	rddreg [dreg:$0xa];
	[sflag:s29] =	ssyncadd.s32 $0xFFFFC000  }
0x119: {  	[tilespmem:s22], [sflag:$0x1] =	stream.indirect.gather [hbm4b:s0+s25], $0x80, s14, s25, $0xb8;
	[tilespmem:$0x1CC00] =	vst v63  }
0x11a: {  	_ =	swait.ge [sflag:s30], $0x4000  }
0x11b: {  	[sflag:s30] =	ssyncset.done $0x0  }
0x11c: {  	s15 =	rddreg [dreg:$0xb];
	[sflag:s30] =	ssyncadd.s32 $0xFFFFC000  }
0x11d: {  	[spmem:s3] =	stream.indirect.scatter.add.f32 [tilespmem:s26], [sflag:$0x4], $0x80, s15, s25, $0xb8;
	[tilespmem:$0x1CC00] =	vst v63  }
0x11e: {  	_ =	swait.ge [sflag:s31], $0x4000  }
0x11f: {  	[sflag:s31] =	ssyncset.done $0x0  }
0x120: {  	s16 =	rddreg [dreg:$0xc];
	[sflag:s31] =	ssyncadd.s32 $0xFFFFC000  }
0x121: {  	[tilespmem:s26], [sflag:$0x2] =	stream.indirect.gather [hbm4b:s0+s25], $0x80, s16, s25, $0xb8;
	[tilespmem:$0x1CC00] =	vst v63  }
0x122: {  	_ =	swait.ge [sflag:s28], $0x4000  }
0x123: {  	[sflag:s28] =	ssyncset.done $0x0  }
0x124: {  	s17 =	rddreg [dreg:$0xd];
	[sflag:s28] =	ssyncadd.s32 $0xFFFFC000  }
0x125: {  	[spmem:s3] =	stream.indirect.scatter.add.f32 [tilespmem:s22], [sflag:$0x3], $0x80, s17, s25, $0xb8;
	[tilespmem:$0x1CC00] =	vst v63  }
0x126: {  	_ =	swait.ge [sflag:s29], $0x4000  }
0x127: {  	[sflag:s29] =	ssyncset.done $0x0  }
0x128: {  	s14 =	rddreg [dreg:$0xe];
	[sflag:s29] =	ssyncadd.s32 $0xFFFFC000  }
0x129: {  	[tilespmem:s22], [sflag:$0x1] =	stream.indirect.gather [hbm4b:s0+s25], $0x80, s14, s25, $0xb8;
	[tilespmem:$0x1CC00] =	vst v63  }
0x12a: {  	_ =	swait.ge [sflag:s30], $0x4000  }
0x12b: {  	[sflag:s30] =	ssyncset.done $0x0  }
0x12c: {  	s15 =	rddreg [dreg:$0xf];
	[sflag:s30] =	ssyncadd.s32 $0xFFFFC000  }
0x12d: {  	[spmem:s3] =	stream.indirect.scatter.add.f32 [tilespmem:s26], [sflag:$0x4], $0x80, s15, s25, $0xb8;
	[tilespmem:$0x1CC00] =	vst v63  }
0x12e: {  	_ =	swait.ge [sflag:s31], $0x4000  }
0x12f: {  	[sflag:s31] =	ssyncset.done $0x0  }
0x130: {  	s16 =	rddreg [dreg:$0x10];
	[sflag:s31] =	ssyncadd.s32 $0xFFFFC000  }
0x131: {  	[tilespmem:s26], [sflag:$0x2] =	stream.indirect.gather [hbm4b:s0+s25], $0x80, s16, s25, $0xb8;
	[tilespmem:$0x1CC00] =	vst v63  }
0x132: {  	_ =	swait.ge [sflag:s28], $0x4000  }
0x133: {  	[sflag:s28] =	ssyncset.done $0x0  }
0x134: {  	s17 =	rddreg [dreg:$0x11];
	[sflag:s28] =	ssyncadd.s32 $0xFFFFC000  }
0x135: {  	[spmem:s3] =	stream.indirect.scatter.add.f32 [tilespmem:s22], [sflag:$0x3], $0x80, s17, s25, $0xb8;
	[tilespmem:$0x1CC00] =	vst v63  }
0x136: {  	_ =	swait.ge [sflag:s1], $0x400  }
0x137: {  	[sflag:s1] =	ssyncset.done $0x0  }
0x138: {  	[sflag:s1] =	ssyncadd.s32 $0xFFFFFC00  }
0x139: {  	_ =	swait.ge [sflag:s1], $0x400  }
0x13a: {  	[sflag:s1] =	ssyncset.done $0x0  }
0x13b: {  	[sflag:s1] =	ssyncadd.s32 $0xFFFFFC00  }
0x13c: {  	_ =	swait.ge [sflag:s29], $0x4000  }
0x13d: {  	[sflag:s29] =	ssyncset.done $0x0  }
0x13e: {  	[sflag:s29] =	ssyncadd.s32 $0xFFFFC000  }
0x13f: {  	[tilespmem:s22], [sflag:$0x1] =	stream.indirect.gather [hbm4b:s0+s25], $0x80, s20, s25, $0xb8;
	[tilespmem:$0x1CC00] =	vst v63  }
0x140: {  	_ =	swait.ge [sflag:s30], $0x4000  }
0x141: {  	[sflag:s30] =	ssyncset.done $0x0  }
0x142: {  	s14 =	rddreg [dreg:$0x12];
	[sflag:s30] =	ssyncadd.s32 $0xFFFFC000  }
0x143: {  	[spmem:s3] =	stream.indirect.scatter.add.f32 [tilespmem:s26], [sflag:$0x4], $0x80, s14, s25, $0xb8;
	[tilespmem:$0x1CC00] =	vst v63  }
0x144: {  	_ =	swait.ge [sflag:s31], $0x4000  }
0x145: {  	[sflag:s31] =	ssyncset.done $0x0  }
0x146: {  	s15 =	rddreg [dreg:$0x13];
	[sflag:s31] =	ssyncadd.s32 $0xFFFFC000  }
0x147: {  	[tilespmem:s26], [sflag:$0x2] =	stream.indirect.gather [hbm4b:s0+s25], $0x80, s15, s25, $0xb8;
	[tilespmem:$0x1CC00] =	vst v63  }
0x148: {  	_ =	swait.ge [sflag:s28], $0x4000  }
0x149: {  	[sflag:s28] =	ssyncset.done $0x0  }
0x14a: {  	[sflag:s28] =	ssyncadd.s32 $0xFFFFC000  }
0x14b: {  	[spmem:s3] =	stream.indirect.scatter.add.f32 [tilespmem:s22], [sflag:$0x3], $0x80, s21, s25, $0xb8;
	[tilespmem:$0x1CC00] =	vst v63  }
0x14c: {  	_ =	swait.ge [sflag:s29], $0x4000  }
0x14d: {  	[sflag:s29] =	ssyncset.done $0x0  }
0x14e: {  	s16 =	rddreg [dreg:$0x14];
	[sflag:s29] =	ssyncadd.s32 $0xFFFFC000  }
0x14f: {  	[tilespmem:s22], [sflag:$0x1] =	stream.indirect.gather [hbm4b:s0+s25], $0x80, s16, s25, $0xb8;
	[tilespmem:$0x1CC00] =	vst v63  }
0x150: {  	_ =	swait.ge [sflag:s30], $0x4000  }
0x151: {  	s18 =	sadd.s32 $0x800, s18;
	p1 =	seq.s32 s12, $0x400;
	[sflag:s30] =	ssyncset.done $0x0  }
0x152: {  	s12 =	sshrl.u32 @!p1 s18, $0x3;
	s17 =	rddreg [dreg:$0x15];
	[sflag:s30] =	ssyncadd.s32 $0xFFFFC000  }
0x153: {  	[spmem:s3] =	stream.indirect.scatter.add.f32 [tilespmem:s26], [sflag:$0x4], $0x80, s17, s25, $0xb8;
	[tilespmem:$0x1CC00] =	vst v63  }
0x154: {  	s13 =	sadd.s32 @!p1 s5, s12;
	s14 =	simm.s32 @!p1 $0x0  }
0x155: {  	[tilespmem:s14], [sflag:$0x5] =	stream.linear.gather @!p1 [hbm4b:s13+s14], $0x400, $0x38;
	[tilespmem:$0x1CC00] =	vst v63  }
0x156: {  	s12 =	sadd.s32 @!p1 s6, s12;
	s15 =	simm.s32 @!p1 $0x400  }
0x157: {  	[tilespmem:s15], [sflag:$0x5] =	stream.linear.gather @!p1 [hbm4b:s12+s14], $0x400, $0x38;
	[tilespmem:$0x1CC00] =	vst v63  }
0x158: {  	_ =	swait.ge [sflag:s31], $0x4000  }
0x159: {  	[sflag:s31] =	ssyncset.done $0x0  }
0x15a: {  	s14 =	rddreg [dreg:$0x16];
	[sflag:s31] =	ssyncadd.s32 $0xFFFFC000  }
0x15b: {  	[tilespmem:s26], [sflag:$0x2] =	stream.indirect.gather [hbm4b:s0+s25], $0x80, s14, s25, $0xb8;
	[tilespmem:$0x1CC00] =	vst v63  }
0x15c: {  	_ =	swait.ge [sflag:s28], $0x4000  }
0x15d: {  	[sflag:s28] =	ssyncset.done $0x0  }
0x15e: {  	s15 =	rddreg [dreg:$0x17];
	[sflag:s28] =	ssyncadd.s32 $0xFFFFC000  }
0x15f: {  	[spmem:s3] =	stream.indirect.scatter.add.f32 [tilespmem:s22], [sflag:$0x3], $0x80, s15, s25, $0xb8;
	[tilespmem:$0x1CC00] =	vst v63  }
0x160: {  	_ =	swait.ge [sflag:s29], $0x4000  }
0x161: {  	[sflag:s29] =	ssyncset.done $0x0  }
0x162: {  	s16 =	rddreg [dreg:$0x18];
	[sflag:s29] =	ssyncadd.s32 $0xFFFFC000  }
0x163: {  	[tilespmem:s22], [sflag:$0x1] =	stream.indirect.gather [hbm4b:s0+s25], $0x80, s16, s25, $0xb8;
	[tilespmem:$0x1CC00] =	vst v63  }
0x164: {  	_ =	swait.ge [sflag:s30], $0x4000  }
0x165: {  	[sflag:s30] =	ssyncset.done $0x0  }
0x166: {  	s17 =	rddreg [dreg:$0x19];
	[sflag:s30] =	ssyncadd.s32 $0xFFFFC000  }
0x167: {  	[spmem:s3] =	stream.indirect.scatter.add.f32 [tilespmem:s26], [sflag:$0x4], $0x80, s17, s25, $0xb8;
	[tilespmem:$0x1CC00] =	vst v63  }
0x168: {  	_ =	swait.ge [sflag:s31], $0x4000  }
0x169: {  	[sflag:s31] =	ssyncset.done $0x0  }
0x16a: {  	s13 =	rddreg [dreg:$0x1a];
	[sflag:s31] =	ssyncadd.s32 $0xFFFFC000  }
0x16b: {  	[tilespmem:s26], [sflag:$0x2] =	stream.indirect.gather [hbm4b:s0+s25], $0x80, s13, s25, $0xb8;
	[tilespmem:$0x1CC00] =	vst v63  }
0x16c: {  	_ =	swait.ge [sflag:s28], $0x4000  }
0x16d: {  	[sflag:s28] =	ssyncset.done $0x0  }
0x16e: {  	s14 =	rddreg [dreg:$0x1b];
	[sflag:s28] =	ssyncadd.s32 $0xFFFFC000  }
0x16f: {  	[spmem:s3] =	stream.indirect.scatter.add.f32 [tilespmem:s22], [sflag:$0x3], $0x80, s14, s25, $0xb8;
	[tilespmem:$0x1CC00] =	vst v63  }
0x170: {  	_ =	swait.ge [sflag:s29], $0x4000  }
0x171: {  	[sflag:s29] =	ssyncset.done $0x0  }
0x172: {  	s15 =	rddreg [dreg:$0x1c];
	[sflag:s29] =	ssyncadd.s32 $0xFFFFC000  }
0x173: {  	[tilespmem:s22], [sflag:$0x1] =	stream.indirect.gather [hbm4b:s0+s25], $0x80, s15, s25, $0xb8;
	[tilespmem:$0x1CC00] =	vst v63  }
0x174: {  	_ =	swait.ge [sflag:s30], $0x4000  }
0x175: {  	[sflag:s30] =	ssyncset.done $0x0  }
0x176: {  	s16 =	rddreg [dreg:$0x1d];
	[sflag:s30] =	ssyncadd.s32 $0xFFFFC000  }
0x177: {  	[spmem:s3] =	stream.indirect.scatter.add.f32 [tilespmem:s26], [sflag:$0x4], $0x80, s16, s25, $0xb8;
	[tilespmem:$0x1CC00] =	vst v63  }
0x178: {  	_ =	swait.ge [sflag:s31], $0x4000  }
0x179: {  	[sflag:s31] =	ssyncset.done $0x0  }
0x17a: {  	s17 =	rddreg [dreg:$0x1e];
	[sflag:s31] =	ssyncadd.s32 $0xFFFFC000  }
0x17b: {  	[tilespmem:s26], [sflag:$0x2] =	stream.indirect.gather [hbm4b:s0+s25], $0x80, s17, s25, $0xb8;
	[tilespmem:$0x1CC00] =	vst v63  }
0x17c: {  	_ =	swait.ge [sflag:s28], $0x4000  }
0x17d: {  	[sflag:s28] =	ssyncset.done $0x0  }
0x17e: {  	[sflag:s28] =	ssyncadd.s32 $0xFFFFC000  }
0x17f: {  	[spmem:s3] =	stream.indirect.scatter.add.f32 [tilespmem:s22], [sflag:$0x3], $0x80, s2, s25, $0xb8;
	[tilespmem:$0x1CC00] =	vst v63  }
0x180: {  	_ =	swait.ge [sflag:s30], $0x4000  }
0x181: {  	s9 =	sadd.s32 $0x100, s9;
	[sflag:s30] =	ssyncset.done $0x0  }
0x182: {  	p0 =	sne.s32 s9, $0x500;
	[sflag:s30] =	ssyncadd.s32 $0xFFFFC000  }
0x183: {  	[spmem:s3] =	stream.indirect.scatter.add.f32 [tilespmem:s26], [sflag:$0x4], $0x80, s7, s25, $0xb8;
	[tilespmem:$0x1CC00] =	vst v63  }
.Ltmp1:
0x184: {  	_ = 	snop;
	(pc) =	sbr.rel @p0 .LBB2_4-.Ltmp1, $4  }
0x185: {  	_ =	swait.ge [sflag:s29], $0x4000  }
0x186: {  	[sflag:s29] =	ssyncset.done $0x0  }
0x187: {  	[sflag:s29] =	ssyncadd.s32 $0xFFFFC000  }
0x188: {  	_ =	swait.ge [sflag:s31], $0x4000  }
0x189: {  	[sflag:s31] =	ssyncset.done $0x0  }
0x18a: {  	[sflag:s31] =	ssyncadd.s32 $0xFFFFC000  }
0x18b: {  	[bflag:$0x0] =	sbarrier.arrive $0xFFFF  }
0x18c: {  	s9 =	stileid.u32;
	s13 =	sld [smem:$0x7FC]  }
0x18d: {  	s9 =	sshll.u32 s9, $0x6  }
0x18e: {  	s12 =	sshrl.u32 s11, $0x3;
	s9 =	sor.u32 $0x1C07, s9  }
0x18f: {  	[hbm:s13], [sflag:s9] =	dma.local [spmem:s12], $0x2780  }
0x190: {  	_ =	swait.ge [sflag:s23], $0x2780  }
0x191: {  	s18 =	sld [smem:$0x7FD];
	_ =	sdelay $0x1  }
0x192: {  	s8 =	sadd.s32 $0x1, s8  }
0x193: {  	p0 =	sne.s32 s8, s18  }
.Ltmp2:
0x194: {  	_ = 	snop;
	(pc) =	sbr.rel @p0 .LBB2_1-.Ltmp2, $3  }
0x195: {  	_ =	sdelay $0x1  }
0x196: {  	[sflag:s23] =	ssyncset.done $0x0  }
0x197: {  	[sflag:s23] =	ssyncadd.s32 $0xFFFFD880  }
0x198: {  	_ =	sfence.sel $0x180000  }
0x199: {  	[bflag:$0x0] =	sbarrier.arrive $0xFFFF  }
0x19a: {  	_ =	strace $0x90000047  }
0x19b: {  	s0 =	stileid.u32;
	[bflag:$0x2] =	sbarrier.arrive $0xFFFF  }
0x19c: {  	p0 =	sne.s32 s0, $0x0;
	s0 =	rddreg [dreg:$0x3]  }
0x19d: {  	s0 =	sadd.s32 @!p0 $0x100000, s0  }
0x19e: {  	[sflag:s0] =	ssyncadd.tile.s32 @!p0 $0x1;
	_ =	shalt  }
.Lfunc_end2:
_tile_overlayer_lowered:
.L_overlay_start_2:
0x19f: {  	(tag) =	ssettag $0x2  }
0x1a0: {  	s0 =	rddreg [dreg:$0x0];
	s2 =	stileid.u32  }
0x1a1: {  	s1 =	rddreg [dreg:$0x1];
	p0 =	sne.s32 s2, $0x0  }
0x1a2: {  	s3 =	rddreg [dreg:$0x2];
	[bflag:$0x3] =	sbarrier.arrive $0xFFFF;
	s2 =	simm.s32 @!p0 $0x1C07  }
0x1a3: {  	[timem:s3], [sflag:s2] =	dma.local @!p0 [hbm:s0], s1  }
0x1a4: {  	s0 =	simm.s32 @!p0 $0x7  }
0x1a5: {  	_ =	swait.ge @!p0 [sflag:s0], s1  }
0x1a6: {  	s1 =	ssub.s32 @!p0 $0x0, s1;
	[sflag:s0] =	ssyncset.done @!p0 $0x0  }
0x1a7: {  	[sflag:s0] =	ssyncadd.s32 @!p0 s1  }
0x1a8: {  	[bflag:$0x3] =	sbarrier.arrive $0xFFFF  }
0x1a9: {  	_ =	shalt  }

// kernel: kernel.14.cloned.1.call-start
scs
__scs_entry_jumppad:
0x0: {  	(pc) =	sbr.rel $0x88, $3  }
0x1: {  	(tag) =	ssettag $0x0;
	lr =	simm.s32 $0x1  }
0x2: {  	[smem:$0x3F99] =	sst lr;
	_ =	strace $0xD0000000  }
0x3: {  	_ = 	snop  }
0x4: {  	_ = 	snop  }
0x5: {  	_ = 	snop  }
0x6: {  	_ = 	snop  }
0x7: {  	_ = 	snop  }
__scs_overlays_trampoline_lowered:
0x8: {  	[smem:$0x3FA8] =	sst s0  }
0x9: {  	[smem:$0x3FA9] =	sst s1  }
0xa: {  	[smem:$0x3FAA] =	sst s2  }
0xb: {  	[smem:$0x3FAB] =	sst s3  }
0xc: {  	[smem:$0x3FAC] =	sst s4  }
0xd: {  	[smem:$0x3FAD] =	sst s5  }
0xe: {  	[smem:$0x3FAE] =	sst s6  }
0xf: {  	[smem:$0x3FAF] =	sst s7  }
0x10: {  	[smem:$0x3FB0] =	sst s8  }
0x11: {  	[smem:$0x3FB1] =	sst s9;
	s0 =	simm.s32 @!p0 $0x0  }
0x12: {  	s1 =	sld [smem:$0x3F97];
	s0 =	simm.s32 @p0 $0x1  }
0x13: {  	[smem:$0x3FB2] =	sst s0;
	s0 =	simm.s32 @!p1 $0x0  }
0x14: {  	s2 =	sld [smem:$0x3F96];
	s0 =	simm.s32 @p1 $0x1  }
0x15: {  	[smem:$0x3FB3] =	sst s0;
	s0 =	simm.s32 @!p2 $0x0  }
0x16: {  	s3 =	sld [smem:$0x3FDB];
	s0 =	simm.s32 @p2 $0x1  }
0x17: {  	s4 =	simm.s32 $0x1BF5;
	[smem:$0x3FB5] =	sst s0  }
0x18: {  	s0 =	sld [smem:$0x3F98];
	_ =	swait.ge [sflag:s4], $0x0  }
0x19: {  	s7 =	sld [smem:$0x3F99]  }
0x1a: {  	s8 =	sadd.s32 $0xFFFFE003, lr  }
0x1b: {  	s9 =	sadd.s32 $0xFFFFFEF7, lr;
	s5 =	simm.s32 $0xFFFFFFFF;
	p2 =	slt.u32 s8, $0xFFFFF086  }
0x1c: {  	p1 =	slt.u32 s9, $0xF7A;
	s5 =	simm.s32 @!p2 $0x0  }
0x1d: {  	s5 =	simm.s32 @p1 $0x1;
	p0 =	seq.s32 s7, s2  }
0x1e: {  	s7 =	smul.u32 @!p0 $0xF7A, s2;
	p2 =	seq.s32 @!p0 s5, $0x0  }
0x1f: {  	s9 =	smul.u32 $0xF7A, s1;
	s8 =	simm.s32 @!p0 $0x1BF5;
	p2 =	por !p2, p0  }
0x20: {  	[sflag:s8] =	ssyncset.s32 @!p0 $0xFFFFF086;
	s6 =	sadd.s32 @!p0 s3, s7;
	s7 =	simm.s32 @!p0 $0x108  }
0x21: {  	s3 =	sadd.s32 s3, s9;
	s6 =	sadd.s32 @!p0 $0x88, s6;
	s7 =	simm.s32 @p2 $0x1082  }
0x22: {  	[simem:s7], [sflag:s8] =	dma.local @!p0 [hbm:s6], $0xF7A  }
0x23: {  	s9 =	sor.u32 $0xD0000000, s2;
	s6 =	simm.s32 $0x108;
	_ =	swait.ge @!p0 [sflag:s8], $0x0  }
0x24: {  	s3 =	sadd.s32 $0x88, s3;
	s6 =	simm.s32 @!p1 $0x1082;
	[sflag:s4] =	ssyncset.s32 $0xFFFFF086  }
0x25: {  	[simem:s6], [sflag:s4] =	dma.local [hbm:s3], $0xF7A  }
0x26: {  	[smem:$0x3F99] =	sst s1;
	(tag) =	ssettag s2;
	_ =	strace s9  }
0x27: {  	s1 =	sld [smem:$0x3FA9]  }
0x28: {  	s2 =	sld [smem:$0x3FAA]  }
0x29: {  	s4 =	sld [smem:$0x3FAC]  }
0x2a: {  	p0 =	seq.s32 s5, $0x0;
	s5 =	sld [smem:$0x3FAD]  }
0x2b: {  	s6 =	sld [smem:$0x3FAE]  }
0x2c: {  	s7 =	sld [smem:$0x3FAF]  }
0x2d: {  	s3 =	simm.s32 $0x108;
	s8 =	sld [smem:$0x3FB0]  }
0x2e: {  	s3 =	simm.s32 @!p0 $0x1082;
	s9 =	sld [smem:$0x3FB1]  }
0x2f: {  	lr =	sadd.s32 s0, s3;
	s0 =	sld [smem:$0x3FA8]  }
0x30: {  	s3 =	sld [smem:$0x3FAB]  }
0x31: {  	[smem:$0x3FB4] =	sst s10  }
0x32: {  	s10 =	sld [smem:$0x3FB2];
	_ =	sdelay $0x3  }
0x33: {  	p0 =	seq.s32 s10, $0x1;
	s10 =	sld [smem:$0x3FB4];
	_ =	sdelay $0x3  }
0x34: {  	[smem:$0x3FB4] =	sst s10  }
0x35: {  	s10 =	sld [smem:$0x3FB3];
	_ =	sdelay $0x3  }
0x36: {  	p1 =	seq.s32 s10, $0x1;
	s10 =	sld [smem:$0x3FB4];
	_ =	sdelay $0x3  }
0x37: {  	[smem:$0x3FB4] =	sst s10  }
0x38: {  	s10 =	sld [smem:$0x3FB5]  }
0x39: {  	_ = 	snop;
	(pc) =	sbr.ind lr, $3  }
0x3a: {  	_ = 	snop  }
0x3b: {  	_ = 	snop  }
0x3c: {  	p2 =	seq.s32 s10, $0x1;
	s10 =	sld [smem:$0x3FB4]  }
0x3d: {  	_ =	shalt  }
0x3e: {  	_ =	shalt  }
0x3f: {  	_ =	shalt  }
0x40: {  	_ =	shalt  }
0x41: {  	_ =	shalt  }
0x42: {  	_ =	shalt  }
0x43: {  	_ =	shalt  }
0x44: {  	_ =	shalt  }
0x45: {  	_ =	shalt  }
0x46: {  	_ =	shalt  }
0x47: {  	_ =	shalt  }
0x48: {  	_ =	shalt  }
0x49: {  	_ =	shalt  }
0x4a: {  	_ =	shalt  }
0x4b: {  	_ =	shalt  }
0x4c: {  	_ =	shalt  }
0x4d: {  	_ =	shalt  }
0x4e: {  	_ =	shalt  }
0x4f: {  	_ =	shalt  }
0x50: {  	_ =	shalt  }
0x51: {  	_ =	shalt  }
0x52: {  	_ =	shalt  }
0x53: {  	_ =	shalt  }
0x54: {  	_ =	shalt  }
0x55: {  	_ =	shalt  }
0x56: {  	_ =	shalt  }
0x57: {  	_ =	shalt  }
0x58: {  	_ =	shalt  }
0x59: {  	_ =	shalt  }
0x5a: {  	_ =	shalt  }
0x5b: {  	_ =	shalt  }
0x5c: {  	_ =	shalt  }
0x5d: {  	_ =	shalt  }
0x5e: {  	_ =	shalt  }
0x5f: {  	_ =	shalt  }
0x60: {  	_ =	shalt  }
0x61: {  	_ =	shalt  }
0x62: {  	_ =	shalt  }
0x63: {  	_ =	shalt  }
0x64: {  	_ =	shalt  }
0x65: {  	_ =	shalt  }
0x66: {  	_ =	shalt  }
0x67: {  	_ =	shalt  }
0x68: {  	_ =	shalt  }
0x69: {  	_ =	shalt  }
0x6a: {  	_ =	shalt  }
0x6b: {  	_ =	shalt  }
0x6c: {  	_ =	shalt  }
0x6d: {  	_ =	shalt  }
0x6e: {  	_ =	shalt  }
0x6f: {  	_ =	shalt  }
0x70: {  	_ =	shalt  }
0x71: {  	_ =	shalt  }
0x72: {  	_ =	shalt  }
0x73: {  	_ =	shalt  }
0x74: {  	_ =	shalt  }
0x75: {  	_ =	shalt  }
0x76: {  	_ =	shalt  }
0x77: {  	_ =	shalt  }
0x78: {  	_ =	shalt  }
0x79: {  	_ =	shalt  }
0x7a: {  	_ =	shalt  }
0x7b: {  	_ =	shalt  }
0x7c: {  	_ =	shalt  }
0x7d: {  	_ =	shalt  }
0x7e: {  	_ =	shalt  }
0x7f: {  	_ =	shalt  }
0x80: {  	_ =	shalt  }
0x81: {  	_ =	shalt  }
0x82: {  	_ =	shalt  }
0x83: {  	_ =	shalt  }
0x84: {  	_ =	shalt  }
0x85: {  	_ =	shalt  }
0x86: {  	_ =	shalt  }
0x87: {  	_ =	shalt  }
.Lfunc_end0:
.L_simem_size_0:
called_computation.2_lowered:
.L_overlay_start_0:
0x88: {  	s2 =	sld [smem:$0x3FD9]  }
0x89: {  	s3 =	sld [smem:$0x3FFE];
	_ =	sdelay $0x1  }
0x8a: {  	s1 =	srdreg.scid  }
0x8b: {  	s0 =	sand.u32 $0x1, s1  }
0x8c: {  	s17 =	sshll.u32 s0, $0xA;
	s2 =	sadd.s32 s3, s2  }
0x8d: {  	s2 =	sadd.s32 s2, s17  }
0x8e: {  	[smem:$0x3FC0] =	sst s2  }
0x8f: {  	_ = 	snop  }
0x90: {  	s2 =	sld [smem:$0x3FD0];
	(tm) =	ssettm $0x1  }
0x91: {  	s18 =	sld [smem:$0x3FFB];
	_ =	sdelay $0x3  }
0x92: {  	_ =	strace s18  }
0x93: {  	s3 =	sld [smem:$0x3FFC];
	_ =	sdelay $0x3  }
0x94: {  	_ =	strace s3  }
0x95: {  	s3 =	sld [smem:$0x3FFD];
	_ =	sdelay $0x3  }
0x96: {  	_ =	strace s3  }
0x97: {  	_ =	strace $0x8FFFFFFF  }
0x98: {  	s19 =	sld [smem:$0x3FDB];
	_ =	sdelay $0x1  }
0x99: {  	s4 =	simm.s32 $_scs_section_size  }
0x9a: {  	s5 =	simm.s32 $_size__tile_overlayer_lowered;
	s6 =	simm.s32 $_tile_overlayer_lowered  }
0x9b: {  	s22 =	simm.s32 $0x1BFF;
	s21 =	sshll.u32 s6, $0x1;
	s3 =	sadd.s32 s4, s19  }
0x9c: {  	s7 =	simm.s32 $0x0;
	s20 =	sshll.u32 s5, $0x1;
	s5 =	sadd.s32 s21, s3  }
0x9d: {  	[timem:s7], [sflag:s22] =	dma.local [hbm:s5], s20  }
0x9e: {  	_ =	swait.ge [sflag:s22], s20  }
0x9f: {  	s4 =	ssub.s32 $0x0, s20;
	[sflag:s22] =	ssyncset.done $0x0  }
0xa0: {  	[sflag:s22] =	ssyncadd.s32 s4;
	_ =	sdelay $0x1  }
0xa1: {  	s23 =	simm.s32 $0x1B8B  }
0xa2: {  	_ =	swait.ge [sflag:s23], $0x1  }
0xa3: {  	[sflag:s23] =	ssyncset.done $0x0  }
0xa4: {  	s25 =	simm.s32 $0x1B8E;
	s24 =	sld [smem:$0x3FFE];
	[sflag:s23] =	ssyncadd.s32 $0xFFFFFFFF  }
0xa5: {  	s26 =	simm.s32 $execute0_lowered;
	[smem:$0x3FD2] =	sst s25  }
0xa6: {  	s5 =	sshll.u32 s26, $0x1;
	_ =	strace $0x8000004C;
	[dreg:$0x1] =	wrdreg $0xFFFFFFFF  }
0xa7: {  	s28 =	simm.s32 $_size_execute0_lowered;
	s3 =	sadd.s32 s3, s5;
	[dreg:$0x0] =	wrdreg $0x0  }
0xa8: {  	s5 =	sshll.u32 s28, $0x1;
	[dreg:$0x2] =	wrdreg s3  }
0xa9: {  	[dreg:$0x3] =	wrdreg s5  }
0xaa: {  	[dreg:$0x4] =	wrdreg $0xC0  }
0xab: {  	_ =	task [dreg:s7], $0x5FFFF  }
0xac: {  	[dreg:$0x1] =	wrdreg $0xFFFFFFFF  }
0xad: {  	[dreg:$0x0] =	wrdreg $0x60  }
0xae: {  	[dreg:$0x2] =	wrdreg s2  }
0xaf: {  	[dreg:$0x3] =	wrdreg s24  }
0xb0: {  	[dreg:$0x4] =	wrdreg $0x90000  }
0xb1: {  	[dreg:$0x5] =	wrdreg $0x9  }
0xb2: {  	_ =	task.clear_ibuf [dreg:s7], $0x6FFFF;
	_ =	strace $0x9000004C  }
0xb3: {  	s29 =	simm.s32 $0x9;
	_ =	strace $0x8000004E  }
0xb4: {  	_ =	swait.ge [sflag:s29], $0x1  }
0xb5: {  	[sflag:s29] =	ssyncadd.s32 $0xFFFFFFFF  }
0xb6: {  	_ =	strace $0x9000004E  }
0xb7: {  	_ =	sfence  }
0xb8: {  	s30 =	sld [smem:$0x0];
	_ =	sdelay $0x2  }
0xb9: {  	s31 =	sshll.u32 s1, $0xD;
	s1 =	sshrl.u32 s1, $0x2  }
0xba: {  	s3 =	sand.u32 $0x4000, s31;
	s1 =	sadd.s32 s1, s30  }
0xbb: {  	s0 =	sor.u32 s3, s0;
	s1 =	sshll.u32 s1, $0x11  }
0xbc: {  	s0 =	sor.u32 s1, s0  }
0xbd: {  	s0 =	sadd.s32 $0x8F2B, s0  }
0xbe: {  	[sflag:s0] =	ssyncadd.remote.s32 $0x1  }
0xbf: {  	_ =	sfence.sel $0xFFFF  }
0xc0: {  	[dreg:$0x0] =	wrdreg $0xFFFFFFFF;
	(pc) =	sbr.abs _section_cstart, $3  }
0xc1: {  	[dreg:$0x1] =	wrdreg $0xFFFFFFFF  }
0xc2: {  	_ =	task.clear_ibuf [dreg:s7], $0x2FFFF;
	_ =	strace $0x9FFFFFFF  }
0xc3: {  	(tm) =	ssettm $0x7FFFFFFF  }
tec
execute0_lowered:
.L_overlay_start_1:
0x0: {  	(tag) =	ssettag $0x1  }
0x1: {  	s0 =	rddreg [dreg:$0x0]  }
0x2: {  	s2 =	rddreg [dreg:$0x1]  }
0x3: {  	s3 =	rddreg [dreg:$0x2];
	s4 =	simm.s32 $0x0  }
0x4: {  	s25 =	simm.s32 $0x100;
	[smem:$0x7FF] =	sst s4  }
0x5: {  	s26 =	simm.s32 $0x480;
	_ =	strace $0x8000004D;
	[dreg:$0x6] =	wrdreg s25  }
0x6: {  	s13 =	simm.s32 $0x200;
	[dreg:$0x7] =	wrdreg s26  }
0x7: {  	s15 =	simm.s32 $0x580;
	[dreg:$0xa] =	wrdreg s13  }
0x8: {  	s17 =	simm.s32 $0x280;
	[dreg:$0xb] =	wrdreg s15  }
0x9: {  	s18 =	simm.s32 $0x600;
	[dreg:$0xc] =	wrdreg s17  }
0xa: {  	s20 =	simm.s32 $0x300;
	[dreg:$0xd] =	wrdreg s18  }
0xb: {  	s22 =	simm.s32 $0x680;
	[dreg:$0xe] =	wrdreg s20  }
0xc: {  	s1 =	srdreg.scid;
	s23 =	simm.s32 $0x380;
	[dreg:$0xf] =	wrdreg s22  }
0xd: {  	s12 =	stileid.u32;
	[dreg:$0x10] =	wrdreg s23;
	s25 =	simm.s32 $0x700  }
0xe: {  	s7 =	sand.u32 $0x1, s1;
	s26 =	simm.s32 $0x780;
	[dreg:$0x11] =	wrdreg s25  }
0xf: {  	s5 =	smul.u32 $0x2800, s12;
	s13 =	simm.s32 $0x900;
	[dreg:$0x12] =	wrdreg s26  }
0x10: {  	s8 =	smul.u32 $0x13C00, s12;
	s15 =	simm.s32 $0xC80;
	[dreg:$0x14] =	wrdreg s13  }
0x11: {  	s21 =	smul.u32 $0x4F000, s12;
	s17 =	simm.s32 $0x980;
	[dreg:$0x15] =	wrdreg s15  }
0x12: {  	s6 =	smul.u32 $0x13C000, s7;
	s18 =	simm.s32 $0xD00;
	[dreg:$0x16] =	wrdreg s17  }
0x13: {  	s1 =	smul.u32 $0x28000, s7;
	s20 =	simm.s32 $0xA00;
	[dreg:$0x17] =	wrdreg s18  }
0x14: {  	s24 =	ssub.s32 $0x2, s7;
	s22 =	simm.s32 $0xA80;
	[dreg:$0x18] =	wrdreg s20  }
0x15: {  	s7 =	sshll.u32 s7, $0x4;
	s23 =	simm.s32 $0xE00;
	[dreg:$0x1a] =	wrdreg s22  }
0x16: {  	s11 =	sshrl.u32 s24, $0x1;
	s7 =	sor.u32 s12, s7;
	[dreg:$0x1b] =	wrdreg s23  }
0x17: {  	s25 =	simm.s32 $0xE80;
	s26 =	simm.s32 $0xB80;
	s1 =	sadd.s32 s5, s1  }
0x18: {  	s5 =	sadd.s32 $0x2400, s2;
	s8 =	sadd.s32 s8, s6;
	s6 =	sadd.s32 $0xC400, s2  }
0x19: {  	s7 =	smul.u32 $0x2800, s7;
	[dreg:$0x1d] =	wrdreg s25;
	s9 =	sor.u32 $0x400, s1  }
0x1a: {  	[dreg:$0x1e] =	wrdreg s26;
	s8 =	sshrl.u32 s8, $0x3;
	s9 =	sshrl.u32 s9, $0x3  }
0x1b: {  	s2 =	sadd.s32 s8, s2;
	s8 =	ssub.s32 s24, s11;
	s11 =	simm.s32 $0x500  }
0x1c: {  	s24 =	sshrl.u32 s21, $0x2;
	s21 =	simm.s32 $0xD80;
	[dreg:$0x9] =	wrdreg s11  }
0x1d: {  	s28 =	simm.s32 $0x1;
	s10 =	sadd.s32 s9, s6;
	[dreg:$0x19] =	wrdreg s21  }
0x1e: {  	s7 =	sshrl.u32 s7, $0x3;
	s9 =	sadd.s32 s9, s5;
	[dreg:$0x4] =	wrdreg s10  }
0x1f: {  	s29 =	simm.s32 $0x3;
	s14 =	sadd.s32 s5, s7;
	[dreg:$0x5] =	wrdreg s9  }
0x20: {  	s30 =	simm.s32 $0x2;
	s16 =	sadd.s32 s6, s7;
	[dreg:$0x1f] =	wrdreg s14  }
0x21: {  	s31 =	simm.s32 $0x4;
	s2 =	sadd.s32 $0x16400, s2;
	[smem:$0x7F5] =	sst s16  }
0x22: {  	s11 =	sadd.s32 s24, s3;
	s24 =	simm.s32 $0xB00;
	[smem:$0x7FC] =	sst s2  }
0x23: {  	s7 =	sor.u32 $0x80, s7;
	s10 =	simm.s32 $0x180;
	[dreg:$0x1c] =	wrdreg s24  }
0x24: {  	s20 =	simm.s32 $0x800;
	s19 =	sadd.s32 s5, s7;
	[dreg:$0x8] =	wrdreg s10  }
0x25: {  	s22 =	simm.s32 $0x1000;
	s7 =	sadd.s32 s6, s7;
	[smem:$0x7F6] =	sst s19  }
0x26: {  	s23 =	simm.s32 $0x7;
	s9 =	sadd.s32 $0x4000, s11;
	[smem:$0x7F7] =	sst s7  }
0x27: {  	s25 =	simm.s32 $0x80;
	s12 =	sadd.s32 $0x8000, s11;
	[smem:$0x7F8] =	sst s9  }
0x28: {  	s26 =	simm.s32 $0x5000;
	s14 =	sadd.s32 $0xC000, s11;
	[smem:$0x7F9] =	sst s12  }
0x29: {  	s21 =	simm.s32 $0xC00;
	s16 =	sadd.s32 $0x10000, s11;
	[smem:$0x7FA] =	sst s14  }
0x2a: {  	s24 =	simm.s32 $0x5;
	s10 =	simm.s32 $0x880;
	[smem:$0x7FB] =	sst s16  }
0x2b: {  	s2 =	simm.s32 $0xF00;
	s19 =	smax.u32 s8, $0x1;
	[dreg:$0x13] =	wrdreg s10  }
0x2c: {  	s7 =	simm.s32 $0xF80;
	s8 =	simm.s32 $0x0;
	[smem:$0x7FD] =	sst s19  }
0x2d: {  	v0 =	vimm.f32 $0.0e+00;
	s10 =	sadd.s32 $0x800, s1;
	s19 =	simm.s32 $0x400;
	s1 =	simm.s32 $0x6  }
.LBB2_1:
0x2e: {  	s9 =	rddreg [dreg:$0x1f]  }
0x2f: {  	s16 =	sld [smem:$0x7F5]  }
0x30: {  	[tilespmem:s4], [sflag:$0x5] =	stream.linear.gather [hbm4b:s9+s4], $0x400, $0x38;
	[tilespmem:$0x1CC00] =	vst v63  }
0x31: {  	s17 =	sld [smem:$0x7F6]  }
0x32: {  	[tilespmem:s19], [sflag:$0x5] =	stream.linear.gather [hbm4b:s16+s4], $0x400, $0x38;
	[tilespmem:$0x1CC00] =	vst v63  }
0x33: {  	s18 =	sld [smem:$0x7F7]  }
0x34: {  	[tilespmem:s20], [sflag:$0x6] =	stream.linear.gather [hbm4b:s17+s4], $0x400, $0x38;
	[tilespmem:$0x1CC00] =	vst v63  }
0x35: {  	s12 =	simm.s32 $0x200;
	s9 =	simm.s32 $0x0  }
0x36: {  	[tilespmem:s21], [sflag:$0x6] =	stream.linear.gather [hbm4b:s18+s4], $0x400, $0x38;
	[tilespmem:$0x1CC00] =	vst v63  }
.LBB2_2:
0x37: {  	p0 =	sne.s32 s12, $0xFE00;
	[tilespmem:s9+$0x1070] =	vst v0  }
0x38: {  	[tilespmem:s9+$0x1000] =	vst v0  }
0x39: {  	[tilespmem:s9+$0x1010] =	vst v0  }
.Ltmp0:
0x3a: {  	[tilespmem:s9+$0x1020] =	vst v0;
	(pc) =	sbr.rel @p0 .LBB2_2-.Ltmp0, $4  }
0x3b: {  	[tilespmem:s9+$0x1030] =	vst v0  }
0x3c: {  	[tilespmem:s9+$0x1040] =	vst v0  }
0x3d: {  	[tilespmem:s9+$0x1050] =	vst v0  }
0x3e: {  	[tilespmem:s9+$0x1060] =	vst v0;
	s9 =	sshra.s32 s12, $0x2;
	s12 =	sadd.s32 $0x200, s12  }
0x3f: {  	[tilespmem:s9+$0x1070] =	vst v0  }
0x40: {  	[tilespmem:s9+$0x1000] =	vst v0  }
0x41: {  	[tilespmem:s9+$0x1010] =	vst v0  }
0x42: {  	[tilespmem:s9+$0x1020] =	vst v0  }
0x43: {  	[tilespmem:s9+$0x1030] =	vst v0  }
0x44: {  	[tilespmem:s9+$0x1040] =	vst v0  }
0x45: {  	[tilespmem:s9+$0x1050] =	vst v0  }
0x46: {  	[tilespmem:s9+$0x1060] =	vst v0  }
0x47: {  	[spmem:s11] =	stream.linear.scatter [tilespmem:s22], [sflag:$0x7], $0x4000, $0x38;
	[tilespmem:$0x1CC00] =	vst v63  }
0x48: {  	_ =	swait.ge [sflag:s23], $0x4000  }
0x49: {  	s18 =	sld [smem:$0x7F8]  }
0x4a: {  	[sflag:s23] =	ssyncset.done $0x0  }
0x4b: {  	[sflag:s23] =	ssyncadd.s32 $0xFFFFC000  }
0x4c: {  	[spmem:s18] =	stream.linear.scatter [tilespmem:s22], [sflag:$0x7], $0x4000, $0x38;
	[tilespmem:$0x1CC00] =	vst v63  }
0x4d: {  	_ =	swait.ge [sflag:s23], $0x4000  }
0x4e: {  	s12 =	sld [smem:$0x7F9]  }
0x4f: {  	[sflag:s23] =	ssyncset.done $0x0  }
0x50: {  	[sflag:s23] =	ssyncadd.s32 $0xFFFFC000  }
0x51: {  	[spmem:s12] =	stream.linear.scatter [tilespmem:s22], [sflag:$0x7], $0x4000, $0x38;
	[tilespmem:$0x1CC00] =	vst v63  }
0x52: {  	_ =	swait.ge [sflag:s23], $0x4000  }
0x53: {  	s13 =	sld [smem:$0x7FA]  }
0x54: {  	[sflag:s23] =	ssyncset.done $0x0  }
0x55: {  	[sflag:s23] =	ssyncadd.s32 $0xFFFFC000  }
0x56: {  	[spmem:s13] =	stream.linear.scatter [tilespmem:s22], [sflag:$0x7], $0x4000, $0x38;
	[tilespmem:$0x1CC00] =	vst v63  }
0x57: {  	_ =	swait.ge [sflag:s23], $0x4000  }
0x58: {  	s14 =	sld [smem:$0x7FB]  }
0x59: {  	[sflag:s23] =	ssyncset.done $0x0  }
0x5a: {  	[sflag:s23] =	ssyncadd.s32 $0xFFFFC000  }
0x5b: {  	[spmem:s14] =	stream.linear.scatter [tilespmem:s22], [sflag:$0x7], $0x3C00, $0x38;
	[tilespmem:$0x1CC00] =	vst v63  }
0x5c: {  	_ =	swait.ge [sflag:s23], $0x3C00  }
0x5d: {  	[sflag:s23] =	ssyncset.done $0x0  }
0x5e: {  	[sflag:s23] =	ssyncadd.s32 $0xFFFFC400  }
0x5f: {  	[bflag:$0x0] =	sbarrier.arrive $0xFFFF  }
0x60: {  	_ =	swait.ge [sflag:s24], $0x400  }
0x61: {  	[sflag:s24] =	ssyncset.done $0x0  }
0x62: {  	p0 =	por $0x1, $0x1;
	[sflag:s24] =	ssyncadd.s32 $0xFFFFFC00  }
0x63: {  	s18 =	simm.s32 @!p0 $0x0;
	_ =	swait.ge [sflag:s24], $0x400  }
0x64: {  	s13 =	simm.s32 @!p0 $0x800;
	s9 =	rddreg [dreg:$0x5];
	[sflag:s24] =	ssyncset.done $0x0  }
0x65: {  	s12 =	rddreg [dreg:$0x4];
	[sflag:s24] =	ssyncadd.s32 $0xFFFFFC00;
	s9 =	sadd.s32 @!p0 $0x0, s9  }
0x66: {  	[tilespmem:s13], [sflag:$0x6] =	stream.linear.gather @!p0 [hbm4b:s9+s18], $0x400, $0x38;
	[tilespmem:$0x1CC00] =	vst v63  }
0x67: {  	s12 =	sadd.s32 @!p0 $0x0, s12;
	s9 =	simm.s32 @!p0 $0xC00  }
0x68: {  	[tilespmem:s9], [sflag:$0x6] =	stream.linear.gather @!p0 [hbm4b:s12+s18], $0x400, $0x38;
	[tilespmem:$0x1CC00] =	vst v63  }
0x69: {  	_ = 	snop  }
0x6a: {  	[tilespmem:s22], [sflag:$0x1] =	stream.indirect.gather [hbm4b:s0+s25], $0x80, s4, s25, $0xb8;
	[tilespmem:$0x1CC00] =	vst v63  }
0x6b: {  	_ = 	snop  }
0x6c: {  	[tilespmem:s26], [sflag:$0x2] =	stream.indirect.gather [hbm4b:s0+s25], $0x80, s25, s25, $0xb8;
	[tilespmem:$0x1CC00] =	vst v63  }
0x6d: {  	_ =	swait.ge [sflag:s28], $0x4000  }
0x6e: {  	[sflag:s28] =	ssyncset.done $0x0  }
0x6f: {  	[sflag:s28] =	ssyncadd.s32 $0xFFFFC000  }
0x70: {  	[spmem:s3] =	stream.indirect.scatter.add.f32 [tilespmem:s22], [sflag:$0x3], $0x80, s19, s25, $0xb8;
	[tilespmem:$0x1CC00] =	vst v63  }
0x71: {  	_ =	swait.ge [sflag:s29], $0x4000  }
0x72: {  	[sflag:s29] =	ssyncset.done $0x0  }
0x73: {  	s15 =	rddreg [dreg:$0x6];
	[sflag:s29] =	ssyncadd.s32 $0xFFFFC000  }
0x74: {  	[tilespmem:s22], [sflag:$0x1] =	stream.indirect.gather [hbm4b:s0+s25], $0x80, s15, s25, $0xb8;
	[tilespmem:$0x1CC00] =	vst v63  }
0x75: {  	_ =	swait.ge [sflag:s30], $0x4000  }
0x76: {  	[sflag:s30] =	ssyncset.done $0x0  }
0x77: {  	s16 =	rddreg [dreg:$0x7];
	[sflag:s30] =	ssyncadd.s32 $0xFFFFC000  }
0x78: {  	[spmem:s3] =	stream.indirect.scatter.add.f32 [tilespmem:s26], [sflag:$0x4], $0x80, s16, s25, $0xb8;
	[tilespmem:$0x1CC00] =	vst v63  }
0x79: {  	_ =	swait.ge [sflag:s31], $0x4000  }
0x7a: {  	[sflag:s31] =	ssyncset.done $0x0  }
0x7b: {  	s17 =	rddreg [dreg:$0x8];
	[sflag:s31] =	ssyncadd.s32 $0xFFFFC000  }
0x7c: {  	[tilespmem:s26], [sflag:$0x2] =	stream.indirect.gather [hbm4b:s0+s25], $0x80, s17, s25, $0xb8;
	[tilespmem:$0x1CC00] =	vst v63  }
0x7d: {  	_ =	swait.ge [sflag:s28], $0x4000  }
0x7e: {  	[sflag:s28] =	ssyncset.done $0x0  }
0x7f: {  	s18 =	rddreg [dreg:$0x9];
	[sflag:s28] =	ssyncadd.s32 $0xFFFFC000  }
0x80: {  	[spmem:s3] =	stream.indirect.scatter.add.f32 [tilespmem:s22], [sflag:$0x3], $0x80, s18, s25, $0xb8;
	[tilespmem:$0x1CC00] =	vst v63  }
0x81: {  	_ =	swait.ge [sflag:s29], $0x4000  }
0x82: {  	[sflag:s29] =	ssyncset.done $0x0  }
0x83: {  	s12 =	rddreg [dreg:$0xa];
	[sflag:s29] =	ssyncadd.s32 $0xFFFFC000  }
0x84: {  	[tilespmem:s22], [sflag:$0x1] =	stream.indirect.gather [hbm4b:s0+s25], $0x80, s12, s25, $0xb8;
	[tilespmem:$0x1CC00] =	vst v63  }
0x85: {  	_ =	swait.ge [sflag:s30], $0x4000  }
0x86: {  	[sflag:s30] =	ssyncset.done $0x0  }
0x87: {  	s13 =	rddreg [dreg:$0xb];
	[sflag:s30] =	ssyncadd.s32 $0xFFFFC000  }
0x88: {  	[spmem:s3] =	stream.indirect.scatter.add.f32 [tilespmem:s26], [sflag:$0x4], $0x80, s13, s25, $0xb8;
	[tilespmem:$0x1CC00] =	vst v63  }
0x89: {  	_ =	swait.ge [sflag:s31], $0x4000  }
0x8a: {  	[sflag:s31] =	ssyncset.done $0x0  }
0x8b: {  	s14 =	rddreg [dreg:$0xc];
	[sflag:s31] =	ssyncadd.s32 $0xFFFFC000  }
0x8c: {  	[tilespmem:s26], [sflag:$0x2] =	stream.indirect.gather [hbm4b:s0+s25], $0x80, s14, s25, $0xb8;
	[tilespmem:$0x1CC00] =	vst v63  }
0x8d: {  	_ =	swait.ge [sflag:s28], $0x4000  }
0x8e: {  	[sflag:s28] =	ssyncset.done $0x0  }
0x8f: {  	s15 =	rddreg [dreg:$0xd];
	[sflag:s28] =	ssyncadd.s32 $0xFFFFC000  }
0x90: {  	[spmem:s3] =	stream.indirect.scatter.add.f32 [tilespmem:s22], [sflag:$0x3], $0x80, s15, s25, $0xb8;
	[tilespmem:$0x1CC00] =	vst v63  }
0x91: {  	_ =	swait.ge [sflag:s29], $0x4000  }
0x92: {  	[sflag:s29] =	ssyncset.done $0x0  }
0x93: {  	s16 =	rddreg [dreg:$0xe];
	[sflag:s29] =	ssyncadd.s32 $0xFFFFC000  }
0x94: {  	[tilespmem:s22], [sflag:$0x1] =	stream.indirect.gather [hbm4b:s0+s25], $0x80, s16, s25, $0xb8;
	[tilespmem:$0x1CC00] =	vst v63  }
0x95: {  	_ =	swait.ge [sflag:s30], $0x4000  }
0x96: {  	[sflag:s30] =	ssyncset.done $0x0  }
0x97: {  	s17 =	rddreg [dreg:$0xf];
	[sflag:s30] =	ssyncadd.s32 $0xFFFFC000  }
0x98: {  	[spmem:s3] =	stream.indirect.scatter.add.f32 [tilespmem:s26], [sflag:$0x4], $0x80, s17, s25, $0xb8;
	[tilespmem:$0x1CC00] =	vst v63  }
0x99: {  	_ =	swait.ge [sflag:s31], $0x4000  }
0x9a: {  	[sflag:s31] =	ssyncset.done $0x0  }
0x9b: {  	s18 =	rddreg [dreg:$0x10];
	[sflag:s31] =	ssyncadd.s32 $0xFFFFC000  }
0x9c: {  	[tilespmem:s26], [sflag:$0x2] =	stream.indirect.gather [hbm4b:s0+s25], $0x80, s18, s25, $0xb8;
	[tilespmem:$0x1CC00] =	vst v63  }
0x9d: {  	_ =	swait.ge [sflag:s28], $0x4000  }
0x9e: {  	[sflag:s28] =	ssyncset.done $0x0  }
0x9f: {  	s12 =	rddreg [dreg:$0x11];
	[sflag:s28] =	ssyncadd.s32 $0xFFFFC000  }
0xa0: {  	[spmem:s3] =	stream.indirect.scatter.add.f32 [tilespmem:s22], [sflag:$0x3], $0x80, s12, s25, $0xb8;
	[tilespmem:$0x1CC00] =	vst v63  }
0xa1: {  	_ =	swait.ge [sflag:s1], $0x400  }
0xa2: {  	[sflag:s1] =	ssyncset.done $0x0  }
0xa3: {  	[sflag:s1] =	ssyncadd.s32 $0xFFFFFC00  }
0xa4: {  	_ =	swait.ge [sflag:s1], $0x400  }
0xa5: {  	[sflag:s1] =	ssyncset.done $0x0  }
0xa6: {  	[sflag:s1] =	ssyncadd.s32 $0xFFFFFC00  }
0xa7: {  	_ =	swait.ge [sflag:s29], $0x4000  }
0xa8: {  	[sflag:s29] =	ssyncset.done $0x0  }
0xa9: {  	[sflag:s29] =	ssyncadd.s32 $0xFFFFC000  }
0xaa: {  	[tilespmem:s22], [sflag:$0x1] =	stream.indirect.gather [hbm4b:s0+s25], $0x80, s20, s25, $0xb8;
	[tilespmem:$0x1CC00] =	vst v63  }
0xab: {  	_ =	swait.ge [sflag:s30], $0x4000  }
0xac: {  	[sflag:s30] =	ssyncset.done $0x0  }
0xad: {  	s13 =	rddreg [dreg:$0x12];
	[sflag:s30] =	ssyncadd.s32 $0xFFFFC000  }
0xae: {  	[spmem:s3] =	stream.indirect.scatter.add.f32 [tilespmem:s26], [sflag:$0x4], $0x80, s13, s25, $0xb8;
	[tilespmem:$0x1CC00] =	vst v63  }
0xaf: {  	_ =	swait.ge [sflag:s31], $0x4000  }
0xb0: {  	[sflag:s31] =	ssyncset.done $0x0  }
0xb1: {  	s14 =	rddreg [dreg:$0x13];
	[sflag:s31] =	ssyncadd.s32 $0xFFFFC000  }
0xb2: {  	[tilespmem:s26], [sflag:$0x2] =	stream.indirect.gather [hbm4b:s0+s25], $0x80, s14, s25, $0xb8;
	[tilespmem:$0x1CC00] =	vst v63  }
0xb3: {  	_ =	swait.ge [sflag:s28], $0x4000  }
0xb4: {  	[sflag:s28] =	ssyncset.done $0x0  }
0xb5: {  	[sflag:s28] =	ssyncadd.s32 $0xFFFFC000  }
0xb6: {  	[spmem:s3] =	stream.indirect.scatter.add.f32 [tilespmem:s22], [sflag:$0x3], $0x80, s21, s25, $0xb8;
	[tilespmem:$0x1CC00] =	vst v63  }
0xb7: {  	_ =	swait.ge [sflag:s29], $0x4000  }
0xb8: {  	[sflag:s29] =	ssyncset.done $0x0  }
0xb9: {  	s15 =	rddreg [dreg:$0x14];
	[sflag:s29] =	ssyncadd.s32 $0xFFFFC000  }
0xba: {  	[tilespmem:s22], [sflag:$0x1] =	stream.indirect.gather [hbm4b:s0+s25], $0x80, s15, s25, $0xb8;
	[tilespmem:$0x1CC00] =	vst v63  }
0xbb: {  	_ =	swait.ge [sflag:s30], $0x4000  }
0xbc: {  	p0 =	por $0x0, $0x0;
	[sflag:s30] =	ssyncset.done $0x0  }
0xbd: {  	s12 =	sshrl.u32 @!p0 s10, $0x3;
	s16 =	rddreg [dreg:$0x15];
	[sflag:s30] =	ssyncadd.s32 $0xFFFFC000  }
0xbe: {  	[spmem:s3] =	stream.indirect.scatter.add.f32 [tilespmem:s26], [sflag:$0x4], $0x80, s16, s25, $0xb8;
	[tilespmem:$0x1CC00] =	vst v63  }
0xbf: {  	s9 =	simm.s32 @!p0 $0x0;
	s13 =	sadd.s32 @!p0 s5, s12  }
0xc0: {  	[tilespmem:s9], [sflag:$0x5] =	stream.linear.gather @!p0 [hbm4b:s13+s9], $0x400, $0x38;
	[tilespmem:$0x1CC00] =	vst v63  }
0xc1: {  	s12 =	sadd.s32 @!p0 s6, s12;
	s13 =	simm.s32 @!p0 $0x400  }
0xc2: {  	[tilespmem:s13], [sflag:$0x5] =	stream.linear.gather @!p0 [hbm4b:s12+s9], $0x400, $0x38;
	[tilespmem:$0x1CC00] =	vst v63  }
0xc3: {  	_ =	swait.ge [sflag:s31], $0x4000  }
0xc4: {  	[sflag:s31] =	ssyncset.done $0x0  }
0xc5: {  	s17 =	rddreg [dreg:$0x16];
	[sflag:s31] =	ssyncadd.s32 $0xFFFFC000  }
0xc6: {  	[tilespmem:s26], [sflag:$0x2] =	stream.indirect.gather [hbm4b:s0+s25], $0x80, s17, s25, $0xb8;
	[tilespmem:$0x1CC00] =	vst v63  }
0xc7: {  	_ =	swait.ge [sflag:s28], $0x4000  }
0xc8: {  	[sflag:s28] =	ssyncset.done $0x0  }
0xc9: {  	s18 =	rddreg [dreg:$0x17];
	[sflag:s28] =	ssyncadd.s32 $0xFFFFC000  }
0xca: {  	[spmem:s3] =	stream.indirect.scatter.add.f32 [tilespmem:s22], [sflag:$0x3], $0x80, s18, s25, $0xb8;
	[tilespmem:$0x1CC00] =	vst v63  }
0xcb: {  	_ =	swait.ge [sflag:s29], $0x4000  }
0xcc: {  	[sflag:s29] =	ssyncset.done $0x0  }
0xcd: {  	s12 =	rddreg [dreg:$0x18];
	[sflag:s29] =	ssyncadd.s32 $0xFFFFC000  }
0xce: {  	[tilespmem:s22], [sflag:$0x1] =	stream.indirect.gather [hbm4b:s0+s25], $0x80, s12, s25, $0xb8;
	[tilespmem:$0x1CC00] =	vst v63  }
0xcf: {  	_ =	swait.ge [sflag:s30], $0x4000  }
0xd0: {  	[sflag:s30] =	ssyncset.done $0x0  }
0xd1: {  	s13 =	rddreg [dreg:$0x19];
	[sflag:s30] =	ssyncadd.s32 $0xFFFFC000  }
0xd2: {  	[spmem:s3] =	stream.indirect.scatter.add.f32 [tilespmem:s26], [sflag:$0x4], $0x80, s13, s25, $0xb8;
	[tilespmem:$0x1CC00] =	vst v63  }
0xd3: {  	_ =	swait.ge [sflag:s31], $0x4000  }
0xd4: {  	[sflag:s31] =	ssyncset.done $0x0  }
0xd5: {  	s14 =	rddreg [dreg:$0x1a];
	[sflag:s31] =	ssyncadd.s32 $0xFFFFC000  }
0xd6: {  	[tilespmem:s26], [sflag:$0x2] =	stream.indirect.gather [hbm4b:s0+s25], $0x80, s14, s25, $0xb8;
	[tilespmem:$0x1CC00] =	vst v63  }
0xd7: {  	_ =	swait.ge [sflag:s28], $0x4000  }
0xd8: {  	[sflag:s28] =	ssyncset.done $0x0  }
0xd9: {  	s15 =	rddreg [dreg:$0x1b];
	[sflag:s28] =	ssyncadd.s32 $0xFFFFC000  }
0xda: {  	[spmem:s3] =	stream.indirect.scatter.add.f32 [tilespmem:s22], [sflag:$0x3], $0x80, s15, s25, $0xb8;
	[tilespmem:$0x1CC00] =	vst v63  }
0xdb: {  	_ =	swait.ge [sflag:s29], $0x4000  }
0xdc: {  	[sflag:s29] =	ssyncset.done $0x0  }
0xdd: {  	s16 =	rddreg [dreg:$0x1c];
	[sflag:s29] =	ssyncadd.s32 $0xFFFFC000  }
0xde: {  	[tilespmem:s22], [sflag:$0x1] =	stream.indirect.gather [hbm4b:s0+s25], $0x80, s16, s25, $0xb8;
	[tilespmem:$0x1CC00] =	vst v63  }
0xdf: {  	_ =	swait.ge [sflag:s30], $0x4000  }
0xe0: {  	[sflag:s30] =	ssyncset.done $0x0  }
0xe1: {  	s17 =	rddreg [dreg:$0x1d];
	[sflag:s30] =	ssyncadd.s32 $0xFFFFC000  }
0xe2: {  	[spmem:s3] =	stream.indirect.scatter.add.f32 [tilespmem:s26], [sflag:$0x4], $0x80, s17, s25, $0xb8;
	[tilespmem:$0x1CC00] =	vst v63  }
0xe3: {  	_ =	swait.ge [sflag:s31], $0x4000  }
0xe4: {  	[sflag:s31] =	ssyncset.done $0x0  }
0xe5: {  	s18 =	rddreg [dreg:$0x1e];
	[sflag:s31] =	ssyncadd.s32 $0xFFFFC000  }
0xe6: {  	[tilespmem:s26], [sflag:$0x2] =	stream.indirect.gather [hbm4b:s0+s25], $0x80, s18, s25, $0xb8;
	[tilespmem:$0x1CC00] =	vst v63  }
0xe7: {  	_ =	swait.ge [sflag:s28], $0x4000  }
0xe8: {  	[sflag:s28] =	ssyncset.done $0x0  }
0xe9: {  	[sflag:s28] =	ssyncadd.s32 $0xFFFFC000  }
0xea: {  	[spmem:s3] =	stream.indirect.scatter.add.f32 [tilespmem:s22], [sflag:$0x3], $0x80, s2, s25, $0xb8;
	[tilespmem:$0x1CC00] =	vst v63  }
0xeb: {  	_ =	swait.ge [sflag:s30], $0x4000  }
0xec: {  	[sflag:s30] =	ssyncset.done $0x0  }
0xed: {  	[sflag:s30] =	ssyncadd.s32 $0xFFFFC000  }
0xee: {  	[spmem:s3] =	stream.indirect.scatter.add.f32 [tilespmem:s26], [sflag:$0x4], $0x80, s7, s25, $0xb8;
	[tilespmem:$0x1CC00] =	vst v63  }
0xef: {  	_ =	swait.ge [sflag:s29], $0x4000  }
0xf0: {  	[sflag:s29] =	ssyncset.done $0x0  }
0xf1: {  	[sflag:s29] =	ssyncadd.s32 $0xFFFFC000  }
0xf2: {  	s9 =	simm.s32 $0x100;
	s18 =	smov.u32 s10;
	_ =	swait.ge [sflag:s31], $0x4000  }
.LBB2_4:
0xf3: {  	[sflag:s31] =	ssyncset.done $0x0  }
0xf4: {  	[sflag:s31] =	ssyncadd.s32 $0xFFFFC000  }
0xf5: {  	_ =	swait.ge [sflag:s24], $0x400  }
0xf6: {  	s12 =	smov.u32 s9;
	[sflag:s24] =	ssyncset.done $0x0  }
0xf7: {  	p1 =	seq.s32 s12, $0x0;
	[sflag:s24] =	ssyncadd.s32 $0xFFFFFC00  }
0xf8: {  	s15 =	simm.s32 @!p1 $0x0;
	_ =	swait.ge [sflag:s24], $0x400  }
0xf9: {  	s16 =	simm.s32 @!p1 $0x800;
	s13 =	rddreg [dreg:$0x5];
	[sflag:s24] =	ssyncset.done $0x0  }
0xfa: {  	s14 =	rddreg [dreg:$0x4];
	[sflag:s24] =	ssyncadd.s32 $0xFFFFFC00;
	s13 =	sadd.s32 @!p1 s12, s13  }
0xfb: {  	[tilespmem:s16], [sflag:$0x6] =	stream.linear.gather @!p1 [hbm4b:s13+s15], $0x400, $0x38;
	[tilespmem:$0x1CC00] =	vst v63  }
0xfc: {  	s17 =	simm.s32 @!p1 $0xC00;
	s13 =	sadd.s32 @!p1 s12, s14  }
0xfd: {  	[tilespmem:s17], [sflag:$0x6] =	stream.linear.gather @!p1 [hbm4b:s13+s15], $0x400, $0x38;
	[tilespmem:$0x1CC00] =	vst v63  }
0xfe: {  	_ = 	snop  }
0xff: {  	[tilespmem:s22], [sflag:$0x1] =	stream.indirect.gather [hbm4b:s0+s25], $0x80, s4, s25, $0xb8;
	[tilespmem:$0x1CC00] =	vst v63  }
0x100: {  	_ = 	snop  }
0x101: {  	[tilespmem:s26], [sflag:$0x2] =	stream.indirect.gather [hbm4b:s0+s25], $0x80, s25, s25, $0xb8;
	[tilespmem:$0x1CC00] =	vst v63  }
0x102: {  	_ =	swait.ge [sflag:s28], $0x4000  }
0x103: {  	[sflag:s28] =	ssyncset.done $0x0  }
0x104: {  	[sflag:s28] =	ssyncadd.s32 $0xFFFFC000  }
0x105: {  	[spmem:s3] =	stream.indirect.scatter.add.f32 [tilespmem:s22], [sflag:$0x3], $0x80, s19, s25, $0xb8;
	[tilespmem:$0x1CC00] =	vst v63  }
0x106: {  	_ =	swait.ge [sflag:s29], $0x4000  }
0x107: {  	[sflag:s29] =	ssyncset.done $0x0  }
0x108: {  	s14 =	rddreg [dreg:$0x6];
	[sflag:s29] =	ssyncadd.s32 $0xFFFFC000  }
0x109: {  	[tilespmem:s22], [sflag:$0x1] =	stream.indirect.gather [hbm4b:s0+s25], $0x80, s14, s25, $0xb8;
	[tilespmem:$0x1CC00] =	vst v63  }
0x10a: {  	_ =	swait.ge [sflag:s30], $0x4000  }
0x10b: {  	[sflag:s30] =	ssyncset.done $0x0  }
0x10c: {  	s15 =	rddreg [dreg:$0x7];
	[sflag:s30] =	ssyncadd.s32 $0xFFFFC000  }
0x10d: {  	[spmem:s3] =	stream.indirect.scatter.add.f32 [tilespmem:s26], [sflag:$0x4], $0x80, s15, s25, $0xb8;
	[tilespmem:$0x1CC00] =	vst v63  }
0x10e: {  	_ =	swait.ge [sflag:s31], $0x4000  }
0x10f: {  	[sflag:s31] =	ssyncset.done $0x0  }
0x110: {  	s16 =	rddreg [dreg:$0x8];
	[sflag:s31] =	ssyncadd.s32 $0xFFFFC000  }
0x111: {  	[tilespmem:s26], [sflag:$0x2] =	stream.indirect.gather [hbm4b:s0+s25], $0x80, s16, s25, $0xb8;
	[tilespmem:$0x1CC00] =	vst v63  }
0x112: {  	_ =	swait.ge [sflag:s28], $0x4000  }
0x113: {  	[sflag:s28] =	ssyncset.done $0x0  }
0x114: {  	s17 =	rddreg [dreg:$0x9];
	[sflag:s28] =	ssyncadd.s32 $0xFFFFC000  }
0x115: {  	[spmem:s3] =	stream.indirect.scatter.add.f32 [tilespmem:s22], [sflag:$0x3], $0x80, s17, s25, $0xb8;
	[tilespmem:$0x1CC00] =	vst v63  }
0x116: {  	_ =	swait.ge [sflag:s29], $0x4000  }
0x117: {  	[sflag:s29] =	ssyncset.done $0x0  }
0x118: {  	s14 =	rddreg [dreg:$0xa];
	[sflag:s29] =	ssyncadd.s32 $0xFFFFC000  }
0x119: {  	[tilespmem:s22], [sflag:$0x1] =	stream.indirect.gather [hbm4b:s0+s25], $0x80, s14, s25, $0xb8;
	[tilespmem:$0x1CC00] =	vst v63  }
0x11a: {  	_ =	swait.ge [sflag:s30], $0x4000  }
0x11b: {  	[sflag:s30] =	ssyncset.done $0x0  }
0x11c: {  	s15 =	rddreg [dreg:$0xb];
	[sflag:s30] =	ssyncadd.s32 $0xFFFFC000  }
0x11d: {  	[spmem:s3] =	stream.indirect.scatter.add.f32 [tilespmem:s26], [sflag:$0x4], $0x80, s15, s25, $0xb8;
	[tilespmem:$0x1CC00] =	vst v63  }
0x11e: {  	_ =	swait.ge [sflag:s31], $0x4000  }
0x11f: {  	[sflag:s31] =	ssyncset.done $0x0  }
0x120: {  	s16 =	rddreg [dreg:$0xc];
	[sflag:s31] =	ssyncadd.s32 $0xFFFFC000  }
0x121: {  	[tilespmem:s26], [sflag:$0x2] =	stream.indirect.gather [hbm4b:s0+s25], $0x80, s16, s25, $0xb8;
	[tilespmem:$0x1CC00] =	vst v63  }
0x122: {  	_ =	swait.ge [sflag:s28], $0x4000  }
0x123: {  	[sflag:s28] =	ssyncset.done $0x0  }
0x124: {  	s17 =	rddreg [dreg:$0xd];
	[sflag:s28] =	ssyncadd.s32 $0xFFFFC000  }
0x125: {  	[spmem:s3] =	stream.indirect.scatter.add.f32 [tilespmem:s22], [sflag:$0x3], $0x80, s17, s25, $0xb8;
	[tilespmem:$0x1CC00] =	vst v63  }
0x126: {  	_ =	swait.ge [sflag:s29], $0x4000  }
0x127: {  	[sflag:s29] =	ssyncset.done $0x0  }
0x128: {  	s14 =	rddreg [dreg:$0xe];
	[sflag:s29] =	ssyncadd.s32 $0xFFFFC000  }
0x129: {  	[tilespmem:s22], [sflag:$0x1] =	stream.indirect.gather [hbm4b:s0+s25], $0x80, s14, s25, $0xb8;
	[tilespmem:$0x1CC00] =	vst v63  }
0x12a: {  	_ =	swait.ge [sflag:s30], $0x4000  }
0x12b: {  	[sflag:s30] =	ssyncset.done $0x0  }
0x12c: {  	s15 =	rddreg [dreg:$0xf];
	[sflag:s30] =	ssyncadd.s32 $0xFFFFC000  }
0x12d: {  	[spmem:s3] =	stream.indirect.scatter.add.f32 [tilespmem:s26], [sflag:$0x4], $0x80, s15, s25, $0xb8;
	[tilespmem:$0x1CC00] =	vst v63  }
0x12e: {  	_ =	swait.ge [sflag:s31], $0x4000  }
0x12f: {  	[sflag:s31] =	ssyncset.done $0x0  }
0x130: {  	s16 =	rddreg [dreg:$0x10];
	[sflag:s31] =	ssyncadd.s32 $0xFFFFC000  }
0x131: {  	[tilespmem:s26], [sflag:$0x2] =	stream.indirect.gather [hbm4b:s0+s25], $0x80, s16, s25, $0xb8;
	[tilespmem:$0x1CC00] =	vst v63  }
0x132: {  	_ =	swait.ge [sflag:s28], $0x4000  }
0x133: {  	[sflag:s28] =	ssyncset.done $0x0  }
0x134: {  	s17 =	rddreg [dreg:$0x11];
	[sflag:s28] =	ssyncadd.s32 $0xFFFFC000  }
0x135: {  	[spmem:s3] =	stream.indirect.scatter.add.f32 [tilespmem:s22], [sflag:$0x3], $0x80, s17, s25, $0xb8;
	[tilespmem:$0x1CC00] =	vst v63  }
0x136: {  	_ =	swait.ge [sflag:s1], $0x400  }
0x137: {  	[sflag:s1] =	ssyncset.done $0x0  }
0x138: {  	[sflag:s1] =	ssyncadd.s32 $0xFFFFFC00  }
0x139: {  	_ =	swait.ge [sflag:s1], $0x400  }
0x13a: {  	[sflag:s1] =	ssyncset.done $0x0  }
0x13b: {  	[sflag:s1] =	ssyncadd.s32 $0xFFFFFC00  }
0x13c: {  	_ =	swait.ge [sflag:s29], $0x4000  }
0x13d: {  	[sflag:s29] =	ssyncset.done $0x0  }
0x13e: {  	[sflag:s29] =	ssyncadd.s32 $0xFFFFC000  }
0x13f: {  	[tilespmem:s22], [sflag:$0x1] =	stream.indirect.gather [hbm4b:s0+s25], $0x80, s20, s25, $0xb8;
	[tilespmem:$0x1CC00] =	vst v63  }
0x140: {  	_ =	swait.ge [sflag:s30], $0x4000  }
0x141: {  	[sflag:s30] =	ssyncset.done $0x0  }
0x142: {  	s14 =	rddreg [dreg:$0x12];
	[sflag:s30] =	ssyncadd.s32 $0xFFFFC000  }
0x143: {  	[spmem:s3] =	stream.indirect.scatter.add.f32 [tilespmem:s26], [sflag:$0x4], $0x80, s14, s25, $0xb8;
	[tilespmem:$0x1CC00] =	vst v63  }
0x144: {  	_ =	swait.ge [sflag:s31], $0x4000  }
0x145: {  	[sflag:s31] =	ssyncset.done $0x0  }
0x146: {  	s15 =	rddreg [dreg:$0x13];
	[sflag:s31] =	ssyncadd.s32 $0xFFFFC000  }
0x147: {  	[tilespmem:s26], [sflag:$0x2] =	stream.indirect.gather [hbm4b:s0+s25], $0x80, s15, s25, $0xb8;
	[tilespmem:$0x1CC00] =	vst v63  }
0x148: {  	_ =	swait.ge [sflag:s28], $0x4000  }
0x149: {  	[sflag:s28] =	ssyncset.done $0x0  }
0x14a: {  	[sflag:s28] =	ssyncadd.s32 $0xFFFFC000  }
0x14b: {  	[spmem:s3] =	stream.indirect.scatter.add.f32 [tilespmem:s22], [sflag:$0x3], $0x80, s21, s25, $0xb8;
	[tilespmem:$0x1CC00] =	vst v63  }
0x14c: {  	_ =	swait.ge [sflag:s29], $0x4000  }
0x14d: {  	[sflag:s29] =	ssyncset.done $0x0  }
0x14e: {  	s16 =	rddreg [dreg:$0x14];
	[sflag:s29] =	ssyncadd.s32 $0xFFFFC000  }
0x14f: {  	[tilespmem:s22], [sflag:$0x1] =	stream.indirect.gather [hbm4b:s0+s25], $0x80, s16, s25, $0xb8;
	[tilespmem:$0x1CC00] =	vst v63  }
0x150: {  	_ =	swait.ge [sflag:s30], $0x4000  }
0x151: {  	s18 =	sadd.s32 $0x800, s18;
	p1 =	seq.s32 s12, $0x400;
	[sflag:s30] =	ssyncset.done $0x0  }
0x152: {  	s12 =	sshrl.u32 @!p1 s18, $0x3;
	s17 =	rddreg [dreg:$0x15];
	[sflag:s30] =	ssyncadd.s32 $0xFFFFC000  }
0x153: {  	[spmem:s3] =	stream.indirect.scatter.add.f32 [tilespmem:s26], [sflag:$0x4], $0x80, s17, s25, $0xb8;
	[tilespmem:$0x1CC00] =	vst v63  }
0x154: {  	s13 =	sadd.s32 @!p1 s5, s12;
	s14 =	simm.s32 @!p1 $0x0  }
0x155: {  	[tilespmem:s14], [sflag:$0x5] =	stream.linear.gather @!p1 [hbm4b:s13+s14], $0x400, $0x38;
	[tilespmem:$0x1CC00] =	vst v63  }
0x156: {  	s12 =	sadd.s32 @!p1 s6, s12;
	s15 =	simm.s32 @!p1 $0x400  }
0x157: {  	[tilespmem:s15], [sflag:$0x5] =	stream.linear.gather @!p1 [hbm4b:s12+s14], $0x400, $0x38;
	[tilespmem:$0x1CC00] =	vst v63  }
0x158: {  	_ =	swait.ge [sflag:s31], $0x4000  }
0x159: {  	[sflag:s31] =	ssyncset.done $0x0  }
0x15a: {  	s14 =	rddreg [dreg:$0x16];
	[sflag:s31] =	ssyncadd.s32 $0xFFFFC000  }
0x15b: {  	[tilespmem:s26], [sflag:$0x2] =	stream.indirect.gather [hbm4b:s0+s25], $0x80, s14, s25, $0xb8;
	[tilespmem:$0x1CC00] =	vst v63  }
0x15c: {  	_ =	swait.ge [sflag:s28], $0x4000  }
0x15d: {  	[sflag:s28] =	ssyncset.done $0x0  }
0x15e: {  	s15 =	rddreg [dreg:$0x17];
	[sflag:s28] =	ssyncadd.s32 $0xFFFFC000  }
0x15f: {  	[spmem:s3] =	stream.indirect.scatter.add.f32 [tilespmem:s22], [sflag:$0x3], $0x80, s15, s25, $0xb8;
	[tilespmem:$0x1CC00] =	vst v63  }
0x160: {  	_ =	swait.ge [sflag:s29], $0x4000  }
0x161: {  	[sflag:s29] =	ssyncset.done $0x0  }
0x162: {  	s16 =	rddreg [dreg:$0x18];
	[sflag:s29] =	ssyncadd.s32 $0xFFFFC000  }
0x163: {  	[tilespmem:s22], [sflag:$0x1] =	stream.indirect.gather [hbm4b:s0+s25], $0x80, s16, s25, $0xb8;
	[tilespmem:$0x1CC00] =	vst v63  }
0x164: {  	_ =	swait.ge [sflag:s30], $0x4000  }
0x165: {  	[sflag:s30] =	ssyncset.done $0x0  }
0x166: {  	s17 =	rddreg [dreg:$0x19];
	[sflag:s30] =	ssyncadd.s32 $0xFFFFC000  }
0x167: {  	[spmem:s3] =	stream.indirect.scatter.add.f32 [tilespmem:s26], [sflag:$0x4], $0x80, s17, s25, $0xb8;
	[tilespmem:$0x1CC00] =	vst v63  }
0x168: {  	_ =	swait.ge [sflag:s31], $0x4000  }
0x169: {  	[sflag:s31] =	ssyncset.done $0x0  }
0x16a: {  	s13 =	rddreg [dreg:$0x1a];
	[sflag:s31] =	ssyncadd.s32 $0xFFFFC000  }
0x16b: {  	[tilespmem:s26], [sflag:$0x2] =	stream.indirect.gather [hbm4b:s0+s25], $0x80, s13, s25, $0xb8;
	[tilespmem:$0x1CC00] =	vst v63  }
0x16c: {  	_ =	swait.ge [sflag:s28], $0x4000  }
0x16d: {  	[sflag:s28] =	ssyncset.done $0x0  }
0x16e: {  	s14 =	rddreg [dreg:$0x1b];
	[sflag:s28] =	ssyncadd.s32 $0xFFFFC000  }
0x16f: {  	[spmem:s3] =	stream.indirect.scatter.add.f32 [tilespmem:s22], [sflag:$0x3], $0x80, s14, s25, $0xb8;
	[tilespmem:$0x1CC00] =	vst v63  }
0x170: {  	_ =	swait.ge [sflag:s29], $0x4000  }
0x171: {  	[sflag:s29] =	ssyncset.done $0x0  }
0x172: {  	s15 =	rddreg [dreg:$0x1c];
	[sflag:s29] =	ssyncadd.s32 $0xFFFFC000  }
0x173: {  	[tilespmem:s22], [sflag:$0x1] =	stream.indirect.gather [hbm4b:s0+s25], $0x80, s15, s25, $0xb8;
	[tilespmem:$0x1CC00] =	vst v63  }
0x174: {  	_ =	swait.ge [sflag:s30], $0x4000  }
0x175: {  	[sflag:s30] =	ssyncset.done $0x0  }
0x176: {  	s16 =	rddreg [dreg:$0x1d];
	[sflag:s30] =	ssyncadd.s32 $0xFFFFC000  }
0x177: {  	[spmem:s3] =	stream.indirect.scatter.add.f32 [tilespmem:s26], [sflag:$0x4], $0x80, s16, s25, $0xb8;
	[tilespmem:$0x1CC00] =	vst v63  }
0x178: {  	_ =	swait.ge [sflag:s31], $0x4000  }
0x179: {  	[sflag:s31] =	ssyncset.done $0x0  }
0x17a: {  	s17 =	rddreg [dreg:$0x1e];
	[sflag:s31] =	ssyncadd.s32 $0xFFFFC000  }
0x17b: {  	[tilespmem:s26], [sflag:$0x2] =	stream.indirect.gather [hbm4b:s0+s25], $0x80, s17, s25, $0xb8;
	[tilespmem:$0x1CC00] =	vst v63  }
0x17c: {  	_ =	swait.ge [sflag:s28], $0x4000  }
0x17d: {  	[sflag:s28] =	ssyncset.done $0x0  }
0x17e: {  	[sflag:s28] =	ssyncadd.s32 $0xFFFFC000  }
0x17f: {  	[spmem:s3] =	stream.indirect.scatter.add.f32 [tilespmem:s22], [sflag:$0x3], $0x80, s2, s25, $0xb8;
	[tilespmem:$0x1CC00] =	vst v63  }
0x180: {  	_ =	swait.ge [sflag:s30], $0x4000  }
0x181: {  	s9 =	sadd.s32 $0x100, s9;
	[sflag:s30] =	ssyncset.done $0x0  }
0x182: {  	p0 =	sne.s32 s9, $0x500;
	[sflag:s30] =	ssyncadd.s32 $0xFFFFC000  }
0x183: {  	[spmem:s3] =	stream.indirect.scatter.add.f32 [tilespmem:s26], [sflag:$0x4], $0x80, s7, s25, $0xb8;
	[tilespmem:$0x1CC00] =	vst v63  }
.Ltmp1:
0x184: {  	_ = 	snop;
	(pc) =	sbr.rel @p0 .LBB2_4-.Ltmp1, $4  }
0x185: {  	_ =	swait.ge [sflag:s29], $0x4000  }
0x186: {  	[sflag:s29] =	ssyncset.done $0x0  }
0x187: {  	[sflag:s29] =	ssyncadd.s32 $0xFFFFC000  }
0x188: {  	_ =	swait.ge [sflag:s31], $0x4000  }
0x189: {  	[sflag:s31] =	ssyncset.done $0x0  }
0x18a: {  	[sflag:s31] =	ssyncadd.s32 $0xFFFFC000  }
0x18b: {  	[bflag:$0x0] =	sbarrier.arrive $0xFFFF  }
0x18c: {  	s9 =	stileid.u32;
	s13 =	sld [smem:$0x7FC]  }
0x18d: {  	s9 =	sshll.u32 s9, $0x6  }
0x18e: {  	s12 =	sshrl.u32 s11, $0x3;
	s9 =	sor.u32 $0x1C07, s9  }
0x18f: {  	[hbm:s13], [sflag:s9] =	dma.local [spmem:s12], $0x2780  }
0x190: {  	_ =	swait.ge [sflag:s23], $0x2780  }
0x191: {  	s18 =	sld [smem:$0x7FD];
	_ =	sdelay $0x1  }
0x192: {  	s8 =	sadd.s32 $0x1, s8  }
0x193: {  	p0 =	sne.s32 s8, s18  }
.Ltmp2:
0x194: {  	_ = 	snop;
	(pc) =	sbr.rel @p0 .LBB2_1-.Ltmp2, $3  }
0x195: {  	_ =	sdelay $0x1  }
0x196: {  	[sflag:s23] =	ssyncset.done $0x0  }
0x197: {  	[sflag:s23] =	ssyncadd.s32 $0xFFFFD880  }
0x198: {  	_ =	sfence.sel $0x180000  }
0x199: {  	[bflag:$0x0] =	sbarrier.arrive $0xFFFF  }
0x19a: {  	_ =	strace $0x9000004D  }
0x19b: {  	s0 =	stileid.u32;
	[bflag:$0x2] =	sbarrier.arrive $0xFFFF  }
0x19c: {  	p0 =	sne.s32 s0, $0x0;
	s0 =	rddreg [dreg:$0x3]  }
0x19d: {  	s0 =	sadd.s32 @!p0 $0x100000, s0  }
0x19e: {  	[sflag:s0] =	ssyncadd.tile.s32 @!p0 $0x1;
	_ =	shalt  }
.Lfunc_end2:
_tile_overlayer_lowered:
.L_overlay_start_2:
0x19f: {  	(tag) =	ssettag $0x2  }
0x1a0: {  	s0 =	rddreg [dreg:$0x0];
	s2 =	stileid.u32  }
0x1a1: {  	s1 =	rddreg [dreg:$0x1];
	p0 =	sne.s32 s2, $0x0  }
0x1a2: {  	s3 =	rddreg [dreg:$0x2];
	[bflag:$0x3] =	sbarrier.arrive $0xFFFF;
	s2 =	simm.s32 @!p0 $0x1C07  }
0x1a3: {  	[timem:s3], [sflag:s2] =	dma.local @!p0 [hbm:s0], s1  }
0x1a4: {  	s0 =	simm.s32 @!p0 $0x7  }
0x1a5: {  	_ =	swait.ge @!p0 [sflag:s0], s1  }
0x1a6: {  	s1 =	ssub.s32 @!p0 $0x0, s1;
	[sflag:s0] =	ssyncset.done @!p0 $0x0  }
0x1a7: {  	[sflag:s0] =	ssyncadd.s32 @!p0 s1  }
0x1a8: {  	[bflag:$0x3] =	sbarrier.arrive $0xFFFF  }
0x1a9: {  	_ =	shalt  }

// kernel: kernel.8.cloned.1.call-start
scs
__scs_entry_jumppad:
0x0: {  	(pc) =	sbr.rel $0x88, $3  }
0x1: {  	(tag) =	ssettag $0x0;
	lr =	simm.s32 $0x1  }
0x2: {  	[smem:$0x3F99] =	sst lr;
	_ =	strace $0xD0000000  }
0x3: {  	_ = 	snop  }
0x4: {  	_ = 	snop  }
0x5: {  	_ = 	snop  }
0x6: {  	_ = 	snop  }
0x7: {  	_ = 	snop  }
__scs_overlays_trampoline_lowered:
0x8: {  	[smem:$0x3FA8] =	sst s0  }
0x9: {  	[smem:$0x3FA9] =	sst s1  }
0xa: {  	[smem:$0x3FAA] =	sst s2  }
0xb: {  	[smem:$0x3FAB] =	sst s3  }
0xc: {  	[smem:$0x3FAC] =	sst s4  }
0xd: {  	[smem:$0x3FAD] =	sst s5  }
0xe: {  	[smem:$0x3FAE] =	sst s6  }
0xf: {  	[smem:$0x3FAF] =	sst s7  }
0x10: {  	[smem:$0x3FB0] =	sst s8  }
0x11: {  	[smem:$0x3FB1] =	sst s9;
	s0 =	simm.s32 @!p0 $0x0  }
0x12: {  	s1 =	sld [smem:$0x3F97];
	s0 =	simm.s32 @p0 $0x1  }
0x13: {  	[smem:$0x3FB2] =	sst s0;
	s0 =	simm.s32 @!p1 $0x0  }
0x14: {  	s2 =	sld [smem:$0x3F96];
	s0 =	simm.s32 @p1 $0x1  }
0x15: {  	[smem:$0x3FB3] =	sst s0;
	s0 =	simm.s32 @!p2 $0x0  }
0x16: {  	s3 =	sld [smem:$0x3FDB];
	s0 =	simm.s32 @p2 $0x1  }
0x17: {  	s4 =	simm.s32 $0x1BF5;
	[smem:$0x3FB5] =	sst s0  }
0x18: {  	s0 =	sld [smem:$0x3F98];
	_ =	swait.ge [sflag:s4], $0x0  }
0x19: {  	s7 =	sld [smem:$0x3F99]  }
0x1a: {  	s8 =	sadd.s32 $0xFFFFE003, lr  }
0x1b: {  	s9 =	sadd.s32 $0xFFFFFEF7, lr;
	s5 =	simm.s32 $0xFFFFFFFF;
	p2 =	slt.u32 s8, $0xFFFFF086  }
0x1c: {  	p1 =	slt.u32 s9, $0xF7A;
	s5 =	simm.s32 @!p2 $0x0  }
0x1d: {  	s5 =	simm.s32 @p1 $0x1;
	p0 =	seq.s32 s7, s2  }
0x1e: {  	s7 =	smul.u32 @!p0 $0xF7A, s2;
	p2 =	seq.s32 @!p0 s5, $0x0  }
0x1f: {  	s9 =	smul.u32 $0xF7A, s1;
	s8 =	simm.s32 @!p0 $0x1BF5;
	p2 =	por !p2, p0  }
0x20: {  	[sflag:s8] =	ssyncset.s32 @!p0 $0xFFFFF086;
	s6 =	sadd.s32 @!p0 s3, s7;
	s7 =	simm.s32 @!p0 $0x108  }
0x21: {  	s3 =	sadd.s32 s3, s9;
	s6 =	sadd.s32 @!p0 $0x88, s6;
	s7 =	simm.s32 @p2 $0x1082  }
0x22: {  	[simem:s7], [sflag:s8] =	dma.local @!p0 [hbm:s6], $0xF7A  }
0x23: {  	s9 =	sor.u32 $0xD0000000, s2;
	s6 =	simm.s32 $0x108;
	_ =	swait.ge @!p0 [sflag:s8], $0x0  }
0x24: {  	s3 =	sadd.s32 $0x88, s3;
	s6 =	simm.s32 @!p1 $0x1082;
	[sflag:s4] =	ssyncset.s32 $0xFFFFF086  }
0x25: {  	[simem:s6], [sflag:s4] =	dma.local [hbm:s3], $0xF7A  }
0x26: {  	[smem:$0x3F99] =	sst s1;
	(tag) =	ssettag s2;
	_ =	strace s9  }
0x27: {  	s1 =	sld [smem:$0x3FA9]  }
0x28: {  	s2 =	sld [smem:$0x3FAA]  }
0x29: {  	s4 =	sld [smem:$0x3FAC]  }
0x2a: {  	p0 =	seq.s32 s5, $0x0;
	s5 =	sld [smem:$0x3FAD]  }
0x2b: {  	s6 =	sld [smem:$0x3FAE]  }
0x2c: {  	s7 =	sld [smem:$0x3FAF]  }
0x2d: {  	s3 =	simm.s32 $0x108;
	s8 =	sld [smem:$0x3FB0]  }
0x2e: {  	s3 =	simm.s32 @!p0 $0x1082;
	s9 =	sld [smem:$0x3FB1]  }
0x2f: {  	lr =	sadd.s32 s0, s3;
	s0 =	sld [smem:$0x3FA8]  }
0x30: {  	s3 =	sld [smem:$0x3FAB]  }
0x31: {  	[smem:$0x3FB4] =	sst s10  }
0x32: {  	s10 =	sld [smem:$0x3FB2];
	_ =	sdelay $0x3  }
0x33: {  	p0 =	seq.s32 s10, $0x1;
	s10 =	sld [smem:$0x3FB4];
	_ =	sdelay $0x3  }
0x34: {  	[smem:$0x3FB4] =	sst s10  }
0x35: {  	s10 =	sld [smem:$0x3FB3];
	_ =	sdelay $0x3  }
0x36: {  	p1 =	seq.s32 s10, $0x1;
	s10 =	sld [smem:$0x3FB4];
	_ =	sdelay $0x3  }
0x37: {  	[smem:$0x3FB4] =	sst s10  }
0x38: {  	s10 =	sld [smem:$0x3FB5]  }
0x39: {  	_ = 	snop;
	(pc) =	sbr.ind lr, $3  }
0x3a: {  	_ = 	snop  }
0x3b: {  	_ = 	snop  }
0x3c: {  	p2 =	seq.s32 s10, $0x1;
	s10 =	sld [smem:$0x3FB4]  }
0x3d: {  	_ =	shalt  }
0x3e: {  	_ =	shalt  }
0x3f: {  	_ =	shalt  }
0x40: {  	_ =	shalt  }
0x41: {  	_ =	shalt  }
0x42: {  	_ =	shalt  }
0x43: {  	_ =	shalt  }
0x44: {  	_ =	shalt  }
0x45: {  	_ =	shalt  }
0x46: {  	_ =	shalt  }
0x47: {  	_ =	shalt  }
0x48: {  	_ =	shalt  }
0x49: {  	_ =	shalt  }
0x4a: {  	_ =	shalt  }
0x4b: {  	_ =	shalt  }
0x4c: {  	_ =	shalt  }
0x4d: {  	_ =	shalt  }
0x4e: {  	_ =	shalt  }
0x4f: {  	_ =	shalt  }
0x50: {  	_ =	shalt  }
0x51: {  	_ =	shalt  }
0x52: {  	_ =	shalt  }
0x53: {  	_ =	shalt  }
0x54: {  	_ =	shalt  }
0x55: {  	_ =	shalt  }
0x56: {  	_ =	shalt  }
0x57: {  	_ =	shalt  }
0x58: {  	_ =	shalt  }
0x59: {  	_ =	shalt  }
0x5a: {  	_ =	shalt  }
0x5b: {  	_ =	shalt  }
0x5c: {  	_ =	shalt  }
0x5d: {  	_ =	shalt  }
0x5e: {  	_ =	shalt  }
0x5f: {  	_ =	shalt  }
0x60: {  	_ =	shalt  }
0x61: {  	_ =	shalt  }
0x62: {  	_ =	shalt  }
0x63: {  	_ =	shalt  }
0x64: {  	_ =	shalt  }
0x65: {  	_ =	shalt  }
0x66: {  	_ =	shalt  }
0x67: {  	_ =	shalt  }
0x68: {  	_ =	shalt  }
0x69: {  	_ =	shalt  }
0x6a: {  	_ =	shalt  }
0x6b: {  	_ =	shalt  }
0x6c: {  	_ =	shalt  }
0x6d: {  	_ =	shalt  }
0x6e: {  	_ =	shalt  }
0x6f: {  	_ =	shalt  }
0x70: {  	_ =	shalt  }
0x71: {  	_ =	shalt  }
0x72: {  	_ =	shalt  }
0x73: {  	_ =	shalt  }
0x74: {  	_ =	shalt  }
0x75: {  	_ =	shalt  }
0x76: {  	_ =	shalt  }
0x77: {  	_ =	shalt  }
0x78: {  	_ =	shalt  }
0x79: {  	_ =	shalt  }
0x7a: {  	_ =	shalt  }
0x7b: {  	_ =	shalt  }
0x7c: {  	_ =	shalt  }
0x7d: {  	_ =	shalt  }
0x7e: {  	_ =	shalt  }
0x7f: {  	_ =	shalt  }
0x80: {  	_ =	shalt  }
0x81: {  	_ =	shalt  }
0x82: {  	_ =	shalt  }
0x83: {  	_ =	shalt  }
0x84: {  	_ =	shalt  }
0x85: {  	_ =	shalt  }
0x86: {  	_ =	shalt  }
0x87: {  	_ =	shalt  }
.Lfunc_end0:
.L_simem_size_0:
called_computation_lowered:
.L_overlay_start_0:
0x88: {  	s2 =	sld [smem:$0x3FD9]  }
0x89: {  	s3 =	sld [smem:$0x3FFE];
	_ =	sdelay $0x1  }
0x8a: {  	s1 =	srdreg.scid  }
0x8b: {  	s0 =	sand.u32 $0x1, s1  }
0x8c: {  	s17 =	sshll.u32 s0, $0xA;
	s2 =	sadd.s32 s3, s2  }
0x8d: {  	s2 =	sadd.s32 s2, s17  }
0x8e: {  	[smem:$0x3FC0] =	sst s2  }
0x8f: {  	_ = 	snop  }
0x90: {  	(tm) =	ssettm $0x1  }
0x91: {  	s18 =	sld [smem:$0x3FFB];
	_ =	sdelay $0x3  }
0x92: {  	_ =	strace s18  }
0x93: {  	s2 =	sld [smem:$0x3FFC];
	_ =	sdelay $0x3  }
0x94: {  	_ =	strace s2  }
0x95: {  	s2 =	sld [smem:$0x3FFD];
	_ =	sdelay $0x3  }
0x96: {  	_ =	strace s2  }
0x97: {  	_ =	strace $0x8FFFFFFF  }
0x98: {  	s19 =	sld [smem:$0x3FDB];
	_ =	sdelay $0x1  }
0x99: {  	s20 =	simm.s32 $_scs_section_size  }
0x9a: {  	s4 =	simm.s32 $_size__tile_overlayer_lowered;
	s5 =	simm.s32 $_tile_overlayer_lowered  }
0x9b: {  	s6 =	simm.s32 $0x1BFF;
	s21 =	sshll.u32 s5, $0x1;
	s3 =	sadd.s32 s20, s19  }
0x9c: {  	s22 =	simm.s32 $0x0;
	s4 =	sshll.u32 s4, $0x1;
	s5 =	sadd.s32 s21, s3  }
0x9d: {  	[timem:s22], [sflag:s6] =	dma.local [hbm:s5], s4  }
0x9e: {  	_ =	swait.ge [sflag:s6], s4  }
0x9f: {  	s4 =	ssub.s32 $0x0, s4;
	[sflag:s6] =	ssyncset.done $0x0  }
0xa0: {  	[sflag:s6] =	ssyncadd.s32 s4;
	_ =	sdelay $0x1  }
0xa1: {  	s23 =	simm.s32 $0x1B8B  }
0xa2: {  	_ =	swait.ge [sflag:s23], $0x1  }
0xa3: {  	[sflag:s23] =	ssyncset.done $0x0  }
0xa4: {  	[sflag:s23] =	ssyncadd.s32 $0xFFFFFFFF  }
0xa5: {  	s4 =	sld [smem:$0x0]  }
0xa6: {  	s5 =	sand.u32 $0xFFFFFFFE, s1  }
0xa7: {  	p0 =	sne.s32 s1, s5  }
0xa8: {  	s5 =	sshll.u32 @p0 s5, $0xE  }
0xa9: {  	s5 =	sadd.s32 @p0 $0x11B8D, s5;
	s6 =	sshll.u32 @p0 s4, $0x11  }
0xaa: {  	s5 =	sor.u32 @p0 s6, s5  }
0xab: {  	[sflag:s5] =	ssyncadd.remote.s32 @p0 $0x1;
	_ =	sdelay $0x1  }
0xac: {  	s5 =	simm.s32 @p0 $0x1B8D  }
0xad: {  	_ =	swait.eq @p0 [sflag:s5], $0x1  }
0xae: {  	[sflag:s5] =	ssyncadd.s32 @p0 $0xFFFFFFFF  }
0xaf: {  	s6 =	sshll.u32 @!p0 s1, $0xE  }
0xb0: {  	s6 =	sor.u32 @!p0 $0x4000, s6;
	s5 =	simm.s32 @!p0 $0x1B8D  }
0xb1: {  	s4 =	sshll.u32 @!p0 s4, $0x11;
	s6 =	sadd.s32 @!p0 $0x11B8D, s6;
	_ =	swait.eq @!p0 [sflag:s5], $0x1  }
0xb2: {  	s4 =	sor.u32 @!p0 s4, s6;
	[sflag:s5] =	ssyncadd.s32 @!p0 $0xFFFFFFFF  }
0xb3: {  	s25 =	simm.s32 $0x1B8E;
	s24 =	sld [smem:$0x3FFE];
	[sflag:s4] =	ssyncadd.remote.s32 @!p0 $0x1  }
0xb4: {  	s26 =	simm.s32 $execute0_lowered;
	[smem:$0x3FD2] =	sst s25  }
0xb5: {  	s5 =	sshll.u32 s26, $0x1;
	_ =	strace $0x80000049;
	[dreg:$0x1] =	wrdreg $0xFFFFFFFF  }
0xb6: {  	s28 =	simm.s32 $_size_execute0_lowered;
	s3 =	sadd.s32 s3, s5;
	[dreg:$0x0] =	wrdreg $0x0  }
0xb7: {  	s5 =	sshll.u32 s28, $0x1;
	[dreg:$0x2] =	wrdreg s3  }
0xb8: {  	[dreg:$0x3] =	wrdreg s5  }
0xb9: {  	[dreg:$0x4] =	wrdreg $0xC0  }
0xba: {  	_ =	task [dreg:s22], $0x5FFFF  }
0xbb: {  	[dreg:$0x1] =	wrdreg $0xFFFFFFFF  }
0xbc: {  	[dreg:$0x0] =	wrdreg $0x60  }
0xbd: {  	[dreg:$0x2] =	wrdreg s24  }
0xbe: {  	[dreg:$0x3] =	wrdreg $0x48000  }
0xbf: {  	[dreg:$0x4] =	wrdreg $0x9  }
0xc0: {  	_ =	task.clear_ibuf [dreg:s22], $0x5FFFF;
	_ =	strace $0x90000049  }
0xc1: {  	s29 =	simm.s32 $0x9;
	_ =	strace $0x8000004B  }
0xc2: {  	_ =	swait.ge [sflag:s29], $0x1  }
0xc3: {  	[sflag:s29] =	ssyncadd.s32 $0xFFFFFFFF  }
0xc4: {  	_ =	strace $0x9000004B  }
0xc5: {  	_ =	sfence  }
0xc6: {  	s30 =	sld [smem:$0x0];
	_ =	sdelay $0x2  }
0xc7: {  	s31 =	sshll.u32 s1, $0xD;
	s1 =	sshrl.u32 s1, $0x2  }
0xc8: {  	s4 =	sand.u32 $0x4000, s31;
	s1 =	sadd.s32 s1, s30  }
0xc9: {  	s0 =	sor.u32 s4, s0;
	s1 =	sshll.u32 s1, $0x11  }
0xca: {  	s0 =	sor.u32 s1, s0  }
0xcb: {  	s0 =	sadd.s32 $0x8F2B, s0  }
0xcc: {  	[sflag:s0] =	ssyncadd.remote.s32 $0x1  }
0xcd: {  	_ =	sfence.sel $0xFFFF  }
0xce: {  	[dreg:$0x0] =	wrdreg $0xFFFFFFFF;
	(pc) =	sbr.abs _section_cstart, $3  }
0xcf: {  	[dreg:$0x1] =	wrdreg $0xFFFFFFFF  }
0xd0: {  	_ =	task.clear_ibuf [dreg:s22], $0x2FFFF;
	_ =	strace $0x9FFFFFFF  }
0xd1: {  	(tm) =	ssettm $0x7FFFFFFF  }
tec
execute0_lowered:
.L_overlay_start_1:
0x0: {  	(tag) =	ssettag $0x1  }
0x1: {  	s0 =	rddreg [dreg:$0x0]  }
0x2: {  	s2 =	rddreg [dreg:$0x1]  }
0x3: {  	s1 =	srdreg.scid;
	s9 =	stileid.u32  }
0x4: {  	s3 =	simm.s32 $0x0;
	s16 =	simm.s32 $0x400;
	s17 =	simm.s32 $0x800  }
0x5: {  	s18 =	simm.s32 $0x3;
	s28 =	simm.s32 $0x2;
	s29 =	simm.s32 $0x480  }
0x6: {  	s30 =	simm.s32 $0x500;
	s31 =	simm.s32 $0x580;
	s5 =	smul.u32 $0x13C00, s9  }
0x7: {  	s1 =	sand.u32 $0x1, s1;
	[smem:$0x7FF] =	sst s3;
	s7 =	smul.u32 $0x4F000, s9  }
0x8: {  	s4 =	smul.u32 $0x13C000, s1;
	s6 =	sshll.u32 s1, $0x4;
	_ =	strace $0x8000004A  }
0x9: {  	s19 =	ssub.s32 $0x2, s1;
	s1 =	smul.u32 $0x28000, s1;
	s6 =	sor.u32 s9, s6  }
0xa: {  	s8 =	sshrl.u32 s19, $0x1;
	s9 =	smul.u32 $0x2800, s9;
	s21 =	sshrl.u32 s7, $0x2  }
0xb: {  	s5 =	sadd.s32 s5, s4;
	s6 =	smul.u32 $0x2800, s6;
	s4 =	sadd.s32 $0xC400, s0  }
0xc: {  	s7 =	sadd.s32 s21, s2;
	s21 =	simm.s32 $0x100;
	s5 =	sshrl.u32 s5, $0x3  }
0xd: {  	s1 =	sadd.s32 s9, s1;
	s23 =	sadd.s32 $0x8000, s7;
	s25 =	sadd.s32 $0xC000, s7  }
0xe: {  	s26 =	sadd.s32 $0x10000, s7;
	s9 =	simm.s32 $0x0;
	[dreg:$0x6] =	wrdreg s23  }
0xf: {  	s0 =	sadd.s32 s5, s0;
	s6 =	sshrl.u32 s6, $0x3;
	[dreg:$0x7] =	wrdreg s25  }
0x10: {  	s5 =	ssub.s32 s19, s8;
	s24 =	sadd.s32 $0xC00, s1;
	[dreg:$0x8] =	wrdreg s26  }
0x11: {  	s10 =	sadd.s32 $0x800, s1;
	s19 =	simm.s32 $0x1;
	s23 =	simm.s32 $0x200  }
0x12: {  	s25 =	simm.s32 $0x300;
	s26 =	simm.s32 $0x380;
	s1 =	simm.s32 $0x680  }
0x13: {  	s8 =	simm.s32 $0x780;
	s20 =	sadd.s32 s4, s6;
	s6 =	sadd.s32 $0x4000, s7  }
.Ltmp0:
0x14: {  	s0 =	sadd.s32 $0x65400, s0;
	[dreg:$0x3] =	wrdreg s20;
	(pc) =	sbr.rel .LBB2_1-.Ltmp0, $4  }
0x15: {  	s13 =	smax.u32 s5, $0x1;
	s22 =	sadd.s32 $0x80, s20;
	[dreg:$0x5] =	wrdreg s6  }
0x16: {  	s6 =	sshrl.u32 s24, $0x3;
	[dreg:$0x9] =	wrdreg s0;
	s20 =	simm.s32 $0x80  }
0x17: {  	s24 =	simm.s32 $0x280;
	s0 =	simm.s32 $0x600;
	[dreg:$0x4] =	wrdreg s22  }
0x18: {  	v0 =	vimm.f32 $0.0e+00;
	v1 =	vimm.f32 $1.000000000e+00;
	s14 =	sadd.s32 s6, s4;
	s22 =	simm.s32 $0x180;
	s6 =	simm.s32 $0x700  }
.LBB2_8:
0x19: {  	s5 =	stileid.u32;
	[bflag:$0x0] =	sbarrier.arrive $0xFFFF;
	s9 =	sadd.s32 $0x1, s9  }
0x1a: {  	s11 =	sshrl.u32 s7, $0x3;
	s5 =	sshll.u32 s5, $0x6;
	p0 =	sne.s32 s9, s13  }
.Ltmp1:
0x1b: {  	s12 =	rddreg [dreg:$0x9];
	s5 =	sor.u32 $0x1C03, s5;
	(pc) =	sbr.rel @!p0 .LBB2_9-.Ltmp1, $4  }
0x1c: {  	[hbm:s12], [sflag:s5] =	dma.local [spmem:s11], $0x2780  }
0x1d: {  	_ =	swait.ge [sflag:s18], $0x2780  }
0x1e: {  	[sflag:s18] =	ssyncset.done $0x0  }
0x1f: {  	[sflag:s18] =	ssyncadd.s32 $0xFFFFD880  }
.LBB2_1:
0x20: {  	s5 =	rddreg [dreg:$0x3]  }
0x21: {  	[tilespmem:s3], [sflag:$0x1] =	stream.linear.gather [hbm4b:s5+s3], $0x400, $0x38;
	[tilespmem:$0x18400] =	vst v63  }
0x22: {  	s15 =	rddreg [dreg:$0x4]  }
0x23: {  	[tilespmem:s16], [sflag:$0x2] =	stream.linear.gather [hbm4b:s15+s3], $0x400, $0x38;
	[tilespmem:$0x18400] =	vst v63  }
0x24: {  	s5 =	simm.s32 $0x0;
	s15 =	simm.s32 $0x200  }
.LBB2_2:
0x25: {  	p0 =	sne.s32 s15, $0xFE00;
	[tilespmem:s5+$0x870] =	vst v0  }
0x26: {  	[tilespmem:s5+$0x800] =	vst v0  }
0x27: {  	[tilespmem:s5+$0x810] =	vst v0  }
.Ltmp2:
0x28: {  	[tilespmem:s5+$0x820] =	vst v0;
	(pc) =	sbr.rel @p0 .LBB2_2-.Ltmp2, $4  }
0x29: {  	[tilespmem:s5+$0x830] =	vst v0  }
0x2a: {  	[tilespmem:s5+$0x840] =	vst v0  }
0x2b: {  	[tilespmem:s5+$0x850] =	vst v0  }
0x2c: {  	[tilespmem:s5+$0x860] =	vst v0;
	s5 =	sshra.s32 s15, $0x2;
	s15 =	sadd.s32 $0x200, s15  }
0x2d: {  	[tilespmem:s5+$0x870] =	vst v0  }
0x2e: {  	[tilespmem:s5+$0x800] =	vst v0  }
0x2f: {  	[tilespmem:s5+$0x810] =	vst v0  }
0x30: {  	[tilespmem:s5+$0x820] =	vst v0  }
0x31: {  	[tilespmem:s5+$0x830] =	vst v0  }
0x32: {  	[tilespmem:s5+$0x840] =	vst v0  }
0x33: {  	[tilespmem:s5+$0x850] =	vst v0  }
0x34: {  	[tilespmem:s5+$0x860] =	vst v0  }
0x35: {  	[spmem:s7] =	stream.linear.scatter [tilespmem:s17], [sflag:$0x3], $0x4000, $0x38;
	[tilespmem:$0x18400] =	vst v63  }
0x36: {  	_ =	swait.ge [sflag:s18], $0x4000  }
0x37: {  	[sflag:s18] =	ssyncset.done $0x0  }
0x38: {  	s15 =	rddreg [dreg:$0x5];
	[sflag:s18] =	ssyncadd.s32 $0xFFFFC000  }
0x39: {  	[spmem:s15] =	stream.linear.scatter [tilespmem:s17], [sflag:$0x3], $0x4000, $0x38;
	[tilespmem:$0x18400] =	vst v63  }
0x3a: {  	_ =	swait.ge [sflag:s18], $0x4000  }
0x3b: {  	[sflag:s18] =	ssyncset.done $0x0  }
0x3c: {  	s11 =	rddreg [dreg:$0x6];
	[sflag:s18] =	ssyncadd.s32 $0xFFFFC000  }
0x3d: {  	[spmem:s11] =	stream.linear.scatter [tilespmem:s17], [sflag:$0x3], $0x4000, $0x38;
	[tilespmem:$0x18400] =	vst v63  }
0x3e: {  	_ =	swait.ge [sflag:s18], $0x4000  }
0x3f: {  	[sflag:s18] =	ssyncset.done $0x0  }
0x40: {  	s12 =	rddreg [dreg:$0x7];
	[sflag:s18] =	ssyncadd.s32 $0xFFFFC000  }
0x41: {  	[spmem:s12] =	stream.linear.scatter [tilespmem:s17], [sflag:$0x3], $0x4000, $0x38;
	[tilespmem:$0x18400] =	vst v63  }
0x42: {  	_ =	swait.ge [sflag:s18], $0x4000  }
0x43: {  	[sflag:s18] =	ssyncset.done $0x0  }
0x44: {  	s15 =	rddreg [dreg:$0x8];
	[sflag:s18] =	ssyncadd.s32 $0xFFFFC000  }
0x45: {  	[spmem:s15] =	stream.linear.scatter [tilespmem:s17], [sflag:$0x3], $0x3C00, $0x38;
	[tilespmem:$0x18400] =	vst v63  }
0x46: {  	_ =	swait.ge [sflag:s18], $0x3C00  }
0x47: {  	[sflag:s18] =	ssyncset.done $0x0  }
0x48: {  	s5 =	simm.s32 $0x0;
	s15 =	simm.s32 $0x200;
	[sflag:s18] =	ssyncadd.s32 $0xFFFFC400  }
.LBB2_4:
0x49: {  	p0 =	sne.s32 s15, $0xFE00;
	[tilespmem:s5+$0x870] =	vst v1  }
0x4a: {  	[tilespmem:s5+$0x800] =	vst v1  }
0x4b: {  	[tilespmem:s5+$0x810] =	vst v1  }
.Ltmp3:
0x4c: {  	[tilespmem:s5+$0x820] =	vst v1;
	(pc) =	sbr.rel @p0 .LBB2_4-.Ltmp3, $4  }
0x4d: {  	[tilespmem:s5+$0x830] =	vst v1  }
0x4e: {  	[tilespmem:s5+$0x840] =	vst v1  }
0x4f: {  	[tilespmem:s5+$0x850] =	vst v1  }
0x50: {  	[tilespmem:s5+$0x860] =	vst v1;
	s5 =	sshra.s32 s15, $0x2;
	s15 =	sadd.s32 $0x200, s15  }
0x51: {  	[tilespmem:s5+$0x870] =	vst v1  }
0x52: {  	[tilespmem:s5+$0x800] =	vst v1  }
0x53: {  	[tilespmem:s5+$0x810] =	vst v1  }
0x54: {  	[tilespmem:s5+$0x820] =	vst v1  }
0x55: {  	[tilespmem:s5+$0x830] =	vst v1  }
0x56: {  	[tilespmem:s5+$0x840] =	vst v1  }
0x57: {  	[tilespmem:s5+$0x850] =	vst v1  }
0x58: {  	[tilespmem:s5+$0x860] =	vst v1  }
0x59: {  	s5 =	simm.s32 $0x0;
	s15 =	smov.u32 s10;
	[bflag:$0x0] =	sbarrier.arrive $0xFFFF  }
.LBB2_6:
0x5a: {  	_ =	swait.ge [sflag:s19], $0x400  }
0x5b: {  	[sflag:s19] =	ssyncset.done $0x0  }
0x5c: {  	[sflag:s19] =	ssyncadd.s32 $0xFFFFFC00  }
0x5d: {  	[spmem:s2] =	stream.indirect.scatter.add.f32 [tilespmem:s17], [sflag:$0x3], $0x80, s3, s20, $0xb8;
	[tilespmem:$0x18400] =	vst v63  }
0x5e: {  	_ =	swait.ge [sflag:s18], $0x4000  }
0x5f: {  	[sflag:s18] =	ssyncset.done $0x0  }
0x60: {  	[sflag:s18] =	ssyncadd.s32 $0xFFFFC000  }
0x61: {  	[spmem:s2] =	stream.indirect.scatter.add.f32 [tilespmem:s17], [sflag:$0x3], $0x80, s20, s20, $0xb8;
	[tilespmem:$0x18400] =	vst v63  }
0x62: {  	_ =	swait.ge [sflag:s18], $0x4000  }
0x63: {  	[sflag:s18] =	ssyncset.done $0x0  }
0x64: {  	[sflag:s18] =	ssyncadd.s32 $0xFFFFC000  }
0x65: {  	[spmem:s2] =	stream.indirect.scatter.add.f32 [tilespmem:s17], [sflag:$0x3], $0x80, s21, s20, $0xb8;
	[tilespmem:$0x18400] =	vst v63  }
0x66: {  	_ =	swait.ge [sflag:s18], $0x4000  }
0x67: {  	[sflag:s18] =	ssyncset.done $0x0  }
0x68: {  	[sflag:s18] =	ssyncadd.s32 $0xFFFFC000  }
0x69: {  	[spmem:s2] =	stream.indirect.scatter.add.f32 [tilespmem:s17], [sflag:$0x3], $0x80, s22, s20, $0xb8;
	[tilespmem:$0x18400] =	vst v63  }
0x6a: {  	_ =	swait.ge [sflag:s18], $0x4000  }
0x6b: {  	[sflag:s18] =	ssyncset.done $0x0  }
0x6c: {  	[sflag:s18] =	ssyncadd.s32 $0xFFFFC000  }
0x6d: {  	[spmem:s2] =	stream.indirect.scatter.add.f32 [tilespmem:s17], [sflag:$0x3], $0x80, s23, s20, $0xb8;
	[tilespmem:$0x18400] =	vst v63  }
0x6e: {  	_ =	swait.ge [sflag:s18], $0x4000  }
0x6f: {  	[sflag:s18] =	ssyncset.done $0x0  }
0x70: {  	[sflag:s18] =	ssyncadd.s32 $0xFFFFC000  }
0x71: {  	[spmem:s2] =	stream.indirect.scatter.add.f32 [tilespmem:s17], [sflag:$0x3], $0x80, s24, s20, $0xb8;
	[tilespmem:$0x18400] =	vst v63  }
0x72: {  	_ =	swait.ge [sflag:s18], $0x4000  }
0x73: {  	[sflag:s18] =	ssyncset.done $0x0  }
0x74: {  	[sflag:s18] =	ssyncadd.s32 $0xFFFFC000  }
0x75: {  	[spmem:s2] =	stream.indirect.scatter.add.f32 [tilespmem:s17], [sflag:$0x3], $0x80, s25, s20, $0xb8;
	[tilespmem:$0x18400] =	vst v63  }
0x76: {  	_ =	swait.ge [sflag:s18], $0x4000  }
0x77: {  	[sflag:s18] =	ssyncset.done $0x0  }
0x78: {  	[sflag:s18] =	ssyncadd.s32 $0xFFFFC000  }
0x79: {  	[spmem:s2] =	stream.indirect.scatter.add.f32 [tilespmem:s17], [sflag:$0x3], $0x80, s26, s20, $0xb8;
	[tilespmem:$0x18400] =	vst v63  }
0x7a: {  	p0 =	seq.s32 s5, $0x400;
	_ =	swait.ge [sflag:s18], $0x4000  }
0x7b: {  	s11 =	sshrl.u32 @!p0 s15, $0x3;
	[sflag:s18] =	ssyncset.done $0x0  }
0x7c: {  	s12 =	simm.s32 @!p0 $0x0;
	s11 =	sadd.s32 @!p0 s4, s11;
	[sflag:s18] =	ssyncadd.s32 $0xFFFFC000  }
0x7d: {  	[tilespmem:s12], [sflag:$0x1] =	stream.linear.gather @!p0 [hbm4b:s11+s12], $0x400, $0x38;
	[tilespmem:$0x18400] =	vst v63  }
0x7e: {  	_ =	swait.ge [sflag:s28], $0x400  }
0x7f: {  	[sflag:s28] =	ssyncset.done $0x0  }
0x80: {  	[sflag:s28] =	ssyncadd.s32 $0xFFFFFC00  }
0x81: {  	[spmem:s2] =	stream.indirect.scatter.add.f32 [tilespmem:s17], [sflag:$0x3], $0x80, s16, s20, $0xb8;
	[tilespmem:$0x18400] =	vst v63  }
0x82: {  	_ =	swait.ge [sflag:s18], $0x4000  }
0x83: {  	[sflag:s18] =	ssyncset.done $0x0  }
0x84: {  	[sflag:s18] =	ssyncadd.s32 $0xFFFFC000  }
0x85: {  	[spmem:s2] =	stream.indirect.scatter.add.f32 [tilespmem:s17], [sflag:$0x3], $0x80, s29, s20, $0xb8;
	[tilespmem:$0x18400] =	vst v63  }
0x86: {  	_ =	swait.ge [sflag:s18], $0x4000  }
0x87: {  	[sflag:s18] =	ssyncset.done $0x0  }
0x88: {  	[sflag:s18] =	ssyncadd.s32 $0xFFFFC000  }
0x89: {  	[spmem:s2] =	stream.indirect.scatter.add.f32 [tilespmem:s17], [sflag:$0x3], $0x80, s30, s20, $0xb8;
	[tilespmem:$0x18400] =	vst v63  }
0x8a: {  	_ =	swait.ge [sflag:s18], $0x4000  }
0x8b: {  	[sflag:s18] =	ssyncset.done $0x0  }
0x8c: {  	[sflag:s18] =	ssyncadd.s32 $0xFFFFC000  }
0x8d: {  	[spmem:s2] =	stream.indirect.scatter.add.f32 [tilespmem:s17], [sflag:$0x3], $0x80, s31, s20, $0xb8;
	[tilespmem:$0x18400] =	vst v63  }
0x8e: {  	_ =	swait.ge [sflag:s18], $0x4000  }
0x8f: {  	[sflag:s18] =	ssyncset.done $0x0  }
0x90: {  	[sflag:s18] =	ssyncadd.s32 $0xFFFFC000  }
0x91: {  	[spmem:s2] =	stream.indirect.scatter.add.f32 [tilespmem:s17], [sflag:$0x3], $0x80, s0, s20, $0xb8;
	[tilespmem:$0x18400] =	vst v63  }
0x92: {  	_ =	swait.ge [sflag:s18], $0x4000  }
0x93: {  	[sflag:s18] =	ssyncset.done $0x0  }
0x94: {  	[sflag:s18] =	ssyncadd.s32 $0xFFFFC000  }
0x95: {  	[spmem:s2] =	stream.indirect.scatter.add.f32 [tilespmem:s17], [sflag:$0x3], $0x80, s1, s20, $0xb8;
	[tilespmem:$0x18400] =	vst v63  }
0x96: {  	_ =	swait.ge [sflag:s18], $0x4000  }
0x97: {  	[sflag:s18] =	ssyncset.done $0x0  }
0x98: {  	[sflag:s18] =	ssyncadd.s32 $0xFFFFC000  }
0x99: {  	[spmem:s2] =	stream.indirect.scatter.add.f32 [tilespmem:s17], [sflag:$0x3], $0x80, s6, s20, $0xb8;
	[tilespmem:$0x18400] =	vst v63  }
0x9a: {  	_ =	swait.ge [sflag:s18], $0x4000  }
0x9b: {  	[sflag:s18] =	ssyncset.done $0x0  }
.Ltmp4:
0x9c: {  	[sflag:s18] =	ssyncadd.s32 $0xFFFFC000;
	(pc) =	sbr.rel @p0 .LBB2_8-.Ltmp4, $4  }
0x9d: {  	[spmem:s2] =	stream.indirect.scatter.add.f32 [tilespmem:s17], [sflag:$0x3], $0x80, s8, s20, $0xb8;
	[tilespmem:$0x18400] =	vst v63  }
0x9e: {  	_ =	swait.ge [sflag:s18], $0x4000  }
0x9f: {  	[sflag:s18] =	ssyncset.done $0x0  }
0xa0: {  	[sflag:s18] =	ssyncadd.s32 $0xFFFFC000  }
.Ltmp5:
0xa1: {  	(pc) =	sbr.rel .LBB2_6-.Ltmp5, $3  }
0xa2: {  	_ =	sdelay $0x1  }
0xa3: {  	s11 =	sadd.s32 s5, s14;
	s5 =	sadd.s32 $0x100, s5;
	s15 =	sadd.s32 $0x800, s15  }
0xa4: {  	[tilespmem:s16], [sflag:$0x2] =	stream.linear.gather [hbm4b:s11+s3], $0x400, $0x38;
	[tilespmem:$0x18400] =	vst v63  }
.LBB2_9:
0xa5: {  	_ =	sfence.sel $0x180000  }
0xa6: {  	[bflag:$0x0] =	sbarrier.arrive $0xFFFF  }
0xa7: {  	_ =	strace $0x9000004A  }
0xa8: {  	s0 =	stileid.u32;
	[bflag:$0x2] =	sbarrier.arrive $0xFFFF  }
0xa9: {  	p0 =	sne.s32 s0, $0x0;
	s0 =	rddreg [dreg:$0x2]  }
0xaa: {  	s0 =	sadd.s32 @!p0 $0x100000, s0  }
0xab: {  	[sflag:s0] =	ssyncadd.tile.s32 @!p0 $0x1;
	_ =	shalt  }
.Lfunc_end2:
_tile_overlayer_lowered:
.L_overlay_start_2:
0xac: {  	(tag) =	ssettag $0x2  }
0xad: {  	s0 =	rddreg [dreg:$0x0];
	s2 =	stileid.u32  }
0xae: {  	s1 =	rddreg [dreg:$0x1];
	p0 =	sne.s32 s2, $0x0  }
0xaf: {  	s3 =	rddreg [dreg:$0x2];
	[bflag:$0x3] =	sbarrier.arrive $0xFFFF;
	s2 =	simm.s32 @!p0 $0x1C03  }
0xb0: {  	[timem:s3], [sflag:s2] =	dma.local @!p0 [hbm:s0], s1  }
0xb1: {  	s0 =	simm.s32 @!p0 $0x3  }
0xb2: {  	_ =	swait.ge @!p0 [sflag:s0], s1  }
0xb3: {  	s1 =	ssub.s32 @!p0 $0x0, s1;
	[sflag:s0] =	ssyncset.done @!p0 $0x0  }
0xb4: {  	[sflag:s0] =	ssyncadd.s32 @!p0 s1  }
0xb5: {  	[bflag:$0x3] =	sbarrier.arrive $0xFFFF  }
0xb6: {  	_ =	shalt  }

</sc_bundles>
